<compile_context>
chip_gen: v7x
topology: tpu7x:2x2x1
jax: 0.10.2.dev20260603
libtpu: 0.0.44.dev20260713+nightly
codegen_flags: <defaults>
</compile_context>

<pallas_src>
import jax
import jax.numpy as jnp
from jax import lax
from jax.experimental import pallas as pl
from jax.experimental.pallas import tpu as pltpu
from jax.experimental.pallas import tpu_sc as plsc

_B, _N, _G, _M = 8, 8192, 512, 32
_L = 16
_QUART = _N // 4
_RPW = _G // 4
_CAP = 512
_NV = _CAP // _L


def _permute(v, idx):
    return lax.gather(
        v, idx[:, None],
        lax.GatherDimensionNumbers(offset_dims=(), collapsed_slice_dims=(0,),
                                   start_index_map=(0,)),
        (1,), mode=lax.GatherScatterMode.PROMISE_IN_BOUNDS)


def _cmpex(vk, vi, stride, lanes, dirm=None):
    pidx = lanes ^ stride
    pk = _permute(vk, pidx)
    pi = _permute(vi, pidx)
    less = (pk < vk) | ((pk == vk) & (pi < vi))
    is_high = (lanes & stride) != 0
    take_self = less == is_high
    if dirm is not None:
        take_self = take_self != dirm
    return jnp.where(take_self, vk, pk), jnp.where(take_self, vi, pi)


def _sort16(vk, vi, lanes):
    for k in (2, 4, 8, 16):
        dirm = (lanes & k) != 0
        stride = k // 2
        while stride >= 1:
            vk, vi = _cmpex(vk, vi, stride, lanes, dirm)
            stride //= 2
    return vk, vi


def _minmaxpair(ak, ai, bk, bi):
    bless = (bk < ak) | ((bk == ak) & (bi < ai))
    return (jnp.where(bless, bk, ak), jnp.where(bless, bi, ai),
            jnp.where(bless, ak, bk), jnp.where(bless, ai, bi))


def _merge(R, sk, si, lanes):
    R0k, R0i, R1k, R1i = R
    rev = 15 - lanes
    rk = _permute(sk, rev)
    ri = _permute(si, rev)
    l1k, l1i, _, _ = _minmaxpair(R1k, R1i, rk, ri)
    ak, ai, bk, bi = _minmaxpair(R0k, R0i, l1k, l1i)
    for stride in (8, 4, 2, 1):
        ak, ai = _cmpex(ak, ai, stride, lanes)
        bk, bi = _cmpex(bk, bi, stride, lanes)
    return ak, ai, bk, bi


def _select32(cd, cix, lanes, nv):
    def mbody(v, R):
        kd = cd[pl.ds(v * _L, _L)]
        ki = cix[pl.ds(v * _L, _L)]
        worst = R[2][15]

        def do(Rin):
            sk, si = _sort16(kd, ki, lanes)
            return _merge(Rin, sk, si, lanes)

        return lax.cond(jnp.min(kd) <= worst, do, lambda Rin: Rin, R)

    inf = jnp.full((_L,), jnp.inf, jnp.float32)
    zero = jnp.zeros((_L,), jnp.int32)
    return lax.fori_loop(0, nv, mbody, (inf, zero, inf, zero))


def _group_body(x_hbm, y_hbm, z_hbm, og, oc, xs, ys, zs, dmin, idxs_v, pub,
                red, cd, cix, dbuf, cd2, cix2, dbuf2, gxa, gya, gza, cxa,
                cya, cza, shared):
    c = lax.axis_index("c")
    s = lax.axis_index("s")
    b = c * 4 + s // 4
    q = s % 4
    qbase = q * _QUART
    lanes = lax.iota(jnp.int32, _L)

    pltpu.sync_copy(x_hbm.at[b], xs)
    pltpu.sync_copy(y_hbm.at[b], ys)
    pltpu.sync_copy(z_hbm.at[b], zs)

    def init_j(j, carry):
        dmin[pl.ds(j * _L, _L)] = jnp.full((_L,), 1e10, jnp.float32)
        return carry

    lax.fori_loop(0, _QUART // _L, init_j, 0)

    def step(i, carry):
        fi, acc = carry
        lane = lax.rem(i, _L)
        acc = jnp.where(lanes == lane, jnp.full((_L,), fi, jnp.int32), acc)

        @pl.when(lane == _L - 1)
        def _():
            idxs_v[pl.ds((i // _L) * _L, _L)] = acc

        fiv = jnp.full((_L,), fi, jnp.int32)
        cx = plsc.load_gather(xs, [fiv])
        cy = plsc.load_gather(ys, [fiv])
        cz = plsc.load_gather(zs, [fiv])

        def upd(j, carry2):
            rmax, ridx = carry2
            lb = j * _L
            px = xs[pl.ds(qbase + lb, _L)]
            py = ys[pl.ds(qbase + lb, _L)]
            pz = zs[pl.ds(qbase + lb, _L)]
            dx = px - cx
            dy = py - cy
            dz = pz - cz
            d = dx * dx + dy * dy
            d = d + dz * dz
            dm = jnp.minimum(dmin[pl.ds(lb, _L)], d)
            dmin[pl.ds(lb, _L)] = dm
            gi = lanes + (qbase + lb)
            better = dm > rmax
            rmax = jnp.where(better, dm, rmax)
            ridx = jnp.where(better, gi, ridx)
            return rmax, ridx

        rmax0 = jnp.full((_L,), -jnp.inf, jnp.float32)
        ridx0 = jnp.zeros((_L,), jnp.int32)
        rmax, ridx = lax.fori_loop(0, _QUART // _L, upd, (rmax0, ridx0),
                                   unroll=8)

        m = jnp.max(rmax)
        cand = jnp.where(rmax == m, ridx, jnp.int32(2**30))
        mi = jnp.min(cand)

        pubv = jnp.where(lanes == 0, jnp.full((_L,), m, jnp.float32),
                         jnp.full((_L,), mi.astype(jnp.float32), jnp.float32))
        pub[...] = pubv
        par = lax.rem(i, 2) * (16 * _L)
        pltpu.sync_copy(pub, shared.at[pl.ds(par + s * _L, _L)])
        plsc.subcore_barrier()
        pltpu.sync_copy(shared.at[pl.ds(par + (s // 4) * 4 * _L, 4 * _L)],
                        red)

        def pick(j, carry2):
            bv, bi = carry2
            rv = red[pl.ds(j * _L, _L)]
            v = rv[0]
            ix = rv[1]
            better = v > bv
            bv = jnp.where(better, v, bv)
            bi = jnp.where(better, ix, bi)
            return bv, bi

        bv0 = jnp.float32(-jnp.inf)
        bi0 = jnp.float32(0.0)
        _, bi = lax.fori_loop(0, 4, pick, (bv0, bi0), unroll=4)
        return bi.astype(jnp.int32), acc

    lax.fori_loop(0, _G, step,
                  (jnp.int32(0), jnp.zeros((_L,), jnp.int32)))

    rowbase = q * _RPW

    def block(rb, carry0):
        civ = idxs_v[pl.ds(rowbase + rb * _L, _L)]
        bx = plsc.load_gather(xs, [civ])
        by = plsc.load_gather(ys, [civ])
        bz = plsc.load_gather(zs, [civ])
        cxa[pl.ds(rb * _L, _L)] = bx
        cya[pl.ds(rb * _L, _L)] = by
        cza[pl.ds(rb * _L, _L)] = bz

        def rowpair(jp, carry1):
            sela = lanes == 2 * jp
            selb = lanes == 2 * jp + 1
            cxva = jnp.full((_L,), jnp.sum(jnp.where(sela, bx, 0.0)))
            cyva = jnp.full((_L,), jnp.sum(jnp.where(sela, by, 0.0)))
            czva = jnp.full((_L,), jnp.sum(jnp.where(sela, bz, 0.0)))
            cxvb = jnp.full((_L,), jnp.sum(jnp.where(selb, bx, 0.0)))
            cyvb = jnp.full((_L,), jnp.sum(jnp.where(selb, by, 0.0)))
            czvb = jnp.full((_L,), jnp.sum(jnp.where(selb, bz, 0.0)))

            def fillA(v, carry2):
                cd[pl.ds(v * _L, _L)] = jnp.full((_L,), jnp.inf, jnp.float32)
                return carry2

            def fillB(v, carry2):
                cd2[pl.ds(v * _L, _L)] = jnp.full((_L,), jnp.inf,
                                                  jnp.float32)
                return carry2

            lax.fori_loop(0, _NV, fillA, 0)
            lax.fori_loop(0, _NV, fillB, 0)

            _UNR = 8
            inf16 = jnp.full((_L,), jnp.inf, jnp.float32)

            def p1(jo, carry2):
                accs = list(carry2)
                for ji in range(_UNR):
                    j = jo * _UNR + ji
                    px = xs[pl.ds(j * _L, _L)]
                    py = ys[pl.ds(j * _L, _L)]
                    pz = zs[pl.ds(j * _L, _L)]
                    dxa = cxva - px
                    dya = cyva - py
                    dza = czva - pz
                    da = dxa * dxa + dya * dya
                    da = da + dza * dza
                    dxb = cxvb - px
                    dyb = cyvb - py
                    dzb = czvb - pz
                    db = dxb * dxb + dyb * dyb
                    db = db + dzb * dzb
                    dbuf[pl.ds(j * _L, _L)] = da
                    dbuf2[pl.ds(j * _L, _L)] = db
                    m1a, m2a, m1b, m2b = accs
                    hia = jnp.maximum(m1a, da)
                    m1a = jnp.minimum(m1a, da)
                    m2a = jnp.minimum(m2a, hia)
                    hib = jnp.maximum(m1b, db)
                    m1b = jnp.minimum(m1b, db)
                    m2b = jnp.minimum(m2b, hib)
                    accs = [m1a, m2a, m1b, m2b]
                return tuple(accs)

            _, m2a, _, m2b = lax.fori_loop(0, _N // _L // _UNR, p1,
                                           (inf16,) * 4)
            t0a = jnp.max(m2a)
            t0b = jnp.max(m2b)

            def p2(jo, carry2):
                cca, ta, ccb, tb = carry2

                def compactA(op):
                    R0k, R0i, R1k, R1i = _select32(cd, cix, lanes, _NV)
                    cd[pl.ds(0, _L)] = R0k
                    cix[pl.ds(0, _L)] = R0i
                    cd[pl.ds(_L, _L)] = R1k
                    cix[pl.ds(_L, _L)] = R1i
                    lax.fori_loop(2, _NV, fillA, 0)
                    return jnp.int32(2 * _L), R1k[15]

                def compactB(op):
                    R0k, R0i, R1k, R1i = _select32(cd2, cix2, lanes, _NV)
                    cd2[pl.ds(0, _L)] = R0k
                    cix2[pl.ds(0, _L)] = R0i
                    cd2[pl.ds(_L, _L)] = R1k
                    cix2[pl.ds(_L, _L)] = R1i
                    lax.fori_loop(2, _NV, fillB, 0)
                    return jnp.int32(2 * _L), R1k[15]

                cca, ta = lax.cond(cca > _CAP - _UNR * _L - _L, compactA,
                                   lambda op: (cca, ta), 0)
                ccb, tb = lax.cond(ccb > _CAP - _UNR * _L - _L, compactB,
                                   lambda op: (ccb, tb), 0)
                for ji in range(_UNR):
                    j = jo * _UNR + ji
                    gi = lanes + j * _L
                    da = dbuf[pl.ds(j * _L, _L)]
                    db = dbuf2[pl.ds(j * _L, _L)]
                    mska = da <= ta
                    mskb = db <= tb
                    na = plsc.all_reduce_population_count(mska)[0]
                    nb = plsc.all_reduce_population_count(mskb)[0]
                    plsc.store_compressed(cd.at[pl.ds(cca, _L)], da,
                                          mask=mska)
                    plsc.store_compressed(cix.at[pl.ds(cca, _L)], gi,
                                          mask=mska)
                    plsc.store_compressed(cd2.at[pl.ds(ccb, _L)], db,
                                          mask=mskb)
                    plsc.store_compressed(cix2.at[pl.ds(ccb, _L)], gi,
                                          mask=mskb)
                    cca = cca + na
                    ccb = ccb + nb
                return cca, ta, ccb, tb

            cca, _ta, ccb, _tb = lax.fori_loop(
                0, _N // _L // _UNR, p2,
                (jnp.int32(0), t0a, jnp.int32(0), t0b))

            for half, cdX, cixX, ccX, cxv, cyv, czv in (
                    (0, cd, cix, cca, cxva, cyva, czva),
                    (1, cd2, cix2, ccb, cxvb, cyvb, czvb)):
                R0k, R0i, R1k, R1i = _select32(cdX, cixX, lanes,
                                               (ccX + _L - 1) // _L)
                rl = rb * _L + 2 * jp + half
                gxa[pl.ds(rl * _M, _L)] = plsc.load_gather(xs, [R0i]) - cxv
                gya[pl.ds(rl * _M, _L)] = plsc.load_gather(ys, [R0i]) - cyv
                gza[pl.ds(rl * _M, _L)] = plsc.load_gather(zs, [R0i]) - czv
                gxa[pl.ds(rl * _M + _L, _L)] = (
                    plsc.load_gather(xs, [R1i]) - cxv)
                gya[pl.ds(rl * _M + _L, _L)] = (
                    plsc.load_gather(ys, [R1i]) - cyv)
                gza[pl.ds(rl * _M + _L, _L)] = (
                    plsc.load_gather(zs, [R1i]) - czv)
            return carry1

        lax.fori_loop(0, _L // 2, rowpair, 0)
        return carry0

    lax.fori_loop(0, _RPW // _L, block, 0)

    goff = (b * 3 * _G + rowbase) * _M
    pltpu.sync_copy(gxa, og.at[pl.ds(goff, _RPW * _M)])
    pltpu.sync_copy(gya, og.at[pl.ds(goff + _G * _M, _RPW * _M)])
    pltpu.sync_copy(gza, og.at[pl.ds(goff + 2 * _G * _M, _RPW * _M)])
    coff = b * 3 * _G + rowbase
    pltpu.sync_copy(cxa, oc.at[pl.ds(coff, _RPW)])
    pltpu.sync_copy(cya, oc.at[pl.ds(coff + _G, _RPW)])
    pltpu.sync_copy(cza, oc.at[pl.ds(coff + 2 * _G, _RPW)])


@jax.jit
def _group_sc(x, y, z):
    mesh = plsc.VectorSubcoreMesh(core_axis_name="c", subcore_axis_name="s")
    return pl.kernel(
        _group_body,
        out_type=(
            jax.ShapeDtypeStruct((_B * 3 * _G * _M,), jnp.float32),
            jax.ShapeDtypeStruct((_B * 3 * _G,), jnp.float32),
        ),
        mesh=mesh,
        compiler_params=pltpu.CompilerParams(needs_layout_passes=False),
        scratch_types=[
            pltpu.VMEM((_N,), jnp.float32),
            pltpu.VMEM((_N,), jnp.float32),
            pltpu.VMEM((_N,), jnp.float32),
            pltpu.VMEM((_QUART,), jnp.float32),
            pltpu.VMEM((_G,), jnp.int32),
            pltpu.VMEM((_L,), jnp.float32),
            pltpu.VMEM((4 * _L,), jnp.float32),
            pltpu.VMEM((_CAP,), jnp.float32),
            pltpu.VMEM((_CAP,), jnp.int32),
            pltpu.VMEM((_N,), jnp.float32),
            pltpu.VMEM((_CAP,), jnp.float32),
            pltpu.VMEM((_CAP,), jnp.int32),
            pltpu.VMEM((_N,), jnp.float32),
            pltpu.VMEM((_RPW * _M,), jnp.float32),
            pltpu.VMEM((_RPW * _M,), jnp.float32),
            pltpu.VMEM((_RPW * _M,), jnp.float32),
            pltpu.VMEM((_RPW,), jnp.float32),
            pltpu.VMEM((_RPW,), jnp.float32),
            pltpu.VMEM((_RPW,), jnp.float32),
            pltpu.VMEM_SHARED((32 * _L,), jnp.float32),
        ],
    )(x, y, z)


def kernel(xyz):
    xyzT = jnp.transpose(xyz, (0, 2, 1))
    x = xyzT[:, 0]
    y = xyzT[:, 1]
    z = xyzT[:, 2]
    og, oc = _group_sc(x, y, z)
    groups = jnp.transpose(og.reshape(_B, 3, _G, _M), (0, 2, 3, 1))
    center = jnp.transpose(oc.reshape(_B, 3, _G), (0, 2, 1))
    return groups, center

# --- scband reference (transcript-rebuilt; emitter-appended) ---
"""Pipeline reference for scband-group-36919538876843 (READ-ONLY COPY).

The authoritative reference and input builder live on the scoring server;
editing this copy changes nothing except your own understanding.
"""

import jax, jax.numpy as jnp
import numpy as np

NUM_GROUP = 512
GROUP_SIZE = 32


def setup_inputs(seed: int = 0) -> dict:
    key = jax.random.key(seed)
    xyz = jax.random.normal(key, (8, 8192, 3), dtype=jnp.float32)
    return {"xyz": xyz}


def _fps_single(pts, npoint):
    N = pts.shape[0]

    def body(i, state):
        dists, farthest, idxs = state
        idxs = idxs.at[i].set(farthest)
        centroid = pts[farthest]
        d = jnp.sum((pts - centroid) ** 2, axis=-1)
        dists = jnp.minimum(dists, d)
        farthest = jnp.argmax(dists).astype(jnp.int32)
        return (dists, farthest, idxs)

    dists0 = jnp.full((N,), 1e10, dtype=pts.dtype)
    idxs0 = jnp.zeros((npoint,), dtype=jnp.int32)
    _, _, idxs = jax.lax.fori_loop(0, npoint, body, (dists0, jnp.int32(0), idxs0))
    return idxs


def _fps(xyz, npoint):
    # D-FPS: farthest point sampling on coordinates only (features=None)
    return jax.vmap(lambda p: _fps_single(p, npoint))(xyz)


def reference(xyz):
    # Group.forward: FPS centers, then kNN grouping (max_radius=None -> kNN),
    # grouped_xyz relative to center; normalize_xyz=False.
    B, N, _ = xyz.shape
    center_idx = _fps(jax.lax.stop_gradient(xyz), NUM_GROUP)  # [B, G] int32
    # gather_points: center = xyz[b, center_idx[b]] -> [B, G, 3]
    center = jax.vmap(lambda p, i: p[i])(xyz, center_idx)
    # kNN: squared distances center->all points [B, G, N]
    d = jnp.sum(
        (jax.lax.stop_gradient(center)[:, :, None, :] - jax.lax.stop_gradient(xyz)[:, None, :, :]) ** 2,
        axis=-1,
    )
    _, knn_idx = jax.lax.top_k(-d, GROUP_SIZE)  # [B, G, M]
    # grouping_operation: gather neighbor coords then subtract center
    grouped = jax.vmap(lambda p, i: p[i])(xyz, knn_idx)  # [B, G, M, 3]
    groups = grouped - center[:, :, None, :]
    # original permutes (B,3,G,M) -> (B,G,M,3); ours is already [B, G, M, 3]
    return groups, center

if __name__ == "__main__":
    import jax
    _d = setup_inputs()
    print(jax.jit(kernel)(*tuple(_d.values())))

</pallas_src>

<mosaic_0001>
#map = affine_map<(d0, d1) -> (0, 0)>
#map1 = affine_map<(d0, d1) -> (0)>
module attributes {stable_mosaic.version = 14 : i64} {
  func.func @_group_body(%arg0: i32, %arg1: i32, %arg2: memref<8x8192xf32, #tpu.memory_space<hbm>>, %arg3: memref<8x8192xf32, #tpu.memory_space<hbm>>, %arg4: memref<8x8192xf32, #tpu.memory_space<hbm>>, %arg5: memref<393216xf32, #tpu.memory_space<hbm>>, %arg6: memref<12288xf32, #tpu.memory_space<hbm>>, %arg7: memref<8192xf32, #tpu.memory_space<vmem>>, %arg8: memref<8192xf32, #tpu.memory_space<vmem>>, %arg9: memref<8192xf32, #tpu.memory_space<vmem>>, %arg10: memref<2048xf32, #tpu.memory_space<vmem>>, %arg11: memref<512xi32, #tpu.memory_space<vmem>>, %arg12: memref<16xf32, #tpu.memory_space<vmem>>, %arg13: memref<64xf32, #tpu.memory_space<vmem>>, %arg14: memref<512xf32, #tpu.memory_space<vmem>>, %arg15: memref<512xi32, #tpu.memory_space<vmem>>, %arg16: memref<8192xf32, #tpu.memory_space<vmem>>, %arg17: memref<512xf32, #tpu.memory_space<vmem>>, %arg18: memref<512xi32, #tpu.memory_space<vmem>>, %arg19: memref<8192xf32, #tpu.memory_space<vmem>>, %arg20: memref<4096xf32, #tpu.memory_space<vmem>>, %arg21: memref<4096xf32, #tpu.memory_space<vmem>>, %arg22: memref<4096xf32, #tpu.memory_space<vmem>>, %arg23: memref<128xf32, #tpu.memory_space<vmem>>, %arg24: memref<128xf32, #tpu.memory_space<vmem>>, %arg25: memref<128xf32, #tpu.memory_space<vmem>>, %arg26: memref<512xf32, #tpu.memory_space<vmem_shared>>) attributes {dimension_semantics = [#tpu.dimension_semantics<core_parallel>, #tpu.dimension_semantics<subcore_parallel>], iteration_bounds = array<i64: 2, 16>, scalar_prefetch = 0 : i64, scratch_operands = 20 : i64, tpu.core_type = #tpu.core_type<sc_vector_subcore>, window_params = [{transform_indices = #map}, {transform_indices = #map}, {transform_indices = #map}, {transform_indices = #map1}, {transform_indices = #map1}]} {
    %mul3A = arith.constant 4 : i32
    %mul3A_0 = arith.muli %arg0, %mul3A : i32
    %jit3A = arith.constant 4 : i32
    %div3A = arith.divsi %arg1, %jit3A : i32
    %sign3A = arith.constant 0 : i32
    %sign3A_1 = arith.cmpi sgt, %arg1, %sign3A : i32
    %sign3A_2 = arith.extui %sign3A_1 : i1 to i32
    %sign3A_3 = arith.constant 0 : i32
    %sign3A_4 = arith.cmpi slt, %arg1, %sign3A_3 : i32
    %sign3A_5 = arith.extui %sign3A_4 : i1 to i32
    %sign3A_6 = arith.subi %sign3A_2, %sign3A_5 : i32
    %sign3A_7 = arith.constant 0 : i32
    %sign3A_8 = arith.cmpi sgt, %jit3A, %sign3A_7 : i32
    %sign3A_9 = arith.extui %sign3A_8 : i1 to i32
    %sign3A_10 = arith.constant 0 : i32
    %sign3A_11 = arith.cmpi slt, %jit3A, %sign3A_10 : i32
    %sign3A_12 = arith.extui %sign3A_11 : i1 to i32
    %sign3A_13 = arith.subi %sign3A_9, %sign3A_12 : i32
    %ne3A = arith.cmpi ne, %sign3A_6, %sign3A_13 : i32
    %rem3A = arith.remsi %arg1, %jit3A : i32
    %ne3A_14 = arith.constant 0 : i32
    %ne3A_15 = arith.cmpi ne, %rem3A, %ne3A_14 : i32
    %and3A = arith.andi %ne3A, %ne3A_15 : i1
    %sub3A = arith.constant 1 : i32
    %sub3A_16 = arith.subi %div3A, %sub3A : i32
    %select_n3A = arith.select %and3A, %sub3A_16, %div3A : i32
    %add3A = arith.addi %mul3A_0, %select_n3A : i32
    %jit3A_17 = arith.constant 4 : i32
    %eq3A = arith.constant 0 : i32
    %eq3A_18 = arith.cmpi eq, %jit3A_17, %eq3A : i32
    %jit3A_19 = arith.constant 1 : i32
    %select_n3A_20 = arith.select %eq3A_18, %jit3A_19, %jit3A_17 : i32
    %rem3A_21 = arith.remsi %arg1, %select_n3A_20 : i32
    %ne3A_22 = arith.constant 0 : i32
    %ne3A_23 = arith.cmpi ne, %rem3A_21, %ne3A_22 : i32
    %lt3A = arith.constant 0 : i32
    %lt3A_24 = arith.cmpi slt, %rem3A_21, %lt3A : i32
    %lt3A_25 = arith.constant 0 : i32
    %lt3A_26 = arith.cmpi slt, %select_n3A_20, %lt3A_25 : i32
    %ne3A_27 = arith.xori %lt3A_24, %lt3A_26 : i1
    %and3A_28 = arith.andi %ne3A_27, %ne3A_23 : i1
    %add3A_29 = arith.addi %rem3A_21, %select_n3A_20 : i32
    %select_n3A_30 = arith.select %and3A_28, %add3A_29, %rem3A_21 : i32
    %mul3A_31 = arith.constant 2048 : i32
    %mul3A_32 = arith.muli %select_n3A_30, %mul3A_31 : i32
    %iota3A = tpu.iota {dimensions = array<i32: 0>} : vector<16xi32>
    "tpu.region"() ({
      %run_scoped3A = tpu.sem_alloc : memref<!tpu.dma_semaphore, #tpu.memory_space<semaphore_mem>>
      %dma_start3A = arith.constant 0 : i32
      %dma_start3A_74 = tpu.memref_slice %arg2[%add3A, %dma_start3A] : memref<8x8192xf32, #tpu.memory_space<hbm>> -> memref<1x8192xf32, #tpu.memory_space<hbm>>
      %dma_start3A_75 = tpu.memref_squeeze %dma_start3A_74 : memref<1x8192xf32, #tpu.memory_space<hbm>> -> memref<8192xf32, #tpu.memory_space<hbm>>
      %dma_start3A_76 = arith.constant 0 : i32
      %dma_start3A_77 = tpu.memref_slice %arg2[%add3A, %dma_start3A_76] : memref<8x8192xf32, #tpu.memory_space<hbm>> -> memref<1x8192xf32, #tpu.memory_space<hbm>>
      %dma_start3A_78 = tpu.memref_squeeze %dma_start3A_77 : memref<1x8192xf32, #tpu.memory_space<hbm>> -> memref<8192xf32, #tpu.memory_space<hbm>>
      tpu.enqueue_dma source(%dma_start3A_78 : memref<8192xf32, #tpu.memory_space<hbm>>) target(%arg7 : memref<8192xf32, #tpu.memory_space<vmem>>) target_semaphore(%run_scoped3A : memref<!tpu.dma_semaphore, #tpu.memory_space<semaphore_mem>>)
      %dma_wait3A = arith.constant 0 : i32
      %dma_wait3A_79 = tpu.memref_slice %arg2[%add3A, %dma_wait3A] : memref<8x8192xf32, #tpu.memory_space<hbm>> -> memref<1x8192xf32, #tpu.memory_space<hbm>>
      %dma_wait3A_80 = tpu.memref_squeeze %dma_wait3A_79 : memref<1x8192xf32, #tpu.memory_space<hbm>> -> memref<8192xf32, #tpu.memory_space<hbm>>
      %dma_wait3A_81 = arith.constant 0 : i32
      %dma_wait3A_82 = tpu.memref_slice %arg2[%add3A, %dma_wait3A_81] : memref<8x8192xf32, #tpu.memory_space<hbm>> -> memref<1x8192xf32, #tpu.memory_space<hbm>>
      %dma_wait3A_83 = tpu.memref_squeeze %dma_wait3A_82 : memref<1x8192xf32, #tpu.memory_space<hbm>> -> memref<8192xf32, #tpu.memory_space<hbm>>
      tpu.wait_dma2 semaphore(%run_scoped3A : memref<!tpu.dma_semaphore, #tpu.memory_space<semaphore_mem>>) src(%dma_wait3A_83 : memref<8192xf32, #tpu.memory_space<hbm>>) dst(%arg7 : memref<8192xf32, #tpu.memory_space<vmem>>)
      tpu.yield
    }) : () -> ()
    "tpu.region"() ({
      %run_scoped3A = tpu.sem_alloc : memref<!tpu.dma_semaphore, #tpu.memory_space<semaphore_mem>>
      %dma_start3A = arith.constant 0 : i32
      %dma_start3A_74 = tpu.memref_slice %arg3[%add3A, %dma_start3A] : memref<8x8192xf32, #tpu.memory_space<hbm>> -> memref<1x8192xf32, #tpu.memory_space<hbm>>
      %dma_start3A_75 = tpu.memref_squeeze %dma_start3A_74 : memref<1x8192xf32, #tpu.memory_space<hbm>> -> memref<8192xf32, #tpu.memory_space<hbm>>
      %dma_start3A_76 = arith.constant 0 : i32
      %dma_start3A_77 = tpu.memref_slice %arg3[%add3A, %dma_start3A_76] : memref<8x8192xf32, #tpu.memory_space<hbm>> -> memref<1x8192xf32, #tpu.memory_space<hbm>>
      %dma_start3A_78 = tpu.memref_squeeze %dma_start3A_77 : memref<1x8192xf32, #tpu.memory_space<hbm>> -> memref<8192xf32, #tpu.memory_space<hbm>>
      tpu.enqueue_dma source(%dma_start3A_78 : memref<8192xf32, #tpu.memory_space<hbm>>) target(%arg8 : memref<8192xf32, #tpu.memory_space<vmem>>) target_semaphore(%run_scoped3A : memref<!tpu.dma_semaphore, #tpu.memory_space<semaphore_mem>>)
      %dma_wait3A = arith.constant 0 : i32
      %dma_wait3A_79 = tpu.memref_slice %arg3[%add3A, %dma_wait3A] : memref<8x8192xf32, #tpu.memory_space<hbm>> -> memref<1x8192xf32, #tpu.memory_space<hbm>>
      %dma_wait3A_80 = tpu.memref_squeeze %dma_wait3A_79 : memref<1x8192xf32, #tpu.memory_space<hbm>> -> memref<8192xf32, #tpu.memory_space<hbm>>
      %dma_wait3A_81 = arith.constant 0 : i32
      %dma_wait3A_82 = tpu.memref_slice %arg3[%add3A, %dma_wait3A_81] : memref<8x8192xf32, #tpu.memory_space<hbm>> -> memref<1x8192xf32, #tpu.memory_space<hbm>>
      %dma_wait3A_83 = tpu.memref_squeeze %dma_wait3A_82 : memref<1x8192xf32, #tpu.memory_space<hbm>> -> memref<8192xf32, #tpu.memory_space<hbm>>
      tpu.wait_dma2 semaphore(%run_scoped3A : memref<!tpu.dma_semaphore, #tpu.memory_space<semaphore_mem>>) src(%dma_wait3A_83 : memref<8192xf32, #tpu.memory_space<hbm>>) dst(%arg8 : memref<8192xf32, #tpu.memory_space<vmem>>)
      tpu.yield
    }) : () -> ()
    "tpu.region"() ({
      %run_scoped3A = tpu.sem_alloc : memref<!tpu.dma_semaphore, #tpu.memory_space<semaphore_mem>>
      %dma_start3A = arith.constant 0 : i32
      %dma_start3A_74 = tpu.memref_slice %arg4[%add3A, %dma_start3A] : memref<8x8192xf32, #tpu.memory_space<hbm>> -> memref<1x8192xf32, #tpu.memory_space<hbm>>
      %dma_start3A_75 = tpu.memref_squeeze %dma_start3A_74 : memref<1x8192xf32, #tpu.memory_space<hbm>> -> memref<8192xf32, #tpu.memory_space<hbm>>
      %dma_start3A_76 = arith.constant 0 : i32
      %dma_start3A_77 = tpu.memref_slice %arg4[%add3A, %dma_start3A_76] : memref<8x8192xf32, #tpu.memory_space<hbm>> -> memref<1x8192xf32, #tpu.memory_space<hbm>>
      %dma_start3A_78 = tpu.memref_squeeze %dma_start3A_77 : memref<1x8192xf32, #tpu.memory_space<hbm>> -> memref<8192xf32, #tpu.memory_space<hbm>>
      tpu.enqueue_dma source(%dma_start3A_78 : memref<8192xf32, #tpu.memory_space<hbm>>) target(%arg9 : memref<8192xf32, #tpu.memory_space<vmem>>) target_semaphore(%run_scoped3A : memref<!tpu.dma_semaphore, #tpu.memory_space<semaphore_mem>>)
      %dma_wait3A = arith.constant 0 : i32
      %dma_wait3A_79 = tpu.memref_slice %arg4[%add3A, %dma_wait3A] : memref<8x8192xf32, #tpu.memory_space<hbm>> -> memref<1x8192xf32, #tpu.memory_space<hbm>>
      %dma_wait3A_80 = tpu.memref_squeeze %dma_wait3A_79 : memref<1x8192xf32, #tpu.memory_space<hbm>> -> memref<8192xf32, #tpu.memory_space<hbm>>
      %dma_wait3A_81 = arith.constant 0 : i32
      %dma_wait3A_82 = tpu.memref_slice %arg4[%add3A, %dma_wait3A_81] : memref<8x8192xf32, #tpu.memory_space<hbm>> -> memref<1x8192xf32, #tpu.memory_space<hbm>>
      %dma_wait3A_83 = tpu.memref_squeeze %dma_wait3A_82 : memref<1x8192xf32, #tpu.memory_space<hbm>> -> memref<8192xf32, #tpu.memory_space<hbm>>
      tpu.wait_dma2 semaphore(%run_scoped3A : memref<!tpu.dma_semaphore, #tpu.memory_space<semaphore_mem>>) src(%dma_wait3A_83 : memref<8192xf32, #tpu.memory_space<hbm>>) dst(%arg9 : memref<8192xf32, #tpu.memory_space<vmem>>)
      tpu.yield
    }) : () -> ()
    %scan3A = arith.constant 0 : i32
    %scan3A_33 = arith.constant 0 : i32
    %scan3A_34 = arith.constant 128 : i32
    %scan3A_35 = arith.addi %scan3A_33, %scan3A_34 : i32
    %scan3A_36 = arith.constant 1 : i32
    scf.for %scan3A_74 = %scan3A_33 to %scan3A_35 step %scan3A_36  : i32 {
      %broadcast_in_dim3A_75 = arith.constant 1.000000e+10 : f32
      %broadcast_in_dim3A_76 = vector.broadcast %broadcast_in_dim3A_75 : f32 to vector<16xf32>
      %mul3A_77 = arith.constant 16 : i32
      %mul3A_78 = arith.muli %scan3A_74, %mul3A_77 : i32
      %swap3A = arith.index_cast %mul3A_78 : i32 to index
      %swap3A_79 = tpu.vector_load %arg10[%swap3A] {strides = array<i32>} : memref<2048xf32, #tpu.memory_space<vmem>>, vector<16xf32>,
      tpu.vector_store %arg10[%swap3A], %broadcast_in_dim3A_76 {strides = array<i32>} : memref<2048xf32, #tpu.memory_space<vmem>>, vector<16xf32>,
    }
    %scan3A_37 = arith.constant 128 : i32
    %broadcast_in_dim3A = arith.constant 0 : i32
    %broadcast_in_dim3A_38 = vector.broadcast %broadcast_in_dim3A : i32 to vector<16xi32>
    %scan3A_39 = arith.constant 0 : i32
    %scan3A_40 = arith.constant 0 : i32
    %scan3A_41 = arith.constant 512 : i32
    %scan3A_42 = arith.addi %scan3A_40, %scan3A_41 : i32
    %scan3A_43 = arith.constant 1 : i32
    %scan3A_44:2 = scf.for %scan3A_74 = %scan3A_40 to %scan3A_42 step %scan3A_43 iter_args(%scan3A_75 = %scan3A_39, %scan3A_76 = %broadcast_in_dim3A_38) -> (i32, vector<16xi32>)  : i32 {
      %rem3A_77 = arith.constant 16 : i32
      %rem3A_78 = arith.remsi %scan3A_74, %rem3A_77 : i32
      %eq3A_79 = vector.broadcast %rem3A_78 : i32 to vector<16xi32>
      %eq3A_80 = arith.cmpi eq, %iota3A, %eq3A_79 : vector<16xi32>
      %broadcast_in_dim3A_81 = vector.broadcast %scan3A_75 : i32 to vector<16xi32>
      %select_n3A_82 = arith.select %eq3A_80, %broadcast_in_dim3A_81, %scan3A_76 : vector<16xi1>, vector<16xi32>
      %eq3A_83 = arith.constant 15 : i32
      %eq3A_84 = arith.cmpi eq, %rem3A_78, %eq3A_83 : i32
      %convert_element_type3A = arith.extui %eq3A_84 : i1 to i32
      %cond3A = arith.constant 0 : i32
      %cond3A_85 = arith.cmpi ne, %convert_element_type3A, %cond3A : i32
      scf.if %cond3A_85 {
        %jit3A_206 = arith.constant 16 : i32
        %div3A_207 = arith.divsi %scan3A_74, %jit3A_206 : i32
        %sign3A_208 = arith.constant 0 : i32
        %sign3A_209 = arith.cmpi sgt, %scan3A_74, %sign3A_208 : i32
        %sign3A_210 = arith.extui %sign3A_209 : i1 to i32
        %sign3A_211 = arith.constant 0 : i32
        %sign3A_212 = arith.cmpi slt, %scan3A_74, %sign3A_211 : i32
        %sign3A_213 = arith.extui %sign3A_212 : i1 to i32
        %sign3A_214 = arith.subi %sign3A_210, %sign3A_213 : i32
        %sign3A_215 = arith.constant 0 : i32
        %sign3A_216 = arith.cmpi sgt, %jit3A_206, %sign3A_215 : i32
        %sign3A_217 = arith.extui %sign3A_216 : i1 to i32
        %sign3A_218 = arith.constant 0 : i32
        %sign3A_219 = arith.cmpi slt, %jit3A_206, %sign3A_218 : i32
        %sign3A_220 = arith.extui %sign3A_219 : i1 to i32
        %sign3A_221 = arith.subi %sign3A_217, %sign3A_220 : i32
        %ne3A_222 = arith.cmpi ne, %sign3A_214, %sign3A_221 : i32
        %rem3A_223 = arith.remsi %scan3A_74, %jit3A_206 : i32
        %ne3A_224 = arith.constant 0 : i32
        %ne3A_225 = arith.cmpi ne, %rem3A_223, %ne3A_224 : i32
        %and3A_226 = arith.andi %ne3A_222, %ne3A_225 : i1
        %sub3A_227 = arith.constant 1 : i32
        %sub3A_228 = arith.subi %div3A_207, %sub3A_227 : i32
        %select_n3A_229 = arith.select %and3A_226, %sub3A_228, %div3A_207 : i32
        %mul3A_230 = arith.constant 16 : i32
        %mul3A_231 = arith.muli %select_n3A_229, %mul3A_230 : i32
        %swap3A_232 = arith.index_cast %mul3A_231 : i32 to index
        %swap3A_233 = tpu.vector_load %arg11[%swap3A_232] {strides = array<i32>} : memref<512xi32, #tpu.memory_space<vmem>>, vector<16xi32>,
        tpu.vector_store %arg11[%swap3A_232], %select_n3A_82 {strides = array<i32>} : memref<512xi32, #tpu.memory_space<vmem>>, vector<16xi32>,
      } else {
      }
      %broadcast_in_dim3A_86 = vector.broadcast %scan3A_75 : i32 to vector<16xi32>
      %gather3A = tpu.vector_load_idx %arg7[%broadcast_in_dim3A_86] : memref<8192xf32, #tpu.memory_space<vmem>>[vector<16xi32>], vector<16xf32>,
      %gather3A_87 = tpu.vector_load_idx %arg8[%broadcast_in_dim3A_86] : memref<8192xf32, #tpu.memory_space<vmem>>[vector<16xi32>], vector<16xf32>,
      %gather3A_88 = tpu.vector_load_idx %arg9[%broadcast_in_dim3A_86] : memref<8192xf32, #tpu.memory_space<vmem>>[vector<16xi32>], vector<16xf32>,
      %broadcast_in_dim3A_89 = arith.constant 0xFF800000 : f32
      %broadcast_in_dim3A_90 = vector.broadcast %broadcast_in_dim3A_89 : f32 to vector<16xf32>
      %broadcast_in_dim3A_91 = arith.constant 0 : i32
      %broadcast_in_dim3A_92 = vector.broadcast %broadcast_in_dim3A_91 : i32 to vector<16xi32>
      %scan3A_93 = arith.constant 0 : i32
      %scan3A_94 = arith.constant 128 : i32
      %scan3A_95 = arith.addi %scan3A_93, %scan3A_94 : i32
      %scan3A_96 = arith.constant 8 : i32
      %scan3A_97:2 = scf.for %scan3A_206 = %scan3A_93 to %scan3A_95 step %scan3A_96 iter_args(%scan3A_207 = %broadcast_in_dim3A_90, %scan3A_208 = %broadcast_in_dim3A_92) -> (vector<16xf32>, vector<16xi32>)  : i32 {
        %mul3A_209 = arith.constant 16 : i32
        %mul3A_210 = arith.muli %scan3A_206, %mul3A_209 : i32
        %add3A_211 = arith.addi %mul3A_32, %mul3A_210 : i32
        %get3A_212 = arith.index_cast %add3A_211 : i32 to index
        %get3A_213 = tpu.vector_load %arg7[%get3A_212] {strides = array<i32>} : memref<8192xf32, #tpu.memory_space<vmem>>, vector<16xf32>,
        %add3A_214 = arith.addi %mul3A_32, %mul3A_210 : i32
        %get3A_215 = arith.index_cast %add3A_214 : i32 to index
        %get3A_216 = tpu.vector_load %arg8[%get3A_215] {strides = array<i32>} : memref<8192xf32, #tpu.memory_space<vmem>>, vector<16xf32>,
        %add3A_217 = arith.addi %mul3A_32, %mul3A_210 : i32
        %get3A_218 = arith.index_cast %add3A_217 : i32 to index
        %get3A_219 = tpu.vector_load %arg9[%get3A_218] {strides = array<i32>} : memref<8192xf32, #tpu.memory_space<vmem>>, vector<16xf32>,
        %sub3A_220 = arith.subf %get3A_213, %gather3A : vector<16xf32>
        %sub3A_221 = arith.subf %get3A_216, %gather3A_87 : vector<16xf32>
        %sub3A_222 = arith.subf %get3A_219, %gather3A_88 : vector<16xf32>
        %mul3A_223 = arith.mulf %sub3A_220, %sub3A_220 : vector<16xf32>
        %mul3A_224 = arith.mulf %sub3A_221, %sub3A_221 : vector<16xf32>
        %add3A_225 = arith.addf %mul3A_223, %mul3A_224 : vector<16xf32>
        %mul3A_226 = arith.mulf %sub3A_222, %sub3A_222 : vector<16xf32>
        %add3A_227 = arith.addf %add3A_225, %mul3A_226 : vector<16xf32>
        %get3A_228 = arith.index_cast %mul3A_210 : i32 to index
        %get3A_229 = tpu.vector_load %arg10[%get3A_228] {strides = array<i32>} : memref<2048xf32, #tpu.memory_space<vmem>>, vector<16xf32>,
        %min3A = arith.minimumf %get3A_229, %add3A_227 : vector<16xf32>
        %swap3A_230 = arith.index_cast %mul3A_210 : i32 to index
        %swap3A_231 = tpu.vector_load %arg10[%swap3A_230] {strides = array<i32>} : memref<2048xf32, #tpu.memory_space<vmem>>, vector<16xf32>,
        tpu.vector_store %arg10[%swap3A_230], %min3A {strides = array<i32>} : memref<2048xf32, #tpu.memory_space<vmem>>, vector<16xf32>,
        %add3A_232 = arith.addi %mul3A_32, %mul3A_210 : i32
        %add3A_233 = vector.broadcast %add3A_232 : i32 to vector<16xi32>
        %add3A_234 = arith.addi %iota3A, %add3A_233 : vector<16xi32>
        %gt3A_235 = arith.cmpf ogt, %min3A, %scan3A_207 : vector<16xf32>
        %select_n3A_236 = arith.select %gt3A_235, %min3A, %scan3A_207 : vector<16xi1>, vector<16xf32>
        %select_n3A_237 = arith.select %gt3A_235, %add3A_234, %scan3A_208 : vector<16xi1>, vector<16xi32>
        %scan3A_238 = arith.constant 1 : i32
        %scan3A_239 = arith.addi %scan3A_206, %scan3A_238 : i32
        %mul3A_240 = arith.constant 16 : i32
        %mul3A_241 = arith.muli %scan3A_239, %mul3A_240 : i32
        %add3A_242 = arith.addi %mul3A_32, %mul3A_241 : i32
        %get3A_243 = arith.index_cast %add3A_242 : i32 to index
        %get3A_244 = tpu.vector_load %arg7[%get3A_243] {strides = array<i32>} : memref<8192xf32, #tpu.memory_space<vmem>>, vector<16xf32>,
        %add3A_245 = arith.addi %mul3A_32, %mul3A_241 : i32
        %get3A_246 = arith.index_cast %add3A_245 : i32 to index
        %get3A_247 = tpu.vector_load %arg8[%get3A_246] {strides = array<i32>} : memref<8192xf32, #tpu.memory_space<vmem>>, vector<16xf32>,
        %add3A_248 = arith.addi %mul3A_32, %mul3A_241 : i32
        %get3A_249 = arith.index_cast %add3A_248 : i32 to index
        %get3A_250 = tpu.vector_load %arg9[%get3A_249] {strides = array<i32>} : memref<8192xf32, #tpu.memory_space<vmem>>, vector<16xf32>,
        %sub3A_251 = arith.subf %get3A_244, %gather3A : vector<16xf32>
        %sub3A_252 = arith.subf %get3A_247, %gather3A_87 : vector<16xf32>
        %sub3A_253 = arith.subf %get3A_250, %gather3A_88 : vector<16xf32>
        %mul3A_254 = arith.mulf %sub3A_251, %sub3A_251 : vector<16xf32>
        %mul3A_255 = arith.mulf %sub3A_252, %sub3A_252 : vector<16xf32>
        %add3A_256 = arith.addf %mul3A_254, %mul3A_255 : vector<16xf32>
        %mul3A_257 = arith.mulf %sub3A_253, %sub3A_253 : vector<16xf32>
        %add3A_258 = arith.addf %add3A_256, %mul3A_257 : vector<16xf32>
        %get3A_259 = arith.index_cast %mul3A_241 : i32 to index
        %get3A_260 = tpu.vector_load %arg10[%get3A_259] {strides = array<i32>} : memref<2048xf32, #tpu.memory_space<vmem>>, vector<16xf32>,
        %min3A_261 = arith.minimumf %get3A_260, %add3A_258 : vector<16xf32>
        %swap3A_262 = arith.index_cast %mul3A_241 : i32 to index
        %swap3A_263 = tpu.vector_load %arg10[%swap3A_262] {strides = array<i32>} : memref<2048xf32, #tpu.memory_space<vmem>>, vector<16xf32>,
        tpu.vector_store %arg10[%swap3A_262], %min3A_261 {strides = array<i32>} : memref<2048xf32, #tpu.memory_space<vmem>>, vector<16xf32>,
        %add3A_264 = arith.addi %mul3A_32, %mul3A_241 : i32
        %add3A_265 = vector.broadcast %add3A_264 : i32 to vector<16xi32>
        %add3A_266 = arith.addi %iota3A, %add3A_265 : vector<16xi32>
        %gt3A_267 = arith.cmpf ogt, %min3A_261, %select_n3A_236 : vector<16xf32>
        %select_n3A_268 = arith.select %gt3A_267, %min3A_261, %select_n3A_236 : vector<16xi1>, vector<16xf32>
        %select_n3A_269 = arith.select %gt3A_267, %add3A_266, %select_n3A_237 : vector<16xi1>, vector<16xi32>
        %scan3A_270 = arith.constant 2 : i32
        %scan3A_271 = arith.addi %scan3A_206, %scan3A_270 : i32
        %mul3A_272 = arith.constant 16 : i32
        %mul3A_273 = arith.muli %scan3A_271, %mul3A_272 : i32
        %add3A_274 = arith.addi %mul3A_32, %mul3A_273 : i32
        %get3A_275 = arith.index_cast %add3A_274 : i32 to index
        %get3A_276 = tpu.vector_load %arg7[%get3A_275] {strides = array<i32>} : memref<8192xf32, #tpu.memory_space<vmem>>, vector<16xf32>,
        %add3A_277 = arith.addi %mul3A_32, %mul3A_273 : i32
        %get3A_278 = arith.index_cast %add3A_277 : i32 to index
        %get3A_279 = tpu.vector_load %arg8[%get3A_278] {strides = array<i32>} : memref<8192xf32, #tpu.memory_space<vmem>>, vector<16xf32>,
        %add3A_280 = arith.addi %mul3A_32, %mul3A_273 : i32
        %get3A_281 = arith.index_cast %add3A_280 : i32 to index
        %get3A_282 = tpu.vector_load %arg9[%get3A_281] {strides = array<i32>} : memref<8192xf32, #tpu.memory_space<vmem>>, vector<16xf32>,
        %sub3A_283 = arith.subf %get3A_276, %gather3A : vector<16xf32>
        %sub3A_284 = arith.subf %get3A_279, %gather3A_87 : vector<16xf32>
        %sub3A_285 = arith.subf %get3A_282, %gather3A_88 : vector<16xf32>
        %mul3A_286 = arith.mulf %sub3A_283, %sub3A_283 : vector<16xf32>
        %mul3A_287 = arith.mulf %sub3A_284, %sub3A_284 : vector<16xf32>
        %add3A_288 = arith.addf %mul3A_286, %mul3A_287 : vector<16xf32>
        %mul3A_289 = arith.mulf %sub3A_285, %sub3A_285 : vector<16xf32>
        %add3A_290 = arith.addf %add3A_288, %mul3A_289 : vector<16xf32>
        %get3A_291 = arith.index_cast %mul3A_273 : i32 to index
        %get3A_292 = tpu.vector_load %arg10[%get3A_291] {strides = array<i32>} : memref<2048xf32, #tpu.memory_space<vmem>>, vector<16xf32>,
        %min3A_293 = arith.minimumf %get3A_292, %add3A_290 : vector<16xf32>
        %swap3A_294 = arith.index_cast %mul3A_273 : i32 to index
        %swap3A_295 = tpu.vector_load %arg10[%swap3A_294] {strides = array<i32>} : memref<2048xf32, #tpu.memory_space<vmem>>, vector<16xf32>,
        tpu.vector_store %arg10[%swap3A_294], %min3A_293 {strides = array<i32>} : memref<2048xf32, #tpu.memory_space<vmem>>, vector<16xf32>,
        %add3A_296 = arith.addi %mul3A_32, %mul3A_273 : i32
        %add3A_297 = vector.broadcast %add3A_296 : i32 to vector<16xi32>
        %add3A_298 = arith.addi %iota3A, %add3A_297 : vector<16xi32>
        %gt3A_299 = arith.cmpf ogt, %min3A_293, %select_n3A_268 : vector<16xf32>
        %select_n3A_300 = arith.select %gt3A_299, %min3A_293, %select_n3A_268 : vector<16xi1>, vector<16xf32>
        %select_n3A_301 = arith.select %gt3A_299, %add3A_298, %select_n3A_269 : vector<16xi1>, vector<16xi32>
        %scan3A_302 = arith.constant 3 : i32
        %scan3A_303 = arith.addi %scan3A_206, %scan3A_302 : i32
        %mul3A_304 = arith.constant 16 : i32
        %mul3A_305 = arith.muli %scan3A_303, %mul3A_304 : i32
        %add3A_306 = arith.addi %mul3A_32, %mul3A_305 : i32
        %get3A_307 = arith.index_cast %add3A_306 : i32 to index
        %get3A_308 = tpu.vector_load %arg7[%get3A_307] {strides = array<i32>} : memref<8192xf32, #tpu.memory_space<vmem>>, vector<16xf32>,
        %add3A_309 = arith.addi %mul3A_32, %mul3A_305 : i32
        %get3A_310 = arith.index_cast %add3A_309 : i32 to index
        %get3A_311 = tpu.vector_load %arg8[%get3A_310] {strides = array<i32>} : memref<8192xf32, #tpu.memory_space<vmem>>, vector<16xf32>,
        %add3A_312 = arith.addi %mul3A_32, %mul3A_305 : i32
        %get3A_313 = arith.index_cast %add3A_312 : i32 to index
        %get3A_314 = tpu.vector_load %arg9[%get3A_313] {strides = array<i32>} : memref<8192xf32, #tpu.memory_space<vmem>>, vector<16xf32>,
        %sub3A_315 = arith.subf %get3A_308, %gather3A : vector<16xf32>
        %sub3A_316 = arith.subf %get3A_311, %gather3A_87 : vector<16xf32>
        %sub3A_317 = arith.subf %get3A_314, %gather3A_88 : vector<16xf32>
        %mul3A_318 = arith.mulf %sub3A_315, %sub3A_315 : vector<16xf32>
        %mul3A_319 = arith.mulf %sub3A_316, %sub3A_316 : vector<16xf32>
        %add3A_320 = arith.addf %mul3A_318, %mul3A_319 : vector<16xf32>
        %mul3A_321 = arith.mulf %sub3A_317, %sub3A_317 : vector<16xf32>
        %add3A_322 = arith.addf %add3A_320, %mul3A_321 : vector<16xf32>
        %get3A_323 = arith.index_cast %mul3A_305 : i32 to index
        %get3A_324 = tpu.vector_load %arg10[%get3A_323] {strides = array<i32>} : memref<2048xf32, #tpu.memory_space<vmem>>, vector<16xf32>,
        %min3A_325 = arith.minimumf %get3A_324, %add3A_322 : vector<16xf32>
        %swap3A_326 = arith.index_cast %mul3A_305 : i32 to index
        %swap3A_327 = tpu.vector_load %arg10[%swap3A_326] {strides = array<i32>} : memref<2048xf32, #tpu.memory_space<vmem>>, vector<16xf32>,
        tpu.vector_store %arg10[%swap3A_326], %min3A_325 {strides = array<i32>} : memref<2048xf32, #tpu.memory_space<vmem>>, vector<16xf32>,
        %add3A_328 = arith.addi %mul3A_32, %mul3A_305 : i32
        %add3A_329 = vector.broadcast %add3A_328 : i32 to vector<16xi32>
        %add3A_330 = arith.addi %iota3A, %add3A_329 : vector<16xi32>
        %gt3A_331 = arith.cmpf ogt, %min3A_325, %select_n3A_300 : vector<16xf32>
        %select_n3A_332 = arith.select %gt3A_331, %min3A_325, %select_n3A_300 : vector<16xi1>, vector<16xf32>
        %select_n3A_333 = arith.select %gt3A_331, %add3A_330, %select_n3A_301 : vector<16xi1>, vector<16xi32>
        %scan3A_334 = arith.constant 4 : i32
        %scan3A_335 = arith.addi %scan3A_206, %scan3A_334 : i32
        %mul3A_336 = arith.constant 16 : i32
        %mul3A_337 = arith.muli %scan3A_335, %mul3A_336 : i32
        %add3A_338 = arith.addi %mul3A_32, %mul3A_337 : i32
        %get3A_339 = arith.index_cast %add3A_338 : i32 to index
        %get3A_340 = tpu.vector_load %arg7[%get3A_339] {strides = array<i32>} : memref<8192xf32, #tpu.memory_space<vmem>>, vector<16xf32>,
        %add3A_341 = arith.addi %mul3A_32, %mul3A_337 : i32
        %get3A_342 = arith.index_cast %add3A_341 : i32 to index
        %get3A_343 = tpu.vector_load %arg8[%get3A_342] {strides = array<i32>} : memref<8192xf32, #tpu.memory_space<vmem>>, vector<16xf32>,
        %add3A_344 = arith.addi %mul3A_32, %mul3A_337 : i32
        %get3A_345 = arith.index_cast %add3A_344 : i32 to index
        %get3A_346 = tpu.vector_load %arg9[%get3A_345] {strides = array<i32>} : memref<8192xf32, #tpu.memory_space<vmem>>, vector<16xf32>,
        %sub3A_347 = arith.subf %get3A_340, %gather3A : vector<16xf32>
        %sub3A_348 = arith.subf %get3A_343, %gather3A_87 : vector<16xf32>
        %sub3A_349 = arith.subf %get3A_346, %gather3A_88 : vector<16xf32>
        %mul3A_350 = arith.mulf %sub3A_347, %sub3A_347 : vector<16xf32>
        %mul3A_351 = arith.mulf %sub3A_348, %sub3A_348 : vector<16xf32>
        %add3A_352 = arith.addf %mul3A_350, %mul3A_351 : vector<16xf32>
        %mul3A_353 = arith.mulf %sub3A_349, %sub3A_349 : vector<16xf32>
        %add3A_354 = arith.addf %add3A_352, %mul3A_353 : vector<16xf32>
        %get3A_355 = arith.index_cast %mul3A_337 : i32 to index
        %get3A_356 = tpu.vector_load %arg10[%get3A_355] {strides = array<i32>} : memref<2048xf32, #tpu.memory_space<vmem>>, vector<16xf32>,
        %min3A_357 = arith.minimumf %get3A_356, %add3A_354 : vector<16xf32>
        %swap3A_358 = arith.index_cast %mul3A_337 : i32 to index
        %swap3A_359 = tpu.vector_load %arg10[%swap3A_358] {strides = array<i32>} : memref<2048xf32, #tpu.memory_space<vmem>>, vector<16xf32>,
        tpu.vector_store %arg10[%swap3A_358], %min3A_357 {strides = array<i32>} : memref<2048xf32, #tpu.memory_space<vmem>>, vector<16xf32>,
        %add3A_360 = arith.addi %mul3A_32, %mul3A_337 : i32
        %add3A_361 = vector.broadcast %add3A_360 : i32 to vector<16xi32>
        %add3A_362 = arith.addi %iota3A, %add3A_361 : vector<16xi32>
        %gt3A_363 = arith.cmpf ogt, %min3A_357, %select_n3A_332 : vector<16xf32>
        %select_n3A_364 = arith.select %gt3A_363, %min3A_357, %select_n3A_332 : vector<16xi1>, vector<16xf32>
        %select_n3A_365 = arith.select %gt3A_363, %add3A_362, %select_n3A_333 : vector<16xi1>, vector<16xi32>
        %scan3A_366 = arith.constant 5 : i32
        %scan3A_367 = arith.addi %scan3A_206, %scan3A_366 : i32
        %mul3A_368 = arith.constant 16 : i32
        %mul3A_369 = arith.muli %scan3A_367, %mul3A_368 : i32
        %add3A_370 = arith.addi %mul3A_32, %mul3A_369 : i32
        %get3A_371 = arith.index_cast %add3A_370 : i32 to index
        %get3A_372 = tpu.vector_load %arg7[%get3A_371] {strides = array<i32>} : memref<8192xf32, #tpu.memory_space<vmem>>, vector<16xf32>,
        %add3A_373 = arith.addi %mul3A_32, %mul3A_369 : i32
        %get3A_374 = arith.index_cast %add3A_373 : i32 to index
        %get3A_375 = tpu.vector_load %arg8[%get3A_374] {strides = array<i32>} : memref<8192xf32, #tpu.memory_space<vmem>>, vector<16xf32>,
        %add3A_376 = arith.addi %mul3A_32, %mul3A_369 : i32
        %get3A_377 = arith.index_cast %add3A_376 : i32 to index
        %get3A_378 = tpu.vector_load %arg9[%get3A_377] {strides = array<i32>} : memref<8192xf32, #tpu.memory_space<vmem>>, vector<16xf32>,
        %sub3A_379 = arith.subf %get3A_372, %gather3A : vector<16xf32>
        %sub3A_380 = arith.subf %get3A_375, %gather3A_87 : vector<16xf32>
        %sub3A_381 = arith.subf %get3A_378, %gather3A_88 : vector<16xf32>
        %mul3A_382 = arith.mulf %sub3A_379, %sub3A_379 : vector<16xf32>
        %mul3A_383 = arith.mulf %sub3A_380, %sub3A_380 : vector<16xf32>
        %add3A_384 = arith.addf %mul3A_382, %mul3A_383 : vector<16xf32>
        %mul3A_385 = arith.mulf %sub3A_381, %sub3A_381 : vector<16xf32>
        %add3A_386 = arith.addf %add3A_384, %mul3A_385 : vector<16xf32>
        %get3A_387 = arith.index_cast %mul3A_369 : i32 to index
        %get3A_388 = tpu.vector_load %arg10[%get3A_387] {strides = array<i32>} : memref<2048xf32, #tpu.memory_space<vmem>>, vector<16xf32>,
        %min3A_389 = arith.minimumf %get3A_388, %add3A_386 : vector<16xf32>
        %swap3A_390 = arith.index_cast %mul3A_369 : i32 to index
        %swap3A_391 = tpu.vector_load %arg10[%swap3A_390] {strides = array<i32>} : memref<2048xf32, #tpu.memory_space<vmem>>, vector<16xf32>,
        tpu.vector_store %arg10[%swap3A_390], %min3A_389 {strides = array<i32>} : memref<2048xf32, #tpu.memory_space<vmem>>, vector<16xf32>,
        %add3A_392 = arith.addi %mul3A_32, %mul3A_369 : i32
        %add3A_393 = vector.broadcast %add3A_392 : i32 to vector<16xi32>
        %add3A_394 = arith.addi %iota3A, %add3A_393 : vector<16xi32>
        %gt3A_395 = arith.cmpf ogt, %min3A_389, %select_n3A_364 : vector<16xf32>
        %select_n3A_396 = arith.select %gt3A_395, %min3A_389, %select_n3A_364 : vector<16xi1>, vector<16xf32>
        %select_n3A_397 = arith.select %gt3A_395, %add3A_394, %select_n3A_365 : vector<16xi1>, vector<16xi32>
        %scan3A_398 = arith.constant 6 : i32
        %scan3A_399 = arith.addi %scan3A_206, %scan3A_398 : i32
        %mul3A_400 = arith.constant 16 : i32
        %mul3A_401 = arith.muli %scan3A_399, %mul3A_400 : i32
        %add3A_402 = arith.addi %mul3A_32, %mul3A_401 : i32
        %get3A_403 = arith.index_cast %add3A_402 : i32 to index
        %get3A_404 = tpu.vector_load %arg7[%get3A_403] {strides = array<i32>} : memref<8192xf32, #tpu.memory_space<vmem>>, vector<16xf32>,
        %add3A_405 = arith.addi %mul3A_32, %mul3A_401 : i32
        %get3A_406 = arith.index_cast %add3A_405 : i32 to index
        %get3A_407 = tpu.vector_load %arg8[%get3A_406] {strides = array<i32>} : memref<8192xf32, #tpu.memory_space<vmem>>, vector<16xf32>,
        %add3A_408 = arith.addi %mul3A_32, %mul3A_401 : i32
        %get3A_409 = arith.index_cast %add3A_408 : i32 to index
        %get3A_410 = tpu.vector_load %arg9[%get3A_409] {strides = array<i32>} : memref<8192xf32, #tpu.memory_space<vmem>>, vector<16xf32>,
        %sub3A_411 = arith.subf %get3A_404, %gather3A : vector<16xf32>
        %sub3A_412 = arith.subf %get3A_407, %gather3A_87 : vector<16xf32>
        %sub3A_413 = arith.subf %get3A_410, %gather3A_88 : vector<16xf32>
        %mul3A_414 = arith.mulf %sub3A_411, %sub3A_411 : vector<16xf32>
        %mul3A_415 = arith.mulf %sub3A_412, %sub3A_412 : vector<16xf32>
        %add3A_416 = arith.addf %mul3A_414, %mul3A_415 : vector<16xf32>
        %mul3A_417 = arith.mulf %sub3A_413, %sub3A_413 : vector<16xf32>
        %add3A_418 = arith.addf %add3A_416, %mul3A_417 : vector<16xf32>
        %get3A_419 = arith.index_cast %mul3A_401 : i32 to index
        %get3A_420 = tpu.vector_load %arg10[%get3A_419] {strides = array<i32>} : memref<2048xf32, #tpu.memory_space<vmem>>, vector<16xf32>,
        %min3A_421 = arith.minimumf %get3A_420, %add3A_418 : vector<16xf32>
        %swap3A_422 = arith.index_cast %mul3A_401 : i32 to index
        %swap3A_423 = tpu.vector_load %arg10[%swap3A_422] {strides = array<i32>} : memref<2048xf32, #tpu.memory_space<vmem>>, vector<16xf32>,
        tpu.vector_store %arg10[%swap3A_422], %min3A_421 {strides = array<i32>} : memref<2048xf32, #tpu.memory_space<vmem>>, vector<16xf32>,
        %add3A_424 = arith.addi %mul3A_32, %mul3A_401 : i32
        %add3A_425 = vector.broadcast %add3A_424 : i32 to vector<16xi32>
        %add3A_426 = arith.addi %iota3A, %add3A_425 : vector<16xi32>
        %gt3A_427 = arith.cmpf ogt, %min3A_421, %select_n3A_396 : vector<16xf32>
        %select_n3A_428 = arith.select %gt3A_427, %min3A_421, %select_n3A_396 : vector<16xi1>, vector<16xf32>
        %select_n3A_429 = arith.select %gt3A_427, %add3A_426, %select_n3A_397 : vector<16xi1>, vector<16xi32>
        %scan3A_430 = arith.constant 7 : i32
        %scan3A_431 = arith.addi %scan3A_206, %scan3A_430 : i32
        %mul3A_432 = arith.constant 16 : i32
        %mul3A_433 = arith.muli %scan3A_431, %mul3A_432 : i32
        %add3A_434 = arith.addi %mul3A_32, %mul3A_433 : i32
        %get3A_435 = arith.index_cast %add3A_434 : i32 to index
        %get3A_436 = tpu.vector_load %arg7[%get3A_435] {strides = array<i32>} : memref<8192xf32, #tpu.memory_space<vmem>>, vector<16xf32>,
        %add3A_437 = arith.addi %mul3A_32, %mul3A_433 : i32
        %get3A_438 = arith.index_cast %add3A_437 : i32 to index
        %get3A_439 = tpu.vector_load %arg8[%get3A_438] {strides = array<i32>} : memref<8192xf32, #tpu.memory_space<vmem>>, vector<16xf32>,
        %add3A_440 = arith.addi %mul3A_32, %mul3A_433 : i32
        %get3A_441 = arith.index_cast %add3A_440 : i32 to index
        %get3A_442 = tpu.vector_load %arg9[%get3A_441] {strides = array<i32>} : memref<8192xf32, #tpu.memory_space<vmem>>, vector<16xf32>,
        %sub3A_443 = arith.subf %get3A_436, %gather3A : vector<16xf32>
        %sub3A_444 = arith.subf %get3A_439, %gather3A_87 : vector<16xf32>
        %sub3A_445 = arith.subf %get3A_442, %gather3A_88 : vector<16xf32>
        %mul3A_446 = arith.mulf %sub3A_443, %sub3A_443 : vector<16xf32>
        %mul3A_447 = arith.mulf %sub3A_444, %sub3A_444 : vector<16xf32>
        %add3A_448 = arith.addf %mul3A_446, %mul3A_447 : vector<16xf32>
        %mul3A_449 = arith.mulf %sub3A_445, %sub3A_445 : vector<16xf32>
        %add3A_450 = arith.addf %add3A_448, %mul3A_449 : vector<16xf32>
        %get3A_451 = arith.index_cast %mul3A_433 : i32 to index
        %get3A_452 = tpu.vector_load %arg10[%get3A_451] {strides = array<i32>} : memref<2048xf32, #tpu.memory_space<vmem>>, vector<16xf32>,
        %min3A_453 = arith.minimumf %get3A_452, %add3A_450 : vector<16xf32>
        %swap3A_454 = arith.index_cast %mul3A_433 : i32 to index
        %swap3A_455 = tpu.vector_load %arg10[%swap3A_454] {strides = array<i32>} : memref<2048xf32, #tpu.memory_space<vmem>>, vector<16xf32>,
        tpu.vector_store %arg10[%swap3A_454], %min3A_453 {strides = array<i32>} : memref<2048xf32, #tpu.memory_space<vmem>>, vector<16xf32>,
        %add3A_456 = arith.addi %mul3A_32, %mul3A_433 : i32
        %add3A_457 = vector.broadcast %add3A_456 : i32 to vector<16xi32>
        %add3A_458 = arith.addi %iota3A, %add3A_457 : vector<16xi32>
        %gt3A_459 = arith.cmpf ogt, %min3A_453, %select_n3A_428 : vector<16xf32>
        %select_n3A_460 = arith.select %gt3A_459, %min3A_453, %select_n3A_428 : vector<16xi1>, vector<16xf32>
        %select_n3A_461 = arith.select %gt3A_459, %add3A_458, %select_n3A_429 : vector<16xi1>, vector<16xi32>
        scf.yield %select_n3A_460, %select_n3A_461 : vector<16xf32>, vector<16xi32>
      }
      %scan3A_98 = arith.constant 128 : i32
      %reduce_max3A = arith.constant true
      %reduce_max3A_99 = vector.broadcast %reduce_max3A : i1 to vector<16xi1>
      %reduce_max3A_100 = tpu.scan <max>, %scan3A_97#0 masked %reduce_max3A_99 : vector<16xf32>, vector<16xi1> -> vector<16xf32>
      %reduce_max3A_101 = vector.extract %reduce_max3A_100[15] : f32 from vector<16xf32>
      %eq3A_102 = vector.broadcast %reduce_max3A_101 : f32 to vector<16xf32>
      %eq3A_103 = arith.cmpf oeq, %scan3A_97#0, %eq3A_102 : vector<16xf32>
      %jit3A_104 = arith.constant 1073741824 : i32
      %broadcast_in_dim3A_105 = vector.broadcast %jit3A_104 : i32 to vector<16xi32>
      %select_n3A_106 = arith.select %eq3A_103, %scan3A_97#1, %broadcast_in_dim3A_105 : vector<16xi1>, vector<16xi32>
      %reduce_min3A = arith.constant true
      %reduce_min3A_107 = vector.broadcast %reduce_min3A : i1 to vector<16xi1>
      %reduce_min3A_108 = arith.constant -2147483648 : i32
      %reduce_min3A_109 = vector.broadcast %reduce_min3A_108 : i32 to vector<16xi32>
      %reduce_min3A_110 = arith.xori %select_n3A_106, %reduce_min3A_109 : vector<16xi32>
      %reduce_min3A_111 = tpu.scan <min>, %reduce_min3A_110 masked %reduce_min3A_107 : vector<16xi32>, vector<16xi1> -> vector<16xi32>
      %reduce_min3A_112 = arith.xori %reduce_min3A_111, %reduce_min3A_109 : vector<16xi32>
      %reduce_min3A_113 = vector.extract %reduce_min3A_112[15] : i32 from vector<16xi32>
      %eq3A_114 = arith.constant 0 : i32
      %eq3A_115 = vector.broadcast %eq3A_114 : i32 to vector<16xi32>
      %eq3A_116 = arith.cmpi eq, %iota3A, %eq3A_115 : vector<16xi32>
      %broadcast_in_dim3A_117 = vector.broadcast %reduce_max3A_101 : f32 to vector<16xf32>
      %convert_element_type3A_118 = arith.sitofp %reduce_min3A_113 : i32 to f32
      %broadcast_in_dim3A_119 = vector.broadcast %convert_element_type3A_118 : f32 to vector<16xf32>
      %select_n3A_120 = arith.select %eq3A_116, %broadcast_in_dim3A_117, %broadcast_in_dim3A_119 : vector<16xi1>, vector<16xf32>
      %swap3A = arith.constant 0 : index
      %swap3A_121 = tpu.vector_load %arg12[%swap3A] {strides = array<i32>} : memref<16xf32, #tpu.memory_space<vmem>>, vector<16xf32>,
      tpu.vector_store %arg12[%swap3A], %select_n3A_120 {strides = array<i32>} : memref<16xf32, #tpu.memory_space<vmem>>, vector<16xf32>,
      %rem3A_122 = arith.constant 2 : i32
      %rem3A_123 = arith.remsi %scan3A_74, %rem3A_122 : i32
      %mul3A_124 = arith.constant 256 : i32
      %mul3A_125 = arith.muli %rem3A_123, %mul3A_124 : i32
      %mul3A_126 = arith.constant 16 : i32
      %mul3A_127 = arith.muli %arg1, %mul3A_126 : i32
      %add3A_128 = arith.addi %mul3A_125, %mul3A_127 : i32
      "tpu.region"() ({
        %run_scoped3A = tpu.sem_alloc : memref<!tpu.dma_semaphore, #tpu.memory_space<semaphore_mem>>
        %dma_start3A = tpu.memref_slice %arg26[%add3A_128] : memref<512xf32, #tpu.memory_space<vmem_shared>> -> memref<16xf32, #tpu.memory_space<vmem_shared>>
        %dma_start3A_206 = tpu.memref_slice %arg26[%add3A_128] : memref<512xf32, #tpu.memory_space<vmem_shared>> -> memref<16xf32, #tpu.memory_space<vmem_shared>>
        tpu.enqueue_dma source(%arg12 : memref<16xf32, #tpu.memory_space<vmem>>) target(%dma_start3A_206 : memref<16xf32, #tpu.memory_space<vmem_shared>>) target_semaphore(%run_scoped3A : memref<!tpu.dma_semaphore, #tpu.memory_space<semaphore_mem>>)
        %dma_wait3A = tpu.memref_slice %arg26[%add3A_128] : memref<512xf32, #tpu.memory_space<vmem_shared>> -> memref<16xf32, #tpu.memory_space<vmem_shared>>
        %dma_wait3A_207 = tpu.memref_slice %arg26[%add3A_128] : memref<512xf32, #tpu.memory_space<vmem_shared>> -> memref<16xf32, #tpu.memory_space<vmem_shared>>
        tpu.wait_dma2 semaphore(%run_scoped3A : memref<!tpu.dma_semaphore, #tpu.memory_space<semaphore_mem>>) src(%arg12 : memref<16xf32, #tpu.memory_space<vmem>>) dst(%dma_wait3A_207 : memref<16xf32, #tpu.memory_space<vmem_shared>>)
        tpu.yield
      }) : () -> ()
      %barrier3A = arith.constant 0 : index
      tpu.barrier barrier_id(%barrier3A)
      %jit3A_129 = arith.constant 4 : i32
      %div3A_130 = arith.divsi %arg1, %jit3A_129 : i32
      %sign3A_131 = arith.constant 0 : i32
      %sign3A_132 = arith.cmpi sgt, %arg1, %sign3A_131 : i32
      %sign3A_133 = arith.extui %sign3A_132 : i1 to i32
      %sign3A_134 = arith.constant 0 : i32
      %sign3A_135 = arith.cmpi slt, %arg1, %sign3A_134 : i32
      %sign3A_136 = arith.extui %sign3A_135 : i1 to i32
      %sign3A_137 = arith.subi %sign3A_133, %sign3A_136 : i32
      %sign3A_138 = arith.constant 0 : i32
      %sign3A_139 = arith.cmpi sgt, %jit3A_129, %sign3A_138 : i32
      %sign3A_140 = arith.extui %sign3A_139 : i1 to i32
      %sign3A_141 = arith.constant 0 : i32
      %sign3A_142 = arith.cmpi slt, %jit3A_129, %sign3A_141 : i32
      %sign3A_143 = arith.extui %sign3A_142 : i1 to i32
      %sign3A_144 = arith.subi %sign3A_140, %sign3A_143 : i32
      %ne3A_145 = arith.cmpi ne, %sign3A_137, %sign3A_144 : i32
      %rem3A_146 = arith.remsi %arg1, %jit3A_129 : i32
      %ne3A_147 = arith.constant 0 : i32
      %ne3A_148 = arith.cmpi ne, %rem3A_146, %ne3A_147 : i32
      %and3A_149 = arith.andi %ne3A_145, %ne3A_148 : i1
      %sub3A_150 = arith.constant 1 : i32
      %sub3A_151 = arith.subi %div3A_130, %sub3A_150 : i32
      %select_n3A_152 = arith.select %and3A_149, %sub3A_151, %div3A_130 : i32
      %mul3A_153 = arith.constant 4 : i32
      %mul3A_154 = arith.muli %select_n3A_152, %mul3A_153 : i32
      %mul3A_155 = arith.constant 16 : i32
      %mul3A_156 = arith.muli %mul3A_154, %mul3A_155 : i32
      %add3A_157 = arith.addi %mul3A_125, %mul3A_156 : i32
      "tpu.region"() ({
        %run_scoped3A = tpu.sem_alloc : memref<!tpu.dma_semaphore, #tpu.memory_space<semaphore_mem>>
        %dma_start3A = tpu.memref_slice %arg26[%add3A_157] : memref<512xf32, #tpu.memory_space<vmem_shared>> -> memref<64xf32, #tpu.memory_space<vmem_shared>>
        %dma_start3A_206 = tpu.memref_slice %arg26[%add3A_157] : memref<512xf32, #tpu.memory_space<vmem_shared>> -> memref<64xf32, #tpu.memory_space<vmem_shared>>
        tpu.enqueue_dma source(%dma_start3A_206 : memref<64xf32, #tpu.memory_space<vmem_shared>>) target(%arg13 : memref<64xf32, #tpu.memory_space<vmem>>) target_semaphore(%run_scoped3A : memref<!tpu.dma_semaphore, #tpu.memory_space<semaphore_mem>>)
        %dma_wait3A = tpu.memref_slice %arg26[%add3A_157] : memref<512xf32, #tpu.memory_space<vmem_shared>> -> memref<64xf32, #tpu.memory_space<vmem_shared>>
        %dma_wait3A_207 = tpu.memref_slice %arg26[%add3A_157] : memref<512xf32, #tpu.memory_space<vmem_shared>> -> memref<64xf32, #tpu.memory_space<vmem_shared>>
        tpu.wait_dma2 semaphore(%run_scoped3A : memref<!tpu.dma_semaphore, #tpu.memory_space<semaphore_mem>>) src(%dma_wait3A_207 : memref<64xf32, #tpu.memory_space<vmem_shared>>) dst(%arg13 : memref<64xf32, #tpu.memory_space<vmem>>)
        tpu.yield
      }) : () -> ()
      %scan3A_158 = arith.constant 0xFF800000 : f32
      %scan3A_159 = arith.constant 0.000000e+00 : f32
      %scan3A_160 = arith.constant 0 : i32
      %mul3A_161 = arith.constant 16 : i32
      %mul3A_162 = arith.muli %scan3A_160, %mul3A_161 : i32
      %get3A = arith.index_cast %mul3A_162 : i32 to index
      %get3A_163 = tpu.vector_load %arg13[%get3A] {strides = array<i32>} : memref<64xf32, #tpu.memory_space<vmem>>, vector<16xf32>,
      %slice3A = vector.extract_strided_slice %get3A_163 {offsets = [0], sizes = [1], strides = [1]} : vector<16xf32> to vector<1xf32>
      %squeeze3A = vector.extract %slice3A[0] : f32 from vector<1xf32>
      %slice3A_164 = vector.extract_strided_slice %get3A_163 {offsets = [1], sizes = [1], strides = [1]} : vector<16xf32> to vector<1xf32>
      %squeeze3A_165 = vector.extract %slice3A_164[0] : f32 from vector<1xf32>
      %gt3A = arith.cmpf ogt, %squeeze3A, %scan3A_158 : f32
      %select_n3A_166 = arith.select %gt3A, %squeeze3A, %scan3A_158 : f32
      %select_n3A_167 = arith.select %gt3A, %squeeze3A_165, %scan3A_159 : f32
      %scan3A_168 = arith.constant 1 : i32
      %mul3A_169 = arith.constant 16 : i32
      %mul3A_170 = arith.muli %scan3A_168, %mul3A_169 : i32
      %get3A_171 = arith.index_cast %mul3A_170 : i32 to index
      %get3A_172 = tpu.vector_load %arg13[%get3A_171] {strides = array<i32>} : memref<64xf32, #tpu.memory_space<vmem>>, vector<16xf32>,
      %slice3A_173 = vector.extract_strided_slice %get3A_172 {offsets = [0], sizes = [1], strides = [1]} : vector<16xf32> to vector<1xf32>
      %squeeze3A_174 = vector.extract %slice3A_173[0] : f32 from vector<1xf32>
      %slice3A_175 = vector.extract_strided_slice %get3A_172 {offsets = [1], sizes = [1], strides = [1]} : vector<16xf32> to vector<1xf32>
      %squeeze3A_176 = vector.extract %slice3A_175[0] : f32 from vector<1xf32>
      %gt3A_177 = arith.cmpf ogt, %squeeze3A_174, %select_n3A_166 : f32
      %select_n3A_178 = arith.select %gt3A_177, %squeeze3A_174, %select_n3A_166 : f32
      %select_n3A_179 = arith.select %gt3A_177, %squeeze3A_176, %select_n3A_167 : f32
      %scan3A_180 = arith.constant 2 : i32
      %mul3A_181 = arith.constant 16 : i32
      %mul3A_182 = arith.muli %scan3A_180, %mul3A_181 : i32
      %get3A_183 = arith.index_cast %mul3A_182 : i32 to index
      %get3A_184 = tpu.vector_load %arg13[%get3A_183] {strides = array<i32>} : memref<64xf32, #tpu.memory_space<vmem>>, vector<16xf32>,
      %slice3A_185 = vector.extract_strided_slice %get3A_184 {offsets = [0], sizes = [1], strides = [1]} : vector<16xf32> to vector<1xf32>
      %squeeze3A_186 = vector.extract %slice3A_185[0] : f32 from vector<1xf32>
      %slice3A_187 = vector.extract_strided_slice %get3A_184 {offsets = [1], sizes = [1], strides = [1]} : vector<16xf32> to vector<1xf32>
      %squeeze3A_188 = vector.extract %slice3A_187[0] : f32 from vector<1xf32>
      %gt3A_189 = arith.cmpf ogt, %squeeze3A_186, %select_n3A_178 : f32
      %select_n3A_190 = arith.select %gt3A_189, %squeeze3A_186, %select_n3A_178 : f32
      %select_n3A_191 = arith.select %gt3A_189, %squeeze3A_188, %select_n3A_179 : f32
      %scan3A_192 = arith.constant 3 : i32
      %mul3A_193 = arith.constant 16 : i32
      %mul3A_194 = arith.muli %scan3A_192, %mul3A_193 : i32
      %get3A_195 = arith.index_cast %mul3A_194 : i32 to index
      %get3A_196 = tpu.vector_load %arg13[%get3A_195] {strides = array<i32>} : memref<64xf32, #tpu.memory_space<vmem>>, vector<16xf32>,
      %slice3A_197 = vector.extract_strided_slice %get3A_196 {offsets = [0], sizes = [1], strides = [1]} : vector<16xf32> to vector<1xf32>
      %squeeze3A_198 = vector.extract %slice3A_197[0] : f32 from vector<1xf32>
      %slice3A_199 = vector.extract_strided_slice %get3A_196 {offsets = [1], sizes = [1], strides = [1]} : vector<16xf32> to vector<1xf32>
      %squeeze3A_200 = vector.extract %slice3A_199[0] : f32 from vector<1xf32>
      %gt3A_201 = arith.cmpf ogt, %squeeze3A_198, %select_n3A_190 : f32
      %select_n3A_202 = arith.select %gt3A_201, %squeeze3A_198, %select_n3A_190 : f32
      %select_n3A_203 = arith.select %gt3A_201, %squeeze3A_200, %select_n3A_191 : f32
      %scan3A_204 = arith.constant 4 : i32
      %convert_element_type3A_205 = arith.fptosi %select_n3A_203 : f32 to i32
      scf.yield %convert_element_type3A_205, %select_n3A_82 : i32, vector<16xi32>
    }
    %scan3A_45 = arith.constant 512 : i32
    %mul3A_46 = arith.constant 128 : i32
    %mul3A_47 = arith.muli %select_n3A_30, %mul3A_46 : i32
    %scan3A_48 = arith.constant 0 : i32
    %scan3A_49 = arith.constant 0 : i32
    %scan3A_50 = arith.constant 8 : i32
    %scan3A_51 = arith.addi %scan3A_49, %scan3A_50 : i32
    %scan3A_52 = arith.constant 1 : i32
    scf.for %scan3A_74 = %scan3A_49 to %scan3A_51 step %scan3A_52  : i32 {
      %mul3A_75 = arith.constant 16 : i32
      %mul3A_76 = arith.muli %scan3A_74, %mul3A_75 : i32
      %add3A_77 = arith.addi %mul3A_47, %mul3A_76 : i32
      %get3A = arith.index_cast %add3A_77 : i32 to index
      %get3A_78 = tpu.vector_load %arg11[%get3A] {strides = array<i32>} : memref<512xi32, #tpu.memory_space<vmem>>, vector<16xi32>,
      %gather3A = tpu.vector_load_idx %arg7[%get3A_78] : memref<8192xf32, #tpu.memory_space<vmem>>[vector<16xi32>], vector<16xf32>,
      %gather3A_79 = tpu.vector_load_idx %arg8[%get3A_78] : memref<8192xf32, #tpu.memory_space<vmem>>[vector<16xi32>], vector<16xf32>,
      %gather3A_80 = tpu.vector_load_idx %arg9[%get3A_78] : memref<8192xf32, #tpu.memory_space<vmem>>[vector<16xi32>], vector<16xf32>,
      %mul3A_81 = arith.constant 16 : i32
      %mul3A_82 = arith.muli %scan3A_74, %mul3A_81 : i32
      %swap3A = arith.index_cast %mul3A_82 : i32 to index
      %swap3A_83 = tpu.vector_load %arg23[%swap3A] {strides = array<i32>} : memref<128xf32, #tpu.memory_space<vmem>>, vector<16xf32>,
      tpu.vector_store %arg23[%swap3A], %gather3A {strides = array<i32>} : memref<128xf32, #tpu.memory_space<vmem>>, vector<16xf32>,
      %mul3A_84 = arith.constant 16 : i32
      %mul3A_85 = arith.muli %scan3A_74, %mul3A_84 : i32
      %swap3A_86 = arith.index_cast %mul3A_85 : i32 to index
      %swap3A_87 = tpu.vector_load %arg24[%swap3A_86] {strides = array<i32>} : memref<128xf32, #tpu.memory_space<vmem>>, vector<16xf32>,
      tpu.vector_store %arg24[%swap3A_86], %gather3A_79 {strides = array<i32>} : memref<128xf32, #tpu.memory_space<vmem>>, vector<16xf32>,
      %mul3A_88 = arith.constant 16 : i32
      %mul3A_89 = arith.muli %scan3A_74, %mul3A_88 : i32
      %swap3A_90 = arith.index_cast %mul3A_89 : i32 to index
      %swap3A_91 = tpu.vector_load %arg25[%swap3A_90] {strides = array<i32>} : memref<128xf32, #tpu.memory_space<vmem>>, vector<16xf32>,
      tpu.vector_store %arg25[%swap3A_90], %gather3A_80 {strides = array<i32>} : memref<128xf32, #tpu.memory_space<vmem>>, vector<16xf32>,
      %scan3A_92 = arith.constant 0 : i32
      %scan3A_93 = arith.constant 0 : i32
      %scan3A_94 = arith.constant 8 : i32
      %scan3A_95 = arith.addi %scan3A_93, %scan3A_94 : i32
      %scan3A_96 = arith.constant 1 : i32
      scf.for %scan3A_98 = %scan3A_93 to %scan3A_95 step %scan3A_96  : i32 {
        %mul3A_99 = arith.constant 2 : i32
        %mul3A_100 = arith.muli %mul3A_99, %scan3A_98 : i32
        %eq3A_101 = vector.broadcast %mul3A_100 : i32 to vector<16xi32>
        %eq3A_102 = arith.cmpi eq, %iota3A, %eq3A_101 : vector<16xi32>
        %mul3A_103 = arith.constant 2 : i32
        %mul3A_104 = arith.muli %mul3A_103, %scan3A_98 : i32
        %add3A_105 = arith.constant 1 : i32
        %add3A_106 = arith.addi %mul3A_104, %add3A_105 : i32
        %eq3A_107 = vector.broadcast %add3A_106 : i32 to vector<16xi32>
        %eq3A_108 = arith.cmpi eq, %iota3A, %eq3A_107 : vector<16xi32>
        %jit3A_109 = arith.constant 0.000000e+00 : f32
        %broadcast_in_dim3A_110 = vector.broadcast %jit3A_109 : f32 to vector<16xf32>
        %select_n3A_111 = arith.select %eq3A_102, %gather3A, %broadcast_in_dim3A_110 : vector<16xi1>, vector<16xf32>
        %reduce_sum3A = arith.constant true
        %reduce_sum3A_112 = vector.broadcast %reduce_sum3A : i1 to vector<16xi1>
        %reduce_sum3A_113 = tpu.scan <sum>, %select_n3A_111 masked %reduce_sum3A_112 : vector<16xf32>, vector<16xi1> -> vector<16xf32>
        %reduce_sum3A_114 = vector.extract %reduce_sum3A_113[15] : f32 from vector<16xf32>
        %broadcast_in_dim3A_115 = vector.broadcast %reduce_sum3A_114 : f32 to vector<16xf32>
        %jit3A_116 = arith.constant 0.000000e+00 : f32
        %broadcast_in_dim3A_117 = vector.broadcast %jit3A_116 : f32 to vector<16xf32>
        %select_n3A_118 = arith.select %eq3A_102, %gather3A_79, %broadcast_in_dim3A_117 : vector<16xi1>, vector<16xf32>
        %reduce_sum3A_119 = arith.constant true
        %reduce_sum3A_120 = vector.broadcast %reduce_sum3A_119 : i1 to vector<16xi1>
        %reduce_sum3A_121 = tpu.scan <sum>, %select_n3A_118 masked %reduce_sum3A_120 : vector<16xf32>, vector<16xi1> -> vector<16xf32>
        %reduce_sum3A_122 = vector.extract %reduce_sum3A_121[15] : f32 from vector<16xf32>
        %broadcast_in_dim3A_123 = vector.broadcast %reduce_sum3A_122 : f32 to vector<16xf32>
        %jit3A_124 = arith.constant 0.000000e+00 : f32
        %broadcast_in_dim3A_125 = vector.broadcast %jit3A_124 : f32 to vector<16xf32>
        %select_n3A_126 = arith.select %eq3A_102, %gather3A_80, %broadcast_in_dim3A_125 : vector<16xi1>, vector<16xf32>
        %reduce_sum3A_127 = arith.constant true
        %reduce_sum3A_128 = vector.broadcast %reduce_sum3A_127 : i1 to vector<16xi1>
        %reduce_sum3A_129 = tpu.scan <sum>, %select_n3A_126 masked %reduce_sum3A_128 : vector<16xf32>, vector<16xi1> -> vector<16xf32>
        %reduce_sum3A_130 = vector.extract %reduce_sum3A_129[15] : f32 from vector<16xf32>
        %broadcast_in_dim3A_131 = vector.broadcast %reduce_sum3A_130 : f32 to vector<16xf32>
        %jit3A_132 = arith.constant 0.000000e+00 : f32
        %broadcast_in_dim3A_133 = vector.broadcast %jit3A_132 : f32 to vector<16xf32>
        %select_n3A_134 = arith.select %eq3A_108, %gather3A, %broadcast_in_dim3A_133 : vector<16xi1>, vector<16xf32>
        %reduce_sum3A_135 = arith.constant true
        %reduce_sum3A_136 = vector.broadcast %reduce_sum3A_135 : i1 to vector<16xi1>
        %reduce_sum3A_137 = tpu.scan <sum>, %select_n3A_134 masked %reduce_sum3A_136 : vector<16xf32>, vector<16xi1> -> vector<16xf32>
        %reduce_sum3A_138 = vector.extract %reduce_sum3A_137[15] : f32 from vector<16xf32>
        %broadcast_in_dim3A_139 = vector.broadcast %reduce_sum3A_138 : f32 to vector<16xf32>
        %jit3A_140 = arith.constant 0.000000e+00 : f32
        %broadcast_in_dim3A_141 = vector.broadcast %jit3A_140 : f32 to vector<16xf32>
        %select_n3A_142 = arith.select %eq3A_108, %gather3A_79, %broadcast_in_dim3A_141 : vector<16xi1>, vector<16xf32>
        %reduce_sum3A_143 = arith.constant true
        %reduce_sum3A_144 = vector.broadcast %reduce_sum3A_143 : i1 to vector<16xi1>
        %reduce_sum3A_145 = tpu.scan <sum>, %select_n3A_142 masked %reduce_sum3A_144 : vector<16xf32>, vector<16xi1> -> vector<16xf32>
        %reduce_sum3A_146 = vector.extract %reduce_sum3A_145[15] : f32 from vector<16xf32>
        %broadcast_in_dim3A_147 = vector.broadcast %reduce_sum3A_146 : f32 to vector<16xf32>
        %jit3A_148 = arith.constant 0.000000e+00 : f32
        %broadcast_in_dim3A_149 = vector.broadcast %jit3A_148 : f32 to vector<16xf32>
        %select_n3A_150 = arith.select %eq3A_108, %gather3A_80, %broadcast_in_dim3A_149 : vector<16xi1>, vector<16xf32>
        %reduce_sum3A_151 = arith.constant true
        %reduce_sum3A_152 = vector.broadcast %reduce_sum3A_151 : i1 to vector<16xi1>
        %reduce_sum3A_153 = tpu.scan <sum>, %select_n3A_150 masked %reduce_sum3A_152 : vector<16xf32>, vector<16xi1> -> vector<16xf32>
        %reduce_sum3A_154 = vector.extract %reduce_sum3A_153[15] : f32 from vector<16xf32>
        %broadcast_in_dim3A_155 = vector.broadcast %reduce_sum3A_154 : f32 to vector<16xf32>
        %scan3A_156 = arith.constant 0 : i32
        %scan3A_157 = arith.constant 0 : i32
        %scan3A_158 = arith.constant 32 : i32
        %scan3A_159 = arith.addi %scan3A_157, %scan3A_158 : i32
        %scan3A_160 = arith.constant 1 : i32
        scf.for %scan3A_374 = %scan3A_157 to %scan3A_159 step %scan3A_160  : i32 {
          %broadcast_in_dim3A_375 = arith.constant 0x7F800000 : f32
          %broadcast_in_dim3A_376 = vector.broadcast %broadcast_in_dim3A_375 : f32 to vector<16xf32>
          %mul3A_377 = arith.constant 16 : i32
          %mul3A_378 = arith.muli %scan3A_374, %mul3A_377 : i32
          %swap3A_379 = arith.index_cast %mul3A_378 : i32 to index
          %swap3A_380 = tpu.vector_load %arg14[%swap3A_379] {strides = array<i32>} : memref<512xf32, #tpu.memory_space<vmem>>, vector<16xf32>,
          tpu.vector_store %arg14[%swap3A_379], %broadcast_in_dim3A_376 {strides = array<i32>} : memref<512xf32, #tpu.memory_space<vmem>>, vector<16xf32>,
        }
        %scan3A_161 = arith.constant 32 : i32
        %scan3A_162 = arith.constant 0 : i32
        %scan3A_163 = arith.constant 0 : i32
        %scan3A_164 = arith.constant 32 : i32
        %scan3A_165 = arith.addi %scan3A_163, %scan3A_164 : i32
        %scan3A_166 = arith.constant 1 : i32
        scf.for %scan3A_374 = %scan3A_163 to %scan3A_165 step %scan3A_166  : i32 {
          %broadcast_in_dim3A_375 = arith.constant 0x7F800000 : f32
          %broadcast_in_dim3A_376 = vector.broadcast %broadcast_in_dim3A_375 : f32 to vector<16xf32>
          %mul3A_377 = arith.constant 16 : i32
          %mul3A_378 = arith.muli %scan3A_374, %mul3A_377 : i32
          %swap3A_379 = arith.index_cast %mul3A_378 : i32 to index
          %swap3A_380 = tpu.vector_load %arg17[%swap3A_379] {strides = array<i32>} : memref<512xf32, #tpu.memory_space<vmem>>, vector<16xf32>,
          tpu.vector_store %arg17[%swap3A_379], %broadcast_in_dim3A_376 {strides = array<i32>} : memref<512xf32, #tpu.memory_space<vmem>>, vector<16xf32>,
        }
        %scan3A_167 = arith.constant 32 : i32
        %broadcast_in_dim3A_168 = arith.constant 0x7F800000 : f32
        %broadcast_in_dim3A_169 = vector.broadcast %broadcast_in_dim3A_168 : f32 to vector<16xf32>
        %scan3A_170 = arith.constant 0 : i32
        %scan3A_171 = arith.constant 64 : i32
        %scan3A_172 = arith.addi %scan3A_170, %scan3A_171 : i32
        %scan3A_173 = arith.constant 1 : i32
        %scan3A_174:4 = scf.for %scan3A_374 = %scan3A_170 to %scan3A_172 step %scan3A_173 iter_args(%scan3A_375 = %broadcast_in_dim3A_169, %scan3A_376 = %broadcast_in_dim3A_169, %scan3A_377 = %broadcast_in_dim3A_169, %scan3A_378 = %broadcast_in_dim3A_169) -> (vector<16xf32>, vector<16xf32>, vector<16xf32>, vector<16xf32>)  : i32 {
          %mul3A_379 = arith.constant 8 : i32
          %mul3A_380 = arith.muli %scan3A_374, %mul3A_379 : i32
          %add3A_381 = arith.constant 0 : i32
          %add3A_382 = arith.addi %mul3A_380, %add3A_381 : i32
          %mul3A_383 = arith.constant 16 : i32
          %mul3A_384 = arith.muli %add3A_382, %mul3A_383 : i32
          %get3A_385 = arith.index_cast %mul3A_384 : i32 to index
          %get3A_386 = tpu.vector_load %arg7[%get3A_385] {strides = array<i32>} : memref<8192xf32, #tpu.memory_space<vmem>>, vector<16xf32>,
          %mul3A_387 = arith.constant 16 : i32
          %mul3A_388 = arith.muli %add3A_382, %mul3A_387 : i32
          %get3A_389 = arith.index_cast %mul3A_388 : i32 to index
          %get3A_390 = tpu.vector_load %arg8[%get3A_389] {strides = array<i32>} : memref<8192xf32, #tpu.memory_space<vmem>>, vector<16xf32>,
          %mul3A_391 = arith.constant 16 : i32
          %mul3A_392 = arith.muli %add3A_382, %mul3A_391 : i32
          %get3A_393 = arith.index_cast %mul3A_392 : i32 to index
          %get3A_394 = tpu.vector_load %arg9[%get3A_393] {strides = array<i32>} : memref<8192xf32, #tpu.memory_space<vmem>>, vector<16xf32>,
          %sub3A_395 = arith.subf %broadcast_in_dim3A_115, %get3A_386 : vector<16xf32>
          %sub3A_396 = arith.subf %broadcast_in_dim3A_123, %get3A_390 : vector<16xf32>
          %sub3A_397 = arith.subf %broadcast_in_dim3A_131, %get3A_394 : vector<16xf32>
          %mul3A_398 = arith.mulf %sub3A_395, %sub3A_395 : vector<16xf32>
          %mul3A_399 = arith.mulf %sub3A_396, %sub3A_396 : vector<16xf32>
          %add3A_400 = arith.addf %mul3A_398, %mul3A_399 : vector<16xf32>
          %mul3A_401 = arith.mulf %sub3A_397, %sub3A_397 : vector<16xf32>
          %add3A_402 = arith.addf %add3A_400, %mul3A_401 : vector<16xf32>
          %sub3A_403 = arith.subf %broadcast_in_dim3A_139, %get3A_386 : vector<16xf32>
          %sub3A_404 = arith.subf %broadcast_in_dim3A_147, %get3A_390 : vector<16xf32>
          %sub3A_405 = arith.subf %broadcast_in_dim3A_155, %get3A_394 : vector<16xf32>
          %mul3A_406 = arith.mulf %sub3A_403, %sub3A_403 : vector<16xf32>
          %mul3A_407 = arith.mulf %sub3A_404, %sub3A_404 : vector<16xf32>
          %add3A_408 = arith.addf %mul3A_406, %mul3A_407 : vector<16xf32>
          %mul3A_409 = arith.mulf %sub3A_405, %sub3A_405 : vector<16xf32>
          %add3A_410 = arith.addf %add3A_408, %mul3A_409 : vector<16xf32>
          %mul3A_411 = arith.constant 16 : i32
          %mul3A_412 = arith.muli %add3A_382, %mul3A_411 : i32
          %swap3A_413 = arith.index_cast %mul3A_412 : i32 to index
          %swap3A_414 = tpu.vector_load %arg16[%swap3A_413] {strides = array<i32>} : memref<8192xf32, #tpu.memory_space<vmem>>, vector<16xf32>,
          tpu.vector_store %arg16[%swap3A_413], %add3A_402 {strides = array<i32>} : memref<8192xf32, #tpu.memory_space<vmem>>, vector<16xf32>,
          %mul3A_415 = arith.constant 16 : i32
          %mul3A_416 = arith.muli %add3A_382, %mul3A_415 : i32
          %swap3A_417 = arith.index_cast %mul3A_416 : i32 to index
          %swap3A_418 = tpu.vector_load %arg19[%swap3A_417] {strides = array<i32>} : memref<8192xf32, #tpu.memory_space<vmem>>, vector<16xf32>,
          tpu.vector_store %arg19[%swap3A_417], %add3A_410 {strides = array<i32>} : memref<8192xf32, #tpu.memory_space<vmem>>, vector<16xf32>,
          %max3A = arith.maximumf %scan3A_375, %add3A_402 : vector<16xf32>
          %min3A = arith.minimumf %scan3A_375, %add3A_402 : vector<16xf32>
          %min3A_419 = arith.minimumf %scan3A_376, %max3A : vector<16xf32>
          %max3A_420 = arith.maximumf %scan3A_377, %add3A_410 : vector<16xf32>
          %min3A_421 = arith.minimumf %scan3A_377, %add3A_410 : vector<16xf32>
          %min3A_422 = arith.minimumf %scan3A_378, %max3A_420 : vector<16xf32>
          %mul3A_423 = arith.constant 8 : i32
          %mul3A_424 = arith.muli %scan3A_374, %mul3A_423 : i32
          %add3A_425 = arith.constant 1 : i32
          %add3A_426 = arith.addi %mul3A_424, %add3A_425 : i32
          %mul3A_427 = arith.constant 16 : i32
          %mul3A_428 = arith.muli %add3A_426, %mul3A_427 : i32
          %get3A_429 = arith.index_cast %mul3A_428 : i32 to index
          %get3A_430 = tpu.vector_load %arg7[%get3A_429] {strides = array<i32>} : memref<8192xf32, #tpu.memory_space<vmem>>, vector<16xf32>,
          %mul3A_431 = arith.constant 16 : i32
          %mul3A_432 = arith.muli %add3A_426, %mul3A_431 : i32
          %get3A_433 = arith.index_cast %mul3A_432 : i32 to index
          %get3A_434 = tpu.vector_load %arg8[%get3A_433] {strides = array<i32>} : memref<8192xf32, #tpu.memory_space<vmem>>, vector<16xf32>,
          %mul3A_435 = arith.constant 16 : i32
          %mul3A_436 = arith.muli %add3A_426, %mul3A_435 : i32
          %get3A_437 = arith.index_cast %mul3A_436 : i32 to index
          %get3A_438 = tpu.vector_load %arg9[%get3A_437] {strides = array<i32>} : memref<8192xf32, #tpu.memory_space<vmem>>, vector<16xf32>,
          %sub3A_439 = arith.subf %broadcast_in_dim3A_115, %get3A_430 : vector<16xf32>
          %sub3A_440 = arith.subf %broadcast_in_dim3A_123, %get3A_434 : vector<16xf32>
          %sub3A_441 = arith.subf %broadcast_in_dim3A_131, %get3A_438 : vector<16xf32>
          %mul3A_442 = arith.mulf %sub3A_439, %sub3A_439 : vector<16xf32>
          %mul3A_443 = arith.mulf %sub3A_440, %sub3A_440 : vector<16xf32>
          %add3A_444 = arith.addf %mul3A_442, %mul3A_443 : vector<16xf32>
          %mul3A_445 = arith.mulf %sub3A_441, %sub3A_441 : vector<16xf32>
          %add3A_446 = arith.addf %add3A_444, %mul3A_445 : vector<16xf32>
          %sub3A_447 = arith.subf %broadcast_in_dim3A_139, %get3A_430 : vector<16xf32>
          %sub3A_448 = arith.subf %broadcast_in_dim3A_147, %get3A_434 : vector<16xf32>
          %sub3A_449 = arith.subf %broadcast_in_dim3A_155, %get3A_438 : vector<16xf32>
          %mul3A_450 = arith.mulf %sub3A_447, %sub3A_447 : vector<16xf32>
          %mul3A_451 = arith.mulf %sub3A_448, %sub3A_448 : vector<16xf32>
          %add3A_452 = arith.addf %mul3A_450, %mul3A_451 : vector<16xf32>
          %mul3A_453 = arith.mulf %sub3A_449, %sub3A_449 : vector<16xf32>
          %add3A_454 = arith.addf %add3A_452, %mul3A_453 : vector<16xf32>
          %mul3A_455 = arith.constant 16 : i32
          %mul3A_456 = arith.muli %add3A_426, %mul3A_455 : i32
          %swap3A_457 = arith.index_cast %mul3A_456 : i32 to index
          %swap3A_458 = tpu.vector_load %arg16[%swap3A_457] {strides = array<i32>} : memref<8192xf32, #tpu.memory_space<vmem>>, vector<16xf32>,
          tpu.vector_store %arg16[%swap3A_457], %add3A_446 {strides = array<i32>} : memref<8192xf32, #tpu.memory_space<vmem>>, vector<16xf32>,
          %mul3A_459 = arith.constant 16 : i32
          %mul3A_460 = arith.muli %add3A_426, %mul3A_459 : i32
          %swap3A_461 = arith.index_cast %mul3A_460 : i32 to index
          %swap3A_462 = tpu.vector_load %arg19[%swap3A_461] {strides = array<i32>} : memref<8192xf32, #tpu.memory_space<vmem>>, vector<16xf32>,
          tpu.vector_store %arg19[%swap3A_461], %add3A_454 {strides = array<i32>} : memref<8192xf32, #tpu.memory_space<vmem>>, vector<16xf32>,
          %max3A_463 = arith.maximumf %min3A, %add3A_446 : vector<16xf32>
          %min3A_464 = arith.minimumf %min3A, %add3A_446 : vector<16xf32>
          %min3A_465 = arith.minimumf %min3A_419, %max3A_463 : vector<16xf32>
          %max3A_466 = arith.maximumf %min3A_421, %add3A_454 : vector<16xf32>
          %min3A_467 = arith.minimumf %min3A_421, %add3A_454 : vector<16xf32>
          %min3A_468 = arith.minimumf %min3A_422, %max3A_466 : vector<16xf32>
          %mul3A_469 = arith.constant 8 : i32
          %mul3A_470 = arith.muli %scan3A_374, %mul3A_469 : i32
          %add3A_471 = arith.constant 2 : i32
          %add3A_472 = arith.addi %mul3A_470, %add3A_471 : i32
          %mul3A_473 = arith.constant 16 : i32
          %mul3A_474 = arith.muli %add3A_472, %mul3A_473 : i32
          %get3A_475 = arith.index_cast %mul3A_474 : i32 to index
          %get3A_476 = tpu.vector_load %arg7[%get3A_475] {strides = array<i32>} : memref<8192xf32, #tpu.memory_space<vmem>>, vector<16xf32>,
          %mul3A_477 = arith.constant 16 : i32
          %mul3A_478 = arith.muli %add3A_472, %mul3A_477 : i32
          %get3A_479 = arith.index_cast %mul3A_478 : i32 to index
          %get3A_480 = tpu.vector_load %arg8[%get3A_479] {strides = array<i32>} : memref<8192xf32, #tpu.memory_space<vmem>>, vector<16xf32>,
          %mul3A_481 = arith.constant 16 : i32
          %mul3A_482 = arith.muli %add3A_472, %mul3A_481 : i32
          %get3A_483 = arith.index_cast %mul3A_482 : i32 to index
          %get3A_484 = tpu.vector_load %arg9[%get3A_483] {strides = array<i32>} : memref<8192xf32, #tpu.memory_space<vmem>>, vector<16xf32>,
          %sub3A_485 = arith.subf %broadcast_in_dim3A_115, %get3A_476 : vector<16xf32>
          %sub3A_486 = arith.subf %broadcast_in_dim3A_123, %get3A_480 : vector<16xf32>
          %sub3A_487 = arith.subf %broadcast_in_dim3A_131, %get3A_484 : vector<16xf32>
          %mul3A_488 = arith.mulf %sub3A_485, %sub3A_485 : vector<16xf32>
          %mul3A_489 = arith.mulf %sub3A_486, %sub3A_486 : vector<16xf32>
          %add3A_490 = arith.addf %mul3A_488, %mul3A_489 : vector<16xf32>
          %mul3A_491 = arith.mulf %sub3A_487, %sub3A_487 : vector<16xf32>
          %add3A_492 = arith.addf %add3A_490, %mul3A_491 : vector<16xf32>
          %sub3A_493 = arith.subf %broadcast_in_dim3A_139, %get3A_476 : vector<16xf32>
          %sub3A_494 = arith.subf %broadcast_in_dim3A_147, %get3A_480 : vector<16xf32>
          %sub3A_495 = arith.subf %broadcast_in_dim3A_155, %get3A_484 : vector<16xf32>
          %mul3A_496 = arith.mulf %sub3A_493, %sub3A_493 : vector<16xf32>
          %mul3A_497 = arith.mulf %sub3A_494, %sub3A_494 : vector<16xf32>
          %add3A_498 = arith.addf %mul3A_496, %mul3A_497 : vector<16xf32>
          %mul3A_499 = arith.mulf %sub3A_495, %sub3A_495 : vector<16xf32>
          %add3A_500 = arith.addf %add3A_498, %mul3A_499 : vector<16xf32>
          %mul3A_501 = arith.constant 16 : i32
          %mul3A_502 = arith.muli %add3A_472, %mul3A_501 : i32
          %swap3A_503 = arith.index_cast %mul3A_502 : i32 to index
          %swap3A_504 = tpu.vector_load %arg16[%swap3A_503] {strides = array<i32>} : memref<8192xf32, #tpu.memory_space<vmem>>, vector<16xf32>,
          tpu.vector_store %arg16[%swap3A_503], %add3A_492 {strides = array<i32>} : memref<8192xf32, #tpu.memory_space<vmem>>, vector<16xf32>,
          %mul3A_505 = arith.constant 16 : i32
          %mul3A_506 = arith.muli %add3A_472, %mul3A_505 : i32
          %swap3A_507 = arith.index_cast %mul3A_506 : i32 to index
          %swap3A_508 = tpu.vector_load %arg19[%swap3A_507] {strides = array<i32>} : memref<8192xf32, #tpu.memory_space<vmem>>, vector<16xf32>,
          tpu.vector_store %arg19[%swap3A_507], %add3A_500 {strides = array<i32>} : memref<8192xf32, #tpu.memory_space<vmem>>, vector<16xf32>,
          %max3A_509 = arith.maximumf %min3A_464, %add3A_492 : vector<16xf32>
          %min3A_510 = arith.minimumf %min3A_464, %add3A_492 : vector<16xf32>
          %min3A_511 = arith.minimumf %min3A_465, %max3A_509 : vector<16xf32>
          %max3A_512 = arith.maximumf %min3A_467, %add3A_500 : vector<16xf32>
          %min3A_513 = arith.minimumf %min3A_467, %add3A_500 : vector<16xf32>
          %min3A_514 = arith.minimumf %min3A_468, %max3A_512 : vector<16xf32>
          %mul3A_515 = arith.constant 8 : i32
          %mul3A_516 = arith.muli %scan3A_374, %mul3A_515 : i32
          %add3A_517 = arith.constant 3 : i32
          %add3A_518 = arith.addi %mul3A_516, %add3A_517 : i32
          %mul3A_519 = arith.constant 16 : i32
          %mul3A_520 = arith.muli %add3A_518, %mul3A_519 : i32
          %get3A_521 = arith.index_cast %mul3A_520 : i32 to index
          %get3A_522 = tpu.vector_load %arg7[%get3A_521] {strides = array<i32>} : memref<8192xf32, #tpu.memory_space<vmem>>, vector<16xf32>,
          %mul3A_523 = arith.constant 16 : i32
          %mul3A_524 = arith.muli %add3A_518, %mul3A_523 : i32
          %get3A_525 = arith.index_cast %mul3A_524 : i32 to index
          %get3A_526 = tpu.vector_load %arg8[%get3A_525] {strides = array<i32>} : memref<8192xf32, #tpu.memory_space<vmem>>, vector<16xf32>,
          %mul3A_527 = arith.constant 16 : i32
          %mul3A_528 = arith.muli %add3A_518, %mul3A_527 : i32
          %get3A_529 = arith.index_cast %mul3A_528 : i32 to index
          %get3A_530 = tpu.vector_load %arg9[%get3A_529] {strides = array<i32>} : memref<8192xf32, #tpu.memory_space<vmem>>, vector<16xf32>,
          %sub3A_531 = arith.subf %broadcast_in_dim3A_115, %get3A_522 : vector<16xf32>
          %sub3A_532 = arith.subf %broadcast_in_dim3A_123, %get3A_526 : vector<16xf32>
          %sub3A_533 = arith.subf %broadcast_in_dim3A_131, %get3A_530 : vector<16xf32>
          %mul3A_534 = arith.mulf %sub3A_531, %sub3A_531 : vector<16xf32>
          %mul3A_535 = arith.mulf %sub3A_532, %sub3A_532 : vector<16xf32>
          %add3A_536 = arith.addf %mul3A_534, %mul3A_535 : vector<16xf32>
          %mul3A_537 = arith.mulf %sub3A_533, %sub3A_533 : vector<16xf32>
          %add3A_538 = arith.addf %add3A_536, %mul3A_537 : vector<16xf32>
          %sub3A_539 = arith.subf %broadcast_in_dim3A_139, %get3A_522 : vector<16xf32>
          %sub3A_540 = arith.subf %broadcast_in_dim3A_147, %get3A_526 : vector<16xf32>
          %sub3A_541 = arith.subf %broadcast_in_dim3A_155, %get3A_530 : vector<16xf32>
          %mul3A_542 = arith.mulf %sub3A_539, %sub3A_539 : vector<16xf32>
          %mul3A_543 = arith.mulf %sub3A_540, %sub3A_540 : vector<16xf32>
          %add3A_544 = arith.addf %mul3A_542, %mul3A_543 : vector<16xf32>
          %mul3A_545 = arith.mulf %sub3A_541, %sub3A_541 : vector<16xf32>
          %add3A_546 = arith.addf %add3A_544, %mul3A_545 : vector<16xf32>
          %mul3A_547 = arith.constant 16 : i32
          %mul3A_548 = arith.muli %add3A_518, %mul3A_547 : i32
          %swap3A_549 = arith.index_cast %mul3A_548 : i32 to index
          %swap3A_550 = tpu.vector_load %arg16[%swap3A_549] {strides = array<i32>} : memref<8192xf32, #tpu.memory_space<vmem>>, vector<16xf32>,
          tpu.vector_store %arg16[%swap3A_549], %add3A_538 {strides = array<i32>} : memref<8192xf32, #tpu.memory_space<vmem>>, vector<16xf32>,
          %mul3A_551 = arith.constant 16 : i32
          %mul3A_552 = arith.muli %add3A_518, %mul3A_551 : i32
          %swap3A_553 = arith.index_cast %mul3A_552 : i32 to index
          %swap3A_554 = tpu.vector_load %arg19[%swap3A_553] {strides = array<i32>} : memref<8192xf32, #tpu.memory_space<vmem>>, vector<16xf32>,
          tpu.vector_store %arg19[%swap3A_553], %add3A_546 {strides = array<i32>} : memref<8192xf32, #tpu.memory_space<vmem>>, vector<16xf32>,
          %max3A_555 = arith.maximumf %min3A_510, %add3A_538 : vector<16xf32>
          %min3A_556 = arith.minimumf %min3A_510, %add3A_538 : vector<16xf32>
          %min3A_557 = arith.minimumf %min3A_511, %max3A_555 : vector<16xf32>
          %max3A_558 = arith.maximumf %min3A_513, %add3A_546 : vector<16xf32>
          %min3A_559 = arith.minimumf %min3A_513, %add3A_546 : vector<16xf32>
          %min3A_560 = arith.minimumf %min3A_514, %max3A_558 : vector<16xf32>
          %mul3A_561 = arith.constant 8 : i32
          %mul3A_562 = arith.muli %scan3A_374, %mul3A_561 : i32
          %add3A_563 = arith.constant 4 : i32
          %add3A_564 = arith.addi %mul3A_562, %add3A_563 : i32
          %mul3A_565 = arith.constant 16 : i32
          %mul3A_566 = arith.muli %add3A_564, %mul3A_565 : i32
          %get3A_567 = arith.index_cast %mul3A_566 : i32 to index
          %get3A_568 = tpu.vector_load %arg7[%get3A_567] {strides = array<i32>} : memref<8192xf32, #tpu.memory_space<vmem>>, vector<16xf32>,
          %mul3A_569 = arith.constant 16 : i32
          %mul3A_570 = arith.muli %add3A_564, %mul3A_569 : i32
          %get3A_571 = arith.index_cast %mul3A_570 : i32 to index
          %get3A_572 = tpu.vector_load %arg8[%get3A_571] {strides = array<i32>} : memref<8192xf32, #tpu.memory_space<vmem>>, vector<16xf32>,
          %mul3A_573 = arith.constant 16 : i32
          %mul3A_574 = arith.muli %add3A_564, %mul3A_573 : i32
          %get3A_575 = arith.index_cast %mul3A_574 : i32 to index
          %get3A_576 = tpu.vector_load %arg9[%get3A_575] {strides = array<i32>} : memref<8192xf32, #tpu.memory_space<vmem>>, vector<16xf32>,
          %sub3A_577 = arith.subf %broadcast_in_dim3A_115, %get3A_568 : vector<16xf32>
          %sub3A_578 = arith.subf %broadcast_in_dim3A_123, %get3A_572 : vector<16xf32>
          %sub3A_579 = arith.subf %broadcast_in_dim3A_131, %get3A_576 : vector<16xf32>
          %mul3A_580 = arith.mulf %sub3A_577, %sub3A_577 : vector<16xf32>
          %mul3A_581 = arith.mulf %sub3A_578, %sub3A_578 : vector<16xf32>
          %add3A_582 = arith.addf %mul3A_580, %mul3A_581 : vector<16xf32>
          %mul3A_583 = arith.mulf %sub3A_579, %sub3A_579 : vector<16xf32>
          %add3A_584 = arith.addf %add3A_582, %mul3A_583 : vector<16xf32>
          %sub3A_585 = arith.subf %broadcast_in_dim3A_139, %get3A_568 : vector<16xf32>
          %sub3A_586 = arith.subf %broadcast_in_dim3A_147, %get3A_572 : vector<16xf32>
          %sub3A_587 = arith.subf %broadcast_in_dim3A_155, %get3A_576 : vector<16xf32>
          %mul3A_588 = arith.mulf %sub3A_585, %sub3A_585 : vector<16xf32>
          %mul3A_589 = arith.mulf %sub3A_586, %sub3A_586 : vector<16xf32>
          %add3A_590 = arith.addf %mul3A_588, %mul3A_589 : vector<16xf32>
          %mul3A_591 = arith.mulf %sub3A_587, %sub3A_587 : vector<16xf32>
          %add3A_592 = arith.addf %add3A_590, %mul3A_591 : vector<16xf32>
          %mul3A_593 = arith.constant 16 : i32
          %mul3A_594 = arith.muli %add3A_564, %mul3A_593 : i32
          %swap3A_595 = arith.index_cast %mul3A_594 : i32 to index
          %swap3A_596 = tpu.vector_load %arg16[%swap3A_595] {strides = array<i32>} : memref<8192xf32, #tpu.memory_space<vmem>>, vector<16xf32>,
          tpu.vector_store %arg16[%swap3A_595], %add3A_584 {strides = array<i32>} : memref<8192xf32, #tpu.memory_space<vmem>>, vector<16xf32>,
          %mul3A_597 = arith.constant 16 : i32
          %mul3A_598 = arith.muli %add3A_564, %mul3A_597 : i32
          %swap3A_599 = arith.index_cast %mul3A_598 : i32 to index
          %swap3A_600 = tpu.vector_load %arg19[%swap3A_599] {strides = array<i32>} : memref<8192xf32, #tpu.memory_space<vmem>>, vector<16xf32>,
          tpu.vector_store %arg19[%swap3A_599], %add3A_592 {strides = array<i32>} : memref<8192xf32, #tpu.memory_space<vmem>>, vector<16xf32>,
          %max3A_601 = arith.maximumf %min3A_556, %add3A_584 : vector<16xf32>
          %min3A_602 = arith.minimumf %min3A_556, %add3A_584 : vector<16xf32>
          %min3A_603 = arith.minimumf %min3A_557, %max3A_601 : vector<16xf32>
          %max3A_604 = arith.maximumf %min3A_559, %add3A_592 : vector<16xf32>
          %min3A_605 = arith.minimumf %min3A_559, %add3A_592 : vector<16xf32>
          %min3A_606 = arith.minimumf %min3A_560, %max3A_604 : vector<16xf32>
          %mul3A_607 = arith.constant 8 : i32
          %mul3A_608 = arith.muli %scan3A_374, %mul3A_607 : i32
          %add3A_609 = arith.constant 5 : i32
          %add3A_610 = arith.addi %mul3A_608, %add3A_609 : i32
          %mul3A_611 = arith.constant 16 : i32
          %mul3A_612 = arith.muli %add3A_610, %mul3A_611 : i32
          %get3A_613 = arith.index_cast %mul3A_612 : i32 to index
          %get3A_614 = tpu.vector_load %arg7[%get3A_613] {strides = array<i32>} : memref<8192xf32, #tpu.memory_space<vmem>>, vector<16xf32>,
          %mul3A_615 = arith.constant 16 : i32
          %mul3A_616 = arith.muli %add3A_610, %mul3A_615 : i32
          %get3A_617 = arith.index_cast %mul3A_616 : i32 to index
          %get3A_618 = tpu.vector_load %arg8[%get3A_617] {strides = array<i32>} : memref<8192xf32, #tpu.memory_space<vmem>>, vector<16xf32>,
          %mul3A_619 = arith.constant 16 : i32
          %mul3A_620 = arith.muli %add3A_610, %mul3A_619 : i32
          %get3A_621 = arith.index_cast %mul3A_620 : i32 to index
          %get3A_622 = tpu.vector_load %arg9[%get3A_621] {strides = array<i32>} : memref<8192xf32, #tpu.memory_space<vmem>>, vector<16xf32>,
          %sub3A_623 = arith.subf %broadcast_in_dim3A_115, %get3A_614 : vector<16xf32>
          %sub3A_624 = arith.subf %broadcast_in_dim3A_123, %get3A_618 : vector<16xf32>
          %sub3A_625 = arith.subf %broadcast_in_dim3A_131, %get3A_622 : vector<16xf32>
          %mul3A_626 = arith.mulf %sub3A_623, %sub3A_623 : vector<16xf32>
          %mul3A_627 = arith.mulf %sub3A_624, %sub3A_624 : vector<16xf32>
          %add3A_628 = arith.addf %mul3A_626, %mul3A_627 : vector<16xf32>
          %mul3A_629 = arith.mulf %sub3A_625, %sub3A_625 : vector<16xf32>
          %add3A_630 = arith.addf %add3A_628, %mul3A_629 : vector<16xf32>
          %sub3A_631 = arith.subf %broadcast_in_dim3A_139, %get3A_614 : vector<16xf32>
          %sub3A_632 = arith.subf %broadcast_in_dim3A_147, %get3A_618 : vector<16xf32>
          %sub3A_633 = arith.subf %broadcast_in_dim3A_155, %get3A_622 : vector<16xf32>
          %mul3A_634 = arith.mulf %sub3A_631, %sub3A_631 : vector<16xf32>
          %mul3A_635 = arith.mulf %sub3A_632, %sub3A_632 : vector<16xf32>
          %add3A_636 = arith.addf %mul3A_634, %mul3A_635 : vector<16xf32>
          %mul3A_637 = arith.mulf %sub3A_633, %sub3A_633 : vector<16xf32>
          %add3A_638 = arith.addf %add3A_636, %mul3A_637 : vector<16xf32>
          %mul3A_639 = arith.constant 16 : i32
          %mul3A_640 = arith.muli %add3A_610, %mul3A_639 : i32
          %swap3A_641 = arith.index_cast %mul3A_640 : i32 to index
          %swap3A_642 = tpu.vector_load %arg16[%swap3A_641] {strides = array<i32>} : memref<8192xf32, #tpu.memory_space<vmem>>, vector<16xf32>,
          tpu.vector_store %arg16[%swap3A_641], %add3A_630 {strides = array<i32>} : memref<8192xf32, #tpu.memory_space<vmem>>, vector<16xf32>,
          %mul3A_643 = arith.constant 16 : i32
          %mul3A_644 = arith.muli %add3A_610, %mul3A_643 : i32
          %swap3A_645 = arith.index_cast %mul3A_644 : i32 to index
          %swap3A_646 = tpu.vector_load %arg19[%swap3A_645] {strides = array<i32>} : memref<8192xf32, #tpu.memory_space<vmem>>, vector<16xf32>,
          tpu.vector_store %arg19[%swap3A_645], %add3A_638 {strides = array<i32>} : memref<8192xf32, #tpu.memory_space<vmem>>, vector<16xf32>,
          %max3A_647 = arith.maximumf %min3A_602, %add3A_630 : vector<16xf32>
          %min3A_648 = arith.minimumf %min3A_602, %add3A_630 : vector<16xf32>
          %min3A_649 = arith.minimumf %min3A_603, %max3A_647 : vector<16xf32>
          %max3A_650 = arith.maximumf %min3A_605, %add3A_638 : vector<16xf32>
          %min3A_651 = arith.minimumf %min3A_605, %add3A_638 : vector<16xf32>
          %min3A_652 = arith.minimumf %min3A_606, %max3A_650 : vector<16xf32>
          %mul3A_653 = arith.constant 8 : i32
          %mul3A_654 = arith.muli %scan3A_374, %mul3A_653 : i32
          %add3A_655 = arith.constant 6 : i32
          %add3A_656 = arith.addi %mul3A_654, %add3A_655 : i32
          %mul3A_657 = arith.constant 16 : i32
          %mul3A_658 = arith.muli %add3A_656, %mul3A_657 : i32
          %get3A_659 = arith.index_cast %mul3A_658 : i32 to index
          %get3A_660 = tpu.vector_load %arg7[%get3A_659] {strides = array<i32>} : memref<8192xf32, #tpu.memory_space<vmem>>, vector<16xf32>,
          %mul3A_661 = arith.constant 16 : i32
          %mul3A_662 = arith.muli %add3A_656, %mul3A_661 : i32
          %get3A_663 = arith.index_cast %mul3A_662 : i32 to index
          %get3A_664 = tpu.vector_load %arg8[%get3A_663] {strides = array<i32>} : memref<8192xf32, #tpu.memory_space<vmem>>, vector<16xf32>,
          %mul3A_665 = arith.constant 16 : i32
          %mul3A_666 = arith.muli %add3A_656, %mul3A_665 : i32
          %get3A_667 = arith.index_cast %mul3A_666 : i32 to index
          %get3A_668 = tpu.vector_load %arg9[%get3A_667] {strides = array<i32>} : memref<8192xf32, #tpu.memory_space<vmem>>, vector<16xf32>,
          %sub3A_669 = arith.subf %broadcast_in_dim3A_115, %get3A_660 : vector<16xf32>
          %sub3A_670 = arith.subf %broadcast_in_dim3A_123, %get3A_664 : vector<16xf32>
          %sub3A_671 = arith.subf %broadcast_in_dim3A_131, %get3A_668 : vector<16xf32>
          %mul3A_672 = arith.mulf %sub3A_669, %sub3A_669 : vector<16xf32>
          %mul3A_673 = arith.mulf %sub3A_670, %sub3A_670 : vector<16xf32>
          %add3A_674 = arith.addf %mul3A_672, %mul3A_673 : vector<16xf32>
          %mul3A_675 = arith.mulf %sub3A_671, %sub3A_671 : vector<16xf32>
          %add3A_676 = arith.addf %add3A_674, %mul3A_675 : vector<16xf32>
          %sub3A_677 = arith.subf %broadcast_in_dim3A_139, %get3A_660 : vector<16xf32>
          %sub3A_678 = arith.subf %broadcast_in_dim3A_147, %get3A_664 : vector<16xf32>
          %sub3A_679 = arith.subf %broadcast_in_dim3A_155, %get3A_668 : vector<16xf32>
          %mul3A_680 = arith.mulf %sub3A_677, %sub3A_677 : vector<16xf32>
          %mul3A_681 = arith.mulf %sub3A_678, %sub3A_678 : vector<16xf32>
          %add3A_682 = arith.addf %mul3A_680, %mul3A_681 : vector<16xf32>
          %mul3A_683 = arith.mulf %sub3A_679, %sub3A_679 : vector<16xf32>
          %add3A_684 = arith.addf %add3A_682, %mul3A_683 : vector<16xf32>
          %mul3A_685 = arith.constant 16 : i32
          %mul3A_686 = arith.muli %add3A_656, %mul3A_685 : i32
          %swap3A_687 = arith.index_cast %mul3A_686 : i32 to index
          %swap3A_688 = tpu.vector_load %arg16[%swap3A_687] {strides = array<i32>} : memref<8192xf32, #tpu.memory_space<vmem>>, vector<16xf32>,
          tpu.vector_store %arg16[%swap3A_687], %add3A_676 {strides = array<i32>} : memref<8192xf32, #tpu.memory_space<vmem>>, vector<16xf32>,
          %mul3A_689 = arith.constant 16 : i32
          %mul3A_690 = arith.muli %add3A_656, %mul3A_689 : i32
          %swap3A_691 = arith.index_cast %mul3A_690 : i32 to index
          %swap3A_692 = tpu.vector_load %arg19[%swap3A_691] {strides = array<i32>} : memref<8192xf32, #tpu.memory_space<vmem>>, vector<16xf32>,
          tpu.vector_store %arg19[%swap3A_691], %add3A_684 {strides = array<i32>} : memref<8192xf32, #tpu.memory_space<vmem>>, vector<16xf32>,
          %max3A_693 = arith.maximumf %min3A_648, %add3A_676 : vector<16xf32>
          %min3A_694 = arith.minimumf %min3A_648, %add3A_676 : vector<16xf32>
          %min3A_695 = arith.minimumf %min3A_649, %max3A_693 : vector<16xf32>
          %max3A_696 = arith.maximumf %min3A_651, %add3A_684 : vector<16xf32>
          %min3A_697 = arith.minimumf %min3A_651, %add3A_684 : vector<16xf32>
          %min3A_698 = arith.minimumf %min3A_652, %max3A_696 : vector<16xf32>
          %mul3A_699 = arith.constant 8 : i32
          %mul3A_700 = arith.muli %scan3A_374, %mul3A_699 : i32
          %add3A_701 = arith.constant 7 : i32
          %add3A_702 = arith.addi %mul3A_700, %add3A_701 : i32
          %mul3A_703 = arith.constant 16 : i32
          %mul3A_704 = arith.muli %add3A_702, %mul3A_703 : i32
          %get3A_705 = arith.index_cast %mul3A_704 : i32 to index
          %get3A_706 = tpu.vector_load %arg7[%get3A_705] {strides = array<i32>} : memref<8192xf32, #tpu.memory_space<vmem>>, vector<16xf32>,
          %mul3A_707 = arith.constant 16 : i32
          %mul3A_708 = arith.muli %add3A_702, %mul3A_707 : i32
          %get3A_709 = arith.index_cast %mul3A_708 : i32 to index
          %get3A_710 = tpu.vector_load %arg8[%get3A_709] {strides = array<i32>} : memref<8192xf32, #tpu.memory_space<vmem>>, vector<16xf32>,
          %mul3A_711 = arith.constant 16 : i32
          %mul3A_712 = arith.muli %add3A_702, %mul3A_711 : i32
          %get3A_713 = arith.index_cast %mul3A_712 : i32 to index
          %get3A_714 = tpu.vector_load %arg9[%get3A_713] {strides = array<i32>} : memref<8192xf32, #tpu.memory_space<vmem>>, vector<16xf32>,
          %sub3A_715 = arith.subf %broadcast_in_dim3A_115, %get3A_706 : vector<16xf32>
          %sub3A_716 = arith.subf %broadcast_in_dim3A_123, %get3A_710 : vector<16xf32>
          %sub3A_717 = arith.subf %broadcast_in_dim3A_131, %get3A_714 : vector<16xf32>
          %mul3A_718 = arith.mulf %sub3A_715, %sub3A_715 : vector<16xf32>
          %mul3A_719 = arith.mulf %sub3A_716, %sub3A_716 : vector<16xf32>
          %add3A_720 = arith.addf %mul3A_718, %mul3A_719 : vector<16xf32>
          %mul3A_721 = arith.mulf %sub3A_717, %sub3A_717 : vector<16xf32>
          %add3A_722 = arith.addf %add3A_720, %mul3A_721 : vector<16xf32>
          %sub3A_723 = arith.subf %broadcast_in_dim3A_139, %get3A_706 : vector<16xf32>
          %sub3A_724 = arith.subf %broadcast_in_dim3A_147, %get3A_710 : vector<16xf32>
          %sub3A_725 = arith.subf %broadcast_in_dim3A_155, %get3A_714 : vector<16xf32>
          %mul3A_726 = arith.mulf %sub3A_723, %sub3A_723 : vector<16xf32>
          %mul3A_727 = arith.mulf %sub3A_724, %sub3A_724 : vector<16xf32>
          %add3A_728 = arith.addf %mul3A_726, %mul3A_727 : vector<16xf32>
          %mul3A_729 = arith.mulf %sub3A_725, %sub3A_725 : vector<16xf32>
          %add3A_730 = arith.addf %add3A_728, %mul3A_729 : vector<16xf32>
          %mul3A_731 = arith.constant 16 : i32
          %mul3A_732 = arith.muli %add3A_702, %mul3A_731 : i32
          %swap3A_733 = arith.index_cast %mul3A_732 : i32 to index
          %swap3A_734 = tpu.vector_load %arg16[%swap3A_733] {strides = array<i32>} : memref<8192xf32, #tpu.memory_space<vmem>>, vector<16xf32>,
          tpu.vector_store %arg16[%swap3A_733], %add3A_722 {strides = array<i32>} : memref<8192xf32, #tpu.memory_space<vmem>>, vector<16xf32>,
          %mul3A_735 = arith.constant 16 : i32
          %mul3A_736 = arith.muli %add3A_702, %mul3A_735 : i32
          %swap3A_737 = arith.index_cast %mul3A_736 : i32 to index
          %swap3A_738 = tpu.vector_load %arg19[%swap3A_737] {strides = array<i32>} : memref<8192xf32, #tpu.memory_space<vmem>>, vector<16xf32>,
          tpu.vector_store %arg19[%swap3A_737], %add3A_730 {strides = array<i32>} : memref<8192xf32, #tpu.memory_space<vmem>>, vector<16xf32>,
          %max3A_739 = arith.maximumf %min3A_694, %add3A_722 : vector<16xf32>
          %min3A_740 = arith.minimumf %min3A_694, %add3A_722 : vector<16xf32>
          %min3A_741 = arith.minimumf %min3A_695, %max3A_739 : vector<16xf32>
          %max3A_742 = arith.maximumf %min3A_697, %add3A_730 : vector<16xf32>
          %min3A_743 = arith.minimumf %min3A_697, %add3A_730 : vector<16xf32>
          %min3A_744 = arith.minimumf %min3A_698, %max3A_742 : vector<16xf32>
          scf.yield %min3A_740, %min3A_741, %min3A_743, %min3A_744 : vector<16xf32>, vector<16xf32>, vector<16xf32>, vector<16xf32>
        }
        %scan3A_175 = arith.constant 64 : i32
        %reduce_max3A = arith.constant true
        %reduce_max3A_176 = vector.broadcast %reduce_max3A : i1 to vector<16xi1>
        %reduce_max3A_177 = tpu.scan <max>, %scan3A_174#1 masked %reduce_max3A_176 : vector<16xf32>, vector<16xi1> -> vector<16xf32>
        %reduce_max3A_178 = vector.extract %reduce_max3A_177[15] : f32 from vector<16xf32>
        %reduce_max3A_179 = arith.constant true
        %reduce_max3A_180 = vector.broadcast %reduce_max3A_179 : i1 to vector<16xi1>
        %reduce_max3A_181 = tpu.scan <max>, %scan3A_174#3 masked %reduce_max3A_180 : vector<16xf32>, vector<16xi1> -> vector<16xf32>
        %reduce_max3A_182 = vector.extract %reduce_max3A_181[15] : f32 from vector<16xf32>
        %scan3A_183 = arith.constant 0 : i32
        %scan3A_184 = arith.constant 0 : i32
        %scan3A_185 = arith.constant 0 : i32
        %scan3A_186 = arith.constant 64 : i32
        %scan3A_187 = arith.addi %scan3A_185, %scan3A_186 : i32
        %scan3A_188 = arith.constant 1 : i32
        %scan3A_189:4 = scf.for %scan3A_374 = %scan3A_185 to %scan3A_187 step %scan3A_188 iter_args(%scan3A_375 = %scan3A_183, %scan3A_376 = %reduce_max3A_178, %scan3A_377 = %scan3A_184, %scan3A_378 = %reduce_max3A_182) -> (i32, f32, i32, f32)  : i32 {
          %gt3A = arith.constant 368 : i32
          %gt3A_379 = arith.cmpi sgt, %scan3A_375, %gt3A : i32
          %convert_element_type3A = arith.extui %gt3A_379 : i1 to i32
          %cond3A = arith.constant 0 : i32
          %cond3A_380 = arith.constant 0 : i32
          %cond3A_381 = arith.cmpi ne, %convert_element_type3A, %cond3A_380 : i32
          %cond3A_382:2 = scf.if %cond3A_381 -> (i32, f32) {
            %broadcast_in_dim3A_674 = arith.constant 0x7F800000 : f32
            %broadcast_in_dim3A_675 = vector.broadcast %broadcast_in_dim3A_674 : f32 to vector<16xf32>
            %broadcast_in_dim3A_676 = arith.constant 0 : i32
            %broadcast_in_dim3A_677 = vector.broadcast %broadcast_in_dim3A_676 : i32 to vector<16xi32>
            %scan3A_678 = arith.constant 0 : i32
            %scan3A_679 = arith.constant 32 : i32
            %scan3A_680 = arith.addi %scan3A_678, %scan3A_679 : i32
            %scan3A_681 = arith.constant 1 : i32
            %scan3A_682:4 = scf.for %scan3A_701 = %scan3A_678 to %scan3A_680 step %scan3A_681 iter_args(%scan3A_702 = %broadcast_in_dim3A_675, %scan3A_703 = %broadcast_in_dim3A_677, %scan3A_704 = %broadcast_in_dim3A_675, %scan3A_705 = %broadcast_in_dim3A_677) -> (vector<16xf32>, vector<16xi32>, vector<16xf32>, vector<16xi32>)  : i32 {
              %mul3A_706 = arith.constant 16 : i32
              %mul3A_707 = arith.muli %scan3A_701, %mul3A_706 : i32
              %get3A_708 = arith.index_cast %mul3A_707 : i32 to index
              %get3A_709 = tpu.vector_load %arg14[%get3A_708] {strides = array<i32>} : memref<512xf32, #tpu.memory_space<vmem>>, vector<16xf32>,
              %mul3A_710 = arith.constant 16 : i32
              %mul3A_711 = arith.muli %scan3A_701, %mul3A_710 : i32
              %get3A_712 = arith.index_cast %mul3A_711 : i32 to index
              %get3A_713 = tpu.vector_load %arg15[%get3A_712] {strides = array<i32>} : memref<512xi32, #tpu.memory_space<vmem>>, vector<16xi32>,
              %slice3A_714 = vector.extract_strided_slice %scan3A_704 {offsets = [15], sizes = [1], strides = [1]} : vector<16xf32> to vector<1xf32>
              %squeeze3A_715 = vector.extract %slice3A_714[0] : f32 from vector<1xf32>
              %reduce_min3A = arith.constant true
              %reduce_min3A_716 = vector.broadcast %reduce_min3A : i1 to vector<16xi1>
              %reduce_min3A_717 = tpu.scan <min>, %get3A_709 masked %reduce_min3A_716 : vector<16xf32>, vector<16xi1> -> vector<16xf32>
              %reduce_min3A_718 = vector.extract %reduce_min3A_717[15] : f32 from vector<16xf32>
              %le3A_719 = arith.cmpf ole, %reduce_min3A_718, %squeeze3A_715 : f32
              %convert_element_type3A_720 = arith.extui %le3A_719 : i1 to i32
              %cond3A_721 = arith.constant 0 : i32
              %cond3A_722 = arith.cmpi ne, %convert_element_type3A_720, %cond3A_721 : i32
              %cond3A_723:4 = scf.if %cond3A_722 -> (vector<16xf32>, vector<16xi32>, vector<16xf32>, vector<16xi32>) {
                %and3A_724 = arith.constant 2 : i32
                %and3A_725 = vector.broadcast %and3A_724 : i32 to vector<16xi32>
                %and3A_726 = arith.andi %iota3A, %and3A_725 : vector<16xi32>
                %ne3A_727 = arith.constant 0 : i32
                %ne3A_728 = vector.broadcast %ne3A_727 : i32 to vector<16xi32>
                %ne3A_729 = arith.cmpi ne, %and3A_726, %ne3A_728 : vector<16xi32>
                %xor3A = arith.constant 1 : i32
                %xor3A_730 = vector.broadcast %xor3A : i32 to vector<16xi32>
                %xor3A_731 = arith.xori %iota3A, %xor3A_730 : vector<16xi32>
                %broadcast_in_dim3A_732 = vector.shape_cast %xor3A_731 : vector<16xi32> to vector<16x1xi32>
                %gather3A_733 = vector.shape_cast %broadcast_in_dim3A_732 : vector<16x1xi32> to vector<16xi32>
                %gather3A_734 = tpu.dynamic_gather %get3A_709[%gather3A_733] in [0] : vector<16xf32>, vector<16xi32> -> vector<16xf32>
                %broadcast_in_dim3A_735 = vector.shape_cast %xor3A_731 : vector<16xi32> to vector<16x1xi32>
                %gather3A_736 = vector.shape_cast %broadcast_in_dim3A_735 : vector<16x1xi32> to vector<16xi32>
                %gather3A_737 = tpu.dynamic_gather %get3A_713[%gather3A_736] in [0] : vector<16xi32>, vector<16xi32> -> vector<16xi32>
                %lt3A_738 = arith.cmpf olt, %gather3A_734, %get3A_709 : vector<16xf32>
                %eq3A_739 = arith.cmpf oeq, %gather3A_734, %get3A_709 : vector<16xf32>
                %lt3A_740 = arith.cmpi slt, %gather3A_737, %get3A_713 : vector<16xi32>
                %and3A_741 = arith.andi %eq3A_739, %lt3A_740 : vector<16xi1>
                %or3A = arith.ori %lt3A_738, %and3A_741 : vector<16xi1>
                %and3A_742 = arith.constant 1 : i32
                %and3A_743 = vector.broadcast %and3A_742 : i32 to vector<16xi32>
                %and3A_744 = arith.andi %iota3A, %and3A_743 : vector<16xi32>
                %ne3A_745 = arith.constant 0 : i32
                %ne3A_746 = vector.broadcast %ne3A_745 : i32 to vector<16xi32>
                %ne3A_747 = arith.cmpi ne, %and3A_744, %ne3A_746 : vector<16xi32>
                %eq3A_748 = arith.xori %or3A, %ne3A_747 : vector<16xi1>
                %eq3A_749 = arith.constant dense<true> : vector<16xi1>
                %eq3A_750 = arith.xori %eq3A_748, %eq3A_749 : vector<16xi1>
                %ne3A_751 = arith.xori %eq3A_750, %ne3A_729 : vector<16xi1>
                %select_n3A_752 = arith.select %ne3A_751, %get3A_709, %gather3A_734 : vector<16xi1>, vector<16xf32>
                %select_n3A_753 = arith.select %ne3A_751, %get3A_713, %gather3A_737 : vector<16xi1>, vector<16xi32>
                %and3A_754 = arith.constant 4 : i32
                %and3A_755 = vector.broadcast %and3A_754 : i32 to vector<16xi32>
                %and3A_756 = arith.andi %iota3A, %and3A_755 : vector<16xi32>
                %ne3A_757 = arith.constant 0 : i32
                %ne3A_758 = vector.broadcast %ne3A_757 : i32 to vector<16xi32>
                %ne3A_759 = arith.cmpi ne, %and3A_756, %ne3A_758 : vector<16xi32>
                %xor3A_760 = arith.constant 2 : i32
                %xor3A_761 = vector.broadcast %xor3A_760 : i32 to vector<16xi32>
                %xor3A_762 = arith.xori %iota3A, %xor3A_761 : vector<16xi32>
                %broadcast_in_dim3A_763 = vector.shape_cast %xor3A_762 : vector<16xi32> to vector<16x1xi32>
                %gather3A_764 = vector.shape_cast %broadcast_in_dim3A_763 : vector<16x1xi32> to vector<16xi32>
                %gather3A_765 = tpu.dynamic_gather %select_n3A_752[%gather3A_764] in [0] : vector<16xf32>, vector<16xi32> -> vector<16xf32>
                %broadcast_in_dim3A_766 = vector.shape_cast %xor3A_762 : vector<16xi32> to vector<16x1xi32>
                %gather3A_767 = vector.shape_cast %broadcast_in_dim3A_766 : vector<16x1xi32> to vector<16xi32>
                %gather3A_768 = tpu.dynamic_gather %select_n3A_753[%gather3A_767] in [0] : vector<16xi32>, vector<16xi32> -> vector<16xi32>
                %lt3A_769 = arith.cmpf olt, %gather3A_765, %select_n3A_752 : vector<16xf32>
                %eq3A_770 = arith.cmpf oeq, %gather3A_765, %select_n3A_752 : vector<16xf32>
                %lt3A_771 = arith.cmpi slt, %gather3A_768, %select_n3A_753 : vector<16xi32>
                %and3A_772 = arith.andi %eq3A_770, %lt3A_771 : vector<16xi1>
                %or3A_773 = arith.ori %lt3A_769, %and3A_772 : vector<16xi1>
                %and3A_774 = arith.constant 2 : i32
                %and3A_775 = vector.broadcast %and3A_774 : i32 to vector<16xi32>
                %and3A_776 = arith.andi %iota3A, %and3A_775 : vector<16xi32>
                %ne3A_777 = arith.constant 0 : i32
                %ne3A_778 = vector.broadcast %ne3A_777 : i32 to vector<16xi32>
                %ne3A_779 = arith.cmpi ne, %and3A_776, %ne3A_778 : vector<16xi32>
                %eq3A_780 = arith.xori %or3A_773, %ne3A_779 : vector<16xi1>
                %eq3A_781 = arith.constant dense<true> : vector<16xi1>
                %eq3A_782 = arith.xori %eq3A_780, %eq3A_781 : vector<16xi1>
                %ne3A_783 = arith.xori %eq3A_782, %ne3A_759 : vector<16xi1>
                %select_n3A_784 = arith.select %ne3A_783, %select_n3A_752, %gather3A_765 : vector<16xi1>, vector<16xf32>
                %select_n3A_785 = arith.select %ne3A_783, %select_n3A_753, %gather3A_768 : vector<16xi1>, vector<16xi32>
                %xor3A_786 = arith.constant 1 : i32
                %xor3A_787 = vector.broadcast %xor3A_786 : i32 to vector<16xi32>
                %xor3A_788 = arith.xori %iota3A, %xor3A_787 : vector<16xi32>
                %broadcast_in_dim3A_789 = vector.shape_cast %xor3A_788 : vector<16xi32> to vector<16x1xi32>
                %gather3A_790 = vector.shape_cast %broadcast_in_dim3A_789 : vector<16x1xi32> to vector<16xi32>
                %gather3A_791 = tpu.dynamic_gather %select_n3A_784[%gather3A_790] in [0] : vector<16xf32>, vector<16xi32> -> vector<16xf32>
                %broadcast_in_dim3A_792 = vector.shape_cast %xor3A_788 : vector<16xi32> to vector<16x1xi32>
                %gather3A_793 = vector.shape_cast %broadcast_in_dim3A_792 : vector<16x1xi32> to vector<16xi32>
                %gather3A_794 = tpu.dynamic_gather %select_n3A_785[%gather3A_793] in [0] : vector<16xi32>, vector<16xi32> -> vector<16xi32>
                %lt3A_795 = arith.cmpf olt, %gather3A_791, %select_n3A_784 : vector<16xf32>
                %eq3A_796 = arith.cmpf oeq, %gather3A_791, %select_n3A_784 : vector<16xf32>
                %lt3A_797 = arith.cmpi slt, %gather3A_794, %select_n3A_785 : vector<16xi32>
                %and3A_798 = arith.andi %eq3A_796, %lt3A_797 : vector<16xi1>
                %or3A_799 = arith.ori %lt3A_795, %and3A_798 : vector<16xi1>
                %and3A_800 = arith.constant 1 : i32
                %and3A_801 = vector.broadcast %and3A_800 : i32 to vector<16xi32>
                %and3A_802 = arith.andi %iota3A, %and3A_801 : vector<16xi32>
                %ne3A_803 = arith.constant 0 : i32
                %ne3A_804 = vector.broadcast %ne3A_803 : i32 to vector<16xi32>
                %ne3A_805 = arith.cmpi ne, %and3A_802, %ne3A_804 : vector<16xi32>
                %eq3A_806 = arith.xori %or3A_799, %ne3A_805 : vector<16xi1>
                %eq3A_807 = arith.constant dense<true> : vector<16xi1>
                %eq3A_808 = arith.xori %eq3A_806, %eq3A_807 : vector<16xi1>
                %ne3A_809 = arith.xori %eq3A_808, %ne3A_759 : vector<16xi1>
                %select_n3A_810 = arith.select %ne3A_809, %select_n3A_784, %gather3A_791 : vector<16xi1>, vector<16xf32>
                %select_n3A_811 = arith.select %ne3A_809, %select_n3A_785, %gather3A_794 : vector<16xi1>, vector<16xi32>
                %and3A_812 = arith.constant 8 : i32
                %and3A_813 = vector.broadcast %and3A_812 : i32 to vector<16xi32>
                %and3A_814 = arith.andi %iota3A, %and3A_813 : vector<16xi32>
                %ne3A_815 = arith.constant 0 : i32
                %ne3A_816 = vector.broadcast %ne3A_815 : i32 to vector<16xi32>
                %ne3A_817 = arith.cmpi ne, %and3A_814, %ne3A_816 : vector<16xi32>
                %xor3A_818 = arith.constant 4 : i32
                %xor3A_819 = vector.broadcast %xor3A_818 : i32 to vector<16xi32>
                %xor3A_820 = arith.xori %iota3A, %xor3A_819 : vector<16xi32>
                %broadcast_in_dim3A_821 = vector.shape_cast %xor3A_820 : vector<16xi32> to vector<16x1xi32>
                %gather3A_822 = vector.shape_cast %broadcast_in_dim3A_821 : vector<16x1xi32> to vector<16xi32>
                %gather3A_823 = tpu.dynamic_gather %select_n3A_810[%gather3A_822] in [0] : vector<16xf32>, vector<16xi32> -> vector<16xf32>
                %broadcast_in_dim3A_824 = vector.shape_cast %xor3A_820 : vector<16xi32> to vector<16x1xi32>
                %gather3A_825 = vector.shape_cast %broadcast_in_dim3A_824 : vector<16x1xi32> to vector<16xi32>
                %gather3A_826 = tpu.dynamic_gather %select_n3A_811[%gather3A_825] in [0] : vector<16xi32>, vector<16xi32> -> vector<16xi32>
                %lt3A_827 = arith.cmpf olt, %gather3A_823, %select_n3A_810 : vector<16xf32>
                %eq3A_828 = arith.cmpf oeq, %gather3A_823, %select_n3A_810 : vector<16xf32>
                %lt3A_829 = arith.cmpi slt, %gather3A_826, %select_n3A_811 : vector<16xi32>
                %and3A_830 = arith.andi %eq3A_828, %lt3A_829 : vector<16xi1>
                %or3A_831 = arith.ori %lt3A_827, %and3A_830 : vector<16xi1>
                %and3A_832 = arith.constant 4 : i32
                %and3A_833 = vector.broadcast %and3A_832 : i32 to vector<16xi32>
                %and3A_834 = arith.andi %iota3A, %and3A_833 : vector<16xi32>
                %ne3A_835 = arith.constant 0 : i32
                %ne3A_836 = vector.broadcast %ne3A_835 : i32 to vector<16xi32>
                %ne3A_837 = arith.cmpi ne, %and3A_834, %ne3A_836 : vector<16xi32>
                %eq3A_838 = arith.xori %or3A_831, %ne3A_837 : vector<16xi1>
                %eq3A_839 = arith.constant dense<true> : vector<16xi1>
                %eq3A_840 = arith.xori %eq3A_838, %eq3A_839 : vector<16xi1>
                %ne3A_841 = arith.xori %eq3A_840, %ne3A_817 : vector<16xi1>
                %select_n3A_842 = arith.select %ne3A_841, %select_n3A_810, %gather3A_823 : vector<16xi1>, vector<16xf32>
                %select_n3A_843 = arith.select %ne3A_841, %select_n3A_811, %gather3A_826 : vector<16xi1>, vector<16xi32>
                %xor3A_844 = arith.constant 2 : i32
                %xor3A_845 = vector.broadcast %xor3A_844 : i32 to vector<16xi32>
                %xor3A_846 = arith.xori %iota3A, %xor3A_845 : vector<16xi32>
                %broadcast_in_dim3A_847 = vector.shape_cast %xor3A_846 : vector<16xi32> to vector<16x1xi32>
                %gather3A_848 = vector.shape_cast %broadcast_in_dim3A_847 : vector<16x1xi32> to vector<16xi32>
                %gather3A_849 = tpu.dynamic_gather %select_n3A_842[%gather3A_848] in [0] : vector<16xf32>, vector<16xi32> -> vector<16xf32>
                %broadcast_in_dim3A_850 = vector.shape_cast %xor3A_846 : vector<16xi32> to vector<16x1xi32>
                %gather3A_851 = vector.shape_cast %broadcast_in_dim3A_850 : vector<16x1xi32> to vector<16xi32>
                %gather3A_852 = tpu.dynamic_gather %select_n3A_843[%gather3A_851] in [0] : vector<16xi32>, vector<16xi32> -> vector<16xi32>
                %lt3A_853 = arith.cmpf olt, %gather3A_849, %select_n3A_842 : vector<16xf32>
                %eq3A_854 = arith.cmpf oeq, %gather3A_849, %select_n3A_842 : vector<16xf32>
                %lt3A_855 = arith.cmpi slt, %gather3A_852, %select_n3A_843 : vector<16xi32>
                %and3A_856 = arith.andi %eq3A_854, %lt3A_855 : vector<16xi1>
                %or3A_857 = arith.ori %lt3A_853, %and3A_856 : vector<16xi1>
                %and3A_858 = arith.constant 2 : i32
                %and3A_859 = vector.broadcast %and3A_858 : i32 to vector<16xi32>
                %and3A_860 = arith.andi %iota3A, %and3A_859 : vector<16xi32>
                %ne3A_861 = arith.constant 0 : i32
                %ne3A_862 = vector.broadcast %ne3A_861 : i32 to vector<16xi32>
                %ne3A_863 = arith.cmpi ne, %and3A_860, %ne3A_862 : vector<16xi32>
                %eq3A_864 = arith.xori %or3A_857, %ne3A_863 : vector<16xi1>
                %eq3A_865 = arith.constant dense<true> : vector<16xi1>
                %eq3A_866 = arith.xori %eq3A_864, %eq3A_865 : vector<16xi1>
                %ne3A_867 = arith.xori %eq3A_866, %ne3A_817 : vector<16xi1>
                %select_n3A_868 = arith.select %ne3A_867, %select_n3A_842, %gather3A_849 : vector<16xi1>, vector<16xf32>
                %select_n3A_869 = arith.select %ne3A_867, %select_n3A_843, %gather3A_852 : vector<16xi1>, vector<16xi32>
                %xor3A_870 = arith.constant 1 : i32
                %xor3A_871 = vector.broadcast %xor3A_870 : i32 to vector<16xi32>
                %xor3A_872 = arith.xori %iota3A, %xor3A_871 : vector<16xi32>
                %broadcast_in_dim3A_873 = vector.shape_cast %xor3A_872 : vector<16xi32> to vector<16x1xi32>
                %gather3A_874 = vector.shape_cast %broadcast_in_dim3A_873 : vector<16x1xi32> to vector<16xi32>
                %gather3A_875 = tpu.dynamic_gather %select_n3A_868[%gather3A_874] in [0] : vector<16xf32>, vector<16xi32> -> vector<16xf32>
                %broadcast_in_dim3A_876 = vector.shape_cast %xor3A_872 : vector<16xi32> to vector<16x1xi32>
                %gather3A_877 = vector.shape_cast %broadcast_in_dim3A_876 : vector<16x1xi32> to vector<16xi32>
                %gather3A_878 = tpu.dynamic_gather %select_n3A_869[%gather3A_877] in [0] : vector<16xi32>, vector<16xi32> -> vector<16xi32>
                %lt3A_879 = arith.cmpf olt, %gather3A_875, %select_n3A_868 : vector<16xf32>
                %eq3A_880 = arith.cmpf oeq, %gather3A_875, %select_n3A_868 : vector<16xf32>
                %lt3A_881 = arith.cmpi slt, %gather3A_878, %select_n3A_869 : vector<16xi32>
                %and3A_882 = arith.andi %eq3A_880, %lt3A_881 : vector<16xi1>
                %or3A_883 = arith.ori %lt3A_879, %and3A_882 : vector<16xi1>
                %and3A_884 = arith.constant 1 : i32
                %and3A_885 = vector.broadcast %and3A_884 : i32 to vector<16xi32>
                %and3A_886 = arith.andi %iota3A, %and3A_885 : vector<16xi32>
                %ne3A_887 = arith.constant 0 : i32
                %ne3A_888 = vector.broadcast %ne3A_887 : i32 to vector<16xi32>
                %ne3A_889 = arith.cmpi ne, %and3A_886, %ne3A_888 : vector<16xi32>
                %eq3A_890 = arith.xori %or3A_883, %ne3A_889 : vector<16xi1>
                %eq3A_891 = arith.constant dense<true> : vector<16xi1>
                %eq3A_892 = arith.xori %eq3A_890, %eq3A_891 : vector<16xi1>
                %ne3A_893 = arith.xori %eq3A_892, %ne3A_817 : vector<16xi1>
                %select_n3A_894 = arith.select %ne3A_893, %select_n3A_868, %gather3A_875 : vector<16xi1>, vector<16xf32>
                %select_n3A_895 = arith.select %ne3A_893, %select_n3A_869, %gather3A_878 : vector<16xi1>, vector<16xi32>
                %and3A_896 = arith.constant 16 : i32
                %and3A_897 = vector.broadcast %and3A_896 : i32 to vector<16xi32>
                %and3A_898 = arith.andi %iota3A, %and3A_897 : vector<16xi32>
                %ne3A_899 = arith.constant 0 : i32
                %ne3A_900 = vector.broadcast %ne3A_899 : i32 to vector<16xi32>
                %ne3A_901 = arith.cmpi ne, %and3A_898, %ne3A_900 : vector<16xi32>
                %xor3A_902 = arith.constant 8 : i32
                %xor3A_903 = vector.broadcast %xor3A_902 : i32 to vector<16xi32>
                %xor3A_904 = arith.xori %iota3A, %xor3A_903 : vector<16xi32>
                %broadcast_in_dim3A_905 = vector.shape_cast %xor3A_904 : vector<16xi32> to vector<16x1xi32>
                %gather3A_906 = vector.shape_cast %broadcast_in_dim3A_905 : vector<16x1xi32> to vector<16xi32>
                %gather3A_907 = tpu.dynamic_gather %select_n3A_894[%gather3A_906] in [0] : vector<16xf32>, vector<16xi32> -> vector<16xf32>
                %broadcast_in_dim3A_908 = vector.shape_cast %xor3A_904 : vector<16xi32> to vector<16x1xi32>
                %gather3A_909 = vector.shape_cast %broadcast_in_dim3A_908 : vector<16x1xi32> to vector<16xi32>
                %gather3A_910 = tpu.dynamic_gather %select_n3A_895[%gather3A_909] in [0] : vector<16xi32>, vector<16xi32> -> vector<16xi32>
                %lt3A_911 = arith.cmpf olt, %gather3A_907, %select_n3A_894 : vector<16xf32>
                %eq3A_912 = arith.cmpf oeq, %gather3A_907, %select_n3A_894 : vector<16xf32>
                %lt3A_913 = arith.cmpi slt, %gather3A_910, %select_n3A_895 : vector<16xi32>
                %and3A_914 = arith.andi %eq3A_912, %lt3A_913 : vector<16xi1>
                %or3A_915 = arith.ori %lt3A_911, %and3A_914 : vector<16xi1>
                %and3A_916 = arith.constant 8 : i32
                %and3A_917 = vector.broadcast %and3A_916 : i32 to vector<16xi32>
                %and3A_918 = arith.andi %iota3A, %and3A_917 : vector<16xi32>
                %ne3A_919 = arith.constant 0 : i32
                %ne3A_920 = vector.broadcast %ne3A_919 : i32 to vector<16xi32>
                %ne3A_921 = arith.cmpi ne, %and3A_918, %ne3A_920 : vector<16xi32>
                %eq3A_922 = arith.xori %or3A_915, %ne3A_921 : vector<16xi1>
                %eq3A_923 = arith.constant dense<true> : vector<16xi1>
                %eq3A_924 = arith.xori %eq3A_922, %eq3A_923 : vector<16xi1>
                %ne3A_925 = arith.xori %eq3A_924, %ne3A_901 : vector<16xi1>
                %select_n3A_926 = arith.select %ne3A_925, %select_n3A_894, %gather3A_907 : vector<16xi1>, vector<16xf32>
                %select_n3A_927 = arith.select %ne3A_925, %select_n3A_895, %gather3A_910 : vector<16xi1>, vector<16xi32>
                %xor3A_928 = arith.constant 4 : i32
                %xor3A_929 = vector.broadcast %xor3A_928 : i32 to vector<16xi32>
                %xor3A_930 = arith.xori %iota3A, %xor3A_929 : vector<16xi32>
                %broadcast_in_dim3A_931 = vector.shape_cast %xor3A_930 : vector<16xi32> to vector<16x1xi32>
                %gather3A_932 = vector.shape_cast %broadcast_in_dim3A_931 : vector<16x1xi32> to vector<16xi32>
                %gather3A_933 = tpu.dynamic_gather %select_n3A_926[%gather3A_932] in [0] : vector<16xf32>, vector<16xi32> -> vector<16xf32>
                %broadcast_in_dim3A_934 = vector.shape_cast %xor3A_930 : vector<16xi32> to vector<16x1xi32>
                %gather3A_935 = vector.shape_cast %broadcast_in_dim3A_934 : vector<16x1xi32> to vector<16xi32>
                %gather3A_936 = tpu.dynamic_gather %select_n3A_927[%gather3A_935] in [0] : vector<16xi32>, vector<16xi32> -> vector<16xi32>
                %lt3A_937 = arith.cmpf olt, %gather3A_933, %select_n3A_926 : vector<16xf32>
                %eq3A_938 = arith.cmpf oeq, %gather3A_933, %select_n3A_926 : vector<16xf32>
                %lt3A_939 = arith.cmpi slt, %gather3A_936, %select_n3A_927 : vector<16xi32>
                %and3A_940 = arith.andi %eq3A_938, %lt3A_939 : vector<16xi1>
                %or3A_941 = arith.ori %lt3A_937, %and3A_940 : vector<16xi1>
                %and3A_942 = arith.constant 4 : i32
                %and3A_943 = vector.broadcast %and3A_942 : i32 to vector<16xi32>
                %and3A_944 = arith.andi %iota3A, %and3A_943 : vector<16xi32>
                %ne3A_945 = arith.constant 0 : i32
                %ne3A_946 = vector.broadcast %ne3A_945 : i32 to vector<16xi32>
                %ne3A_947 = arith.cmpi ne, %and3A_944, %ne3A_946 : vector<16xi32>
                %eq3A_948 = arith.xori %or3A_941, %ne3A_947 : vector<16xi1>
                %eq3A_949 = arith.constant dense<true> : vector<16xi1>
                %eq3A_950 = arith.xori %eq3A_948, %eq3A_949 : vector<16xi1>
                %ne3A_951 = arith.xori %eq3A_950, %ne3A_901 : vector<16xi1>
                %select_n3A_952 = arith.select %ne3A_951, %select_n3A_926, %gather3A_933 : vector<16xi1>, vector<16xf32>
                %select_n3A_953 = arith.select %ne3A_951, %select_n3A_927, %gather3A_936 : vector<16xi1>, vector<16xi32>
                %xor3A_954 = arith.constant 2 : i32
                %xor3A_955 = vector.broadcast %xor3A_954 : i32 to vector<16xi32>
                %xor3A_956 = arith.xori %iota3A, %xor3A_955 : vector<16xi32>
                %broadcast_in_dim3A_957 = vector.shape_cast %xor3A_956 : vector<16xi32> to vector<16x1xi32>
                %gather3A_958 = vector.shape_cast %broadcast_in_dim3A_957 : vector<16x1xi32> to vector<16xi32>
                %gather3A_959 = tpu.dynamic_gather %select_n3A_952[%gather3A_958] in [0] : vector<16xf32>, vector<16xi32> -> vector<16xf32>
                %broadcast_in_dim3A_960 = vector.shape_cast %xor3A_956 : vector<16xi32> to vector<16x1xi32>
                %gather3A_961 = vector.shape_cast %broadcast_in_dim3A_960 : vector<16x1xi32> to vector<16xi32>
                %gather3A_962 = tpu.dynamic_gather %select_n3A_953[%gather3A_961] in [0] : vector<16xi32>, vector<16xi32> -> vector<16xi32>
                %lt3A_963 = arith.cmpf olt, %gather3A_959, %select_n3A_952 : vector<16xf32>
                %eq3A_964 = arith.cmpf oeq, %gather3A_959, %select_n3A_952 : vector<16xf32>
                %lt3A_965 = arith.cmpi slt, %gather3A_962, %select_n3A_953 : vector<16xi32>
                %and3A_966 = arith.andi %eq3A_964, %lt3A_965 : vector<16xi1>
                %or3A_967 = arith.ori %lt3A_963, %and3A_966 : vector<16xi1>
                %and3A_968 = arith.constant 2 : i32
                %and3A_969 = vector.broadcast %and3A_968 : i32 to vector<16xi32>
                %and3A_970 = arith.andi %iota3A, %and3A_969 : vector<16xi32>
                %ne3A_971 = arith.constant 0 : i32
                %ne3A_972 = vector.broadcast %ne3A_971 : i32 to vector<16xi32>
                %ne3A_973 = arith.cmpi ne, %and3A_970, %ne3A_972 : vector<16xi32>
                %eq3A_974 = arith.xori %or3A_967, %ne3A_973 : vector<16xi1>
                %eq3A_975 = arith.constant dense<true> : vector<16xi1>
                %eq3A_976 = arith.xori %eq3A_974, %eq3A_975 : vector<16xi1>
                %ne3A_977 = arith.xori %eq3A_976, %ne3A_901 : vector<16xi1>
                %select_n3A_978 = arith.select %ne3A_977, %select_n3A_952, %gather3A_959 : vector<16xi1>, vector<16xf32>
                %select_n3A_979 = arith.select %ne3A_977, %select_n3A_953, %gather3A_962 : vector<16xi1>, vector<16xi32>
                %xor3A_980 = arith.constant 1 : i32
                %xor3A_981 = vector.broadcast %xor3A_980 : i32 to vector<16xi32>
                %xor3A_982 = arith.xori %iota3A, %xor3A_981 : vector<16xi32>
                %broadcast_in_dim3A_983 = vector.shape_cast %xor3A_982 : vector<16xi32> to vector<16x1xi32>
                %gather3A_984 = vector.shape_cast %broadcast_in_dim3A_983 : vector<16x1xi32> to vector<16xi32>
                %gather3A_985 = tpu.dynamic_gather %select_n3A_978[%gather3A_984] in [0] : vector<16xf32>, vector<16xi32> -> vector<16xf32>
                %broadcast_in_dim3A_986 = vector.shape_cast %xor3A_982 : vector<16xi32> to vector<16x1xi32>
                %gather3A_987 = vector.shape_cast %broadcast_in_dim3A_986 : vector<16x1xi32> to vector<16xi32>
                %gather3A_988 = tpu.dynamic_gather %select_n3A_979[%gather3A_987] in [0] : vector<16xi32>, vector<16xi32> -> vector<16xi32>
                %lt3A_989 = arith.cmpf olt, %gather3A_985, %select_n3A_978 : vector<16xf32>
                %eq3A_990 = arith.cmpf oeq, %gather3A_985, %select_n3A_978 : vector<16xf32>
                %lt3A_991 = arith.cmpi slt, %gather3A_988, %select_n3A_979 : vector<16xi32>
                %and3A_992 = arith.andi %eq3A_990, %lt3A_991 : vector<16xi1>
                %or3A_993 = arith.ori %lt3A_989, %and3A_992 : vector<16xi1>
                %and3A_994 = arith.constant 1 : i32
                %and3A_995 = vector.broadcast %and3A_994 : i32 to vector<16xi32>
                %and3A_996 = arith.andi %iota3A, %and3A_995 : vector<16xi32>
                %ne3A_997 = arith.constant 0 : i32
                %ne3A_998 = vector.broadcast %ne3A_997 : i32 to vector<16xi32>
                %ne3A_999 = arith.cmpi ne, %and3A_996, %ne3A_998 : vector<16xi32>
                %eq3A_1000 = arith.xori %or3A_993, %ne3A_999 : vector<16xi1>
                %eq3A_1001 = arith.constant dense<true> : vector<16xi1>
                %eq3A_1002 = arith.xori %eq3A_1000, %eq3A_1001 : vector<16xi1>
                %ne3A_1003 = arith.xori %eq3A_1002, %ne3A_901 : vector<16xi1>
                %select_n3A_1004 = arith.select %ne3A_1003, %select_n3A_978, %gather3A_985 : vector<16xi1>, vector<16xf32>
                %select_n3A_1005 = arith.select %ne3A_1003, %select_n3A_979, %gather3A_988 : vector<16xi1>, vector<16xi32>
                %sub3A_1006 = arith.constant 15 : i32
                %sub3A_1007 = vector.broadcast %sub3A_1006 : i32 to vector<16xi32>
                %sub3A_1008 = arith.subi %sub3A_1007, %iota3A : vector<16xi32>
                %broadcast_in_dim3A_1009 = vector.shape_cast %sub3A_1008 : vector<16xi32> to vector<16x1xi32>
                %gather3A_1010 = vector.shape_cast %broadcast_in_dim3A_1009 : vector<16x1xi32> to vector<16xi32>
                %gather3A_1011 = tpu.dynamic_gather %select_n3A_1004[%gather3A_1010] in [0] : vector<16xf32>, vector<16xi32> -> vector<16xf32>
                %broadcast_in_dim3A_1012 = vector.shape_cast %sub3A_1008 : vector<16xi32> to vector<16x1xi32>
                %gather3A_1013 = vector.shape_cast %broadcast_in_dim3A_1012 : vector<16x1xi32> to vector<16xi32>
                %gather3A_1014 = tpu.dynamic_gather %select_n3A_1005[%gather3A_1013] in [0] : vector<16xi32>, vector<16xi32> -> vector<16xi32>
                %lt3A_1015 = arith.cmpf olt, %gather3A_1011, %scan3A_704 : vector<16xf32>
                %eq3A_1016 = arith.cmpf oeq, %gather3A_1011, %scan3A_704 : vector<16xf32>
                %lt3A_1017 = arith.cmpi slt, %gather3A_1014, %scan3A_705 : vector<16xi32>
                %and3A_1018 = arith.andi %eq3A_1016, %lt3A_1017 : vector<16xi1>
                %or3A_1019 = arith.ori %lt3A_1015, %and3A_1018 : vector<16xi1>
                %select_n3A_1020 = arith.select %or3A_1019, %gather3A_1011, %scan3A_704 : vector<16xi1>, vector<16xf32>
                %select_n3A_1021 = arith.select %or3A_1019, %gather3A_1014, %scan3A_705 : vector<16xi1>, vector<16xi32>
                %select_n3A_1022 = arith.select %or3A_1019, %scan3A_704, %gather3A_1011 : vector<16xi1>, vector<16xf32>
                %select_n3A_1023 = arith.select %or3A_1019, %scan3A_705, %gather3A_1014 : vector<16xi1>, vector<16xi32>
                %lt3A_1024 = arith.cmpf olt, %select_n3A_1020, %scan3A_702 : vector<16xf32>
                %eq3A_1025 = arith.cmpf oeq, %select_n3A_1020, %scan3A_702 : vector<16xf32>
                %lt3A_1026 = arith.cmpi slt, %select_n3A_1021, %scan3A_703 : vector<16xi32>
                %and3A_1027 = arith.andi %eq3A_1025, %lt3A_1026 : vector<16xi1>
                %or3A_1028 = arith.ori %lt3A_1024, %and3A_1027 : vector<16xi1>
                %select_n3A_1029 = arith.select %or3A_1028, %select_n3A_1020, %scan3A_702 : vector<16xi1>, vector<16xf32>
                %select_n3A_1030 = arith.select %or3A_1028, %select_n3A_1021, %scan3A_703 : vector<16xi1>, vector<16xi32>
                %select_n3A_1031 = arith.select %or3A_1028, %scan3A_702, %select_n3A_1020 : vector<16xi1>, vector<16xf32>
                %select_n3A_1032 = arith.select %or3A_1028, %scan3A_703, %select_n3A_1021 : vector<16xi1>, vector<16xi32>
                %xor3A_1033 = arith.constant 8 : i32
                %xor3A_1034 = vector.broadcast %xor3A_1033 : i32 to vector<16xi32>
                %xor3A_1035 = arith.xori %iota3A, %xor3A_1034 : vector<16xi32>
                %broadcast_in_dim3A_1036 = vector.shape_cast %xor3A_1035 : vector<16xi32> to vector<16x1xi32>
                %gather3A_1037 = vector.shape_cast %broadcast_in_dim3A_1036 : vector<16x1xi32> to vector<16xi32>
                %gather3A_1038 = tpu.dynamic_gather %select_n3A_1029[%gather3A_1037] in [0] : vector<16xf32>, vector<16xi32> -> vector<16xf32>
                %broadcast_in_dim3A_1039 = vector.shape_cast %xor3A_1035 : vector<16xi32> to vector<16x1xi32>
                %gather3A_1040 = vector.shape_cast %broadcast_in_dim3A_1039 : vector<16x1xi32> to vector<16xi32>
                %gather3A_1041 = tpu.dynamic_gather %select_n3A_1030[%gather3A_1040] in [0] : vector<16xi32>, vector<16xi32> -> vector<16xi32>
                %lt3A_1042 = arith.cmpf olt, %gather3A_1038, %select_n3A_1029 : vector<16xf32>
                %eq3A_1043 = arith.cmpf oeq, %gather3A_1038, %select_n3A_1029 : vector<16xf32>
                %lt3A_1044 = arith.cmpi slt, %gather3A_1041, %select_n3A_1030 : vector<16xi32>
                %and3A_1045 = arith.andi %eq3A_1043, %lt3A_1044 : vector<16xi1>
                %or3A_1046 = arith.ori %lt3A_1042, %and3A_1045 : vector<16xi1>
                %and3A_1047 = arith.constant 8 : i32
                %and3A_1048 = vector.broadcast %and3A_1047 : i32 to vector<16xi32>
                %and3A_1049 = arith.andi %iota3A, %and3A_1048 : vector<16xi32>
                %ne3A_1050 = arith.constant 0 : i32
                %ne3A_1051 = vector.broadcast %ne3A_1050 : i32 to vector<16xi32>
                %ne3A_1052 = arith.cmpi ne, %and3A_1049, %ne3A_1051 : vector<16xi32>
                %eq3A_1053 = arith.xori %or3A_1046, %ne3A_1052 : vector<16xi1>
                %eq3A_1054 = arith.constant dense<true> : vector<16xi1>
                %eq3A_1055 = arith.xori %eq3A_1053, %eq3A_1054 : vector<16xi1>
                %select_n3A_1056 = arith.select %eq3A_1055, %select_n3A_1029, %gather3A_1038 : vector<16xi1>, vector<16xf32>
                %select_n3A_1057 = arith.select %eq3A_1055, %select_n3A_1030, %gather3A_1041 : vector<16xi1>, vector<16xi32>
                %xor3A_1058 = arith.constant 8 : i32
                %xor3A_1059 = vector.broadcast %xor3A_1058 : i32 to vector<16xi32>
                %xor3A_1060 = arith.xori %iota3A, %xor3A_1059 : vector<16xi32>
                %broadcast_in_dim3A_1061 = vector.shape_cast %xor3A_1060 : vector<16xi32> to vector<16x1xi32>
                %gather3A_1062 = vector.shape_cast %broadcast_in_dim3A_1061 : vector<16x1xi32> to vector<16xi32>
                %gather3A_1063 = tpu.dynamic_gather %select_n3A_1031[%gather3A_1062] in [0] : vector<16xf32>, vector<16xi32> -> vector<16xf32>
                %broadcast_in_dim3A_1064 = vector.shape_cast %xor3A_1060 : vector<16xi32> to vector<16x1xi32>
                %gather3A_1065 = vector.shape_cast %broadcast_in_dim3A_1064 : vector<16x1xi32> to vector<16xi32>
                %gather3A_1066 = tpu.dynamic_gather %select_n3A_1032[%gather3A_1065] in [0] : vector<16xi32>, vector<16xi32> -> vector<16xi32>
                %lt3A_1067 = arith.cmpf olt, %gather3A_1063, %select_n3A_1031 : vector<16xf32>
                %eq3A_1068 = arith.cmpf oeq, %gather3A_1063, %select_n3A_1031 : vector<16xf32>
                %lt3A_1069 = arith.cmpi slt, %gather3A_1066, %select_n3A_1032 : vector<16xi32>
                %and3A_1070 = arith.andi %eq3A_1068, %lt3A_1069 : vector<16xi1>
                %or3A_1071 = arith.ori %lt3A_1067, %and3A_1070 : vector<16xi1>
                %and3A_1072 = arith.constant 8 : i32
                %and3A_1073 = vector.broadcast %and3A_1072 : i32 to vector<16xi32>
                %and3A_1074 = arith.andi %iota3A, %and3A_1073 : vector<16xi32>
                %ne3A_1075 = arith.constant 0 : i32
                %ne3A_1076 = vector.broadcast %ne3A_1075 : i32 to vector<16xi32>
                %ne3A_1077 = arith.cmpi ne, %and3A_1074, %ne3A_1076 : vector<16xi32>
                %eq3A_1078 = arith.xori %or3A_1071, %ne3A_1077 : vector<16xi1>
                %eq3A_1079 = arith.constant dense<true> : vector<16xi1>
                %eq3A_1080 = arith.xori %eq3A_1078, %eq3A_1079 : vector<16xi1>
                %select_n3A_1081 = arith.select %eq3A_1080, %select_n3A_1031, %gather3A_1063 : vector<16xi1>, vector<16xf32>
                %select_n3A_1082 = arith.select %eq3A_1080, %select_n3A_1032, %gather3A_1066 : vector<16xi1>, vector<16xi32>
                %xor3A_1083 = arith.constant 4 : i32
                %xor3A_1084 = vector.broadcast %xor3A_1083 : i32 to vector<16xi32>
                %xor3A_1085 = arith.xori %iota3A, %xor3A_1084 : vector<16xi32>
                %broadcast_in_dim3A_1086 = vector.shape_cast %xor3A_1085 : vector<16xi32> to vector<16x1xi32>
                %gather3A_1087 = vector.shape_cast %broadcast_in_dim3A_1086 : vector<16x1xi32> to vector<16xi32>
                %gather3A_1088 = tpu.dynamic_gather %select_n3A_1056[%gather3A_1087] in [0] : vector<16xf32>, vector<16xi32> -> vector<16xf32>
                %broadcast_in_dim3A_1089 = vector.shape_cast %xor3A_1085 : vector<16xi32> to vector<16x1xi32>
                %gather3A_1090 = vector.shape_cast %broadcast_in_dim3A_1089 : vector<16x1xi32> to vector<16xi32>
                %gather3A_1091 = tpu.dynamic_gather %select_n3A_1057[%gather3A_1090] in [0] : vector<16xi32>, vector<16xi32> -> vector<16xi32>
                %lt3A_1092 = arith.cmpf olt, %gather3A_1088, %select_n3A_1056 : vector<16xf32>
                %eq3A_1093 = arith.cmpf oeq, %gather3A_1088, %select_n3A_1056 : vector<16xf32>
                %lt3A_1094 = arith.cmpi slt, %gather3A_1091, %select_n3A_1057 : vector<16xi32>
                %and3A_1095 = arith.andi %eq3A_1093, %lt3A_1094 : vector<16xi1>
                %or3A_1096 = arith.ori %lt3A_1092, %and3A_1095 : vector<16xi1>
                %and3A_1097 = arith.constant 4 : i32
                %and3A_1098 = vector.broadcast %and3A_1097 : i32 to vector<16xi32>
                %and3A_1099 = arith.andi %iota3A, %and3A_1098 : vector<16xi32>
                %ne3A_1100 = arith.constant 0 : i32
                %ne3A_1101 = vector.broadcast %ne3A_1100 : i32 to vector<16xi32>
                %ne3A_1102 = arith.cmpi ne, %and3A_1099, %ne3A_1101 : vector<16xi32>
                %eq3A_1103 = arith.xori %or3A_1096, %ne3A_1102 : vector<16xi1>
                %eq3A_1104 = arith.constant dense<true> : vector<16xi1>
                %eq3A_1105 = arith.xori %eq3A_1103, %eq3A_1104 : vector<16xi1>
                %select_n3A_1106 = arith.select %eq3A_1105, %select_n3A_1056, %gather3A_1088 : vector<16xi1>, vector<16xf32>
                %select_n3A_1107 = arith.select %eq3A_1105, %select_n3A_1057, %gather3A_1091 : vector<16xi1>, vector<16xi32>
                %xor3A_1108 = arith.constant 4 : i32
                %xor3A_1109 = vector.broadcast %xor3A_1108 : i32 to vector<16xi32>
                %xor3A_1110 = arith.xori %iota3A, %xor3A_1109 : vector<16xi32>
                %broadcast_in_dim3A_1111 = vector.shape_cast %xor3A_1110 : vector<16xi32> to vector<16x1xi32>
                %gather3A_1112 = vector.shape_cast %broadcast_in_dim3A_1111 : vector<16x1xi32> to vector<16xi32>
                %gather3A_1113 = tpu.dynamic_gather %select_n3A_1081[%gather3A_1112] in [0] : vector<16xf32>, vector<16xi32> -> vector<16xf32>
                %broadcast_in_dim3A_1114 = vector.shape_cast %xor3A_1110 : vector<16xi32> to vector<16x1xi32>
                %gather3A_1115 = vector.shape_cast %broadcast_in_dim3A_1114 : vector<16x1xi32> to vector<16xi32>
                %gather3A_1116 = tpu.dynamic_gather %select_n3A_1082[%gather3A_1115] in [0] : vector<16xi32>, vector<16xi32> -> vector<16xi32>
                %lt3A_1117 = arith.cmpf olt, %gather3A_1113, %select_n3A_1081 : vector<16xf32>
                %eq3A_1118 = arith.cmpf oeq, %gather3A_1113, %select_n3A_1081 : vector<16xf32>
                %lt3A_1119 = arith.cmpi slt, %gather3A_1116, %select_n3A_1082 : vector<16xi32>
                %and3A_1120 = arith.andi %eq3A_1118, %lt3A_1119 : vector<16xi1>
                %or3A_1121 = arith.ori %lt3A_1117, %and3A_1120 : vector<16xi1>
                %and3A_1122 = arith.constant 4 : i32
                %and3A_1123 = vector.broadcast %and3A_1122 : i32 to vector<16xi32>
                %and3A_1124 = arith.andi %iota3A, %and3A_1123 : vector<16xi32>
                %ne3A_1125 = arith.constant 0 : i32
                %ne3A_1126 = vector.broadcast %ne3A_1125 : i32 to vector<16xi32>
                %ne3A_1127 = arith.cmpi ne, %and3A_1124, %ne3A_1126 : vector<16xi32>
                %eq3A_1128 = arith.xori %or3A_1121, %ne3A_1127 : vector<16xi1>
                %eq3A_1129 = arith.constant dense<true> : vector<16xi1>
                %eq3A_1130 = arith.xori %eq3A_1128, %eq3A_1129 : vector<16xi1>
                %select_n3A_1131 = arith.select %eq3A_1130, %select_n3A_1081, %gather3A_1113 : vector<16xi1>, vector<16xf32>
                %select_n3A_1132 = arith.select %eq3A_1130, %select_n3A_1082, %gather3A_1116 : vector<16xi1>, vector<16xi32>
                %xor3A_1133 = arith.constant 2 : i32
                %xor3A_1134 = vector.broadcast %xor3A_1133 : i32 to vector<16xi32>
                %xor3A_1135 = arith.xori %iota3A, %xor3A_1134 : vector<16xi32>
                %broadcast_in_dim3A_1136 = vector.shape_cast %xor3A_1135 : vector<16xi32> to vector<16x1xi32>
                %gather3A_1137 = vector.shape_cast %broadcast_in_dim3A_1136 : vector<16x1xi32> to vector<16xi32>
                %gather3A_1138 = tpu.dynamic_gather %select_n3A_1106[%gather3A_1137] in [0] : vector<16xf32>, vector<16xi32> -> vector<16xf32>
                %broadcast_in_dim3A_1139 = vector.shape_cast %xor3A_1135 : vector<16xi32> to vector<16x1xi32>
                %gather3A_1140 = vector.shape_cast %broadcast_in_dim3A_1139 : vector<16x1xi32> to vector<16xi32>
                %gather3A_1141 = tpu.dynamic_gather %select_n3A_1107[%gather3A_1140] in [0] : vector<16xi32>, vector<16xi32> -> vector<16xi32>
                %lt3A_1142 = arith.cmpf olt, %gather3A_1138, %select_n3A_1106 : vector<16xf32>
                %eq3A_1143 = arith.cmpf oeq, %gather3A_1138, %select_n3A_1106 : vector<16xf32>
                %lt3A_1144 = arith.cmpi slt, %gather3A_1141, %select_n3A_1107 : vector<16xi32>
                %and3A_1145 = arith.andi %eq3A_1143, %lt3A_1144 : vector<16xi1>
                %or3A_1146 = arith.ori %lt3A_1142, %and3A_1145 : vector<16xi1>
                %and3A_1147 = arith.constant 2 : i32
                %and3A_1148 = vector.broadcast %and3A_1147 : i32 to vector<16xi32>
                %and3A_1149 = arith.andi %iota3A, %and3A_1148 : vector<16xi32>
                %ne3A_1150 = arith.constant 0 : i32
                %ne3A_1151 = vector.broadcast %ne3A_1150 : i32 to vector<16xi32>
                %ne3A_1152 = arith.cmpi ne, %and3A_1149, %ne3A_1151 : vector<16xi32>
                %eq3A_1153 = arith.xori %or3A_1146, %ne3A_1152 : vector<16xi1>
                %eq3A_1154 = arith.constant dense<true> : vector<16xi1>
                %eq3A_1155 = arith.xori %eq3A_1153, %eq3A_1154 : vector<16xi1>
                %select_n3A_1156 = arith.select %eq3A_1155, %select_n3A_1106, %gather3A_1138 : vector<16xi1>, vector<16xf32>
                %select_n3A_1157 = arith.select %eq3A_1155, %select_n3A_1107, %gather3A_1141 : vector<16xi1>, vector<16xi32>
                %xor3A_1158 = arith.constant 2 : i32
                %xor3A_1159 = vector.broadcast %xor3A_1158 : i32 to vector<16xi32>
                %xor3A_1160 = arith.xori %iota3A, %xor3A_1159 : vector<16xi32>
                %broadcast_in_dim3A_1161 = vector.shape_cast %xor3A_1160 : vector<16xi32> to vector<16x1xi32>
                %gather3A_1162 = vector.shape_cast %broadcast_in_dim3A_1161 : vector<16x1xi32> to vector<16xi32>
                %gather3A_1163 = tpu.dynamic_gather %select_n3A_1131[%gather3A_1162] in [0] : vector<16xf32>, vector<16xi32> -> vector<16xf32>
                %broadcast_in_dim3A_1164 = vector.shape_cast %xor3A_1160 : vector<16xi32> to vector<16x1xi32>
                %gather3A_1165 = vector.shape_cast %broadcast_in_dim3A_1164 : vector<16x1xi32> to vector<16xi32>
                %gather3A_1166 = tpu.dynamic_gather %select_n3A_1132[%gather3A_1165] in [0] : vector<16xi32>, vector<16xi32> -> vector<16xi32>
                %lt3A_1167 = arith.cmpf olt, %gather3A_1163, %select_n3A_1131 : vector<16xf32>
                %eq3A_1168 = arith.cmpf oeq, %gather3A_1163, %select_n3A_1131 : vector<16xf32>
                %lt3A_1169 = arith.cmpi slt, %gather3A_1166, %select_n3A_1132 : vector<16xi32>
                %and3A_1170 = arith.andi %eq3A_1168, %lt3A_1169 : vector<16xi1>
                %or3A_1171 = arith.ori %lt3A_1167, %and3A_1170 : vector<16xi1>
                %and3A_1172 = arith.constant 2 : i32
                %and3A_1173 = vector.broadcast %and3A_1172 : i32 to vector<16xi32>
                %and3A_1174 = arith.andi %iota3A, %and3A_1173 : vector<16xi32>
                %ne3A_1175 = arith.constant 0 : i32
                %ne3A_1176 = vector.broadcast %ne3A_1175 : i32 to vector<16xi32>
                %ne3A_1177 = arith.cmpi ne, %and3A_1174, %ne3A_1176 : vector<16xi32>
                %eq3A_1178 = arith.xori %or3A_1171, %ne3A_1177 : vector<16xi1>
                %eq3A_1179 = arith.constant dense<true> : vector<16xi1>
                %eq3A_1180 = arith.xori %eq3A_1178, %eq3A_1179 : vector<16xi1>
                %select_n3A_1181 = arith.select %eq3A_1180, %select_n3A_1131, %gather3A_1163 : vector<16xi1>, vector<16xf32>
                %select_n3A_1182 = arith.select %eq3A_1180, %select_n3A_1132, %gather3A_1166 : vector<16xi1>, vector<16xi32>
                %xor3A_1183 = arith.constant 1 : i32
                %xor3A_1184 = vector.broadcast %xor3A_1183 : i32 to vector<16xi32>
                %xor3A_1185 = arith.xori %iota3A, %xor3A_1184 : vector<16xi32>
                %broadcast_in_dim3A_1186 = vector.shape_cast %xor3A_1185 : vector<16xi32> to vector<16x1xi32>
                %gather3A_1187 = vector.shape_cast %broadcast_in_dim3A_1186 : vector<16x1xi32> to vector<16xi32>
                %gather3A_1188 = tpu.dynamic_gather %select_n3A_1156[%gather3A_1187] in [0] : vector<16xf32>, vector<16xi32> -> vector<16xf32>
                %broadcast_in_dim3A_1189 = vector.shape_cast %xor3A_1185 : vector<16xi32> to vector<16x1xi32>
                %gather3A_1190 = vector.shape_cast %broadcast_in_dim3A_1189 : vector<16x1xi32> to vector<16xi32>
                %gather3A_1191 = tpu.dynamic_gather %select_n3A_1157[%gather3A_1190] in [0] : vector<16xi32>, vector<16xi32> -> vector<16xi32>
                %lt3A_1192 = arith.cmpf olt, %gather3A_1188, %select_n3A_1156 : vector<16xf32>
                %eq3A_1193 = arith.cmpf oeq, %gather3A_1188, %select_n3A_1156 : vector<16xf32>
                %lt3A_1194 = arith.cmpi slt, %gather3A_1191, %select_n3A_1157 : vector<16xi32>
                %and3A_1195 = arith.andi %eq3A_1193, %lt3A_1194 : vector<16xi1>
                %or3A_1196 = arith.ori %lt3A_1192, %and3A_1195 : vector<16xi1>
                %and3A_1197 = arith.constant 1 : i32
                %and3A_1198 = vector.broadcast %and3A_1197 : i32 to vector<16xi32>
                %and3A_1199 = arith.andi %iota3A, %and3A_1198 : vector<16xi32>
                %ne3A_1200 = arith.constant 0 : i32
                %ne3A_1201 = vector.broadcast %ne3A_1200 : i32 to vector<16xi32>
                %ne3A_1202 = arith.cmpi ne, %and3A_1199, %ne3A_1201 : vector<16xi32>
                %eq3A_1203 = arith.xori %or3A_1196, %ne3A_1202 : vector<16xi1>
                %eq3A_1204 = arith.constant dense<true> : vector<16xi1>
                %eq3A_1205 = arith.xori %eq3A_1203, %eq3A_1204 : vector<16xi1>
                %select_n3A_1206 = arith.select %eq3A_1205, %select_n3A_1156, %gather3A_1188 : vector<16xi1>, vector<16xf32>
                %select_n3A_1207 = arith.select %eq3A_1205, %select_n3A_1157, %gather3A_1191 : vector<16xi1>, vector<16xi32>
                %xor3A_1208 = arith.constant 1 : i32
                %xor3A_1209 = vector.broadcast %xor3A_1208 : i32 to vector<16xi32>
                %xor3A_1210 = arith.xori %iota3A, %xor3A_1209 : vector<16xi32>
                %broadcast_in_dim3A_1211 = vector.shape_cast %xor3A_1210 : vector<16xi32> to vector<16x1xi32>
                %gather3A_1212 = vector.shape_cast %broadcast_in_dim3A_1211 : vector<16x1xi32> to vector<16xi32>
                %gather3A_1213 = tpu.dynamic_gather %select_n3A_1181[%gather3A_1212] in [0] : vector<16xf32>, vector<16xi32> -> vector<16xf32>
                %broadcast_in_dim3A_1214 = vector.shape_cast %xor3A_1210 : vector<16xi32> to vector<16x1xi32>
                %gather3A_1215 = vector.shape_cast %broadcast_in_dim3A_1214 : vector<16x1xi32> to vector<16xi32>
                %gather3A_1216 = tpu.dynamic_gather %select_n3A_1182[%gather3A_1215] in [0] : vector<16xi32>, vector<16xi32> -> vector<16xi32>
                %lt3A_1217 = arith.cmpf olt, %gather3A_1213, %select_n3A_1181 : vector<16xf32>
                %eq3A_1218 = arith.cmpf oeq, %gather3A_1213, %select_n3A_1181 : vector<16xf32>
                %lt3A_1219 = arith.cmpi slt, %gather3A_1216, %select_n3A_1182 : vector<16xi32>
                %and3A_1220 = arith.andi %eq3A_1218, %lt3A_1219 : vector<16xi1>
                %or3A_1221 = arith.ori %lt3A_1217, %and3A_1220 : vector<16xi1>
                %and3A_1222 = arith.constant 1 : i32
                %and3A_1223 = vector.broadcast %and3A_1222 : i32 to vector<16xi32>
                %and3A_1224 = arith.andi %iota3A, %and3A_1223 : vector<16xi32>
                %ne3A_1225 = arith.constant 0 : i32
                %ne3A_1226 = vector.broadcast %ne3A_1225 : i32 to vector<16xi32>
                %ne3A_1227 = arith.cmpi ne, %and3A_1224, %ne3A_1226 : vector<16xi32>
                %eq3A_1228 = arith.xori %or3A_1221, %ne3A_1227 : vector<16xi1>
                %eq3A_1229 = arith.constant dense<true> : vector<16xi1>
                %eq3A_1230 = arith.xori %eq3A_1228, %eq3A_1229 : vector<16xi1>
                %select_n3A_1231 = arith.select %eq3A_1230, %select_n3A_1181, %gather3A_1213 : vector<16xi1>, vector<16xf32>
                %select_n3A_1232 = arith.select %eq3A_1230, %select_n3A_1182, %gather3A_1216 : vector<16xi1>, vector<16xi32>
                scf.yield %select_n3A_1206, %select_n3A_1207, %select_n3A_1231, %select_n3A_1232 : vector<16xf32>, vector<16xi32>, vector<16xf32>, vector<16xi32>
              } else {
                scf.yield %scan3A_702, %scan3A_703, %scan3A_704, %scan3A_705 : vector<16xf32>, vector<16xi32>, vector<16xf32>, vector<16xi32>
              }
              scf.yield %cond3A_723#0, %cond3A_723#1, %cond3A_723#2, %cond3A_723#3 : vector<16xf32>, vector<16xi32>, vector<16xf32>, vector<16xi32>
            }
            %scan3A_683 = arith.constant 32 : i32
            %swap3A_684 = arith.constant 0 : index
            %swap3A_685 = tpu.vector_load %arg14[%swap3A_684] {strides = array<i32>} : memref<512xf32, #tpu.memory_space<vmem>>, vector<16xf32>,
            tpu.vector_store %arg14[%swap3A_684], %scan3A_682#0 {strides = array<i32>} : memref<512xf32, #tpu.memory_space<vmem>>, vector<16xf32>,
            %swap3A_686 = arith.constant 0 : index
            %swap3A_687 = tpu.vector_load %arg15[%swap3A_686] {strides = array<i32>} : memref<512xi32, #tpu.memory_space<vmem>>, vector<16xi32>,
            tpu.vector_store %arg15[%swap3A_686], %scan3A_682#1 {strides = array<i32>} : memref<512xi32, #tpu.memory_space<vmem>>, vector<16xi32>,
            %swap3A_688 = arith.constant 16 : index
            %swap3A_689 = tpu.vector_load %arg14[%swap3A_688] {strides = array<i32>} : memref<512xf32, #tpu.memory_space<vmem>>, vector<16xf32>,
            tpu.vector_store %arg14[%swap3A_688], %scan3A_682#2 {strides = array<i32>} : memref<512xf32, #tpu.memory_space<vmem>>, vector<16xf32>,
            %swap3A_690 = arith.constant 16 : index
            %swap3A_691 = tpu.vector_load %arg15[%swap3A_690] {strides = array<i32>} : memref<512xi32, #tpu.memory_space<vmem>>, vector<16xi32>,
            tpu.vector_store %arg15[%swap3A_690], %scan3A_682#3 {strides = array<i32>} : memref<512xi32, #tpu.memory_space<vmem>>, vector<16xi32>,
            %scan3A_692 = arith.constant 0 : i32
            %scan3A_693 = arith.constant 2 : i32
            %scan3A_694 = arith.constant 30 : i32
            %scan3A_695 = arith.addi %scan3A_693, %scan3A_694 : i32
            %scan3A_696 = arith.constant 1 : i32
            scf.for %scan3A_701 = %scan3A_693 to %scan3A_695 step %scan3A_696  : i32 {
              %broadcast_in_dim3A_702 = arith.constant 0x7F800000 : f32
              %broadcast_in_dim3A_703 = vector.broadcast %broadcast_in_dim3A_702 : f32 to vector<16xf32>
              %mul3A_704 = arith.constant 16 : i32
              %mul3A_705 = arith.muli %scan3A_701, %mul3A_704 : i32
              %swap3A_706 = arith.index_cast %mul3A_705 : i32 to index
              %swap3A_707 = tpu.vector_load %arg14[%swap3A_706] {strides = array<i32>} : memref<512xf32, #tpu.memory_space<vmem>>, vector<16xf32>,
              tpu.vector_store %arg14[%swap3A_706], %broadcast_in_dim3A_703 {strides = array<i32>} : memref<512xf32, #tpu.memory_space<vmem>>, vector<16xf32>,
            }
            %scan3A_697 = arith.constant 30 : i32
            %slice3A_698 = vector.extract_strided_slice %scan3A_682#2 {offsets = [15], sizes = [1], strides = [1]} : vector<16xf32> to vector<1xf32>
            %squeeze3A_699 = vector.extract %slice3A_698[0] : f32 from vector<1xf32>
            %cond3A_700 = arith.constant 32 : i32
            scf.yield %cond3A_700, %squeeze3A_699 : i32, f32
          } else {
            scf.yield %scan3A_375, %scan3A_376 : i32, f32
          }
          %gt3A_383 = arith.constant 368 : i32
          %gt3A_384 = arith.cmpi sgt, %scan3A_377, %gt3A_383 : i32
          %convert_element_type3A_385 = arith.extui %gt3A_384 : i1 to i32
          %cond3A_386 = arith.constant 0 : i32
          %cond3A_387 = arith.constant 0 : i32
          %cond3A_388 = arith.cmpi ne, %convert_element_type3A_385, %cond3A_387 : i32
          %cond3A_389:2 = scf.if %cond3A_388 -> (i32, f32) {
            %broadcast_in_dim3A_674 = arith.constant 0x7F800000 : f32
            %broadcast_in_dim3A_675 = vector.broadcast %broadcast_in_dim3A_674 : f32 to vector<16xf32>
            %broadcast_in_dim3A_676 = arith.constant 0 : i32
            %broadcast_in_dim3A_677 = vector.broadcast %broadcast_in_dim3A_676 : i32 to vector<16xi32>
            %scan3A_678 = arith.constant 0 : i32
            %scan3A_679 = arith.constant 32 : i32
            %scan3A_680 = arith.addi %scan3A_678, %scan3A_679 : i32
            %scan3A_681 = arith.constant 1 : i32
            %scan3A_682:4 = scf.for %scan3A_701 = %scan3A_678 to %scan3A_680 step %scan3A_681 iter_args(%scan3A_702 = %broadcast_in_dim3A_675, %scan3A_703 = %broadcast_in_dim3A_677, %scan3A_704 = %broadcast_in_dim3A_675, %scan3A_705 = %broadcast_in_dim3A_677) -> (vector<16xf32>, vector<16xi32>, vector<16xf32>, vector<16xi32>)  : i32 {
              %mul3A_706 = arith.constant 16 : i32
              %mul3A_707 = arith.muli %scan3A_701, %mul3A_706 : i32
              %get3A_708 = arith.index_cast %mul3A_707 : i32 to index
              %get3A_709 = tpu.vector_load %arg17[%get3A_708] {strides = array<i32>} : memref<512xf32, #tpu.memory_space<vmem>>, vector<16xf32>,
              %mul3A_710 = arith.constant 16 : i32
              %mul3A_711 = arith.muli %scan3A_701, %mul3A_710 : i32
              %get3A_712 = arith.index_cast %mul3A_711 : i32 to index
              %get3A_713 = tpu.vector_load %arg18[%get3A_712] {strides = array<i32>} : memref<512xi32, #tpu.memory_space<vmem>>, vector<16xi32>,
              %slice3A_714 = vector.extract_strided_slice %scan3A_704 {offsets = [15], sizes = [1], strides = [1]} : vector<16xf32> to vector<1xf32>
              %squeeze3A_715 = vector.extract %slice3A_714[0] : f32 from vector<1xf32>
              %reduce_min3A = arith.constant true
              %reduce_min3A_716 = vector.broadcast %reduce_min3A : i1 to vector<16xi1>
              %reduce_min3A_717 = tpu.scan <min>, %get3A_709 masked %reduce_min3A_716 : vector<16xf32>, vector<16xi1> -> vector<16xf32>
              %reduce_min3A_718 = vector.extract %reduce_min3A_717[15] : f32 from vector<16xf32>
              %le3A_719 = arith.cmpf ole, %reduce_min3A_718, %squeeze3A_715 : f32
              %convert_element_type3A_720 = arith.extui %le3A_719 : i1 to i32
              %cond3A_721 = arith.constant 0 : i32
              %cond3A_722 = arith.cmpi ne, %convert_element_type3A_720, %cond3A_721 : i32
              %cond3A_723:4 = scf.if %cond3A_722 -> (vector<16xf32>, vector<16xi32>, vector<16xf32>, vector<16xi32>) {
                %and3A_724 = arith.constant 2 : i32
                %and3A_725 = vector.broadcast %and3A_724 : i32 to vector<16xi32>
                %and3A_726 = arith.andi %iota3A, %and3A_725 : vector<16xi32>
                %ne3A_727 = arith.constant 0 : i32
                %ne3A_728 = vector.broadcast %ne3A_727 : i32 to vector<16xi32>
                %ne3A_729 = arith.cmpi ne, %and3A_726, %ne3A_728 : vector<16xi32>
                %xor3A = arith.constant 1 : i32
                %xor3A_730 = vector.broadcast %xor3A : i32 to vector<16xi32>
                %xor3A_731 = arith.xori %iota3A, %xor3A_730 : vector<16xi32>
                %broadcast_in_dim3A_732 = vector.shape_cast %xor3A_731 : vector<16xi32> to vector<16x1xi32>
                %gather3A_733 = vector.shape_cast %broadcast_in_dim3A_732 : vector<16x1xi32> to vector<16xi32>
                %gather3A_734 = tpu.dynamic_gather %get3A_709[%gather3A_733] in [0] : vector<16xf32>, vector<16xi32> -> vector<16xf32>
                %broadcast_in_dim3A_735 = vector.shape_cast %xor3A_731 : vector<16xi32> to vector<16x1xi32>
                %gather3A_736 = vector.shape_cast %broadcast_in_dim3A_735 : vector<16x1xi32> to vector<16xi32>
                %gather3A_737 = tpu.dynamic_gather %get3A_713[%gather3A_736] in [0] : vector<16xi32>, vector<16xi32> -> vector<16xi32>
                %lt3A_738 = arith.cmpf olt, %gather3A_734, %get3A_709 : vector<16xf32>
                %eq3A_739 = arith.cmpf oeq, %gather3A_734, %get3A_709 : vector<16xf32>
                %lt3A_740 = arith.cmpi slt, %gather3A_737, %get3A_713 : vector<16xi32>
                %and3A_741 = arith.andi %eq3A_739, %lt3A_740 : vector<16xi1>
                %or3A = arith.ori %lt3A_738, %and3A_741 : vector<16xi1>
                %and3A_742 = arith.constant 1 : i32
                %and3A_743 = vector.broadcast %and3A_742 : i32 to vector<16xi32>
                %and3A_744 = arith.andi %iota3A, %and3A_743 : vector<16xi32>
                %ne3A_745 = arith.constant 0 : i32
                %ne3A_746 = vector.broadcast %ne3A_745 : i32 to vector<16xi32>
                %ne3A_747 = arith.cmpi ne, %and3A_744, %ne3A_746 : vector<16xi32>
                %eq3A_748 = arith.xori %or3A, %ne3A_747 : vector<16xi1>
                %eq3A_749 = arith.constant dense<true> : vector<16xi1>
                %eq3A_750 = arith.xori %eq3A_748, %eq3A_749 : vector<16xi1>
                %ne3A_751 = arith.xori %eq3A_750, %ne3A_729 : vector<16xi1>
                %select_n3A_752 = arith.select %ne3A_751, %get3A_709, %gather3A_734 : vector<16xi1>, vector<16xf32>
                %select_n3A_753 = arith.select %ne3A_751, %get3A_713, %gather3A_737 : vector<16xi1>, vector<16xi32>
                %and3A_754 = arith.constant 4 : i32
                %and3A_755 = vector.broadcast %and3A_754 : i32 to vector<16xi32>
                %and3A_756 = arith.andi %iota3A, %and3A_755 : vector<16xi32>
                %ne3A_757 = arith.constant 0 : i32
                %ne3A_758 = vector.broadcast %ne3A_757 : i32 to vector<16xi32>
                %ne3A_759 = arith.cmpi ne, %and3A_756, %ne3A_758 : vector<16xi32>
                %xor3A_760 = arith.constant 2 : i32
                %xor3A_761 = vector.broadcast %xor3A_760 : i32 to vector<16xi32>
                %xor3A_762 = arith.xori %iota3A, %xor3A_761 : vector<16xi32>
                %broadcast_in_dim3A_763 = vector.shape_cast %xor3A_762 : vector<16xi32> to vector<16x1xi32>
                %gather3A_764 = vector.shape_cast %broadcast_in_dim3A_763 : vector<16x1xi32> to vector<16xi32>
                %gather3A_765 = tpu.dynamic_gather %select_n3A_752[%gather3A_764] in [0] : vector<16xf32>, vector<16xi32> -> vector<16xf32>
                %broadcast_in_dim3A_766 = vector.shape_cast %xor3A_762 : vector<16xi32> to vector<16x1xi32>
                %gather3A_767 = vector.shape_cast %broadcast_in_dim3A_766 : vector<16x1xi32> to vector<16xi32>
                %gather3A_768 = tpu.dynamic_gather %select_n3A_753[%gather3A_767] in [0] : vector<16xi32>, vector<16xi32> -> vector<16xi32>
                %lt3A_769 = arith.cmpf olt, %gather3A_765, %select_n3A_752 : vector<16xf32>
                %eq3A_770 = arith.cmpf oeq, %gather3A_765, %select_n3A_752 : vector<16xf32>
                %lt3A_771 = arith.cmpi slt, %gather3A_768, %select_n3A_753 : vector<16xi32>
                %and3A_772 = arith.andi %eq3A_770, %lt3A_771 : vector<16xi1>
                %or3A_773 = arith.ori %lt3A_769, %and3A_772 : vector<16xi1>
                %and3A_774 = arith.constant 2 : i32
                %and3A_775 = vector.broadcast %and3A_774 : i32 to vector<16xi32>
                %and3A_776 = arith.andi %iota3A, %and3A_775 : vector<16xi32>
                %ne3A_777 = arith.constant 0 : i32
                %ne3A_778 = vector.broadcast %ne3A_777 : i32 to vector<16xi32>
                %ne3A_779 = arith.cmpi ne, %and3A_776, %ne3A_778 : vector<16xi32>
                %eq3A_780 = arith.xori %or3A_773, %ne3A_779 : vector<16xi1>
                %eq3A_781 = arith.constant dense<true> : vector<16xi1>
                %eq3A_782 = arith.xori %eq3A_780, %eq3A_781 : vector<16xi1>
                %ne3A_783 = arith.xori %eq3A_782, %ne3A_759 : vector<16xi1>
                %select_n3A_784 = arith.select %ne3A_783, %select_n3A_752, %gather3A_765 : vector<16xi1>, vector<16xf32>
                %select_n3A_785 = arith.select %ne3A_783, %select_n3A_753, %gather3A_768 : vector<16xi1>, vector<16xi32>
                %xor3A_786 = arith.constant 1 : i32
                %xor3A_787 = vector.broadcast %xor3A_786 : i32 to vector<16xi32>
                %xor3A_788 = arith.xori %iota3A, %xor3A_787 : vector<16xi32>
                %broadcast_in_dim3A_789 = vector.shape_cast %xor3A_788 : vector<16xi32> to vector<16x1xi32>
                %gather3A_790 = vector.shape_cast %broadcast_in_dim3A_789 : vector<16x1xi32> to vector<16xi32>
                %gather3A_791 = tpu.dynamic_gather %select_n3A_784[%gather3A_790] in [0] : vector<16xf32>, vector<16xi32> -> vector<16xf32>
                %broadcast_in_dim3A_792 = vector.shape_cast %xor3A_788 : vector<16xi32> to vector<16x1xi32>
                %gather3A_793 = vector.shape_cast %broadcast_in_dim3A_792 : vector<16x1xi32> to vector<16xi32>
                %gather3A_794 = tpu.dynamic_gather %select_n3A_785[%gather3A_793] in [0] : vector<16xi32>, vector<16xi32> -> vector<16xi32>
                %lt3A_795 = arith.cmpf olt, %gather3A_791, %select_n3A_784 : vector<16xf32>
                %eq3A_796 = arith.cmpf oeq, %gather3A_791, %select_n3A_784 : vector<16xf32>
                %lt3A_797 = arith.cmpi slt, %gather3A_794, %select_n3A_785 : vector<16xi32>
                %and3A_798 = arith.andi %eq3A_796, %lt3A_797 : vector<16xi1>
                %or3A_799 = arith.ori %lt3A_795, %and3A_798 : vector<16xi1>
                %and3A_800 = arith.constant 1 : i32
                %and3A_801 = vector.broadcast %and3A_800 : i32 to vector<16xi32>
                %and3A_802 = arith.andi %iota3A, %and3A_801 : vector<16xi32>
                %ne3A_803 = arith.constant 0 : i32
                %ne3A_804 = vector.broadcast %ne3A_803 : i32 to vector<16xi32>
                %ne3A_805 = arith.cmpi ne, %and3A_802, %ne3A_804 : vector<16xi32>
                %eq3A_806 = arith.xori %or3A_799, %ne3A_805 : vector<16xi1>
                %eq3A_807 = arith.constant dense<true> : vector<16xi1>
                %eq3A_808 = arith.xori %eq3A_806, %eq3A_807 : vector<16xi1>
                %ne3A_809 = arith.xori %eq3A_808, %ne3A_759 : vector<16xi1>
                %select_n3A_810 = arith.select %ne3A_809, %select_n3A_784, %gather3A_791 : vector<16xi1>, vector<16xf32>
                %select_n3A_811 = arith.select %ne3A_809, %select_n3A_785, %gather3A_794 : vector<16xi1>, vector<16xi32>
                %and3A_812 = arith.constant 8 : i32
                %and3A_813 = vector.broadcast %and3A_812 : i32 to vector<16xi32>
                %and3A_814 = arith.andi %iota3A, %and3A_813 : vector<16xi32>
                %ne3A_815 = arith.constant 0 : i32
                %ne3A_816 = vector.broadcast %ne3A_815 : i32 to vector<16xi32>
                %ne3A_817 = arith.cmpi ne, %and3A_814, %ne3A_816 : vector<16xi32>
                %xor3A_818 = arith.constant 4 : i32
                %xor3A_819 = vector.broadcast %xor3A_818 : i32 to vector<16xi32>
                %xor3A_820 = arith.xori %iota3A, %xor3A_819 : vector<16xi32>
                %broadcast_in_dim3A_821 = vector.shape_cast %xor3A_820 : vector<16xi32> to vector<16x1xi32>
                %gather3A_822 = vector.shape_cast %broadcast_in_dim3A_821 : vector<16x1xi32> to vector<16xi32>
                %gather3A_823 = tpu.dynamic_gather %select_n3A_810[%gather3A_822] in [0] : vector<16xf32>, vector<16xi32> -> vector<16xf32>
                %broadcast_in_dim3A_824 = vector.shape_cast %xor3A_820 : vector<16xi32> to vector<16x1xi32>
                %gather3A_825 = vector.shape_cast %broadcast_in_dim3A_824 : vector<16x1xi32> to vector<16xi32>
                %gather3A_826 = tpu.dynamic_gather %select_n3A_811[%gather3A_825] in [0] : vector<16xi32>, vector<16xi32> -> vector<16xi32>
                %lt3A_827 = arith.cmpf olt, %gather3A_823, %select_n3A_810 : vector<16xf32>
                %eq3A_828 = arith.cmpf oeq, %gather3A_823, %select_n3A_810 : vector<16xf32>
                %lt3A_829 = arith.cmpi slt, %gather3A_826, %select_n3A_811 : vector<16xi32>
                %and3A_830 = arith.andi %eq3A_828, %lt3A_829 : vector<16xi1>
                %or3A_831 = arith.ori %lt3A_827, %and3A_830 : vector<16xi1>
                %and3A_832 = arith.constant 4 : i32
                %and3A_833 = vector.broadcast %and3A_832 : i32 to vector<16xi32>
                %and3A_834 = arith.andi %iota3A, %and3A_833 : vector<16xi32>
                %ne3A_835 = arith.constant 0 : i32
                %ne3A_836 = vector.broadcast %ne3A_835 : i32 to vector<16xi32>
                %ne3A_837 = arith.cmpi ne, %and3A_834, %ne3A_836 : vector<16xi32>
                %eq3A_838 = arith.xori %or3A_831, %ne3A_837 : vector<16xi1>
                %eq3A_839 = arith.constant dense<true> : vector<16xi1>
                %eq3A_840 = arith.xori %eq3A_838, %eq3A_839 : vector<16xi1>
                %ne3A_841 = arith.xori %eq3A_840, %ne3A_817 : vector<16xi1>
                %select_n3A_842 = arith.select %ne3A_841, %select_n3A_810, %gather3A_823 : vector<16xi1>, vector<16xf32>
                %select_n3A_843 = arith.select %ne3A_841, %select_n3A_811, %gather3A_826 : vector<16xi1>, vector<16xi32>
                %xor3A_844 = arith.constant 2 : i32
                %xor3A_845 = vector.broadcast %xor3A_844 : i32 to vector<16xi32>
                %xor3A_846 = arith.xori %iota3A, %xor3A_845 : vector<16xi32>
                %broadcast_in_dim3A_847 = vector.shape_cast %xor3A_846 : vector<16xi32> to vector<16x1xi32>
                %gather3A_848 = vector.shape_cast %broadcast_in_dim3A_847 : vector<16x1xi32> to vector<16xi32>
                %gather3A_849 = tpu.dynamic_gather %select_n3A_842[%gather3A_848] in [0] : vector<16xf32>, vector<16xi32> -> vector<16xf32>
                %broadcast_in_dim3A_850 = vector.shape_cast %xor3A_846 : vector<16xi32> to vector<16x1xi32>
                %gather3A_851 = vector.shape_cast %broadcast_in_dim3A_850 : vector<16x1xi32> to vector<16xi32>
                %gather3A_852 = tpu.dynamic_gather %select_n3A_843[%gather3A_851] in [0] : vector<16xi32>, vector<16xi32> -> vector<16xi32>
                %lt3A_853 = arith.cmpf olt, %gather3A_849, %select_n3A_842 : vector<16xf32>
                %eq3A_854 = arith.cmpf oeq, %gather3A_849, %select_n3A_842 : vector<16xf32>
                %lt3A_855 = arith.cmpi slt, %gather3A_852, %select_n3A_843 : vector<16xi32>
                %and3A_856 = arith.andi %eq3A_854, %lt3A_855 : vector<16xi1>
                %or3A_857 = arith.ori %lt3A_853, %and3A_856 : vector<16xi1>
                %and3A_858 = arith.constant 2 : i32
                %and3A_859 = vector.broadcast %and3A_858 : i32 to vector<16xi32>
                %and3A_860 = arith.andi %iota3A, %and3A_859 : vector<16xi32>
                %ne3A_861 = arith.constant 0 : i32
                %ne3A_862 = vector.broadcast %ne3A_861 : i32 to vector<16xi32>
                %ne3A_863 = arith.cmpi ne, %and3A_860, %ne3A_862 : vector<16xi32>
                %eq3A_864 = arith.xori %or3A_857, %ne3A_863 : vector<16xi1>
                %eq3A_865 = arith.constant dense<true> : vector<16xi1>
                %eq3A_866 = arith.xori %eq3A_864, %eq3A_865 : vector<16xi1>
                %ne3A_867 = arith.xori %eq3A_866, %ne3A_817 : vector<16xi1>
                %select_n3A_868 = arith.select %ne3A_867, %select_n3A_842, %gather3A_849 : vector<16xi1>, vector<16xf32>
                %select_n3A_869 = arith.select %ne3A_867, %select_n3A_843, %gather3A_852 : vector<16xi1>, vector<16xi32>
                %xor3A_870 = arith.constant 1 : i32
                %xor3A_871 = vector.broadcast %xor3A_870 : i32 to vector<16xi32>
                %xor3A_872 = arith.xori %iota3A, %xor3A_871 : vector<16xi32>
                %broadcast_in_dim3A_873 = vector.shape_cast %xor3A_872 : vector<16xi32> to vector<16x1xi32>
                %gather3A_874 = vector.shape_cast %broadcast_in_dim3A_873 : vector<16x1xi32> to vector<16xi32>
                %gather3A_875 = tpu.dynamic_gather %select_n3A_868[%gather3A_874] in [0] : vector<16xf32>, vector<16xi32> -> vector<16xf32>
                %broadcast_in_dim3A_876 = vector.shape_cast %xor3A_872 : vector<16xi32> to vector<16x1xi32>
                %gather3A_877 = vector.shape_cast %broadcast_in_dim3A_876 : vector<16x1xi32> to vector<16xi32>
                %gather3A_878 = tpu.dynamic_gather %select_n3A_869[%gather3A_877] in [0] : vector<16xi32>, vector<16xi32> -> vector<16xi32>
                %lt3A_879 = arith.cmpf olt, %gather3A_875, %select_n3A_868 : vector<16xf32>
                %eq3A_880 = arith.cmpf oeq, %gather3A_875, %select_n3A_868 : vector<16xf32>
                %lt3A_881 = arith.cmpi slt, %gather3A_878, %select_n3A_869 : vector<16xi32>
                %and3A_882 = arith.andi %eq3A_880, %lt3A_881 : vector<16xi1>
                %or3A_883 = arith.ori %lt3A_879, %and3A_882 : vector<16xi1>
                %and3A_884 = arith.constant 1 : i32
                %and3A_885 = vector.broadcast %and3A_884 : i32 to vector<16xi32>
                %and3A_886 = arith.andi %iota3A, %and3A_885 : vector<16xi32>
                %ne3A_887 = arith.constant 0 : i32
                %ne3A_888 = vector.broadcast %ne3A_887 : i32 to vector<16xi32>
                %ne3A_889 = arith.cmpi ne, %and3A_886, %ne3A_888 : vector<16xi32>
                %eq3A_890 = arith.xori %or3A_883, %ne3A_889 : vector<16xi1>
                %eq3A_891 = arith.constant dense<true> : vector<16xi1>
                %eq3A_892 = arith.xori %eq3A_890, %eq3A_891 : vector<16xi1>
                %ne3A_893 = arith.xori %eq3A_892, %ne3A_817 : vector<16xi1>
                %select_n3A_894 = arith.select %ne3A_893, %select_n3A_868, %gather3A_875 : vector<16xi1>, vector<16xf32>
                %select_n3A_895 = arith.select %ne3A_893, %select_n3A_869, %gather3A_878 : vector<16xi1>, vector<16xi32>
                %and3A_896 = arith.constant 16 : i32
                %and3A_897 = vector.broadcast %and3A_896 : i32 to vector<16xi32>
                %and3A_898 = arith.andi %iota3A, %and3A_897 : vector<16xi32>
                %ne3A_899 = arith.constant 0 : i32
                %ne3A_900 = vector.broadcast %ne3A_899 : i32 to vector<16xi32>
                %ne3A_901 = arith.cmpi ne, %and3A_898, %ne3A_900 : vector<16xi32>
                %xor3A_902 = arith.constant 8 : i32
                %xor3A_903 = vector.broadcast %xor3A_902 : i32 to vector<16xi32>
                %xor3A_904 = arith.xori %iota3A, %xor3A_903 : vector<16xi32>
                %broadcast_in_dim3A_905 = vector.shape_cast %xor3A_904 : vector<16xi32> to vector<16x1xi32>
                %gather3A_906 = vector.shape_cast %broadcast_in_dim3A_905 : vector<16x1xi32> to vector<16xi32>
                %gather3A_907 = tpu.dynamic_gather %select_n3A_894[%gather3A_906] in [0] : vector<16xf32>, vector<16xi32> -> vector<16xf32>
                %broadcast_in_dim3A_908 = vector.shape_cast %xor3A_904 : vector<16xi32> to vector<16x1xi32>
                %gather3A_909 = vector.shape_cast %broadcast_in_dim3A_908 : vector<16x1xi32> to vector<16xi32>
                %gather3A_910 = tpu.dynamic_gather %select_n3A_895[%gather3A_909] in [0] : vector<16xi32>, vector<16xi32> -> vector<16xi32>
                %lt3A_911 = arith.cmpf olt, %gather3A_907, %select_n3A_894 : vector<16xf32>
                %eq3A_912 = arith.cmpf oeq, %gather3A_907, %select_n3A_894 : vector<16xf32>
                %lt3A_913 = arith.cmpi slt, %gather3A_910, %select_n3A_895 : vector<16xi32>
                %and3A_914 = arith.andi %eq3A_912, %lt3A_913 : vector<16xi1>
                %or3A_915 = arith.ori %lt3A_911, %and3A_914 : vector<16xi1>
                %and3A_916 = arith.constant 8 : i32
                %and3A_917 = vector.broadcast %and3A_916 : i32 to vector<16xi32>
                %and3A_918 = arith.andi %iota3A, %and3A_917 : vector<16xi32>
                %ne3A_919 = arith.constant 0 : i32
                %ne3A_920 = vector.broadcast %ne3A_919 : i32 to vector<16xi32>
                %ne3A_921 = arith.cmpi ne, %and3A_918, %ne3A_920 : vector<16xi32>
                %eq3A_922 = arith.xori %or3A_915, %ne3A_921 : vector<16xi1>
                %eq3A_923 = arith.constant dense<true> : vector<16xi1>
                %eq3A_924 = arith.xori %eq3A_922, %eq3A_923 : vector<16xi1>
                %ne3A_925 = arith.xori %eq3A_924, %ne3A_901 : vector<16xi1>
                %select_n3A_926 = arith.select %ne3A_925, %select_n3A_894, %gather3A_907 : vector<16xi1>, vector<16xf32>
                %select_n3A_927 = arith.select %ne3A_925, %select_n3A_895, %gather3A_910 : vector<16xi1>, vector<16xi32>
                %xor3A_928 = arith.constant 4 : i32
                %xor3A_929 = vector.broadcast %xor3A_928 : i32 to vector<16xi32>
                %xor3A_930 = arith.xori %iota3A, %xor3A_929 : vector<16xi32>
                %broadcast_in_dim3A_931 = vector.shape_cast %xor3A_930 : vector<16xi32> to vector<16x1xi32>
                %gather3A_932 = vector.shape_cast %broadcast_in_dim3A_931 : vector<16x1xi32> to vector<16xi32>
                %gather3A_933 = tpu.dynamic_gather %select_n3A_926[%gather3A_932] in [0] : vector<16xf32>, vector<16xi32> -> vector<16xf32>
                %broadcast_in_dim3A_934 = vector.shape_cast %xor3A_930 : vector<16xi32> to vector<16x1xi32>
                %gather3A_935 = vector.shape_cast %broadcast_in_dim3A_934 : vector<16x1xi32> to vector<16xi32>
                %gather3A_936 = tpu.dynamic_gather %select_n3A_927[%gather3A_935] in [0] : vector<16xi32>, vector<16xi32> -> vector<16xi32>
                %lt3A_937 = arith.cmpf olt, %gather3A_933, %select_n3A_926 : vector<16xf32>
                %eq3A_938 = arith.cmpf oeq, %gather3A_933, %select_n3A_926 : vector<16xf32>
                %lt3A_939 = arith.cmpi slt, %gather3A_936, %select_n3A_927 : vector<16xi32>
                %and3A_940 = arith.andi %eq3A_938, %lt3A_939 : vector<16xi1>
                %or3A_941 = arith.ori %lt3A_937, %and3A_940 : vector<16xi1>
                %and3A_942 = arith.constant 4 : i32
                %and3A_943 = vector.broadcast %and3A_942 : i32 to vector<16xi32>
                %and3A_944 = arith.andi %iota3A, %and3A_943 : vector<16xi32>
                %ne3A_945 = arith.constant 0 : i32
                %ne3A_946 = vector.broadcast %ne3A_945 : i32 to vector<16xi32>
                %ne3A_947 = arith.cmpi ne, %and3A_944, %ne3A_946 : vector<16xi32>
                %eq3A_948 = arith.xori %or3A_941, %ne3A_947 : vector<16xi1>
                %eq3A_949 = arith.constant dense<true> : vector<16xi1>
                %eq3A_950 = arith.xori %eq3A_948, %eq3A_949 : vector<16xi1>
                %ne3A_951 = arith.xori %eq3A_950, %ne3A_901 : vector<16xi1>
                %select_n3A_952 = arith.select %ne3A_951, %select_n3A_926, %gather3A_933 : vector<16xi1>, vector<16xf32>
                %select_n3A_953 = arith.select %ne3A_951, %select_n3A_927, %gather3A_936 : vector<16xi1>, vector<16xi32>
                %xor3A_954 = arith.constant 2 : i32
                %xor3A_955 = vector.broadcast %xor3A_954 : i32 to vector<16xi32>
                %xor3A_956 = arith.xori %iota3A, %xor3A_955 : vector<16xi32>
                %broadcast_in_dim3A_957 = vector.shape_cast %xor3A_956 : vector<16xi32> to vector<16x1xi32>
                %gather3A_958 = vector.shape_cast %broadcast_in_dim3A_957 : vector<16x1xi32> to vector<16xi32>
                %gather3A_959 = tpu.dynamic_gather %select_n3A_952[%gather3A_958] in [0] : vector<16xf32>, vector<16xi32> -> vector<16xf32>
                %broadcast_in_dim3A_960 = vector.shape_cast %xor3A_956 : vector<16xi32> to vector<16x1xi32>
                %gather3A_961 = vector.shape_cast %broadcast_in_dim3A_960 : vector<16x1xi32> to vector<16xi32>
                %gather3A_962 = tpu.dynamic_gather %select_n3A_953[%gather3A_961] in [0] : vector<16xi32>, vector<16xi32> -> vector<16xi32>
                %lt3A_963 = arith.cmpf olt, %gather3A_959, %select_n3A_952 : vector<16xf32>
                %eq3A_964 = arith.cmpf oeq, %gather3A_959, %select_n3A_952 : vector<16xf32>
                %lt3A_965 = arith.cmpi slt, %gather3A_962, %select_n3A_953 : vector<16xi32>
                %and3A_966 = arith.andi %eq3A_964, %lt3A_965 : vector<16xi1>
                %or3A_967 = arith.ori %lt3A_963, %and3A_966 : vector<16xi1>
                %and3A_968 = arith.constant 2 : i32
                %and3A_969 = vector.broadcast %and3A_968 : i32 to vector<16xi32>
                %and3A_970 = arith.andi %iota3A, %and3A_969 : vector<16xi32>
                %ne3A_971 = arith.constant 0 : i32
                %ne3A_972 = vector.broadcast %ne3A_971 : i32 to vector<16xi32>
                %ne3A_973 = arith.cmpi ne, %and3A_970, %ne3A_972 : vector<16xi32>
                %eq3A_974 = arith.xori %or3A_967, %ne3A_973 : vector<16xi1>
                %eq3A_975 = arith.constant dense<true> : vector<16xi1>
                %eq3A_976 = arith.xori %eq3A_974, %eq3A_975 : vector<16xi1>
                %ne3A_977 = arith.xori %eq3A_976, %ne3A_901 : vector<16xi1>
                %select_n3A_978 = arith.select %ne3A_977, %select_n3A_952, %gather3A_959 : vector<16xi1>, vector<16xf32>
                %select_n3A_979 = arith.select %ne3A_977, %select_n3A_953, %gather3A_962 : vector<16xi1>, vector<16xi32>
                %xor3A_980 = arith.constant 1 : i32
                %xor3A_981 = vector.broadcast %xor3A_980 : i32 to vector<16xi32>
                %xor3A_982 = arith.xori %iota3A, %xor3A_981 : vector<16xi32>
                %broadcast_in_dim3A_983 = vector.shape_cast %xor3A_982 : vector<16xi32> to vector<16x1xi32>
                %gather3A_984 = vector.shape_cast %broadcast_in_dim3A_983 : vector<16x1xi32> to vector<16xi32>
                %gather3A_985 = tpu.dynamic_gather %select_n3A_978[%gather3A_984] in [0] : vector<16xf32>, vector<16xi32> -> vector<16xf32>
                %broadcast_in_dim3A_986 = vector.shape_cast %xor3A_982 : vector<16xi32> to vector<16x1xi32>
                %gather3A_987 = vector.shape_cast %broadcast_in_dim3A_986 : vector<16x1xi32> to vector<16xi32>
                %gather3A_988 = tpu.dynamic_gather %select_n3A_979[%gather3A_987] in [0] : vector<16xi32>, vector<16xi32> -> vector<16xi32>
                %lt3A_989 = arith.cmpf olt, %gather3A_985, %select_n3A_978 : vector<16xf32>
                %eq3A_990 = arith.cmpf oeq, %gather3A_985, %select_n3A_978 : vector<16xf32>
                %lt3A_991 = arith.cmpi slt, %gather3A_988, %select_n3A_979 : vector<16xi32>
                %and3A_992 = arith.andi %eq3A_990, %lt3A_991 : vector<16xi1>
                %or3A_993 = arith.ori %lt3A_989, %and3A_992 : vector<16xi1>
                %and3A_994 = arith.constant 1 : i32
                %and3A_995 = vector.broadcast %and3A_994 : i32 to vector<16xi32>
                %and3A_996 = arith.andi %iota3A, %and3A_995 : vector<16xi32>
                %ne3A_997 = arith.constant 0 : i32
                %ne3A_998 = vector.broadcast %ne3A_997 : i32 to vector<16xi32>
                %ne3A_999 = arith.cmpi ne, %and3A_996, %ne3A_998 : vector<16xi32>
                %eq3A_1000 = arith.xori %or3A_993, %ne3A_999 : vector<16xi1>
                %eq3A_1001 = arith.constant dense<true> : vector<16xi1>
                %eq3A_1002 = arith.xori %eq3A_1000, %eq3A_1001 : vector<16xi1>
                %ne3A_1003 = arith.xori %eq3A_1002, %ne3A_901 : vector<16xi1>
                %select_n3A_1004 = arith.select %ne3A_1003, %select_n3A_978, %gather3A_985 : vector<16xi1>, vector<16xf32>
                %select_n3A_1005 = arith.select %ne3A_1003, %select_n3A_979, %gather3A_988 : vector<16xi1>, vector<16xi32>
                %sub3A_1006 = arith.constant 15 : i32
                %sub3A_1007 = vector.broadcast %sub3A_1006 : i32 to vector<16xi32>
                %sub3A_1008 = arith.subi %sub3A_1007, %iota3A : vector<16xi32>
                %broadcast_in_dim3A_1009 = vector.shape_cast %sub3A_1008 : vector<16xi32> to vector<16x1xi32>
                %gather3A_1010 = vector.shape_cast %broadcast_in_dim3A_1009 : vector<16x1xi32> to vector<16xi32>
                %gather3A_1011 = tpu.dynamic_gather %select_n3A_1004[%gather3A_1010] in [0] : vector<16xf32>, vector<16xi32> -> vector<16xf32>
                %broadcast_in_dim3A_1012 = vector.shape_cast %sub3A_1008 : vector<16xi32> to vector<16x1xi32>
                %gather3A_1013 = vector.shape_cast %broadcast_in_dim3A_1012 : vector<16x1xi32> to vector<16xi32>
                %gather3A_1014 = tpu.dynamic_gather %select_n3A_1005[%gather3A_1013] in [0] : vector<16xi32>, vector<16xi32> -> vector<16xi32>
                %lt3A_1015 = arith.cmpf olt, %gather3A_1011, %scan3A_704 : vector<16xf32>
                %eq3A_1016 = arith.cmpf oeq, %gather3A_1011, %scan3A_704 : vector<16xf32>
                %lt3A_1017 = arith.cmpi slt, %gather3A_1014, %scan3A_705 : vector<16xi32>
                %and3A_1018 = arith.andi %eq3A_1016, %lt3A_1017 : vector<16xi1>
                %or3A_1019 = arith.ori %lt3A_1015, %and3A_1018 : vector<16xi1>
                %select_n3A_1020 = arith.select %or3A_1019, %gather3A_1011, %scan3A_704 : vector<16xi1>, vector<16xf32>
                %select_n3A_1021 = arith.select %or3A_1019, %gather3A_1014, %scan3A_705 : vector<16xi1>, vector<16xi32>
                %select_n3A_1022 = arith.select %or3A_1019, %scan3A_704, %gather3A_1011 : vector<16xi1>, vector<16xf32>
                %select_n3A_1023 = arith.select %or3A_1019, %scan3A_705, %gather3A_1014 : vector<16xi1>, vector<16xi32>
                %lt3A_1024 = arith.cmpf olt, %select_n3A_1020, %scan3A_702 : vector<16xf32>
                %eq3A_1025 = arith.cmpf oeq, %select_n3A_1020, %scan3A_702 : vector<16xf32>
                %lt3A_1026 = arith.cmpi slt, %select_n3A_1021, %scan3A_703 : vector<16xi32>
                %and3A_1027 = arith.andi %eq3A_1025, %lt3A_1026 : vector<16xi1>
                %or3A_1028 = arith.ori %lt3A_1024, %and3A_1027 : vector<16xi1>
                %select_n3A_1029 = arith.select %or3A_1028, %select_n3A_1020, %scan3A_702 : vector<16xi1>, vector<16xf32>
                %select_n3A_1030 = arith.select %or3A_1028, %select_n3A_1021, %scan3A_703 : vector<16xi1>, vector<16xi32>
                %select_n3A_1031 = arith.select %or3A_1028, %scan3A_702, %select_n3A_1020 : vector<16xi1>, vector<16xf32>
                %select_n3A_1032 = arith.select %or3A_1028, %scan3A_703, %select_n3A_1021 : vector<16xi1>, vector<16xi32>
                %xor3A_1033 = arith.constant 8 : i32
                %xor3A_1034 = vector.broadcast %xor3A_1033 : i32 to vector<16xi32>
                %xor3A_1035 = arith.xori %iota3A, %xor3A_1034 : vector<16xi32>
                %broadcast_in_dim3A_1036 = vector.shape_cast %xor3A_1035 : vector<16xi32> to vector<16x1xi32>
                %gather3A_1037 = vector.shape_cast %broadcast_in_dim3A_1036 : vector<16x1xi32> to vector<16xi32>
                %gather3A_1038 = tpu.dynamic_gather %select_n3A_1029[%gather3A_1037] in [0] : vector<16xf32>, vector<16xi32> -> vector<16xf32>
                %broadcast_in_dim3A_1039 = vector.shape_cast %xor3A_1035 : vector<16xi32> to vector<16x1xi32>
                %gather3A_1040 = vector.shape_cast %broadcast_in_dim3A_1039 : vector<16x1xi32> to vector<16xi32>
                %gather3A_1041 = tpu.dynamic_gather %select_n3A_1030[%gather3A_1040] in [0] : vector<16xi32>, vector<16xi32> -> vector<16xi32>
                %lt3A_1042 = arith.cmpf olt, %gather3A_1038, %select_n3A_1029 : vector<16xf32>
                %eq3A_1043 = arith.cmpf oeq, %gather3A_1038, %select_n3A_1029 : vector<16xf32>
                %lt3A_1044 = arith.cmpi slt, %gather3A_1041, %select_n3A_1030 : vector<16xi32>
                %and3A_1045 = arith.andi %eq3A_1043, %lt3A_1044 : vector<16xi1>
                %or3A_1046 = arith.ori %lt3A_1042, %and3A_1045 : vector<16xi1>
                %and3A_1047 = arith.constant 8 : i32
                %and3A_1048 = vector.broadcast %and3A_1047 : i32 to vector<16xi32>
                %and3A_1049 = arith.andi %iota3A, %and3A_1048 : vector<16xi32>
                %ne3A_1050 = arith.constant 0 : i32
                %ne3A_1051 = vector.broadcast %ne3A_1050 : i32 to vector<16xi32>
                %ne3A_1052 = arith.cmpi ne, %and3A_1049, %ne3A_1051 : vector<16xi32>
                %eq3A_1053 = arith.xori %or3A_1046, %ne3A_1052 : vector<16xi1>
                %eq3A_1054 = arith.constant dense<true> : vector<16xi1>
                %eq3A_1055 = arith.xori %eq3A_1053, %eq3A_1054 : vector<16xi1>
                %select_n3A_1056 = arith.select %eq3A_1055, %select_n3A_1029, %gather3A_1038 : vector<16xi1>, vector<16xf32>
                %select_n3A_1057 = arith.select %eq3A_1055, %select_n3A_1030, %gather3A_1041 : vector<16xi1>, vector<16xi32>
                %xor3A_1058 = arith.constant 8 : i32
                %xor3A_1059 = vector.broadcast %xor3A_1058 : i32 to vector<16xi32>
                %xor3A_1060 = arith.xori %iota3A, %xor3A_1059 : vector<16xi32>
                %broadcast_in_dim3A_1061 = vector.shape_cast %xor3A_1060 : vector<16xi32> to vector<16x1xi32>
                %gather3A_1062 = vector.shape_cast %broadcast_in_dim3A_1061 : vector<16x1xi32> to vector<16xi32>
                %gather3A_1063 = tpu.dynamic_gather %select_n3A_1031[%gather3A_1062] in [0] : vector<16xf32>, vector<16xi32> -> vector<16xf32>
                %broadcast_in_dim3A_1064 = vector.shape_cast %xor3A_1060 : vector<16xi32> to vector<16x1xi32>
                %gather3A_1065 = vector.shape_cast %broadcast_in_dim3A_1064 : vector<16x1xi32> to vector<16xi32>
                %gather3A_1066 = tpu.dynamic_gather %select_n3A_1032[%gather3A_1065] in [0] : vector<16xi32>, vector<16xi32> -> vector<16xi32>
                %lt3A_1067 = arith.cmpf olt, %gather3A_1063, %select_n3A_1031 : vector<16xf32>
                %eq3A_1068 = arith.cmpf oeq, %gather3A_1063, %select_n3A_1031 : vector<16xf32>
                %lt3A_1069 = arith.cmpi slt, %gather3A_1066, %select_n3A_1032 : vector<16xi32>
                %and3A_1070 = arith.andi %eq3A_1068, %lt3A_1069 : vector<16xi1>
                %or3A_1071 = arith.ori %lt3A_1067, %and3A_1070 : vector<16xi1>
                %and3A_1072 = arith.constant 8 : i32
                %and3A_1073 = vector.broadcast %and3A_1072 : i32 to vector<16xi32>
                %and3A_1074 = arith.andi %iota3A, %and3A_1073 : vector<16xi32>
                %ne3A_1075 = arith.constant 0 : i32
                %ne3A_1076 = vector.broadcast %ne3A_1075 : i32 to vector<16xi32>
                %ne3A_1077 = arith.cmpi ne, %and3A_1074, %ne3A_1076 : vector<16xi32>
                %eq3A_1078 = arith.xori %or3A_1071, %ne3A_1077 : vector<16xi1>
                %eq3A_1079 = arith.constant dense<true> : vector<16xi1>
                %eq3A_1080 = arith.xori %eq3A_1078, %eq3A_1079 : vector<16xi1>
                %select_n3A_1081 = arith.select %eq3A_1080, %select_n3A_1031, %gather3A_1063 : vector<16xi1>, vector<16xf32>
                %select_n3A_1082 = arith.select %eq3A_1080, %select_n3A_1032, %gather3A_1066 : vector<16xi1>, vector<16xi32>
                %xor3A_1083 = arith.constant 4 : i32
                %xor3A_1084 = vector.broadcast %xor3A_1083 : i32 to vector<16xi32>
                %xor3A_1085 = arith.xori %iota3A, %xor3A_1084 : vector<16xi32>
                %broadcast_in_dim3A_1086 = vector.shape_cast %xor3A_1085 : vector<16xi32> to vector<16x1xi32>
                %gather3A_1087 = vector.shape_cast %broadcast_in_dim3A_1086 : vector<16x1xi32> to vector<16xi32>
                %gather3A_1088 = tpu.dynamic_gather %select_n3A_1056[%gather3A_1087] in [0] : vector<16xf32>, vector<16xi32> -> vector<16xf32>
                %broadcast_in_dim3A_1089 = vector.shape_cast %xor3A_1085 : vector<16xi32> to vector<16x1xi32>
                %gather3A_1090 = vector.shape_cast %broadcast_in_dim3A_1089 : vector<16x1xi32> to vector<16xi32>
                %gather3A_1091 = tpu.dynamic_gather %select_n3A_1057[%gather3A_1090] in [0] : vector<16xi32>, vector<16xi32> -> vector<16xi32>
                %lt3A_1092 = arith.cmpf olt, %gather3A_1088, %select_n3A_1056 : vector<16xf32>
                %eq3A_1093 = arith.cmpf oeq, %gather3A_1088, %select_n3A_1056 : vector<16xf32>
                %lt3A_1094 = arith.cmpi slt, %gather3A_1091, %select_n3A_1057 : vector<16xi32>
                %and3A_1095 = arith.andi %eq3A_1093, %lt3A_1094 : vector<16xi1>
                %or3A_1096 = arith.ori %lt3A_1092, %and3A_1095 : vector<16xi1>
                %and3A_1097 = arith.constant 4 : i32
                %and3A_1098 = vector.broadcast %and3A_1097 : i32 to vector<16xi32>
                %and3A_1099 = arith.andi %iota3A, %and3A_1098 : vector<16xi32>
                %ne3A_1100 = arith.constant 0 : i32
                %ne3A_1101 = vector.broadcast %ne3A_1100 : i32 to vector<16xi32>
                %ne3A_1102 = arith.cmpi ne, %and3A_1099, %ne3A_1101 : vector<16xi32>
                %eq3A_1103 = arith.xori %or3A_1096, %ne3A_1102 : vector<16xi1>
                %eq3A_1104 = arith.constant dense<true> : vector<16xi1>
                %eq3A_1105 = arith.xori %eq3A_1103, %eq3A_1104 : vector<16xi1>
                %select_n3A_1106 = arith.select %eq3A_1105, %select_n3A_1056, %gather3A_1088 : vector<16xi1>, vector<16xf32>
                %select_n3A_1107 = arith.select %eq3A_1105, %select_n3A_1057, %gather3A_1091 : vector<16xi1>, vector<16xi32>
                %xor3A_1108 = arith.constant 4 : i32
                %xor3A_1109 = vector.broadcast %xor3A_1108 : i32 to vector<16xi32>
                %xor3A_1110 = arith.xori %iota3A, %xor3A_1109 : vector<16xi32>
                %broadcast_in_dim3A_1111 = vector.shape_cast %xor3A_1110 : vector<16xi32> to vector<16x1xi32>
                %gather3A_1112 = vector.shape_cast %broadcast_in_dim3A_1111 : vector<16x1xi32> to vector<16xi32>
                %gather3A_1113 = tpu.dynamic_gather %select_n3A_1081[%gather3A_1112] in [0] : vector<16xf32>, vector<16xi32> -> vector<16xf32>
                %broadcast_in_dim3A_1114 = vector.shape_cast %xor3A_1110 : vector<16xi32> to vector<16x1xi32>
                %gather3A_1115 = vector.shape_cast %broadcast_in_dim3A_1114 : vector<16x1xi32> to vector<16xi32>
                %gather3A_1116 = tpu.dynamic_gather %select_n3A_1082[%gather3A_1115] in [0] : vector<16xi32>, vector<16xi32> -> vector<16xi32>
                %lt3A_1117 = arith.cmpf olt, %gather3A_1113, %select_n3A_1081 : vector<16xf32>
                %eq3A_1118 = arith.cmpf oeq, %gather3A_1113, %select_n3A_1081 : vector<16xf32>
                %lt3A_1119 = arith.cmpi slt, %gather3A_1116, %select_n3A_1082 : vector<16xi32>
                %and3A_1120 = arith.andi %eq3A_1118, %lt3A_1119 : vector<16xi1>
                %or3A_1121 = arith.ori %lt3A_1117, %and3A_1120 : vector<16xi1>
                %and3A_1122 = arith.constant 4 : i32
                %and3A_1123 = vector.broadcast %and3A_1122 : i32 to vector<16xi32>
                %and3A_1124 = arith.andi %iota3A, %and3A_1123 : vector<16xi32>
                %ne3A_1125 = arith.constant 0 : i32
                %ne3A_1126 = vector.broadcast %ne3A_1125 : i32 to vector<16xi32>
                %ne3A_1127 = arith.cmpi ne, %and3A_1124, %ne3A_1126 : vector<16xi32>
                %eq3A_1128 = arith.xori %or3A_1121, %ne3A_1127 : vector<16xi1>
                %eq3A_1129 = arith.constant dense<true> : vector<16xi1>
                %eq3A_1130 = arith.xori %eq3A_1128, %eq3A_1129 : vector<16xi1>
                %select_n3A_1131 = arith.select %eq3A_1130, %select_n3A_1081, %gather3A_1113 : vector<16xi1>, vector<16xf32>
                %select_n3A_1132 = arith.select %eq3A_1130, %select_n3A_1082, %gather3A_1116 : vector<16xi1>, vector<16xi32>
                %xor3A_1133 = arith.constant 2 : i32
                %xor3A_1134 = vector.broadcast %xor3A_1133 : i32 to vector<16xi32>
                %xor3A_1135 = arith.xori %iota3A, %xor3A_1134 : vector<16xi32>
                %broadcast_in_dim3A_1136 = vector.shape_cast %xor3A_1135 : vector<16xi32> to vector<16x1xi32>
                %gather3A_1137 = vector.shape_cast %broadcast_in_dim3A_1136 : vector<16x1xi32> to vector<16xi32>
                %gather3A_1138 = tpu.dynamic_gather %select_n3A_1106[%gather3A_1137] in [0] : vector<16xf32>, vector<16xi32> -> vector<16xf32>
                %broadcast_in_dim3A_1139 = vector.shape_cast %xor3A_1135 : vector<16xi32> to vector<16x1xi32>
                %gather3A_1140 = vector.shape_cast %broadcast_in_dim3A_1139 : vector<16x1xi32> to vector<16xi32>
                %gather3A_1141 = tpu.dynamic_gather %select_n3A_1107[%gather3A_1140] in [0] : vector<16xi32>, vector<16xi32> -> vector<16xi32>
                %lt3A_1142 = arith.cmpf olt, %gather3A_1138, %select_n3A_1106 : vector<16xf32>
                %eq3A_1143 = arith.cmpf oeq, %gather3A_1138, %select_n3A_1106 : vector<16xf32>
                %lt3A_1144 = arith.cmpi slt, %gather3A_1141, %select_n3A_1107 : vector<16xi32>
                %and3A_1145 = arith.andi %eq3A_1143, %lt3A_1144 : vector<16xi1>
                %or3A_1146 = arith.ori %lt3A_1142, %and3A_1145 : vector<16xi1>
                %and3A_1147 = arith.constant 2 : i32
                %and3A_1148 = vector.broadcast %and3A_1147 : i32 to vector<16xi32>
                %and3A_1149 = arith.andi %iota3A, %and3A_1148 : vector<16xi32>
                %ne3A_1150 = arith.constant 0 : i32
                %ne3A_1151 = vector.broadcast %ne3A_1150 : i32 to vector<16xi32>
                %ne3A_1152 = arith.cmpi ne, %and3A_1149, %ne3A_1151 : vector<16xi32>
                %eq3A_1153 = arith.xori %or3A_1146, %ne3A_1152 : vector<16xi1>
                %eq3A_1154 = arith.constant dense<true> : vector<16xi1>
                %eq3A_1155 = arith.xori %eq3A_1153, %eq3A_1154 : vector<16xi1>
                %select_n3A_1156 = arith.select %eq3A_1155, %select_n3A_1106, %gather3A_1138 : vector<16xi1>, vector<16xf32>
                %select_n3A_1157 = arith.select %eq3A_1155, %select_n3A_1107, %gather3A_1141 : vector<16xi1>, vector<16xi32>
                %xor3A_1158 = arith.constant 2 : i32
                %xor3A_1159 = vector.broadcast %xor3A_1158 : i32 to vector<16xi32>
                %xor3A_1160 = arith.xori %iota3A, %xor3A_1159 : vector<16xi32>
                %broadcast_in_dim3A_1161 = vector.shape_cast %xor3A_1160 : vector<16xi32> to vector<16x1xi32>
                %gather3A_1162 = vector.shape_cast %broadcast_in_dim3A_1161 : vector<16x1xi32> to vector<16xi32>
                %gather3A_1163 = tpu.dynamic_gather %select_n3A_1131[%gather3A_1162] in [0] : vector<16xf32>, vector<16xi32> -> vector<16xf32>
                %broadcast_in_dim3A_1164 = vector.shape_cast %xor3A_1160 : vector<16xi32> to vector<16x1xi32>
                %gather3A_1165 = vector.shape_cast %broadcast_in_dim3A_1164 : vector<16x1xi32> to vector<16xi32>
                %gather3A_1166 = tpu.dynamic_gather %select_n3A_1132[%gather3A_1165] in [0] : vector<16xi32>, vector<16xi32> -> vector<16xi32>
                %lt3A_1167 = arith.cmpf olt, %gather3A_1163, %select_n3A_1131 : vector<16xf32>
                %eq3A_1168 = arith.cmpf oeq, %gather3A_1163, %select_n3A_1131 : vector<16xf32>
                %lt3A_1169 = arith.cmpi slt, %gather3A_1166, %select_n3A_1132 : vector<16xi32>
                %and3A_1170 = arith.andi %eq3A_1168, %lt3A_1169 : vector<16xi1>
                %or3A_1171 = arith.ori %lt3A_1167, %and3A_1170 : vector<16xi1>
                %and3A_1172 = arith.constant 2 : i32
                %and3A_1173 = vector.broadcast %and3A_1172 : i32 to vector<16xi32>
                %and3A_1174 = arith.andi %iota3A, %and3A_1173 : vector<16xi32>
                %ne3A_1175 = arith.constant 0 : i32
                %ne3A_1176 = vector.broadcast %ne3A_1175 : i32 to vector<16xi32>
                %ne3A_1177 = arith.cmpi ne, %and3A_1174, %ne3A_1176 : vector<16xi32>
                %eq3A_1178 = arith.xori %or3A_1171, %ne3A_1177 : vector<16xi1>
                %eq3A_1179 = arith.constant dense<true> : vector<16xi1>
                %eq3A_1180 = arith.xori %eq3A_1178, %eq3A_1179 : vector<16xi1>
                %select_n3A_1181 = arith.select %eq3A_1180, %select_n3A_1131, %gather3A_1163 : vector<16xi1>, vector<16xf32>
                %select_n3A_1182 = arith.select %eq3A_1180, %select_n3A_1132, %gather3A_1166 : vector<16xi1>, vector<16xi32>
                %xor3A_1183 = arith.constant 1 : i32
                %xor3A_1184 = vector.broadcast %xor3A_1183 : i32 to vector<16xi32>
                %xor3A_1185 = arith.xori %iota3A, %xor3A_1184 : vector<16xi32>
                %broadcast_in_dim3A_1186 = vector.shape_cast %xor3A_1185 : vector<16xi32> to vector<16x1xi32>
                %gather3A_1187 = vector.shape_cast %broadcast_in_dim3A_1186 : vector<16x1xi32> to vector<16xi32>
                %gather3A_1188 = tpu.dynamic_gather %select_n3A_1156[%gather3A_1187] in [0] : vector<16xf32>, vector<16xi32> -> vector<16xf32>
                %broadcast_in_dim3A_1189 = vector.shape_cast %xor3A_1185 : vector<16xi32> to vector<16x1xi32>
                %gather3A_1190 = vector.shape_cast %broadcast_in_dim3A_1189 : vector<16x1xi32> to vector<16xi32>
                %gather3A_1191 = tpu.dynamic_gather %select_n3A_1157[%gather3A_1190] in [0] : vector<16xi32>, vector<16xi32> -> vector<16xi32>
                %lt3A_1192 = arith.cmpf olt, %gather3A_1188, %select_n3A_1156 : vector<16xf32>
                %eq3A_1193 = arith.cmpf oeq, %gather3A_1188, %select_n3A_1156 : vector<16xf32>
                %lt3A_1194 = arith.cmpi slt, %gather3A_1191, %select_n3A_1157 : vector<16xi32>
                %and3A_1195 = arith.andi %eq3A_1193, %lt3A_1194 : vector<16xi1>
                %or3A_1196 = arith.ori %lt3A_1192, %and3A_1195 : vector<16xi1>
                %and3A_1197 = arith.constant 1 : i32
                %and3A_1198 = vector.broadcast %and3A_1197 : i32 to vector<16xi32>
                %and3A_1199 = arith.andi %iota3A, %and3A_1198 : vector<16xi32>
                %ne3A_1200 = arith.constant 0 : i32
                %ne3A_1201 = vector.broadcast %ne3A_1200 : i32 to vector<16xi32>
                %ne3A_1202 = arith.cmpi ne, %and3A_1199, %ne3A_1201 : vector<16xi32>
                %eq3A_1203 = arith.xori %or3A_1196, %ne3A_1202 : vector<16xi1>
                %eq3A_1204 = arith.constant dense<true> : vector<16xi1>
                %eq3A_1205 = arith.xori %eq3A_1203, %eq3A_1204 : vector<16xi1>
                %select_n3A_1206 = arith.select %eq3A_1205, %select_n3A_1156, %gather3A_1188 : vector<16xi1>, vector<16xf32>
                %select_n3A_1207 = arith.select %eq3A_1205, %select_n3A_1157, %gather3A_1191 : vector<16xi1>, vector<16xi32>
                %xor3A_1208 = arith.constant 1 : i32
                %xor3A_1209 = vector.broadcast %xor3A_1208 : i32 to vector<16xi32>
                %xor3A_1210 = arith.xori %iota3A, %xor3A_1209 : vector<16xi32>
                %broadcast_in_dim3A_1211 = vector.shape_cast %xor3A_1210 : vector<16xi32> to vector<16x1xi32>
                %gather3A_1212 = vector.shape_cast %broadcast_in_dim3A_1211 : vector<16x1xi32> to vector<16xi32>
                %gather3A_1213 = tpu.dynamic_gather %select_n3A_1181[%gather3A_1212] in [0] : vector<16xf32>, vector<16xi32> -> vector<16xf32>
                %broadcast_in_dim3A_1214 = vector.shape_cast %xor3A_1210 : vector<16xi32> to vector<16x1xi32>
                %gather3A_1215 = vector.shape_cast %broadcast_in_dim3A_1214 : vector<16x1xi32> to vector<16xi32>
                %gather3A_1216 = tpu.dynamic_gather %select_n3A_1182[%gather3A_1215] in [0] : vector<16xi32>, vector<16xi32> -> vector<16xi32>
                %lt3A_1217 = arith.cmpf olt, %gather3A_1213, %select_n3A_1181 : vector<16xf32>
                %eq3A_1218 = arith.cmpf oeq, %gather3A_1213, %select_n3A_1181 : vector<16xf32>
                %lt3A_1219 = arith.cmpi slt, %gather3A_1216, %select_n3A_1182 : vector<16xi32>
                %and3A_1220 = arith.andi %eq3A_1218, %lt3A_1219 : vector<16xi1>
                %or3A_1221 = arith.ori %lt3A_1217, %and3A_1220 : vector<16xi1>
                %and3A_1222 = arith.constant 1 : i32
                %and3A_1223 = vector.broadcast %and3A_1222 : i32 to vector<16xi32>
                %and3A_1224 = arith.andi %iota3A, %and3A_1223 : vector<16xi32>
                %ne3A_1225 = arith.constant 0 : i32
                %ne3A_1226 = vector.broadcast %ne3A_1225 : i32 to vector<16xi32>
                %ne3A_1227 = arith.cmpi ne, %and3A_1224, %ne3A_1226 : vector<16xi32>
                %eq3A_1228 = arith.xori %or3A_1221, %ne3A_1227 : vector<16xi1>
                %eq3A_1229 = arith.constant dense<true> : vector<16xi1>
                %eq3A_1230 = arith.xori %eq3A_1228, %eq3A_1229 : vector<16xi1>
                %select_n3A_1231 = arith.select %eq3A_1230, %select_n3A_1181, %gather3A_1213 : vector<16xi1>, vector<16xf32>
                %select_n3A_1232 = arith.select %eq3A_1230, %select_n3A_1182, %gather3A_1216 : vector<16xi1>, vector<16xi32>
                scf.yield %select_n3A_1206, %select_n3A_1207, %select_n3A_1231, %select_n3A_1232 : vector<16xf32>, vector<16xi32>, vector<16xf32>, vector<16xi32>
              } else {
                scf.yield %scan3A_702, %scan3A_703, %scan3A_704, %scan3A_705 : vector<16xf32>, vector<16xi32>, vector<16xf32>, vector<16xi32>
              }
              scf.yield %cond3A_723#0, %cond3A_723#1, %cond3A_723#2, %cond3A_723#3 : vector<16xf32>, vector<16xi32>, vector<16xf32>, vector<16xi32>
            }
            %scan3A_683 = arith.constant 32 : i32
            %swap3A_684 = arith.constant 0 : index
            %swap3A_685 = tpu.vector_load %arg17[%swap3A_684] {strides = array<i32>} : memref<512xf32, #tpu.memory_space<vmem>>, vector<16xf32>,
            tpu.vector_store %arg17[%swap3A_684], %scan3A_682#0 {strides = array<i32>} : memref<512xf32, #tpu.memory_space<vmem>>, vector<16xf32>,
            %swap3A_686 = arith.constant 0 : index
            %swap3A_687 = tpu.vector_load %arg18[%swap3A_686] {strides = array<i32>} : memref<512xi32, #tpu.memory_space<vmem>>, vector<16xi32>,
            tpu.vector_store %arg18[%swap3A_686], %scan3A_682#1 {strides = array<i32>} : memref<512xi32, #tpu.memory_space<vmem>>, vector<16xi32>,
            %swap3A_688 = arith.constant 16 : index
            %swap3A_689 = tpu.vector_load %arg17[%swap3A_688] {strides = array<i32>} : memref<512xf32, #tpu.memory_space<vmem>>, vector<16xf32>,
            tpu.vector_store %arg17[%swap3A_688], %scan3A_682#2 {strides = array<i32>} : memref<512xf32, #tpu.memory_space<vmem>>, vector<16xf32>,
            %swap3A_690 = arith.constant 16 : index
            %swap3A_691 = tpu.vector_load %arg18[%swap3A_690] {strides = array<i32>} : memref<512xi32, #tpu.memory_space<vmem>>, vector<16xi32>,
            tpu.vector_store %arg18[%swap3A_690], %scan3A_682#3 {strides = array<i32>} : memref<512xi32, #tpu.memory_space<vmem>>, vector<16xi32>,
            %scan3A_692 = arith.constant 0 : i32
            %scan3A_693 = arith.constant 2 : i32
            %scan3A_694 = arith.constant 30 : i32
            %scan3A_695 = arith.addi %scan3A_693, %scan3A_694 : i32
            %scan3A_696 = arith.constant 1 : i32
            scf.for %scan3A_701 = %scan3A_693 to %scan3A_695 step %scan3A_696  : i32 {
              %broadcast_in_dim3A_702 = arith.constant 0x7F800000 : f32
              %broadcast_in_dim3A_703 = vector.broadcast %broadcast_in_dim3A_702 : f32 to vector<16xf32>
              %mul3A_704 = arith.constant 16 : i32
              %mul3A_705 = arith.muli %scan3A_701, %mul3A_704 : i32
              %swap3A_706 = arith.index_cast %mul3A_705 : i32 to index
              %swap3A_707 = tpu.vector_load %arg17[%swap3A_706] {strides = array<i32>} : memref<512xf32, #tpu.memory_space<vmem>>, vector<16xf32>,
              tpu.vector_store %arg17[%swap3A_706], %broadcast_in_dim3A_703 {strides = array<i32>} : memref<512xf32, #tpu.memory_space<vmem>>, vector<16xf32>,
            }
            %scan3A_697 = arith.constant 30 : i32
            %slice3A_698 = vector.extract_strided_slice %scan3A_682#2 {offsets = [15], sizes = [1], strides = [1]} : vector<16xf32> to vector<1xf32>
            %squeeze3A_699 = vector.extract %slice3A_698[0] : f32 from vector<1xf32>
            %cond3A_700 = arith.constant 32 : i32
            scf.yield %cond3A_700, %squeeze3A_699 : i32, f32
          } else {
            scf.yield %scan3A_377, %scan3A_378 : i32, f32
          }
          %mul3A_390 = arith.constant 8 : i32
          %mul3A_391 = arith.muli %scan3A_374, %mul3A_390 : i32
          %add3A_392 = arith.constant 0 : i32
          %add3A_393 = arith.addi %mul3A_391, %add3A_392 : i32
          %mul3A_394 = arith.constant 16 : i32
          %mul3A_395 = arith.muli %add3A_393, %mul3A_394 : i32
          %add3A_396 = vector.broadcast %mul3A_395 : i32 to vector<16xi32>
          %add3A_397 = arith.addi %iota3A, %add3A_396 : vector<16xi32>
          %mul3A_398 = arith.constant 16 : i32
          %mul3A_399 = arith.muli %add3A_393, %mul3A_398 : i32
          %get3A_400 = arith.index_cast %mul3A_399 : i32 to index
          %get3A_401 = tpu.vector_load %arg16[%get3A_400] {strides = array<i32>} : memref<8192xf32, #tpu.memory_space<vmem>>, vector<16xf32>,
          %mul3A_402 = arith.constant 16 : i32
          %mul3A_403 = arith.muli %add3A_393, %mul3A_402 : i32
          %get3A_404 = arith.index_cast %mul3A_403 : i32 to index
          %get3A_405 = tpu.vector_load %arg19[%get3A_404] {strides = array<i32>} : memref<8192xf32, #tpu.memory_space<vmem>>, vector<16xf32>,
          %le3A = vector.broadcast %cond3A_382#1 : f32 to vector<16xf32>
          %le3A_406 = arith.cmpf ole, %get3A_401, %le3A : vector<16xf32>
          %le3A_407 = vector.broadcast %cond3A_389#1 : f32 to vector<16xf32>
          %le3A_408 = arith.cmpf ole, %get3A_405, %le3A_407 : vector<16xf32>
          %all_reduce_population_count3A = tpu.all_reduce %le3A_406 {dim = 0 : i64, kind = #tpu.reduction_kind<sum>} : vector<16xi1> -> vector<16xi32>
          %slice3A = vector.extract_strided_slice %all_reduce_population_count3A {offsets = [0], sizes = [1], strides = [1]} : vector<16xi32> to vector<1xi32>
          %squeeze3A = vector.extract %slice3A[0] : i32 from vector<1xi32>
          %all_reduce_population_count3A_409 = tpu.all_reduce %le3A_408 {dim = 0 : i64, kind = #tpu.reduction_kind<sum>} : vector<16xi1> -> vector<16xi32>
          %slice3A_410 = vector.extract_strided_slice %all_reduce_population_count3A_409 {offsets = [0], sizes = [1], strides = [1]} : vector<16xi32> to vector<1xi32>
          %squeeze3A_411 = vector.extract %slice3A_410[0] : i32 from vector<1xi32>
          %swap3A_412 = arith.index_cast %cond3A_382#0 : i32 to index
          %swap3A_413 = tpu.vector_load %arg14[%swap3A_412] masked %le3A_406 {strides = array<i32>} : memref<512xf32, #tpu.memory_space<vmem>>, vector<16xf32>, vector<16xi1>
          tpu.vector_store %arg14[%swap3A_412], %get3A_401 masked %le3A_406 {strides = array<i32>} : memref<512xf32, #tpu.memory_space<vmem>>, vector<16xf32>, vector<16xi1>
          %swap3A_414 = arith.index_cast %cond3A_382#0 : i32 to index
          %swap3A_415 = tpu.vector_load %arg15[%swap3A_414] masked %le3A_406 {strides = array<i32>} : memref<512xi32, #tpu.memory_space<vmem>>, vector<16xi32>, vector<16xi1>
          tpu.vector_store %arg15[%swap3A_414], %add3A_397 masked %le3A_406 {strides = array<i32>} : memref<512xi32, #tpu.memory_space<vmem>>, vector<16xi32>, vector<16xi1>
          %swap3A_416 = arith.index_cast %cond3A_389#0 : i32 to index
          %swap3A_417 = tpu.vector_load %arg17[%swap3A_416] masked %le3A_408 {strides = array<i32>} : memref<512xf32, #tpu.memory_space<vmem>>, vector<16xf32>, vector<16xi1>
          tpu.vector_store %arg17[%swap3A_416], %get3A_405 masked %le3A_408 {strides = array<i32>} : memref<512xf32, #tpu.memory_space<vmem>>, vector<16xf32>, vector<16xi1>
          %swap3A_418 = arith.index_cast %cond3A_389#0 : i32 to index
          %swap3A_419 = tpu.vector_load %arg18[%swap3A_418] masked %le3A_408 {strides = array<i32>} : memref<512xi32, #tpu.memory_space<vmem>>, vector<16xi32>, vector<16xi1>
          tpu.vector_store %arg18[%swap3A_418], %add3A_397 masked %le3A_408 {strides = array<i32>} : memref<512xi32, #tpu.memory_space<vmem>>, vector<16xi32>, vector<16xi1>
          %add3A_420 = arith.addi %cond3A_382#0, %squeeze3A : i32
          %add3A_421 = arith.addi %cond3A_389#0, %squeeze3A_411 : i32
          %mul3A_422 = arith.constant 8 : i32
          %mul3A_423 = arith.muli %scan3A_374, %mul3A_422 : i32
          %add3A_424 = arith.constant 1 : i32
          %add3A_425 = arith.addi %mul3A_423, %add3A_424 : i32
          %mul3A_426 = arith.constant 16 : i32
          %mul3A_427 = arith.muli %add3A_425, %mul3A_426 : i32
          %add3A_428 = vector.broadcast %mul3A_427 : i32 to vector<16xi32>
          %add3A_429 = arith.addi %iota3A, %add3A_428 : vector<16xi32>
          %mul3A_430 = arith.constant 16 : i32
          %mul3A_431 = arith.muli %add3A_425, %mul3A_430 : i32
          %get3A_432 = arith.index_cast %mul3A_431 : i32 to index
          %get3A_433 = tpu.vector_load %arg16[%get3A_432] {strides = array<i32>} : memref<8192xf32, #tpu.memory_space<vmem>>, vector<16xf32>,
          %mul3A_434 = arith.constant 16 : i32
          %mul3A_435 = arith.muli %add3A_425, %mul3A_434 : i32
          %get3A_436 = arith.index_cast %mul3A_435 : i32 to index
          %get3A_437 = tpu.vector_load %arg19[%get3A_436] {strides = array<i32>} : memref<8192xf32, #tpu.memory_space<vmem>>, vector<16xf32>,
          %le3A_438 = vector.broadcast %cond3A_382#1 : f32 to vector<16xf32>
          %le3A_439 = arith.cmpf ole, %get3A_433, %le3A_438 : vector<16xf32>
          %le3A_440 = vector.broadcast %cond3A_389#1 : f32 to vector<16xf32>
          %le3A_441 = arith.cmpf ole, %get3A_437, %le3A_440 : vector<16xf32>
          %all_reduce_population_count3A_442 = tpu.all_reduce %le3A_439 {dim = 0 : i64, kind = #tpu.reduction_kind<sum>} : vector<16xi1> -> vector<16xi32>
          %slice3A_443 = vector.extract_strided_slice %all_reduce_population_count3A_442 {offsets = [0], sizes = [1], strides = [1]} : vector<16xi32> to vector<1xi32>
          %squeeze3A_444 = vector.extract %slice3A_443[0] : i32 from vector<1xi32>
          %all_reduce_population_count3A_445 = tpu.all_reduce %le3A_441 {dim = 0 : i64, kind = #tpu.reduction_kind<sum>} : vector<16xi1> -> vector<16xi32>
          %slice3A_446 = vector.extract_strided_slice %all_reduce_population_count3A_445 {offsets = [0], sizes = [1], strides = [1]} : vector<16xi32> to vector<1xi32>
          %squeeze3A_447 = vector.extract %slice3A_446[0] : i32 from vector<1xi32>
          %swap3A_448 = arith.index_cast %add3A_420 : i32 to index
          %swap3A_449 = tpu.vector_load %arg14[%swap3A_448] masked %le3A_439 {strides = array<i32>} : memref<512xf32, #tpu.memory_space<vmem>>, vector<16xf32>, vector<16xi1>
          tpu.vector_store %arg14[%swap3A_448], %get3A_433 masked %le3A_439 {strides = array<i32>} : memref<512xf32, #tpu.memory_space<vmem>>, vector<16xf32>, vector<16xi1>
          %swap3A_450 = arith.index_cast %add3A_420 : i32 to index
          %swap3A_451 = tpu.vector_load %arg15[%swap3A_450] masked %le3A_439 {strides = array<i32>} : memref<512xi32, #tpu.memory_space<vmem>>, vector<16xi32>, vector<16xi1>
          tpu.vector_store %arg15[%swap3A_450], %add3A_429 masked %le3A_439 {strides = array<i32>} : memref<512xi32, #tpu.memory_space<vmem>>, vector<16xi32>, vector<16xi1>
          %swap3A_452 = arith.index_cast %add3A_421 : i32 to index
          %swap3A_453 = tpu.vector_load %arg17[%swap3A_452] masked %le3A_441 {strides = array<i32>} : memref<512xf32, #tpu.memory_space<vmem>>, vector<16xf32>, vector<16xi1>
          tpu.vector_store %arg17[%swap3A_452], %get3A_437 masked %le3A_441 {strides = array<i32>} : memref<512xf32, #tpu.memory_space<vmem>>, vector<16xf32>, vector<16xi1>
          %swap3A_454 = arith.index_cast %add3A_421 : i32 to index
          %swap3A_455 = tpu.vector_load %arg18[%swap3A_454] masked %le3A_441 {strides = array<i32>} : memref<512xi32, #tpu.memory_space<vmem>>, vector<16xi32>, vector<16xi1>
          tpu.vector_store %arg18[%swap3A_454], %add3A_429 masked %le3A_441 {strides = array<i32>} : memref<512xi32, #tpu.memory_space<vmem>>, vector<16xi32>, vector<16xi1>
          %add3A_456 = arith.addi %add3A_420, %squeeze3A_444 : i32
          %add3A_457 = arith.addi %add3A_421, %squeeze3A_447 : i32
          %mul3A_458 = arith.constant 8 : i32
          %mul3A_459 = arith.muli %scan3A_374, %mul3A_458 : i32
          %add3A_460 = arith.constant 2 : i32
          %add3A_461 = arith.addi %mul3A_459, %add3A_460 : i32
          %mul3A_462 = arith.constant 16 : i32
          %mul3A_463 = arith.muli %add3A_461, %mul3A_462 : i32
          %add3A_464 = vector.broadcast %mul3A_463 : i32 to vector<16xi32>
          %add3A_465 = arith.addi %iota3A, %add3A_464 : vector<16xi32>
          %mul3A_466 = arith.constant 16 : i32
          %mul3A_467 = arith.muli %add3A_461, %mul3A_466 : i32
          %get3A_468 = arith.index_cast %mul3A_467 : i32 to index
          %get3A_469 = tpu.vector_load %arg16[%get3A_468] {strides = array<i32>} : memref<8192xf32, #tpu.memory_space<vmem>>, vector<16xf32>,
          %mul3A_470 = arith.constant 16 : i32
          %mul3A_471 = arith.muli %add3A_461, %mul3A_470 : i32
          %get3A_472 = arith.index_cast %mul3A_471 : i32 to index
          %get3A_473 = tpu.vector_load %arg19[%get3A_472] {strides = array<i32>} : memref<8192xf32, #tpu.memory_space<vmem>>, vector<16xf32>,
          %le3A_474 = vector.broadcast %cond3A_382#1 : f32 to vector<16xf32>
          %le3A_475 = arith.cmpf ole, %get3A_469, %le3A_474 : vector<16xf32>
          %le3A_476 = vector.broadcast %cond3A_389#1 : f32 to vector<16xf32>
          %le3A_477 = arith.cmpf ole, %get3A_473, %le3A_476 : vector<16xf32>
          %all_reduce_population_count3A_478 = tpu.all_reduce %le3A_475 {dim = 0 : i64, kind = #tpu.reduction_kind<sum>} : vector<16xi1> -> vector<16xi32>
          %slice3A_479 = vector.extract_strided_slice %all_reduce_population_count3A_478 {offsets = [0], sizes = [1], strides = [1]} : vector<16xi32> to vector<1xi32>
          %squeeze3A_480 = vector.extract %slice3A_479[0] : i32 from vector<1xi32>
          %all_reduce_population_count3A_481 = tpu.all_reduce %le3A_477 {dim = 0 : i64, kind = #tpu.reduction_kind<sum>} : vector<16xi1> -> vector<16xi32>
          %slice3A_482 = vector.extract_strided_slice %all_reduce_population_count3A_481 {offsets = [0], sizes = [1], strides = [1]} : vector<16xi32> to vector<1xi32>
          %squeeze3A_483 = vector.extract %slice3A_482[0] : i32 from vector<1xi32>
          %swap3A_484 = arith.index_cast %add3A_456 : i32 to index
          %swap3A_485 = tpu.vector_load %arg14[%swap3A_484] masked %le3A_475 {strides = array<i32>} : memref<512xf32, #tpu.memory_space<vmem>>, vector<16xf32>, vector<16xi1>
          tpu.vector_store %arg14[%swap3A_484], %get3A_469 masked %le3A_475 {strides = array<i32>} : memref<512xf32, #tpu.memory_space<vmem>>, vector<16xf32>, vector<16xi1>
          %swap3A_486 = arith.index_cast %add3A_456 : i32 to index
          %swap3A_487 = tpu.vector_load %arg15[%swap3A_486] masked %le3A_475 {strides = array<i32>} : memref<512xi32, #tpu.memory_space<vmem>>, vector<16xi32>, vector<16xi1>
          tpu.vector_store %arg15[%swap3A_486], %add3A_465 masked %le3A_475 {strides = array<i32>} : memref<512xi32, #tpu.memory_space<vmem>>, vector<16xi32>, vector<16xi1>
          %swap3A_488 = arith.index_cast %add3A_457 : i32 to index
          %swap3A_489 = tpu.vector_load %arg17[%swap3A_488] masked %le3A_477 {strides = array<i32>} : memref<512xf32, #tpu.memory_space<vmem>>, vector<16xf32>, vector<16xi1>
          tpu.vector_store %arg17[%swap3A_488], %get3A_473 masked %le3A_477 {strides = array<i32>} : memref<512xf32, #tpu.memory_space<vmem>>, vector<16xf32>, vector<16xi1>
          %swap3A_490 = arith.index_cast %add3A_457 : i32 to index
          %swap3A_491 = tpu.vector_load %arg18[%swap3A_490] masked %le3A_477 {strides = array<i32>} : memref<512xi32, #tpu.memory_space<vmem>>, vector<16xi32>, vector<16xi1>
          tpu.vector_store %arg18[%swap3A_490], %add3A_465 masked %le3A_477 {strides = array<i32>} : memref<512xi32, #tpu.memory_space<vmem>>, vector<16xi32>, vector<16xi1>
          %add3A_492 = arith.addi %add3A_456, %squeeze3A_480 : i32
          %add3A_493 = arith.addi %add3A_457, %squeeze3A_483 : i32
          %mul3A_494 = arith.constant 8 : i32
          %mul3A_495 = arith.muli %scan3A_374, %mul3A_494 : i32
          %add3A_496 = arith.constant 3 : i32
          %add3A_497 = arith.addi %mul3A_495, %add3A_496 : i32
          %mul3A_498 = arith.constant 16 : i32
          %mul3A_499 = arith.muli %add3A_497, %mul3A_498 : i32
          %add3A_500 = vector.broadcast %mul3A_499 : i32 to vector<16xi32>
          %add3A_501 = arith.addi %iota3A, %add3A_500 : vector<16xi32>
          %mul3A_502 = arith.constant 16 : i32
          %mul3A_503 = arith.muli %add3A_497, %mul3A_502 : i32
          %get3A_504 = arith.index_cast %mul3A_503 : i32 to index
          %get3A_505 = tpu.vector_load %arg16[%get3A_504] {strides = array<i32>} : memref<8192xf32, #tpu.memory_space<vmem>>, vector<16xf32>,
          %mul3A_506 = arith.constant 16 : i32
          %mul3A_507 = arith.muli %add3A_497, %mul3A_506 : i32
          %get3A_508 = arith.index_cast %mul3A_507 : i32 to index
          %get3A_509 = tpu.vector_load %arg19[%get3A_508] {strides = array<i32>} : memref<8192xf32, #tpu.memory_space<vmem>>, vector<16xf32>,
          %le3A_510 = vector.broadcast %cond3A_382#1 : f32 to vector<16xf32>
          %le3A_511 = arith.cmpf ole, %get3A_505, %le3A_510 : vector<16xf32>
          %le3A_512 = vector.broadcast %cond3A_389#1 : f32 to vector<16xf32>
          %le3A_513 = arith.cmpf ole, %get3A_509, %le3A_512 : vector<16xf32>
          %all_reduce_population_count3A_514 = tpu.all_reduce %le3A_511 {dim = 0 : i64, kind = #tpu.reduction_kind<sum>} : vector<16xi1> -> vector<16xi32>
          %slice3A_515 = vector.extract_strided_slice %all_reduce_population_count3A_514 {offsets = [0], sizes = [1], strides = [1]} : vector<16xi32> to vector<1xi32>
          %squeeze3A_516 = vector.extract %slice3A_515[0] : i32 from vector<1xi32>
          %all_reduce_population_count3A_517 = tpu.all_reduce %le3A_513 {dim = 0 : i64, kind = #tpu.reduction_kind<sum>} : vector<16xi1> -> vector<16xi32>
          %slice3A_518 = vector.extract_strided_slice %all_reduce_population_count3A_517 {offsets = [0], sizes = [1], strides = [1]} : vector<16xi32> to vector<1xi32>
          %squeeze3A_519 = vector.extract %slice3A_518[0] : i32 from vector<1xi32>
          %swap3A_520 = arith.index_cast %add3A_492 : i32 to index
          %swap3A_521 = tpu.vector_load %arg14[%swap3A_520] masked %le3A_511 {strides = array<i32>} : memref<512xf32, #tpu.memory_space<vmem>>, vector<16xf32>, vector<16xi1>
          tpu.vector_store %arg14[%swap3A_520], %get3A_505 masked %le3A_511 {strides = array<i32>} : memref<512xf32, #tpu.memory_space<vmem>>, vector<16xf32>, vector<16xi1>
          %swap3A_522 = arith.index_cast %add3A_492 : i32 to index
          %swap3A_523 = tpu.vector_load %arg15[%swap3A_522] masked %le3A_511 {strides = array<i32>} : memref<512xi32, #tpu.memory_space<vmem>>, vector<16xi32>, vector<16xi1>
          tpu.vector_store %arg15[%swap3A_522], %add3A_501 masked %le3A_511 {strides = array<i32>} : memref<512xi32, #tpu.memory_space<vmem>>, vector<16xi32>, vector<16xi1>
          %swap3A_524 = arith.index_cast %add3A_493 : i32 to index
          %swap3A_525 = tpu.vector_load %arg17[%swap3A_524] masked %le3A_513 {strides = array<i32>} : memref<512xf32, #tpu.memory_space<vmem>>, vector<16xf32>, vector<16xi1>
          tpu.vector_store %arg17[%swap3A_524], %get3A_509 masked %le3A_513 {strides = array<i32>} : memref<512xf32, #tpu.memory_space<vmem>>, vector<16xf32>, vector<16xi1>
          %swap3A_526 = arith.index_cast %add3A_493 : i32 to index
          %swap3A_527 = tpu.vector_load %arg18[%swap3A_526] masked %le3A_513 {strides = array<i32>} : memref<512xi32, #tpu.memory_space<vmem>>, vector<16xi32>, vector<16xi1>
          tpu.vector_store %arg18[%swap3A_526], %add3A_501 masked %le3A_513 {strides = array<i32>} : memref<512xi32, #tpu.memory_space<vmem>>, vector<16xi32>, vector<16xi1>
          %add3A_528 = arith.addi %add3A_492, %squeeze3A_516 : i32
          %add3A_529 = arith.addi %add3A_493, %squeeze3A_519 : i32
          %mul3A_530 = arith.constant 8 : i32
          %mul3A_531 = arith.muli %scan3A_374, %mul3A_530 : i32
          %add3A_532 = arith.constant 4 : i32
          %add3A_533 = arith.addi %mul3A_531, %add3A_532 : i32
          %mul3A_534 = arith.constant 16 : i32
          %mul3A_535 = arith.muli %add3A_533, %mul3A_534 : i32
          %add3A_536 = vector.broadcast %mul3A_535 : i32 to vector<16xi32>
          %add3A_537 = arith.addi %iota3A, %add3A_536 : vector<16xi32>
          %mul3A_538 = arith.constant 16 : i32
          %mul3A_539 = arith.muli %add3A_533, %mul3A_538 : i32
          %get3A_540 = arith.index_cast %mul3A_539 : i32 to index
          %get3A_541 = tpu.vector_load %arg16[%get3A_540] {strides = array<i32>} : memref<8192xf32, #tpu.memory_space<vmem>>, vector<16xf32>,
          %mul3A_542 = arith.constant 16 : i32
          %mul3A_543 = arith.muli %add3A_533, %mul3A_542 : i32
          %get3A_544 = arith.index_cast %mul3A_543 : i32 to index
          %get3A_545 = tpu.vector_load %arg19[%get3A_544] {strides = array<i32>} : memref<8192xf32, #tpu.memory_space<vmem>>, vector<16xf32>,
          %le3A_546 = vector.broadcast %cond3A_382#1 : f32 to vector<16xf32>
          %le3A_547 = arith.cmpf ole, %get3A_541, %le3A_546 : vector<16xf32>
          %le3A_548 = vector.broadcast %cond3A_389#1 : f32 to vector<16xf32>
          %le3A_549 = arith.cmpf ole, %get3A_545, %le3A_548 : vector<16xf32>
          %all_reduce_population_count3A_550 = tpu.all_reduce %le3A_547 {dim = 0 : i64, kind = #tpu.reduction_kind<sum>} : vector<16xi1> -> vector<16xi32>
          %slice3A_551 = vector.extract_strided_slice %all_reduce_population_count3A_550 {offsets = [0], sizes = [1], strides = [1]} : vector<16xi32> to vector<1xi32>
          %squeeze3A_552 = vector.extract %slice3A_551[0] : i32 from vector<1xi32>
          %all_reduce_population_count3A_553 = tpu.all_reduce %le3A_549 {dim = 0 : i64, kind = #tpu.reduction_kind<sum>} : vector<16xi1> -> vector<16xi32>
          %slice3A_554 = vector.extract_strided_slice %all_reduce_population_count3A_553 {offsets = [0], sizes = [1], strides = [1]} : vector<16xi32> to vector<1xi32>
          %squeeze3A_555 = vector.extract %slice3A_554[0] : i32 from vector<1xi32>
          %swap3A_556 = arith.index_cast %add3A_528 : i32 to index
          %swap3A_557 = tpu.vector_load %arg14[%swap3A_556] masked %le3A_547 {strides = array<i32>} : memref<512xf32, #tpu.memory_space<vmem>>, vector<16xf32>, vector<16xi1>
          tpu.vector_store %arg14[%swap3A_556], %get3A_541 masked %le3A_547 {strides = array<i32>} : memref<512xf32, #tpu.memory_space<vmem>>, vector<16xf32>, vector<16xi1>
          %swap3A_558 = arith.index_cast %add3A_528 : i32 to index
          %swap3A_559 = tpu.vector_load %arg15[%swap3A_558] masked %le3A_547 {strides = array<i32>} : memref<512xi32, #tpu.memory_space<vmem>>, vector<16xi32>, vector<16xi1>
          tpu.vector_store %arg15[%swap3A_558], %add3A_537 masked %le3A_547 {strides = array<i32>} : memref<512xi32, #tpu.memory_space<vmem>>, vector<16xi32>, vector<16xi1>
          %swap3A_560 = arith.index_cast %add3A_529 : i32 to index
          %swap3A_561 = tpu.vector_load %arg17[%swap3A_560] masked %le3A_549 {strides = array<i32>} : memref<512xf32, #tpu.memory_space<vmem>>, vector<16xf32>, vector<16xi1>
          tpu.vector_store %arg17[%swap3A_560], %get3A_545 masked %le3A_549 {strides = array<i32>} : memref<512xf32, #tpu.memory_space<vmem>>, vector<16xf32>, vector<16xi1>
          %swap3A_562 = arith.index_cast %add3A_529 : i32 to index
          %swap3A_563 = tpu.vector_load %arg18[%swap3A_562] masked %le3A_549 {strides = array<i32>} : memref<512xi32, #tpu.memory_space<vmem>>, vector<16xi32>, vector<16xi1>
          tpu.vector_store %arg18[%swap3A_562], %add3A_537 masked %le3A_549 {strides = array<i32>} : memref<512xi32, #tpu.memory_space<vmem>>, vector<16xi32>, vector<16xi1>
          %add3A_564 = arith.addi %add3A_528, %squeeze3A_552 : i32
          %add3A_565 = arith.addi %add3A_529, %squeeze3A_555 : i32
          %mul3A_566 = arith.constant 8 : i32
          %mul3A_567 = arith.muli %scan3A_374, %mul3A_566 : i32
          %add3A_568 = arith.constant 5 : i32
          %add3A_569 = arith.addi %mul3A_567, %add3A_568 : i32
          %mul3A_570 = arith.constant 16 : i32
          %mul3A_571 = arith.muli %add3A_569, %mul3A_570 : i32
          %add3A_572 = vector.broadcast %mul3A_571 : i32 to vector<16xi32>
          %add3A_573 = arith.addi %iota3A, %add3A_572 : vector<16xi32>
          %mul3A_574 = arith.constant 16 : i32
          %mul3A_575 = arith.muli %add3A_569, %mul3A_574 : i32
          %get3A_576 = arith.index_cast %mul3A_575 : i32 to index
          %get3A_577 = tpu.vector_load %arg16[%get3A_576] {strides = array<i32>} : memref<8192xf32, #tpu.memory_space<vmem>>, vector<16xf32>,
          %mul3A_578 = arith.constant 16 : i32
          %mul3A_579 = arith.muli %add3A_569, %mul3A_578 : i32
          %get3A_580 = arith.index_cast %mul3A_579 : i32 to index
          %get3A_581 = tpu.vector_load %arg19[%get3A_580] {strides = array<i32>} : memref<8192xf32, #tpu.memory_space<vmem>>, vector<16xf32>,
          %le3A_582 = vector.broadcast %cond3A_382#1 : f32 to vector<16xf32>
          %le3A_583 = arith.cmpf ole, %get3A_577, %le3A_582 : vector<16xf32>
          %le3A_584 = vector.broadcast %cond3A_389#1 : f32 to vector<16xf32>
          %le3A_585 = arith.cmpf ole, %get3A_581, %le3A_584 : vector<16xf32>
          %all_reduce_population_count3A_586 = tpu.all_reduce %le3A_583 {dim = 0 : i64, kind = #tpu.reduction_kind<sum>} : vector<16xi1> -> vector<16xi32>
          %slice3A_587 = vector.extract_strided_slice %all_reduce_population_count3A_586 {offsets = [0], sizes = [1], strides = [1]} : vector<16xi32> to vector<1xi32>
          %squeeze3A_588 = vector.extract %slice3A_587[0] : i32 from vector<1xi32>
          %all_reduce_population_count3A_589 = tpu.all_reduce %le3A_585 {dim = 0 : i64, kind = #tpu.reduction_kind<sum>} : vector<16xi1> -> vector<16xi32>
          %slice3A_590 = vector.extract_strided_slice %all_reduce_population_count3A_589 {offsets = [0], sizes = [1], strides = [1]} : vector<16xi32> to vector<1xi32>
          %squeeze3A_591 = vector.extract %slice3A_590[0] : i32 from vector<1xi32>
          %swap3A_592 = arith.index_cast %add3A_564 : i32 to index
          %swap3A_593 = tpu.vector_load %arg14[%swap3A_592] masked %le3A_583 {strides = array<i32>} : memref<512xf32, #tpu.memory_space<vmem>>, vector<16xf32>, vector<16xi1>
          tpu.vector_store %arg14[%swap3A_592], %get3A_577 masked %le3A_583 {strides = array<i32>} : memref<512xf32, #tpu.memory_space<vmem>>, vector<16xf32>, vector<16xi1>
          %swap3A_594 = arith.index_cast %add3A_564 : i32 to index
          %swap3A_595 = tpu.vector_load %arg15[%swap3A_594] masked %le3A_583 {strides = array<i32>} : memref<512xi32, #tpu.memory_space<vmem>>, vector<16xi32>, vector<16xi1>
          tpu.vector_store %arg15[%swap3A_594], %add3A_573 masked %le3A_583 {strides = array<i32>} : memref<512xi32, #tpu.memory_space<vmem>>, vector<16xi32>, vector<16xi1>
          %swap3A_596 = arith.index_cast %add3A_565 : i32 to index
          %swap3A_597 = tpu.vector_load %arg17[%swap3A_596] masked %le3A_585 {strides = array<i32>} : memref<512xf32, #tpu.memory_space<vmem>>, vector<16xf32>, vector<16xi1>
          tpu.vector_store %arg17[%swap3A_596], %get3A_581 masked %le3A_585 {strides = array<i32>} : memref<512xf32, #tpu.memory_space<vmem>>, vector<16xf32>, vector<16xi1>
          %swap3A_598 = arith.index_cast %add3A_565 : i32 to index
          %swap3A_599 = tpu.vector_load %arg18[%swap3A_598] masked %le3A_585 {strides = array<i32>} : memref<512xi32, #tpu.memory_space<vmem>>, vector<16xi32>, vector<16xi1>
          tpu.vector_store %arg18[%swap3A_598], %add3A_573 masked %le3A_585 {strides = array<i32>} : memref<512xi32, #tpu.memory_space<vmem>>, vector<16xi32>, vector<16xi1>
          %add3A_600 = arith.addi %add3A_564, %squeeze3A_588 : i32
          %add3A_601 = arith.addi %add3A_565, %squeeze3A_591 : i32
          %mul3A_602 = arith.constant 8 : i32
          %mul3A_603 = arith.muli %scan3A_374, %mul3A_602 : i32
          %add3A_604 = arith.constant 6 : i32
          %add3A_605 = arith.addi %mul3A_603, %add3A_604 : i32
          %mul3A_606 = arith.constant 16 : i32
          %mul3A_607 = arith.muli %add3A_605, %mul3A_606 : i32
          %add3A_608 = vector.broadcast %mul3A_607 : i32 to vector<16xi32>
          %add3A_609 = arith.addi %iota3A, %add3A_608 : vector<16xi32>
          %mul3A_610 = arith.constant 16 : i32
          %mul3A_611 = arith.muli %add3A_605, %mul3A_610 : i32
          %get3A_612 = arith.index_cast %mul3A_611 : i32 to index
          %get3A_613 = tpu.vector_load %arg16[%get3A_612] {strides = array<i32>} : memref<8192xf32, #tpu.memory_space<vmem>>, vector<16xf32>,
          %mul3A_614 = arith.constant 16 : i32
          %mul3A_615 = arith.muli %add3A_605, %mul3A_614 : i32
          %get3A_616 = arith.index_cast %mul3A_615 : i32 to index
          %get3A_617 = tpu.vector_load %arg19[%get3A_616] {strides = array<i32>} : memref<8192xf32, #tpu.memory_space<vmem>>, vector<16xf32>,
          %le3A_618 = vector.broadcast %cond3A_382#1 : f32 to vector<16xf32>
          %le3A_619 = arith.cmpf ole, %get3A_613, %le3A_618 : vector<16xf32>
          %le3A_620 = vector.broadcast %cond3A_389#1 : f32 to vector<16xf32>
          %le3A_621 = arith.cmpf ole, %get3A_617, %le3A_620 : vector<16xf32>
          %all_reduce_population_count3A_622 = tpu.all_reduce %le3A_619 {dim = 0 : i64, kind = #tpu.reduction_kind<sum>} : vector<16xi1> -> vector<16xi32>
          %slice3A_623 = vector.extract_strided_slice %all_reduce_population_count3A_622 {offsets = [0], sizes = [1], strides = [1]} : vector<16xi32> to vector<1xi32>
          %squeeze3A_624 = vector.extract %slice3A_623[0] : i32 from vector<1xi32>
          %all_reduce_population_count3A_625 = tpu.all_reduce %le3A_621 {dim = 0 : i64, kind = #tpu.reduction_kind<sum>} : vector<16xi1> -> vector<16xi32>
          %slice3A_626 = vector.extract_strided_slice %all_reduce_population_count3A_625 {offsets = [0], sizes = [1], strides = [1]} : vector<16xi32> to vector<1xi32>
          %squeeze3A_627 = vector.extract %slice3A_626[0] : i32 from vector<1xi32>
          %swap3A_628 = arith.index_cast %add3A_600 : i32 to index
          %swap3A_629 = tpu.vector_load %arg14[%swap3A_628] masked %le3A_619 {strides = array<i32>} : memref<512xf32, #tpu.memory_space<vmem>>, vector<16xf32>, vector<16xi1>
          tpu.vector_store %arg14[%swap3A_628], %get3A_613 masked %le3A_619 {strides = array<i32>} : memref<512xf32, #tpu.memory_space<vmem>>, vector<16xf32>, vector<16xi1>
          %swap3A_630 = arith.index_cast %add3A_600 : i32 to index
          %swap3A_631 = tpu.vector_load %arg15[%swap3A_630] masked %le3A_619 {strides = array<i32>} : memref<512xi32, #tpu.memory_space<vmem>>, vector<16xi32>, vector<16xi1>
          tpu.vector_store %arg15[%swap3A_630], %add3A_609 masked %le3A_619 {strides = array<i32>} : memref<512xi32, #tpu.memory_space<vmem>>, vector<16xi32>, vector<16xi1>
          %swap3A_632 = arith.index_cast %add3A_601 : i32 to index
          %swap3A_633 = tpu.vector_load %arg17[%swap3A_632] masked %le3A_621 {strides = array<i32>} : memref<512xf32, #tpu.memory_space<vmem>>, vector<16xf32>, vector<16xi1>
          tpu.vector_store %arg17[%swap3A_632], %get3A_617 masked %le3A_621 {strides = array<i32>} : memref<512xf32, #tpu.memory_space<vmem>>, vector<16xf32>, vector<16xi1>
          %swap3A_634 = arith.index_cast %add3A_601 : i32 to index
          %swap3A_635 = tpu.vector_load %arg18[%swap3A_634] masked %le3A_621 {strides = array<i32>} : memref<512xi32, #tpu.memory_space<vmem>>, vector<16xi32>, vector<16xi1>
          tpu.vector_store %arg18[%swap3A_634], %add3A_609 masked %le3A_621 {strides = array<i32>} : memref<512xi32, #tpu.memory_space<vmem>>, vector<16xi32>, vector<16xi1>
          %add3A_636 = arith.addi %add3A_600, %squeeze3A_624 : i32
          %add3A_637 = arith.addi %add3A_601, %squeeze3A_627 : i32
          %mul3A_638 = arith.constant 8 : i32
          %mul3A_639 = arith.muli %scan3A_374, %mul3A_638 : i32
          %add3A_640 = arith.constant 7 : i32
          %add3A_641 = arith.addi %mul3A_639, %add3A_640 : i32
          %mul3A_642 = arith.constant 16 : i32
          %mul3A_643 = arith.muli %add3A_641, %mul3A_642 : i32
          %add3A_644 = vector.broadcast %mul3A_643 : i32 to vector<16xi32>
          %add3A_645 = arith.addi %iota3A, %add3A_644 : vector<16xi32>
          %mul3A_646 = arith.constant 16 : i32
          %mul3A_647 = arith.muli %add3A_641, %mul3A_646 : i32
          %get3A_648 = arith.index_cast %mul3A_647 : i32 to index
          %get3A_649 = tpu.vector_load %arg16[%get3A_648] {strides = array<i32>} : memref<8192xf32, #tpu.memory_space<vmem>>, vector<16xf32>,
          %mul3A_650 = arith.constant 16 : i32
          %mul3A_651 = arith.muli %add3A_641, %mul3A_650 : i32
          %get3A_652 = arith.index_cast %mul3A_651 : i32 to index
          %get3A_653 = tpu.vector_load %arg19[%get3A_652] {strides = array<i32>} : memref<8192xf32, #tpu.memory_space<vmem>>, vector<16xf32>,
          %le3A_654 = vector.broadcast %cond3A_382#1 : f32 to vector<16xf32>
          %le3A_655 = arith.cmpf ole, %get3A_649, %le3A_654 : vector<16xf32>
          %le3A_656 = vector.broadcast %cond3A_389#1 : f32 to vector<16xf32>
          %le3A_657 = arith.cmpf ole, %get3A_653, %le3A_656 : vector<16xf32>
          %all_reduce_population_count3A_658 = tpu.all_reduce %le3A_655 {dim = 0 : i64, kind = #tpu.reduction_kind<sum>} : vector<16xi1> -> vector<16xi32>
          %slice3A_659 = vector.extract_strided_slice %all_reduce_population_count3A_658 {offsets = [0], sizes = [1], strides = [1]} : vector<16xi32> to vector<1xi32>
          %squeeze3A_660 = vector.extract %slice3A_659[0] : i32 from vector<1xi32>
          %all_reduce_population_count3A_661 = tpu.all_reduce %le3A_657 {dim = 0 : i64, kind = #tpu.reduction_kind<sum>} : vector<16xi1> -> vector<16xi32>
          %slice3A_662 = vector.extract_strided_slice %all_reduce_population_count3A_661 {offsets = [0], sizes = [1], strides = [1]} : vector<16xi32> to vector<1xi32>
          %squeeze3A_663 = vector.extract %slice3A_662[0] : i32 from vector<1xi32>
          %swap3A_664 = arith.index_cast %add3A_636 : i32 to index
          %swap3A_665 = tpu.vector_load %arg14[%swap3A_664] masked %le3A_655 {strides = array<i32>} : memref<512xf32, #tpu.memory_space<vmem>>, vector<16xf32>, vector<16xi1>
          tpu.vector_store %arg14[%swap3A_664], %get3A_649 masked %le3A_655 {strides = array<i32>} : memref<512xf32, #tpu.memory_space<vmem>>, vector<16xf32>, vector<16xi1>
          %swap3A_666 = arith.index_cast %add3A_636 : i32 to index
          %swap3A_667 = tpu.vector_load %arg15[%swap3A_666] masked %le3A_655 {strides = array<i32>} : memref<512xi32, #tpu.memory_space<vmem>>, vector<16xi32>, vector<16xi1>
          tpu.vector_store %arg15[%swap3A_666], %add3A_645 masked %le3A_655 {strides = array<i32>} : memref<512xi32, #tpu.memory_space<vmem>>, vector<16xi32>, vector<16xi1>
          %swap3A_668 = arith.index_cast %add3A_637 : i32 to index
          %swap3A_669 = tpu.vector_load %arg17[%swap3A_668] masked %le3A_657 {strides = array<i32>} : memref<512xf32, #tpu.memory_space<vmem>>, vector<16xf32>, vector<16xi1>
          tpu.vector_store %arg17[%swap3A_668], %get3A_653 masked %le3A_657 {strides = array<i32>} : memref<512xf32, #tpu.memory_space<vmem>>, vector<16xf32>, vector<16xi1>
          %swap3A_670 = arith.index_cast %add3A_637 : i32 to index
          %swap3A_671 = tpu.vector_load %arg18[%swap3A_670] masked %le3A_657 {strides = array<i32>} : memref<512xi32, #tpu.memory_space<vmem>>, vector<16xi32>, vector<16xi1>
          tpu.vector_store %arg18[%swap3A_670], %add3A_645 masked %le3A_657 {strides = array<i32>} : memref<512xi32, #tpu.memory_space<vmem>>, vector<16xi32>, vector<16xi1>
          %add3A_672 = arith.addi %add3A_636, %squeeze3A_660 : i32
          %add3A_673 = arith.addi %add3A_637, %squeeze3A_663 : i32
          scf.yield %add3A_672, %cond3A_382#1, %add3A_673, %cond3A_389#1 : i32, f32, i32, f32
        }
        %scan3A_190 = arith.constant 64 : i32
        %add3A_191 = arith.constant 16 : i32
        %add3A_192 = arith.addi %scan3A_189#0, %add3A_191 : i32
        %sub3A_193 = arith.constant 1 : i32
        %sub3A_194 = arith.subi %add3A_192, %sub3A_193 : i32
        %jit3A_195 = arith.constant 16 : i32
        %div3A_196 = arith.divsi %sub3A_194, %jit3A_195 : i32
        %sign3A_197 = arith.constant 0 : i32
        %sign3A_198 = arith.cmpi sgt, %sub3A_194, %sign3A_197 : i32
        %sign3A_199 = arith.extui %sign3A_198 : i1 to i32
        %sign3A_200 = arith.constant 0 : i32
        %sign3A_201 = arith.cmpi slt, %sub3A_194, %sign3A_200 : i32
        %sign3A_202 = arith.extui %sign3A_201 : i1 to i32
        %sign3A_203 = arith.subi %sign3A_199, %sign3A_202 : i32
        %sign3A_204 = arith.constant 0 : i32
        %sign3A_205 = arith.cmpi sgt, %jit3A_195, %sign3A_204 : i32
        %sign3A_206 = arith.extui %sign3A_205 : i1 to i32
        %sign3A_207 = arith.constant 0 : i32
        %sign3A_208 = arith.cmpi slt, %jit3A_195, %sign3A_207 : i32
        %sign3A_209 = arith.extui %sign3A_208 : i1 to i32
        %sign3A_210 = arith.subi %sign3A_206, %sign3A_209 : i32
        %ne3A_211 = arith.cmpi ne, %sign3A_203, %sign3A_210 : i32
        %rem3A_212 = arith.remsi %sub3A_194, %jit3A_195 : i32
        %ne3A_213 = arith.constant 0 : i32
        %ne3A_214 = arith.cmpi ne, %rem3A_212, %ne3A_213 : i32
        %and3A_215 = arith.andi %ne3A_211, %ne3A_214 : i1
        %sub3A_216 = arith.constant 1 : i32
        %sub3A_217 = arith.subi %div3A_196, %sub3A_216 : i32
        %select_n3A_218 = arith.select %and3A_215, %sub3A_217, %div3A_196 : i32
        %broadcast_in_dim3A_219 = arith.constant 0x7F800000 : f32
        %broadcast_in_dim3A_220 = vector.broadcast %broadcast_in_dim3A_219 : f32 to vector<16xf32>
        %broadcast_in_dim3A_221 = arith.constant 0 : i32
        %broadcast_in_dim3A_222 = vector.broadcast %broadcast_in_dim3A_221 : i32 to vector<16xi32>
        %while3A = arith.constant 0 : i32
        %while3A_223 = arith.subi %select_n3A_218, %while3A : i32
        %while3A_224 = arith.addi %while3A, %while3A_223 : i32
        %while3A_225 = arith.constant 1 : i32
        %while3A_226 = arith.divsi %while3A_223, %while3A_225 : i32
        %while3A_227 = arith.muli %while3A_226, %while3A_225 : i32
        %while3A_228 = arith.addi %while3A, %while3A_227 : i32
        %while3A_229 = arith.constant 1 : i32
        %while3A_230:4 = scf.for %while3A_374 = %while3A to %while3A_228 step %while3A_229 iter_args(%while3A_375 = %broadcast_in_dim3A_220, %while3A_376 = %broadcast_in_dim3A_222, %while3A_377 = %broadcast_in_dim3A_220, %while3A_378 = %broadcast_in_dim3A_222) -> (vector<16xf32>, vector<16xi32>, vector<16xf32>, vector<16xi32>)  : i32 {
          %mul3A_379 = arith.constant 16 : i32
          %mul3A_380 = arith.muli %while3A_374, %mul3A_379 : i32
          %get3A_381 = arith.index_cast %mul3A_380 : i32 to index
          %get3A_382 = tpu.vector_load %arg14[%get3A_381] {strides = array<i32>} : memref<512xf32, #tpu.memory_space<vmem>>, vector<16xf32>,
          %mul3A_383 = arith.constant 16 : i32
          %mul3A_384 = arith.muli %while3A_374, %mul3A_383 : i32
          %get3A_385 = arith.index_cast %mul3A_384 : i32 to index
          %get3A_386 = tpu.vector_load %arg15[%get3A_385] {strides = array<i32>} : memref<512xi32, #tpu.memory_space<vmem>>, vector<16xi32>,
          %slice3A = vector.extract_strided_slice %while3A_377 {offsets = [15], sizes = [1], strides = [1]} : vector<16xf32> to vector<1xf32>
          %squeeze3A = vector.extract %slice3A[0] : f32 from vector<1xf32>
          %reduce_min3A = arith.constant true
          %reduce_min3A_387 = vector.broadcast %reduce_min3A : i1 to vector<16xi1>
          %reduce_min3A_388 = tpu.scan <min>, %get3A_382 masked %reduce_min3A_387 : vector<16xf32>, vector<16xi1> -> vector<16xf32>
          %reduce_min3A_389 = vector.extract %reduce_min3A_388[15] : f32 from vector<16xf32>
          %le3A = arith.cmpf ole, %reduce_min3A_389, %squeeze3A : f32
          %convert_element_type3A = arith.extui %le3A : i1 to i32
          %cond3A = arith.constant 0 : i32
          %cond3A_390 = arith.cmpi ne, %convert_element_type3A, %cond3A : i32
          %cond3A_391:4 = scf.if %cond3A_390 -> (vector<16xf32>, vector<16xi32>, vector<16xf32>, vector<16xi32>) {
            %and3A_392 = arith.constant 2 : i32
            %and3A_393 = vector.broadcast %and3A_392 : i32 to vector<16xi32>
            %and3A_394 = arith.andi %iota3A, %and3A_393 : vector<16xi32>
            %ne3A_395 = arith.constant 0 : i32
            %ne3A_396 = vector.broadcast %ne3A_395 : i32 to vector<16xi32>
            %ne3A_397 = arith.cmpi ne, %and3A_394, %ne3A_396 : vector<16xi32>
            %xor3A = arith.constant 1 : i32
            %xor3A_398 = vector.broadcast %xor3A : i32 to vector<16xi32>
            %xor3A_399 = arith.xori %iota3A, %xor3A_398 : vector<16xi32>
            %broadcast_in_dim3A_400 = vector.shape_cast %xor3A_399 : vector<16xi32> to vector<16x1xi32>
            %gather3A_401 = vector.shape_cast %broadcast_in_dim3A_400 : vector<16x1xi32> to vector<16xi32>
            %gather3A_402 = tpu.dynamic_gather %get3A_382[%gather3A_401] in [0] : vector<16xf32>, vector<16xi32> -> vector<16xf32>
            %broadcast_in_dim3A_403 = vector.shape_cast %xor3A_399 : vector<16xi32> to vector<16x1xi32>
            %gather3A_404 = vector.shape_cast %broadcast_in_dim3A_403 : vector<16x1xi32> to vector<16xi32>
            %gather3A_405 = tpu.dynamic_gather %get3A_386[%gather3A_404] in [0] : vector<16xi32>, vector<16xi32> -> vector<16xi32>
            %lt3A_406 = arith.cmpf olt, %gather3A_402, %get3A_382 : vector<16xf32>
            %eq3A_407 = arith.cmpf oeq, %gather3A_402, %get3A_382 : vector<16xf32>
            %lt3A_408 = arith.cmpi slt, %gather3A_405, %get3A_386 : vector<16xi32>
            %and3A_409 = arith.andi %eq3A_407, %lt3A_408 : vector<16xi1>
            %or3A = arith.ori %lt3A_406, %and3A_409 : vector<16xi1>
            %and3A_410 = arith.constant 1 : i32
            %and3A_411 = vector.broadcast %and3A_410 : i32 to vector<16xi32>
            %and3A_412 = arith.andi %iota3A, %and3A_411 : vector<16xi32>
            %ne3A_413 = arith.constant 0 : i32
            %ne3A_414 = vector.broadcast %ne3A_413 : i32 to vector<16xi32>
            %ne3A_415 = arith.cmpi ne, %and3A_412, %ne3A_414 : vector<16xi32>
            %eq3A_416 = arith.xori %or3A, %ne3A_415 : vector<16xi1>
            %eq3A_417 = arith.constant dense<true> : vector<16xi1>
            %eq3A_418 = arith.xori %eq3A_416, %eq3A_417 : vector<16xi1>
            %ne3A_419 = arith.xori %eq3A_418, %ne3A_397 : vector<16xi1>
            %select_n3A_420 = arith.select %ne3A_419, %get3A_382, %gather3A_402 : vector<16xi1>, vector<16xf32>
            %select_n3A_421 = arith.select %ne3A_419, %get3A_386, %gather3A_405 : vector<16xi1>, vector<16xi32>
            %and3A_422 = arith.constant 4 : i32
            %and3A_423 = vector.broadcast %and3A_422 : i32 to vector<16xi32>
            %and3A_424 = arith.andi %iota3A, %and3A_423 : vector<16xi32>
            %ne3A_425 = arith.constant 0 : i32
            %ne3A_426 = vector.broadcast %ne3A_425 : i32 to vector<16xi32>
            %ne3A_427 = arith.cmpi ne, %and3A_424, %ne3A_426 : vector<16xi32>
            %xor3A_428 = arith.constant 2 : i32
            %xor3A_429 = vector.broadcast %xor3A_428 : i32 to vector<16xi32>
            %xor3A_430 = arith.xori %iota3A, %xor3A_429 : vector<16xi32>
            %broadcast_in_dim3A_431 = vector.shape_cast %xor3A_430 : vector<16xi32> to vector<16x1xi32>
            %gather3A_432 = vector.shape_cast %broadcast_in_dim3A_431 : vector<16x1xi32> to vector<16xi32>
            %gather3A_433 = tpu.dynamic_gather %select_n3A_420[%gather3A_432] in [0] : vector<16xf32>, vector<16xi32> -> vector<16xf32>
            %broadcast_in_dim3A_434 = vector.shape_cast %xor3A_430 : vector<16xi32> to vector<16x1xi32>
            %gather3A_435 = vector.shape_cast %broadcast_in_dim3A_434 : vector<16x1xi32> to vector<16xi32>
            %gather3A_436 = tpu.dynamic_gather %select_n3A_421[%gather3A_435] in [0] : vector<16xi32>, vector<16xi32> -> vector<16xi32>
            %lt3A_437 = arith.cmpf olt, %gather3A_433, %select_n3A_420 : vector<16xf32>
            %eq3A_438 = arith.cmpf oeq, %gather3A_433, %select_n3A_420 : vector<16xf32>
            %lt3A_439 = arith.cmpi slt, %gather3A_436, %select_n3A_421 : vector<16xi32>
            %and3A_440 = arith.andi %eq3A_438, %lt3A_439 : vector<16xi1>
            %or3A_441 = arith.ori %lt3A_437, %and3A_440 : vector<16xi1>
            %and3A_442 = arith.constant 2 : i32
            %and3A_443 = vector.broadcast %and3A_442 : i32 to vector<16xi32>
            %and3A_444 = arith.andi %iota3A, %and3A_443 : vector<16xi32>
            %ne3A_445 = arith.constant 0 : i32
            %ne3A_446 = vector.broadcast %ne3A_445 : i32 to vector<16xi32>
            %ne3A_447 = arith.cmpi ne, %and3A_444, %ne3A_446 : vector<16xi32>
            %eq3A_448 = arith.xori %or3A_441, %ne3A_447 : vector<16xi1>
            %eq3A_449 = arith.constant dense<true> : vector<16xi1>
            %eq3A_450 = arith.xori %eq3A_448, %eq3A_449 : vector<16xi1>
            %ne3A_451 = arith.xori %eq3A_450, %ne3A_427 : vector<16xi1>
            %select_n3A_452 = arith.select %ne3A_451, %select_n3A_420, %gather3A_433 : vector<16xi1>, vector<16xf32>
            %select_n3A_453 = arith.select %ne3A_451, %select_n3A_421, %gather3A_436 : vector<16xi1>, vector<16xi32>
            %xor3A_454 = arith.constant 1 : i32
            %xor3A_455 = vector.broadcast %xor3A_454 : i32 to vector<16xi32>
            %xor3A_456 = arith.xori %iota3A, %xor3A_455 : vector<16xi32>
            %broadcast_in_dim3A_457 = vector.shape_cast %xor3A_456 : vector<16xi32> to vector<16x1xi32>
            %gather3A_458 = vector.shape_cast %broadcast_in_dim3A_457 : vector<16x1xi32> to vector<16xi32>
            %gather3A_459 = tpu.dynamic_gather %select_n3A_452[%gather3A_458] in [0] : vector<16xf32>, vector<16xi32> -> vector<16xf32>
            %broadcast_in_dim3A_460 = vector.shape_cast %xor3A_456 : vector<16xi32> to vector<16x1xi32>
            %gather3A_461 = vector.shape_cast %broadcast_in_dim3A_460 : vector<16x1xi32> to vector<16xi32>
            %gather3A_462 = tpu.dynamic_gather %select_n3A_453[%gather3A_461] in [0] : vector<16xi32>, vector<16xi32> -> vector<16xi32>
            %lt3A_463 = arith.cmpf olt, %gather3A_459, %select_n3A_452 : vector<16xf32>
            %eq3A_464 = arith.cmpf oeq, %gather3A_459, %select_n3A_452 : vector<16xf32>
            %lt3A_465 = arith.cmpi slt, %gather3A_462, %select_n3A_453 : vector<16xi32>
            %and3A_466 = arith.andi %eq3A_464, %lt3A_465 : vector<16xi1>
            %or3A_467 = arith.ori %lt3A_463, %and3A_466 : vector<16xi1>
            %and3A_468 = arith.constant 1 : i32
            %and3A_469 = vector.broadcast %and3A_468 : i32 to vector<16xi32>
            %and3A_470 = arith.andi %iota3A, %and3A_469 : vector<16xi32>
            %ne3A_471 = arith.constant 0 : i32
            %ne3A_472 = vector.broadcast %ne3A_471 : i32 to vector<16xi32>
            %ne3A_473 = arith.cmpi ne, %and3A_470, %ne3A_472 : vector<16xi32>
            %eq3A_474 = arith.xori %or3A_467, %ne3A_473 : vector<16xi1>
            %eq3A_475 = arith.constant dense<true> : vector<16xi1>
            %eq3A_476 = arith.xori %eq3A_474, %eq3A_475 : vector<16xi1>
            %ne3A_477 = arith.xori %eq3A_476, %ne3A_427 : vector<16xi1>
            %select_n3A_478 = arith.select %ne3A_477, %select_n3A_452, %gather3A_459 : vector<16xi1>, vector<16xf32>
            %select_n3A_479 = arith.select %ne3A_477, %select_n3A_453, %gather3A_462 : vector<16xi1>, vector<16xi32>
            %and3A_480 = arith.constant 8 : i32
            %and3A_481 = vector.broadcast %and3A_480 : i32 to vector<16xi32>
            %and3A_482 = arith.andi %iota3A, %and3A_481 : vector<16xi32>
            %ne3A_483 = arith.constant 0 : i32
            %ne3A_484 = vector.broadcast %ne3A_483 : i32 to vector<16xi32>
            %ne3A_485 = arith.cmpi ne, %and3A_482, %ne3A_484 : vector<16xi32>
            %xor3A_486 = arith.constant 4 : i32
            %xor3A_487 = vector.broadcast %xor3A_486 : i32 to vector<16xi32>
            %xor3A_488 = arith.xori %iota3A, %xor3A_487 : vector<16xi32>
            %broadcast_in_dim3A_489 = vector.shape_cast %xor3A_488 : vector<16xi32> to vector<16x1xi32>
            %gather3A_490 = vector.shape_cast %broadcast_in_dim3A_489 : vector<16x1xi32> to vector<16xi32>
            %gather3A_491 = tpu.dynamic_gather %select_n3A_478[%gather3A_490] in [0] : vector<16xf32>, vector<16xi32> -> vector<16xf32>
            %broadcast_in_dim3A_492 = vector.shape_cast %xor3A_488 : vector<16xi32> to vector<16x1xi32>
            %gather3A_493 = vector.shape_cast %broadcast_in_dim3A_492 : vector<16x1xi32> to vector<16xi32>
            %gather3A_494 = tpu.dynamic_gather %select_n3A_479[%gather3A_493] in [0] : vector<16xi32>, vector<16xi32> -> vector<16xi32>
            %lt3A_495 = arith.cmpf olt, %gather3A_491, %select_n3A_478 : vector<16xf32>
            %eq3A_496 = arith.cmpf oeq, %gather3A_491, %select_n3A_478 : vector<16xf32>
            %lt3A_497 = arith.cmpi slt, %gather3A_494, %select_n3A_479 : vector<16xi32>
            %and3A_498 = arith.andi %eq3A_496, %lt3A_497 : vector<16xi1>
            %or3A_499 = arith.ori %lt3A_495, %and3A_498 : vector<16xi1>
            %and3A_500 = arith.constant 4 : i32
            %and3A_501 = vector.broadcast %and3A_500 : i32 to vector<16xi32>
            %and3A_502 = arith.andi %iota3A, %and3A_501 : vector<16xi32>
            %ne3A_503 = arith.constant 0 : i32
            %ne3A_504 = vector.broadcast %ne3A_503 : i32 to vector<16xi32>
            %ne3A_505 = arith.cmpi ne, %and3A_502, %ne3A_504 : vector<16xi32>
            %eq3A_506 = arith.xori %or3A_499, %ne3A_505 : vector<16xi1>
            %eq3A_507 = arith.constant dense<true> : vector<16xi1>
            %eq3A_508 = arith.xori %eq3A_506, %eq3A_507 : vector<16xi1>
            %ne3A_509 = arith.xori %eq3A_508, %ne3A_485 : vector<16xi1>
            %select_n3A_510 = arith.select %ne3A_509, %select_n3A_478, %gather3A_491 : vector<16xi1>, vector<16xf32>
            %select_n3A_511 = arith.select %ne3A_509, %select_n3A_479, %gather3A_494 : vector<16xi1>, vector<16xi32>
            %xor3A_512 = arith.constant 2 : i32
            %xor3A_513 = vector.broadcast %xor3A_512 : i32 to vector<16xi32>
            %xor3A_514 = arith.xori %iota3A, %xor3A_513 : vector<16xi32>
            %broadcast_in_dim3A_515 = vector.shape_cast %xor3A_514 : vector<16xi32> to vector<16x1xi32>
            %gather3A_516 = vector.shape_cast %broadcast_in_dim3A_515 : vector<16x1xi32> to vector<16xi32>
            %gather3A_517 = tpu.dynamic_gather %select_n3A_510[%gather3A_516] in [0] : vector<16xf32>, vector<16xi32> -> vector<16xf32>
            %broadcast_in_dim3A_518 = vector.shape_cast %xor3A_514 : vector<16xi32> to vector<16x1xi32>
            %gather3A_519 = vector.shape_cast %broadcast_in_dim3A_518 : vector<16x1xi32> to vector<16xi32>
            %gather3A_520 = tpu.dynamic_gather %select_n3A_511[%gather3A_519] in [0] : vector<16xi32>, vector<16xi32> -> vector<16xi32>
            %lt3A_521 = arith.cmpf olt, %gather3A_517, %select_n3A_510 : vector<16xf32>
            %eq3A_522 = arith.cmpf oeq, %gather3A_517, %select_n3A_510 : vector<16xf32>
            %lt3A_523 = arith.cmpi slt, %gather3A_520, %select_n3A_511 : vector<16xi32>
            %and3A_524 = arith.andi %eq3A_522, %lt3A_523 : vector<16xi1>
            %or3A_525 = arith.ori %lt3A_521, %and3A_524 : vector<16xi1>
            %and3A_526 = arith.constant 2 : i32
            %and3A_527 = vector.broadcast %and3A_526 : i32 to vector<16xi32>
            %and3A_528 = arith.andi %iota3A, %and3A_527 : vector<16xi32>
            %ne3A_529 = arith.constant 0 : i32
            %ne3A_530 = vector.broadcast %ne3A_529 : i32 to vector<16xi32>
            %ne3A_531 = arith.cmpi ne, %and3A_528, %ne3A_530 : vector<16xi32>
            %eq3A_532 = arith.xori %or3A_525, %ne3A_531 : vector<16xi1>
            %eq3A_533 = arith.constant dense<true> : vector<16xi1>
            %eq3A_534 = arith.xori %eq3A_532, %eq3A_533 : vector<16xi1>
            %ne3A_535 = arith.xori %eq3A_534, %ne3A_485 : vector<16xi1>
            %select_n3A_536 = arith.select %ne3A_535, %select_n3A_510, %gather3A_517 : vector<16xi1>, vector<16xf32>
            %select_n3A_537 = arith.select %ne3A_535, %select_n3A_511, %gather3A_520 : vector<16xi1>, vector<16xi32>
            %xor3A_538 = arith.constant 1 : i32
            %xor3A_539 = vector.broadcast %xor3A_538 : i32 to vector<16xi32>
            %xor3A_540 = arith.xori %iota3A, %xor3A_539 : vector<16xi32>
            %broadcast_in_dim3A_541 = vector.shape_cast %xor3A_540 : vector<16xi32> to vector<16x1xi32>
            %gather3A_542 = vector.shape_cast %broadcast_in_dim3A_541 : vector<16x1xi32> to vector<16xi32>
            %gather3A_543 = tpu.dynamic_gather %select_n3A_536[%gather3A_542] in [0] : vector<16xf32>, vector<16xi32> -> vector<16xf32>
            %broadcast_in_dim3A_544 = vector.shape_cast %xor3A_540 : vector<16xi32> to vector<16x1xi32>
            %gather3A_545 = vector.shape_cast %broadcast_in_dim3A_544 : vector<16x1xi32> to vector<16xi32>
            %gather3A_546 = tpu.dynamic_gather %select_n3A_537[%gather3A_545] in [0] : vector<16xi32>, vector<16xi32> -> vector<16xi32>
            %lt3A_547 = arith.cmpf olt, %gather3A_543, %select_n3A_536 : vector<16xf32>
            %eq3A_548 = arith.cmpf oeq, %gather3A_543, %select_n3A_536 : vector<16xf32>
            %lt3A_549 = arith.cmpi slt, %gather3A_546, %select_n3A_537 : vector<16xi32>
            %and3A_550 = arith.andi %eq3A_548, %lt3A_549 : vector<16xi1>
            %or3A_551 = arith.ori %lt3A_547, %and3A_550 : vector<16xi1>
            %and3A_552 = arith.constant 1 : i32
            %and3A_553 = vector.broadcast %and3A_552 : i32 to vector<16xi32>
            %and3A_554 = arith.andi %iota3A, %and3A_553 : vector<16xi32>
            %ne3A_555 = arith.constant 0 : i32
            %ne3A_556 = vector.broadcast %ne3A_555 : i32 to vector<16xi32>
            %ne3A_557 = arith.cmpi ne, %and3A_554, %ne3A_556 : vector<16xi32>
            %eq3A_558 = arith.xori %or3A_551, %ne3A_557 : vector<16xi1>
            %eq3A_559 = arith.constant dense<true> : vector<16xi1>
            %eq3A_560 = arith.xori %eq3A_558, %eq3A_559 : vector<16xi1>
            %ne3A_561 = arith.xori %eq3A_560, %ne3A_485 : vector<16xi1>
            %select_n3A_562 = arith.select %ne3A_561, %select_n3A_536, %gather3A_543 : vector<16xi1>, vector<16xf32>
            %select_n3A_563 = arith.select %ne3A_561, %select_n3A_537, %gather3A_546 : vector<16xi1>, vector<16xi32>
            %and3A_564 = arith.constant 16 : i32
            %and3A_565 = vector.broadcast %and3A_564 : i32 to vector<16xi32>
            %and3A_566 = arith.andi %iota3A, %and3A_565 : vector<16xi32>
            %ne3A_567 = arith.constant 0 : i32
            %ne3A_568 = vector.broadcast %ne3A_567 : i32 to vector<16xi32>
            %ne3A_569 = arith.cmpi ne, %and3A_566, %ne3A_568 : vector<16xi32>
            %xor3A_570 = arith.constant 8 : i32
            %xor3A_571 = vector.broadcast %xor3A_570 : i32 to vector<16xi32>
            %xor3A_572 = arith.xori %iota3A, %xor3A_571 : vector<16xi32>
            %broadcast_in_dim3A_573 = vector.shape_cast %xor3A_572 : vector<16xi32> to vector<16x1xi32>
            %gather3A_574 = vector.shape_cast %broadcast_in_dim3A_573 : vector<16x1xi32> to vector<16xi32>
            %gather3A_575 = tpu.dynamic_gather %select_n3A_562[%gather3A_574] in [0] : vector<16xf32>, vector<16xi32> -> vector<16xf32>
            %broadcast_in_dim3A_576 = vector.shape_cast %xor3A_572 : vector<16xi32> to vector<16x1xi32>
            %gather3A_577 = vector.shape_cast %broadcast_in_dim3A_576 : vector<16x1xi32> to vector<16xi32>
            %gather3A_578 = tpu.dynamic_gather %select_n3A_563[%gather3A_577] in [0] : vector<16xi32>, vector<16xi32> -> vector<16xi32>
            %lt3A_579 = arith.cmpf olt, %gather3A_575, %select_n3A_562 : vector<16xf32>
            %eq3A_580 = arith.cmpf oeq, %gather3A_575, %select_n3A_562 : vector<16xf32>
            %lt3A_581 = arith.cmpi slt, %gather3A_578, %select_n3A_563 : vector<16xi32>
            %and3A_582 = arith.andi %eq3A_580, %lt3A_581 : vector<16xi1>
            %or3A_583 = arith.ori %lt3A_579, %and3A_582 : vector<16xi1>
            %and3A_584 = arith.constant 8 : i32
            %and3A_585 = vector.broadcast %and3A_584 : i32 to vector<16xi32>
            %and3A_586 = arith.andi %iota3A, %and3A_585 : vector<16xi32>
            %ne3A_587 = arith.constant 0 : i32
            %ne3A_588 = vector.broadcast %ne3A_587 : i32 to vector<16xi32>
            %ne3A_589 = arith.cmpi ne, %and3A_586, %ne3A_588 : vector<16xi32>
            %eq3A_590 = arith.xori %or3A_583, %ne3A_589 : vector<16xi1>
            %eq3A_591 = arith.constant dense<true> : vector<16xi1>
            %eq3A_592 = arith.xori %eq3A_590, %eq3A_591 : vector<16xi1>
            %ne3A_593 = arith.xori %eq3A_592, %ne3A_569 : vector<16xi1>
            %select_n3A_594 = arith.select %ne3A_593, %select_n3A_562, %gather3A_575 : vector<16xi1>, vector<16xf32>
            %select_n3A_595 = arith.select %ne3A_593, %select_n3A_563, %gather3A_578 : vector<16xi1>, vector<16xi32>
            %xor3A_596 = arith.constant 4 : i32
            %xor3A_597 = vector.broadcast %xor3A_596 : i32 to vector<16xi32>
            %xor3A_598 = arith.xori %iota3A, %xor3A_597 : vector<16xi32>
            %broadcast_in_dim3A_599 = vector.shape_cast %xor3A_598 : vector<16xi32> to vector<16x1xi32>
            %gather3A_600 = vector.shape_cast %broadcast_in_dim3A_599 : vector<16x1xi32> to vector<16xi32>
            %gather3A_601 = tpu.dynamic_gather %select_n3A_594[%gather3A_600] in [0] : vector<16xf32>, vector<16xi32> -> vector<16xf32>
            %broadcast_in_dim3A_602 = vector.shape_cast %xor3A_598 : vector<16xi32> to vector<16x1xi32>
            %gather3A_603 = vector.shape_cast %broadcast_in_dim3A_602 : vector<16x1xi32> to vector<16xi32>
            %gather3A_604 = tpu.dynamic_gather %select_n3A_595[%gather3A_603] in [0] : vector<16xi32>, vector<16xi32> -> vector<16xi32>
            %lt3A_605 = arith.cmpf olt, %gather3A_601, %select_n3A_594 : vector<16xf32>
            %eq3A_606 = arith.cmpf oeq, %gather3A_601, %select_n3A_594 : vector<16xf32>
            %lt3A_607 = arith.cmpi slt, %gather3A_604, %select_n3A_595 : vector<16xi32>
            %and3A_608 = arith.andi %eq3A_606, %lt3A_607 : vector<16xi1>
            %or3A_609 = arith.ori %lt3A_605, %and3A_608 : vector<16xi1>
            %and3A_610 = arith.constant 4 : i32
            %and3A_611 = vector.broadcast %and3A_610 : i32 to vector<16xi32>
            %and3A_612 = arith.andi %iota3A, %and3A_611 : vector<16xi32>
            %ne3A_613 = arith.constant 0 : i32
            %ne3A_614 = vector.broadcast %ne3A_613 : i32 to vector<16xi32>
            %ne3A_615 = arith.cmpi ne, %and3A_612, %ne3A_614 : vector<16xi32>
            %eq3A_616 = arith.xori %or3A_609, %ne3A_615 : vector<16xi1>
            %eq3A_617 = arith.constant dense<true> : vector<16xi1>
            %eq3A_618 = arith.xori %eq3A_616, %eq3A_617 : vector<16xi1>
            %ne3A_619 = arith.xori %eq3A_618, %ne3A_569 : vector<16xi1>
            %select_n3A_620 = arith.select %ne3A_619, %select_n3A_594, %gather3A_601 : vector<16xi1>, vector<16xf32>
            %select_n3A_621 = arith.select %ne3A_619, %select_n3A_595, %gather3A_604 : vector<16xi1>, vector<16xi32>
            %xor3A_622 = arith.constant 2 : i32
            %xor3A_623 = vector.broadcast %xor3A_622 : i32 to vector<16xi32>
            %xor3A_624 = arith.xori %iota3A, %xor3A_623 : vector<16xi32>
            %broadcast_in_dim3A_625 = vector.shape_cast %xor3A_624 : vector<16xi32> to vector<16x1xi32>
            %gather3A_626 = vector.shape_cast %broadcast_in_dim3A_625 : vector<16x1xi32> to vector<16xi32>
            %gather3A_627 = tpu.dynamic_gather %select_n3A_620[%gather3A_626] in [0] : vector<16xf32>, vector<16xi32> -> vector<16xf32>
            %broadcast_in_dim3A_628 = vector.shape_cast %xor3A_624 : vector<16xi32> to vector<16x1xi32>
            %gather3A_629 = vector.shape_cast %broadcast_in_dim3A_628 : vector<16x1xi32> to vector<16xi32>
            %gather3A_630 = tpu.dynamic_gather %select_n3A_621[%gather3A_629] in [0] : vector<16xi32>, vector<16xi32> -> vector<16xi32>
            %lt3A_631 = arith.cmpf olt, %gather3A_627, %select_n3A_620 : vector<16xf32>
            %eq3A_632 = arith.cmpf oeq, %gather3A_627, %select_n3A_620 : vector<16xf32>
            %lt3A_633 = arith.cmpi slt, %gather3A_630, %select_n3A_621 : vector<16xi32>
            %and3A_634 = arith.andi %eq3A_632, %lt3A_633 : vector<16xi1>
            %or3A_635 = arith.ori %lt3A_631, %and3A_634 : vector<16xi1>
            %and3A_636 = arith.constant 2 : i32
            %and3A_637 = vector.broadcast %and3A_636 : i32 to vector<16xi32>
            %and3A_638 = arith.andi %iota3A, %and3A_637 : vector<16xi32>
            %ne3A_639 = arith.constant 0 : i32
            %ne3A_640 = vector.broadcast %ne3A_639 : i32 to vector<16xi32>
            %ne3A_641 = arith.cmpi ne, %and3A_638, %ne3A_640 : vector<16xi32>
            %eq3A_642 = arith.xori %or3A_635, %ne3A_641 : vector<16xi1>
            %eq3A_643 = arith.constant dense<true> : vector<16xi1>
            %eq3A_644 = arith.xori %eq3A_642, %eq3A_643 : vector<16xi1>
            %ne3A_645 = arith.xori %eq3A_644, %ne3A_569 : vector<16xi1>
            %select_n3A_646 = arith.select %ne3A_645, %select_n3A_620, %gather3A_627 : vector<16xi1>, vector<16xf32>
            %select_n3A_647 = arith.select %ne3A_645, %select_n3A_621, %gather3A_630 : vector<16xi1>, vector<16xi32>
            %xor3A_648 = arith.constant 1 : i32
            %xor3A_649 = vector.broadcast %xor3A_648 : i32 to vector<16xi32>
            %xor3A_650 = arith.xori %iota3A, %xor3A_649 : vector<16xi32>
            %broadcast_in_dim3A_651 = vector.shape_cast %xor3A_650 : vector<16xi32> to vector<16x1xi32>
            %gather3A_652 = vector.shape_cast %broadcast_in_dim3A_651 : vector<16x1xi32> to vector<16xi32>
            %gather3A_653 = tpu.dynamic_gather %select_n3A_646[%gather3A_652] in [0] : vector<16xf32>, vector<16xi32> -> vector<16xf32>
            %broadcast_in_dim3A_654 = vector.shape_cast %xor3A_650 : vector<16xi32> to vector<16x1xi32>
            %gather3A_655 = vector.shape_cast %broadcast_in_dim3A_654 : vector<16x1xi32> to vector<16xi32>
            %gather3A_656 = tpu.dynamic_gather %select_n3A_647[%gather3A_655] in [0] : vector<16xi32>, vector<16xi32> -> vector<16xi32>
            %lt3A_657 = arith.cmpf olt, %gather3A_653, %select_n3A_646 : vector<16xf32>
            %eq3A_658 = arith.cmpf oeq, %gather3A_653, %select_n3A_646 : vector<16xf32>
            %lt3A_659 = arith.cmpi slt, %gather3A_656, %select_n3A_647 : vector<16xi32>
            %and3A_660 = arith.andi %eq3A_658, %lt3A_659 : vector<16xi1>
            %or3A_661 = arith.ori %lt3A_657, %and3A_660 : vector<16xi1>
            %and3A_662 = arith.constant 1 : i32
            %and3A_663 = vector.broadcast %and3A_662 : i32 to vector<16xi32>
            %and3A_664 = arith.andi %iota3A, %and3A_663 : vector<16xi32>
            %ne3A_665 = arith.constant 0 : i32
            %ne3A_666 = vector.broadcast %ne3A_665 : i32 to vector<16xi32>
            %ne3A_667 = arith.cmpi ne, %and3A_664, %ne3A_666 : vector<16xi32>
            %eq3A_668 = arith.xori %or3A_661, %ne3A_667 : vector<16xi1>
            %eq3A_669 = arith.constant dense<true> : vector<16xi1>
            %eq3A_670 = arith.xori %eq3A_668, %eq3A_669 : vector<16xi1>
            %ne3A_671 = arith.xori %eq3A_670, %ne3A_569 : vector<16xi1>
            %select_n3A_672 = arith.select %ne3A_671, %select_n3A_646, %gather3A_653 : vector<16xi1>, vector<16xf32>
            %select_n3A_673 = arith.select %ne3A_671, %select_n3A_647, %gather3A_656 : vector<16xi1>, vector<16xi32>
            %sub3A_674 = arith.constant 15 : i32
            %sub3A_675 = vector.broadcast %sub3A_674 : i32 to vector<16xi32>
            %sub3A_676 = arith.subi %sub3A_675, %iota3A : vector<16xi32>
            %broadcast_in_dim3A_677 = vector.shape_cast %sub3A_676 : vector<16xi32> to vector<16x1xi32>
            %gather3A_678 = vector.shape_cast %broadcast_in_dim3A_677 : vector<16x1xi32> to vector<16xi32>
            %gather3A_679 = tpu.dynamic_gather %select_n3A_672[%gather3A_678] in [0] : vector<16xf32>, vector<16xi32> -> vector<16xf32>
            %broadcast_in_dim3A_680 = vector.shape_cast %sub3A_676 : vector<16xi32> to vector<16x1xi32>
            %gather3A_681 = vector.shape_cast %broadcast_in_dim3A_680 : vector<16x1xi32> to vector<16xi32>
            %gather3A_682 = tpu.dynamic_gather %select_n3A_673[%gather3A_681] in [0] : vector<16xi32>, vector<16xi32> -> vector<16xi32>
            %lt3A_683 = arith.cmpf olt, %gather3A_679, %while3A_377 : vector<16xf32>
            %eq3A_684 = arith.cmpf oeq, %gather3A_679, %while3A_377 : vector<16xf32>
            %lt3A_685 = arith.cmpi slt, %gather3A_682, %while3A_378 : vector<16xi32>
            %and3A_686 = arith.andi %eq3A_684, %lt3A_685 : vector<16xi1>
            %or3A_687 = arith.ori %lt3A_683, %and3A_686 : vector<16xi1>
            %select_n3A_688 = arith.select %or3A_687, %gather3A_679, %while3A_377 : vector<16xi1>, vector<16xf32>
            %select_n3A_689 = arith.select %or3A_687, %gather3A_682, %while3A_378 : vector<16xi1>, vector<16xi32>
            %select_n3A_690 = arith.select %or3A_687, %while3A_377, %gather3A_679 : vector<16xi1>, vector<16xf32>
            %select_n3A_691 = arith.select %or3A_687, %while3A_378, %gather3A_682 : vector<16xi1>, vector<16xi32>
            %lt3A_692 = arith.cmpf olt, %select_n3A_688, %while3A_375 : vector<16xf32>
            %eq3A_693 = arith.cmpf oeq, %select_n3A_688, %while3A_375 : vector<16xf32>
            %lt3A_694 = arith.cmpi slt, %select_n3A_689, %while3A_376 : vector<16xi32>
            %and3A_695 = arith.andi %eq3A_693, %lt3A_694 : vector<16xi1>
            %or3A_696 = arith.ori %lt3A_692, %and3A_695 : vector<16xi1>
            %select_n3A_697 = arith.select %or3A_696, %select_n3A_688, %while3A_375 : vector<16xi1>, vector<16xf32>
            %select_n3A_698 = arith.select %or3A_696, %select_n3A_689, %while3A_376 : vector<16xi1>, vector<16xi32>
            %select_n3A_699 = arith.select %or3A_696, %while3A_375, %select_n3A_688 : vector<16xi1>, vector<16xf32>
            %select_n3A_700 = arith.select %or3A_696, %while3A_376, %select_n3A_689 : vector<16xi1>, vector<16xi32>
            %xor3A_701 = arith.constant 8 : i32
            %xor3A_702 = vector.broadcast %xor3A_701 : i32 to vector<16xi32>
            %xor3A_703 = arith.xori %iota3A, %xor3A_702 : vector<16xi32>
            %broadcast_in_dim3A_704 = vector.shape_cast %xor3A_703 : vector<16xi32> to vector<16x1xi32>
            %gather3A_705 = vector.shape_cast %broadcast_in_dim3A_704 : vector<16x1xi32> to vector<16xi32>
            %gather3A_706 = tpu.dynamic_gather %select_n3A_697[%gather3A_705] in [0] : vector<16xf32>, vector<16xi32> -> vector<16xf32>
            %broadcast_in_dim3A_707 = vector.shape_cast %xor3A_703 : vector<16xi32> to vector<16x1xi32>
            %gather3A_708 = vector.shape_cast %broadcast_in_dim3A_707 : vector<16x1xi32> to vector<16xi32>
            %gather3A_709 = tpu.dynamic_gather %select_n3A_698[%gather3A_708] in [0] : vector<16xi32>, vector<16xi32> -> vector<16xi32>
            %lt3A_710 = arith.cmpf olt, %gather3A_706, %select_n3A_697 : vector<16xf32>
            %eq3A_711 = arith.cmpf oeq, %gather3A_706, %select_n3A_697 : vector<16xf32>
            %lt3A_712 = arith.cmpi slt, %gather3A_709, %select_n3A_698 : vector<16xi32>
            %and3A_713 = arith.andi %eq3A_711, %lt3A_712 : vector<16xi1>
            %or3A_714 = arith.ori %lt3A_710, %and3A_713 : vector<16xi1>
            %and3A_715 = arith.constant 8 : i32
            %and3A_716 = vector.broadcast %and3A_715 : i32 to vector<16xi32>
            %and3A_717 = arith.andi %iota3A, %and3A_716 : vector<16xi32>
            %ne3A_718 = arith.constant 0 : i32
            %ne3A_719 = vector.broadcast %ne3A_718 : i32 to vector<16xi32>
            %ne3A_720 = arith.cmpi ne, %and3A_717, %ne3A_719 : vector<16xi32>
            %eq3A_721 = arith.xori %or3A_714, %ne3A_720 : vector<16xi1>
            %eq3A_722 = arith.constant dense<true> : vector<16xi1>
            %eq3A_723 = arith.xori %eq3A_721, %eq3A_722 : vector<16xi1>
            %select_n3A_724 = arith.select %eq3A_723, %select_n3A_697, %gather3A_706 : vector<16xi1>, vector<16xf32>
            %select_n3A_725 = arith.select %eq3A_723, %select_n3A_698, %gather3A_709 : vector<16xi1>, vector<16xi32>
            %xor3A_726 = arith.constant 8 : i32
            %xor3A_727 = vector.broadcast %xor3A_726 : i32 to vector<16xi32>
            %xor3A_728 = arith.xori %iota3A, %xor3A_727 : vector<16xi32>
            %broadcast_in_dim3A_729 = vector.shape_cast %xor3A_728 : vector<16xi32> to vector<16x1xi32>
            %gather3A_730 = vector.shape_cast %broadcast_in_dim3A_729 : vector<16x1xi32> to vector<16xi32>
            %gather3A_731 = tpu.dynamic_gather %select_n3A_699[%gather3A_730] in [0] : vector<16xf32>, vector<16xi32> -> vector<16xf32>
            %broadcast_in_dim3A_732 = vector.shape_cast %xor3A_728 : vector<16xi32> to vector<16x1xi32>
            %gather3A_733 = vector.shape_cast %broadcast_in_dim3A_732 : vector<16x1xi32> to vector<16xi32>
            %gather3A_734 = tpu.dynamic_gather %select_n3A_700[%gather3A_733] in [0] : vector<16xi32>, vector<16xi32> -> vector<16xi32>
            %lt3A_735 = arith.cmpf olt, %gather3A_731, %select_n3A_699 : vector<16xf32>
            %eq3A_736 = arith.cmpf oeq, %gather3A_731, %select_n3A_699 : vector<16xf32>
            %lt3A_737 = arith.cmpi slt, %gather3A_734, %select_n3A_700 : vector<16xi32>
            %and3A_738 = arith.andi %eq3A_736, %lt3A_737 : vector<16xi1>
            %or3A_739 = arith.ori %lt3A_735, %and3A_738 : vector<16xi1>
            %and3A_740 = arith.constant 8 : i32
            %and3A_741 = vector.broadcast %and3A_740 : i32 to vector<16xi32>
            %and3A_742 = arith.andi %iota3A, %and3A_741 : vector<16xi32>
            %ne3A_743 = arith.constant 0 : i32
            %ne3A_744 = vector.broadcast %ne3A_743 : i32 to vector<16xi32>
            %ne3A_745 = arith.cmpi ne, %and3A_742, %ne3A_744 : vector<16xi32>
            %eq3A_746 = arith.xori %or3A_739, %ne3A_745 : vector<16xi1>
            %eq3A_747 = arith.constant dense<true> : vector<16xi1>
            %eq3A_748 = arith.xori %eq3A_746, %eq3A_747 : vector<16xi1>
            %select_n3A_749 = arith.select %eq3A_748, %select_n3A_699, %gather3A_731 : vector<16xi1>, vector<16xf32>
            %select_n3A_750 = arith.select %eq3A_748, %select_n3A_700, %gather3A_734 : vector<16xi1>, vector<16xi32>
            %xor3A_751 = arith.constant 4 : i32
            %xor3A_752 = vector.broadcast %xor3A_751 : i32 to vector<16xi32>
            %xor3A_753 = arith.xori %iota3A, %xor3A_752 : vector<16xi32>
            %broadcast_in_dim3A_754 = vector.shape_cast %xor3A_753 : vector<16xi32> to vector<16x1xi32>
            %gather3A_755 = vector.shape_cast %broadcast_in_dim3A_754 : vector<16x1xi32> to vector<16xi32>
            %gather3A_756 = tpu.dynamic_gather %select_n3A_724[%gather3A_755] in [0] : vector<16xf32>, vector<16xi32> -> vector<16xf32>
            %broadcast_in_dim3A_757 = vector.shape_cast %xor3A_753 : vector<16xi32> to vector<16x1xi32>
            %gather3A_758 = vector.shape_cast %broadcast_in_dim3A_757 : vector<16x1xi32> to vector<16xi32>
            %gather3A_759 = tpu.dynamic_gather %select_n3A_725[%gather3A_758] in [0] : vector<16xi32>, vector<16xi32> -> vector<16xi32>
            %lt3A_760 = arith.cmpf olt, %gather3A_756, %select_n3A_724 : vector<16xf32>
            %eq3A_761 = arith.cmpf oeq, %gather3A_756, %select_n3A_724 : vector<16xf32>
            %lt3A_762 = arith.cmpi slt, %gather3A_759, %select_n3A_725 : vector<16xi32>
            %and3A_763 = arith.andi %eq3A_761, %lt3A_762 : vector<16xi1>
            %or3A_764 = arith.ori %lt3A_760, %and3A_763 : vector<16xi1>
            %and3A_765 = arith.constant 4 : i32
            %and3A_766 = vector.broadcast %and3A_765 : i32 to vector<16xi32>
            %and3A_767 = arith.andi %iota3A, %and3A_766 : vector<16xi32>
            %ne3A_768 = arith.constant 0 : i32
            %ne3A_769 = vector.broadcast %ne3A_768 : i32 to vector<16xi32>
            %ne3A_770 = arith.cmpi ne, %and3A_767, %ne3A_769 : vector<16xi32>
            %eq3A_771 = arith.xori %or3A_764, %ne3A_770 : vector<16xi1>
            %eq3A_772 = arith.constant dense<true> : vector<16xi1>
            %eq3A_773 = arith.xori %eq3A_771, %eq3A_772 : vector<16xi1>
            %select_n3A_774 = arith.select %eq3A_773, %select_n3A_724, %gather3A_756 : vector<16xi1>, vector<16xf32>
            %select_n3A_775 = arith.select %eq3A_773, %select_n3A_725, %gather3A_759 : vector<16xi1>, vector<16xi32>
            %xor3A_776 = arith.constant 4 : i32
            %xor3A_777 = vector.broadcast %xor3A_776 : i32 to vector<16xi32>
            %xor3A_778 = arith.xori %iota3A, %xor3A_777 : vector<16xi32>
            %broadcast_in_dim3A_779 = vector.shape_cast %xor3A_778 : vector<16xi32> to vector<16x1xi32>
            %gather3A_780 = vector.shape_cast %broadcast_in_dim3A_779 : vector<16x1xi32> to vector<16xi32>
            %gather3A_781 = tpu.dynamic_gather %select_n3A_749[%gather3A_780] in [0] : vector<16xf32>, vector<16xi32> -> vector<16xf32>
            %broadcast_in_dim3A_782 = vector.shape_cast %xor3A_778 : vector<16xi32> to vector<16x1xi32>
            %gather3A_783 = vector.shape_cast %broadcast_in_dim3A_782 : vector<16x1xi32> to vector<16xi32>
            %gather3A_784 = tpu.dynamic_gather %select_n3A_750[%gather3A_783] in [0] : vector<16xi32>, vector<16xi32> -> vector<16xi32>
            %lt3A_785 = arith.cmpf olt, %gather3A_781, %select_n3A_749 : vector<16xf32>
            %eq3A_786 = arith.cmpf oeq, %gather3A_781, %select_n3A_749 : vector<16xf32>
            %lt3A_787 = arith.cmpi slt, %gather3A_784, %select_n3A_750 : vector<16xi32>
            %and3A_788 = arith.andi %eq3A_786, %lt3A_787 : vector<16xi1>
            %or3A_789 = arith.ori %lt3A_785, %and3A_788 : vector<16xi1>
            %and3A_790 = arith.constant 4 : i32
            %and3A_791 = vector.broadcast %and3A_790 : i32 to vector<16xi32>
            %and3A_792 = arith.andi %iota3A, %and3A_791 : vector<16xi32>
            %ne3A_793 = arith.constant 0 : i32
            %ne3A_794 = vector.broadcast %ne3A_793 : i32 to vector<16xi32>
            %ne3A_795 = arith.cmpi ne, %and3A_792, %ne3A_794 : vector<16xi32>
            %eq3A_796 = arith.xori %or3A_789, %ne3A_795 : vector<16xi1>
            %eq3A_797 = arith.constant dense<true> : vector<16xi1>
            %eq3A_798 = arith.xori %eq3A_796, %eq3A_797 : vector<16xi1>
            %select_n3A_799 = arith.select %eq3A_798, %select_n3A_749, %gather3A_781 : vector<16xi1>, vector<16xf32>
            %select_n3A_800 = arith.select %eq3A_798, %select_n3A_750, %gather3A_784 : vector<16xi1>, vector<16xi32>
            %xor3A_801 = arith.constant 2 : i32
            %xor3A_802 = vector.broadcast %xor3A_801 : i32 to vector<16xi32>
            %xor3A_803 = arith.xori %iota3A, %xor3A_802 : vector<16xi32>
            %broadcast_in_dim3A_804 = vector.shape_cast %xor3A_803 : vector<16xi32> to vector<16x1xi32>
            %gather3A_805 = vector.shape_cast %broadcast_in_dim3A_804 : vector<16x1xi32> to vector<16xi32>
            %gather3A_806 = tpu.dynamic_gather %select_n3A_774[%gather3A_805] in [0] : vector<16xf32>, vector<16xi32> -> vector<16xf32>
            %broadcast_in_dim3A_807 = vector.shape_cast %xor3A_803 : vector<16xi32> to vector<16x1xi32>
            %gather3A_808 = vector.shape_cast %broadcast_in_dim3A_807 : vector<16x1xi32> to vector<16xi32>
            %gather3A_809 = tpu.dynamic_gather %select_n3A_775[%gather3A_808] in [0] : vector<16xi32>, vector<16xi32> -> vector<16xi32>
            %lt3A_810 = arith.cmpf olt, %gather3A_806, %select_n3A_774 : vector<16xf32>
            %eq3A_811 = arith.cmpf oeq, %gather3A_806, %select_n3A_774 : vector<16xf32>
            %lt3A_812 = arith.cmpi slt, %gather3A_809, %select_n3A_775 : vector<16xi32>
            %and3A_813 = arith.andi %eq3A_811, %lt3A_812 : vector<16xi1>
            %or3A_814 = arith.ori %lt3A_810, %and3A_813 : vector<16xi1>
            %and3A_815 = arith.constant 2 : i32
            %and3A_816 = vector.broadcast %and3A_815 : i32 to vector<16xi32>
            %and3A_817 = arith.andi %iota3A, %and3A_816 : vector<16xi32>
            %ne3A_818 = arith.constant 0 : i32
            %ne3A_819 = vector.broadcast %ne3A_818 : i32 to vector<16xi32>
            %ne3A_820 = arith.cmpi ne, %and3A_817, %ne3A_819 : vector<16xi32>
            %eq3A_821 = arith.xori %or3A_814, %ne3A_820 : vector<16xi1>
            %eq3A_822 = arith.constant dense<true> : vector<16xi1>
            %eq3A_823 = arith.xori %eq3A_821, %eq3A_822 : vector<16xi1>
            %select_n3A_824 = arith.select %eq3A_823, %select_n3A_774, %gather3A_806 : vector<16xi1>, vector<16xf32>
            %select_n3A_825 = arith.select %eq3A_823, %select_n3A_775, %gather3A_809 : vector<16xi1>, vector<16xi32>
            %xor3A_826 = arith.constant 2 : i32
            %xor3A_827 = vector.broadcast %xor3A_826 : i32 to vector<16xi32>
            %xor3A_828 = arith.xori %iota3A, %xor3A_827 : vector<16xi32>
            %broadcast_in_dim3A_829 = vector.shape_cast %xor3A_828 : vector<16xi32> to vector<16x1xi32>
            %gather3A_830 = vector.shape_cast %broadcast_in_dim3A_829 : vector<16x1xi32> to vector<16xi32>
            %gather3A_831 = tpu.dynamic_gather %select_n3A_799[%gather3A_830] in [0] : vector<16xf32>, vector<16xi32> -> vector<16xf32>
            %broadcast_in_dim3A_832 = vector.shape_cast %xor3A_828 : vector<16xi32> to vector<16x1xi32>
            %gather3A_833 = vector.shape_cast %broadcast_in_dim3A_832 : vector<16x1xi32> to vector<16xi32>
            %gather3A_834 = tpu.dynamic_gather %select_n3A_800[%gather3A_833] in [0] : vector<16xi32>, vector<16xi32> -> vector<16xi32>
            %lt3A_835 = arith.cmpf olt, %gather3A_831, %select_n3A_799 : vector<16xf32>
            %eq3A_836 = arith.cmpf oeq, %gather3A_831, %select_n3A_799 : vector<16xf32>
            %lt3A_837 = arith.cmpi slt, %gather3A_834, %select_n3A_800 : vector<16xi32>
            %and3A_838 = arith.andi %eq3A_836, %lt3A_837 : vector<16xi1>
            %or3A_839 = arith.ori %lt3A_835, %and3A_838 : vector<16xi1>
            %and3A_840 = arith.constant 2 : i32
            %and3A_841 = vector.broadcast %and3A_840 : i32 to vector<16xi32>
            %and3A_842 = arith.andi %iota3A, %and3A_841 : vector<16xi32>
            %ne3A_843 = arith.constant 0 : i32
            %ne3A_844 = vector.broadcast %ne3A_843 : i32 to vector<16xi32>
            %ne3A_845 = arith.cmpi ne, %and3A_842, %ne3A_844 : vector<16xi32>
            %eq3A_846 = arith.xori %or3A_839, %ne3A_845 : vector<16xi1>
            %eq3A_847 = arith.constant dense<true> : vector<16xi1>
            %eq3A_848 = arith.xori %eq3A_846, %eq3A_847 : vector<16xi1>
            %select_n3A_849 = arith.select %eq3A_848, %select_n3A_799, %gather3A_831 : vector<16xi1>, vector<16xf32>
            %select_n3A_850 = arith.select %eq3A_848, %select_n3A_800, %gather3A_834 : vector<16xi1>, vector<16xi32>
            %xor3A_851 = arith.constant 1 : i32
            %xor3A_852 = vector.broadcast %xor3A_851 : i32 to vector<16xi32>
            %xor3A_853 = arith.xori %iota3A, %xor3A_852 : vector<16xi32>
            %broadcast_in_dim3A_854 = vector.shape_cast %xor3A_853 : vector<16xi32> to vector<16x1xi32>
            %gather3A_855 = vector.shape_cast %broadcast_in_dim3A_854 : vector<16x1xi32> to vector<16xi32>
            %gather3A_856 = tpu.dynamic_gather %select_n3A_824[%gather3A_855] in [0] : vector<16xf32>, vector<16xi32> -> vector<16xf32>
            %broadcast_in_dim3A_857 = vector.shape_cast %xor3A_853 : vector<16xi32> to vector<16x1xi32>
            %gather3A_858 = vector.shape_cast %broadcast_in_dim3A_857 : vector<16x1xi32> to vector<16xi32>
            %gather3A_859 = tpu.dynamic_gather %select_n3A_825[%gather3A_858] in [0] : vector<16xi32>, vector<16xi32> -> vector<16xi32>
            %lt3A_860 = arith.cmpf olt, %gather3A_856, %select_n3A_824 : vector<16xf32>
            %eq3A_861 = arith.cmpf oeq, %gather3A_856, %select_n3A_824 : vector<16xf32>
            %lt3A_862 = arith.cmpi slt, %gather3A_859, %select_n3A_825 : vector<16xi32>
            %and3A_863 = arith.andi %eq3A_861, %lt3A_862 : vector<16xi1>
            %or3A_864 = arith.ori %lt3A_860, %and3A_863 : vector<16xi1>
            %and3A_865 = arith.constant 1 : i32
            %and3A_866 = vector.broadcast %and3A_865 : i32 to vector<16xi32>
            %and3A_867 = arith.andi %iota3A, %and3A_866 : vector<16xi32>
            %ne3A_868 = arith.constant 0 : i32
            %ne3A_869 = vector.broadcast %ne3A_868 : i32 to vector<16xi32>
            %ne3A_870 = arith.cmpi ne, %and3A_867, %ne3A_869 : vector<16xi32>
            %eq3A_871 = arith.xori %or3A_864, %ne3A_870 : vector<16xi1>
            %eq3A_872 = arith.constant dense<true> : vector<16xi1>
            %eq3A_873 = arith.xori %eq3A_871, %eq3A_872 : vector<16xi1>
            %select_n3A_874 = arith.select %eq3A_873, %select_n3A_824, %gather3A_856 : vector<16xi1>, vector<16xf32>
            %select_n3A_875 = arith.select %eq3A_873, %select_n3A_825, %gather3A_859 : vector<16xi1>, vector<16xi32>
            %xor3A_876 = arith.constant 1 : i32
            %xor3A_877 = vector.broadcast %xor3A_876 : i32 to vector<16xi32>
            %xor3A_878 = arith.xori %iota3A, %xor3A_877 : vector<16xi32>
            %broadcast_in_dim3A_879 = vector.shape_cast %xor3A_878 : vector<16xi32> to vector<16x1xi32>
            %gather3A_880 = vector.shape_cast %broadcast_in_dim3A_879 : vector<16x1xi32> to vector<16xi32>
            %gather3A_881 = tpu.dynamic_gather %select_n3A_849[%gather3A_880] in [0] : vector<16xf32>, vector<16xi32> -> vector<16xf32>
            %broadcast_in_dim3A_882 = vector.shape_cast %xor3A_878 : vector<16xi32> to vector<16x1xi32>
            %gather3A_883 = vector.shape_cast %broadcast_in_dim3A_882 : vector<16x1xi32> to vector<16xi32>
            %gather3A_884 = tpu.dynamic_gather %select_n3A_850[%gather3A_883] in [0] : vector<16xi32>, vector<16xi32> -> vector<16xi32>
            %lt3A_885 = arith.cmpf olt, %gather3A_881, %select_n3A_849 : vector<16xf32>
            %eq3A_886 = arith.cmpf oeq, %gather3A_881, %select_n3A_849 : vector<16xf32>
            %lt3A_887 = arith.cmpi slt, %gather3A_884, %select_n3A_850 : vector<16xi32>
            %and3A_888 = arith.andi %eq3A_886, %lt3A_887 : vector<16xi1>
            %or3A_889 = arith.ori %lt3A_885, %and3A_888 : vector<16xi1>
            %and3A_890 = arith.constant 1 : i32
            %and3A_891 = vector.broadcast %and3A_890 : i32 to vector<16xi32>
            %and3A_892 = arith.andi %iota3A, %and3A_891 : vector<16xi32>
            %ne3A_893 = arith.constant 0 : i32
            %ne3A_894 = vector.broadcast %ne3A_893 : i32 to vector<16xi32>
            %ne3A_895 = arith.cmpi ne, %and3A_892, %ne3A_894 : vector<16xi32>
            %eq3A_896 = arith.xori %or3A_889, %ne3A_895 : vector<16xi1>
            %eq3A_897 = arith.constant dense<true> : vector<16xi1>
            %eq3A_898 = arith.xori %eq3A_896, %eq3A_897 : vector<16xi1>
            %select_n3A_899 = arith.select %eq3A_898, %select_n3A_849, %gather3A_881 : vector<16xi1>, vector<16xf32>
            %select_n3A_900 = arith.select %eq3A_898, %select_n3A_850, %gather3A_884 : vector<16xi1>, vector<16xi32>
            scf.yield %select_n3A_874, %select_n3A_875, %select_n3A_899, %select_n3A_900 : vector<16xf32>, vector<16xi32>, vector<16xf32>, vector<16xi32>
          } else {
            scf.yield %while3A_375, %while3A_376, %while3A_377, %while3A_378 : vector<16xf32>, vector<16xi32>, vector<16xf32>, vector<16xi32>
          }
          scf.yield %cond3A_391#0, %cond3A_391#1, %cond3A_391#2, %cond3A_391#3 : vector<16xf32>, vector<16xi32>, vector<16xf32>, vector<16xi32>
        }
        %while3A_231 = arith.constant 1 : i32
        %while3A_232:4 = scf.for %while3A_374 = %while3A_228 to %while3A_224 step %while3A_231 iter_args(%while3A_375 = %while3A_230#0, %while3A_376 = %while3A_230#1, %while3A_377 = %while3A_230#2, %while3A_378 = %while3A_230#3) -> (vector<16xf32>, vector<16xi32>, vector<16xf32>, vector<16xi32>)  : i32 {
          %mul3A_379 = arith.constant 16 : i32
          %mul3A_380 = arith.muli %while3A_374, %mul3A_379 : i32
          %get3A_381 = arith.index_cast %mul3A_380 : i32 to index
          %get3A_382 = tpu.vector_load %arg14[%get3A_381] {strides = array<i32>} : memref<512xf32, #tpu.memory_space<vmem>>, vector<16xf32>,
          %mul3A_383 = arith.constant 16 : i32
          %mul3A_384 = arith.muli %while3A_374, %mul3A_383 : i32
          %get3A_385 = arith.index_cast %mul3A_384 : i32 to index
          %get3A_386 = tpu.vector_load %arg15[%get3A_385] {strides = array<i32>} : memref<512xi32, #tpu.memory_space<vmem>>, vector<16xi32>,
          %slice3A = vector.extract_strided_slice %while3A_377 {offsets = [15], sizes = [1], strides = [1]} : vector<16xf32> to vector<1xf32>
          %squeeze3A = vector.extract %slice3A[0] : f32 from vector<1xf32>
          %reduce_min3A = arith.constant true
          %reduce_min3A_387 = vector.broadcast %reduce_min3A : i1 to vector<16xi1>
          %reduce_min3A_388 = tpu.scan <min>, %get3A_382 masked %reduce_min3A_387 : vector<16xf32>, vector<16xi1> -> vector<16xf32>
          %reduce_min3A_389 = vector.extract %reduce_min3A_388[15] : f32 from vector<16xf32>
          %le3A = arith.cmpf ole, %reduce_min3A_389, %squeeze3A : f32
          %convert_element_type3A = arith.extui %le3A : i1 to i32
          %cond3A = arith.constant 0 : i32
          %cond3A_390 = arith.cmpi ne, %convert_element_type3A, %cond3A : i32
          %cond3A_391:4 = scf.if %cond3A_390 -> (vector<16xf32>, vector<16xi32>, vector<16xf32>, vector<16xi32>) {
            %and3A_392 = arith.constant 2 : i32
            %and3A_393 = vector.broadcast %and3A_392 : i32 to vector<16xi32>
            %and3A_394 = arith.andi %iota3A, %and3A_393 : vector<16xi32>
            %ne3A_395 = arith.constant 0 : i32
            %ne3A_396 = vector.broadcast %ne3A_395 : i32 to vector<16xi32>
            %ne3A_397 = arith.cmpi ne, %and3A_394, %ne3A_396 : vector<16xi32>
            %xor3A = arith.constant 1 : i32
            %xor3A_398 = vector.broadcast %xor3A : i32 to vector<16xi32>
            %xor3A_399 = arith.xori %iota3A, %xor3A_398 : vector<16xi32>
            %broadcast_in_dim3A_400 = vector.shape_cast %xor3A_399 : vector<16xi32> to vector<16x1xi32>
            %gather3A_401 = vector.shape_cast %broadcast_in_dim3A_400 : vector<16x1xi32> to vector<16xi32>
            %gather3A_402 = tpu.dynamic_gather %get3A_382[%gather3A_401] in [0] : vector<16xf32>, vector<16xi32> -> vector<16xf32>
            %broadcast_in_dim3A_403 = vector.shape_cast %xor3A_399 : vector<16xi32> to vector<16x1xi32>
            %gather3A_404 = vector.shape_cast %broadcast_in_dim3A_403 : vector<16x1xi32> to vector<16xi32>
            %gather3A_405 = tpu.dynamic_gather %get3A_386[%gather3A_404] in [0] : vector<16xi32>, vector<16xi32> -> vector<16xi32>
            %lt3A_406 = arith.cmpf olt, %gather3A_402, %get3A_382 : vector<16xf32>
            %eq3A_407 = arith.cmpf oeq, %gather3A_402, %get3A_382 : vector<16xf32>
            %lt3A_408 = arith.cmpi slt, %gather3A_405, %get3A_386 : vector<16xi32>
            %and3A_409 = arith.andi %eq3A_407, %lt3A_408 : vector<16xi1>
            %or3A = arith.ori %lt3A_406, %and3A_409 : vector<16xi1>
            %and3A_410 = arith.constant 1 : i32
            %and3A_411 = vector.broadcast %and3A_410 : i32 to vector<16xi32>
            %and3A_412 = arith.andi %iota3A, %and3A_411 : vector<16xi32>
            %ne3A_413 = arith.constant 0 : i32
            %ne3A_414 = vector.broadcast %ne3A_413 : i32 to vector<16xi32>
            %ne3A_415 = arith.cmpi ne, %and3A_412, %ne3A_414 : vector<16xi32>
            %eq3A_416 = arith.xori %or3A, %ne3A_415 : vector<16xi1>
            %eq3A_417 = arith.constant dense<true> : vector<16xi1>
            %eq3A_418 = arith.xori %eq3A_416, %eq3A_417 : vector<16xi1>
            %ne3A_419 = arith.xori %eq3A_418, %ne3A_397 : vector<16xi1>
            %select_n3A_420 = arith.select %ne3A_419, %get3A_382, %gather3A_402 : vector<16xi1>, vector<16xf32>
            %select_n3A_421 = arith.select %ne3A_419, %get3A_386, %gather3A_405 : vector<16xi1>, vector<16xi32>
            %and3A_422 = arith.constant 4 : i32
            %and3A_423 = vector.broadcast %and3A_422 : i32 to vector<16xi32>
            %and3A_424 = arith.andi %iota3A, %and3A_423 : vector<16xi32>
            %ne3A_425 = arith.constant 0 : i32
            %ne3A_426 = vector.broadcast %ne3A_425 : i32 to vector<16xi32>
            %ne3A_427 = arith.cmpi ne, %and3A_424, %ne3A_426 : vector<16xi32>
            %xor3A_428 = arith.constant 2 : i32
            %xor3A_429 = vector.broadcast %xor3A_428 : i32 to vector<16xi32>
            %xor3A_430 = arith.xori %iota3A, %xor3A_429 : vector<16xi32>
            %broadcast_in_dim3A_431 = vector.shape_cast %xor3A_430 : vector<16xi32> to vector<16x1xi32>
            %gather3A_432 = vector.shape_cast %broadcast_in_dim3A_431 : vector<16x1xi32> to vector<16xi32>
            %gather3A_433 = tpu.dynamic_gather %select_n3A_420[%gather3A_432] in [0] : vector<16xf32>, vector<16xi32> -> vector<16xf32>
            %broadcast_in_dim3A_434 = vector.shape_cast %xor3A_430 : vector<16xi32> to vector<16x1xi32>
            %gather3A_435 = vector.shape_cast %broadcast_in_dim3A_434 : vector<16x1xi32> to vector<16xi32>
            %gather3A_436 = tpu.dynamic_gather %select_n3A_421[%gather3A_435] in [0] : vector<16xi32>, vector<16xi32> -> vector<16xi32>
            %lt3A_437 = arith.cmpf olt, %gather3A_433, %select_n3A_420 : vector<16xf32>
            %eq3A_438 = arith.cmpf oeq, %gather3A_433, %select_n3A_420 : vector<16xf32>
            %lt3A_439 = arith.cmpi slt, %gather3A_436, %select_n3A_421 : vector<16xi32>
            %and3A_440 = arith.andi %eq3A_438, %lt3A_439 : vector<16xi1>
            %or3A_441 = arith.ori %lt3A_437, %and3A_440 : vector<16xi1>
            %and3A_442 = arith.constant 2 : i32
            %and3A_443 = vector.broadcast %and3A_442 : i32 to vector<16xi32>
            %and3A_444 = arith.andi %iota3A, %and3A_443 : vector<16xi32>
            %ne3A_445 = arith.constant 0 : i32
            %ne3A_446 = vector.broadcast %ne3A_445 : i32 to vector<16xi32>
            %ne3A_447 = arith.cmpi ne, %and3A_444, %ne3A_446 : vector<16xi32>
            %eq3A_448 = arith.xori %or3A_441, %ne3A_447 : vector<16xi1>
            %eq3A_449 = arith.constant dense<true> : vector<16xi1>
            %eq3A_450 = arith.xori %eq3A_448, %eq3A_449 : vector<16xi1>
            %ne3A_451 = arith.xori %eq3A_450, %ne3A_427 : vector<16xi1>
            %select_n3A_452 = arith.select %ne3A_451, %select_n3A_420, %gather3A_433 : vector<16xi1>, vector<16xf32>
            %select_n3A_453 = arith.select %ne3A_451, %select_n3A_421, %gather3A_436 : vector<16xi1>, vector<16xi32>
            %xor3A_454 = arith.constant 1 : i32
            %xor3A_455 = vector.broadcast %xor3A_454 : i32 to vector<16xi32>
            %xor3A_456 = arith.xori %iota3A, %xor3A_455 : vector<16xi32>
            %broadcast_in_dim3A_457 = vector.shape_cast %xor3A_456 : vector<16xi32> to vector<16x1xi32>
            %gather3A_458 = vector.shape_cast %broadcast_in_dim3A_457 : vector<16x1xi32> to vector<16xi32>
            %gather3A_459 = tpu.dynamic_gather %select_n3A_452[%gather3A_458] in [0] : vector<16xf32>, vector<16xi32> -> vector<16xf32>
            %broadcast_in_dim3A_460 = vector.shape_cast %xor3A_456 : vector<16xi32> to vector<16x1xi32>
            %gather3A_461 = vector.shape_cast %broadcast_in_dim3A_460 : vector<16x1xi32> to vector<16xi32>
            %gather3A_462 = tpu.dynamic_gather %select_n3A_453[%gather3A_461] in [0] : vector<16xi32>, vector<16xi32> -> vector<16xi32>
            %lt3A_463 = arith.cmpf olt, %gather3A_459, %select_n3A_452 : vector<16xf32>
            %eq3A_464 = arith.cmpf oeq, %gather3A_459, %select_n3A_452 : vector<16xf32>
            %lt3A_465 = arith.cmpi slt, %gather3A_462, %select_n3A_453 : vector<16xi32>
            %and3A_466 = arith.andi %eq3A_464, %lt3A_465 : vector<16xi1>
            %or3A_467 = arith.ori %lt3A_463, %and3A_466 : vector<16xi1>
            %and3A_468 = arith.constant 1 : i32
            %and3A_469 = vector.broadcast %and3A_468 : i32 to vector<16xi32>
            %and3A_470 = arith.andi %iota3A, %and3A_469 : vector<16xi32>
            %ne3A_471 = arith.constant 0 : i32
            %ne3A_472 = vector.broadcast %ne3A_471 : i32 to vector<16xi32>
            %ne3A_473 = arith.cmpi ne, %and3A_470, %ne3A_472 : vector<16xi32>
            %eq3A_474 = arith.xori %or3A_467, %ne3A_473 : vector<16xi1>
            %eq3A_475 = arith.constant dense<true> : vector<16xi1>
            %eq3A_476 = arith.xori %eq3A_474, %eq3A_475 : vector<16xi1>
            %ne3A_477 = arith.xori %eq3A_476, %ne3A_427 : vector<16xi1>
            %select_n3A_478 = arith.select %ne3A_477, %select_n3A_452, %gather3A_459 : vector<16xi1>, vector<16xf32>
            %select_n3A_479 = arith.select %ne3A_477, %select_n3A_453, %gather3A_462 : vector<16xi1>, vector<16xi32>
            %and3A_480 = arith.constant 8 : i32
            %and3A_481 = vector.broadcast %and3A_480 : i32 to vector<16xi32>
            %and3A_482 = arith.andi %iota3A, %and3A_481 : vector<16xi32>
            %ne3A_483 = arith.constant 0 : i32
            %ne3A_484 = vector.broadcast %ne3A_483 : i32 to vector<16xi32>
            %ne3A_485 = arith.cmpi ne, %and3A_482, %ne3A_484 : vector<16xi32>
            %xor3A_486 = arith.constant 4 : i32
            %xor3A_487 = vector.broadcast %xor3A_486 : i32 to vector<16xi32>
            %xor3A_488 = arith.xori %iota3A, %xor3A_487 : vector<16xi32>
            %broadcast_in_dim3A_489 = vector.shape_cast %xor3A_488 : vector<16xi32> to vector<16x1xi32>
            %gather3A_490 = vector.shape_cast %broadcast_in_dim3A_489 : vector<16x1xi32> to vector<16xi32>
            %gather3A_491 = tpu.dynamic_gather %select_n3A_478[%gather3A_490] in [0] : vector<16xf32>, vector<16xi32> -> vector<16xf32>
            %broadcast_in_dim3A_492 = vector.shape_cast %xor3A_488 : vector<16xi32> to vector<16x1xi32>
            %gather3A_493 = vector.shape_cast %broadcast_in_dim3A_492 : vector<16x1xi32> to vector<16xi32>
            %gather3A_494 = tpu.dynamic_gather %select_n3A_479[%gather3A_493] in [0] : vector<16xi32>, vector<16xi32> -> vector<16xi32>
            %lt3A_495 = arith.cmpf olt, %gather3A_491, %select_n3A_478 : vector<16xf32>
            %eq3A_496 = arith.cmpf oeq, %gather3A_491, %select_n3A_478 : vector<16xf32>
            %lt3A_497 = arith.cmpi slt, %gather3A_494, %select_n3A_479 : vector<16xi32>
            %and3A_498 = arith.andi %eq3A_496, %lt3A_497 : vector<16xi1>
            %or3A_499 = arith.ori %lt3A_495, %and3A_498 : vector<16xi1>
            %and3A_500 = arith.constant 4 : i32
            %and3A_501 = vector.broadcast %and3A_500 : i32 to vector<16xi32>
            %and3A_502 = arith.andi %iota3A, %and3A_501 : vector<16xi32>
            %ne3A_503 = arith.constant 0 : i32
            %ne3A_504 = vector.broadcast %ne3A_503 : i32 to vector<16xi32>
            %ne3A_505 = arith.cmpi ne, %and3A_502, %ne3A_504 : vector<16xi32>
            %eq3A_506 = arith.xori %or3A_499, %ne3A_505 : vector<16xi1>
            %eq3A_507 = arith.constant dense<true> : vector<16xi1>
            %eq3A_508 = arith.xori %eq3A_506, %eq3A_507 : vector<16xi1>
            %ne3A_509 = arith.xori %eq3A_508, %ne3A_485 : vector<16xi1>
            %select_n3A_510 = arith.select %ne3A_509, %select_n3A_478, %gather3A_491 : vector<16xi1>, vector<16xf32>
            %select_n3A_511 = arith.select %ne3A_509, %select_n3A_479, %gather3A_494 : vector<16xi1>, vector<16xi32>
            %xor3A_512 = arith.constant 2 : i32
            %xor3A_513 = vector.broadcast %xor3A_512 : i32 to vector<16xi32>
            %xor3A_514 = arith.xori %iota3A, %xor3A_513 : vector<16xi32>
            %broadcast_in_dim3A_515 = vector.shape_cast %xor3A_514 : vector<16xi32> to vector<16x1xi32>
            %gather3A_516 = vector.shape_cast %broadcast_in_dim3A_515 : vector<16x1xi32> to vector<16xi32>
            %gather3A_517 = tpu.dynamic_gather %select_n3A_510[%gather3A_516] in [0] : vector<16xf32>, vector<16xi32> -> vector<16xf32>
            %broadcast_in_dim3A_518 = vector.shape_cast %xor3A_514 : vector<16xi32> to vector<16x1xi32>
            %gather3A_519 = vector.shape_cast %broadcast_in_dim3A_518 : vector<16x1xi32> to vector<16xi32>
            %gather3A_520 = tpu.dynamic_gather %select_n3A_511[%gather3A_519] in [0] : vector<16xi32>, vector<16xi32> -> vector<16xi32>
            %lt3A_521 = arith.cmpf olt, %gather3A_517, %select_n3A_510 : vector<16xf32>
            %eq3A_522 = arith.cmpf oeq, %gather3A_517, %select_n3A_510 : vector<16xf32>
            %lt3A_523 = arith.cmpi slt, %gather3A_520, %select_n3A_511 : vector<16xi32>
            %and3A_524 = arith.andi %eq3A_522, %lt3A_523 : vector<16xi1>
            %or3A_525 = arith.ori %lt3A_521, %and3A_524 : vector<16xi1>
            %and3A_526 = arith.constant 2 : i32
            %and3A_527 = vector.broadcast %and3A_526 : i32 to vector<16xi32>
            %and3A_528 = arith.andi %iota3A, %and3A_527 : vector<16xi32>
            %ne3A_529 = arith.constant 0 : i32
            %ne3A_530 = vector.broadcast %ne3A_529 : i32 to vector<16xi32>
            %ne3A_531 = arith.cmpi ne, %and3A_528, %ne3A_530 : vector<16xi32>
            %eq3A_532 = arith.xori %or3A_525, %ne3A_531 : vector<16xi1>
            %eq3A_533 = arith.constant dense<true> : vector<16xi1>
            %eq3A_534 = arith.xori %eq3A_532, %eq3A_533 : vector<16xi1>
            %ne3A_535 = arith.xori %eq3A_534, %ne3A_485 : vector<16xi1>
            %select_n3A_536 = arith.select %ne3A_535, %select_n3A_510, %gather3A_517 : vector<16xi1>, vector<16xf32>
            %select_n3A_537 = arith.select %ne3A_535, %select_n3A_511, %gather3A_520 : vector<16xi1>, vector<16xi32>
            %xor3A_538 = arith.constant 1 : i32
            %xor3A_539 = vector.broadcast %xor3A_538 : i32 to vector<16xi32>
            %xor3A_540 = arith.xori %iota3A, %xor3A_539 : vector<16xi32>
            %broadcast_in_dim3A_541 = vector.shape_cast %xor3A_540 : vector<16xi32> to vector<16x1xi32>
            %gather3A_542 = vector.shape_cast %broadcast_in_dim3A_541 : vector<16x1xi32> to vector<16xi32>
            %gather3A_543 = tpu.dynamic_gather %select_n3A_536[%gather3A_542] in [0] : vector<16xf32>, vector<16xi32> -> vector<16xf32>
            %broadcast_in_dim3A_544 = vector.shape_cast %xor3A_540 : vector<16xi32> to vector<16x1xi32>
            %gather3A_545 = vector.shape_cast %broadcast_in_dim3A_544 : vector<16x1xi32> to vector<16xi32>
            %gather3A_546 = tpu.dynamic_gather %select_n3A_537[%gather3A_545] in [0] : vector<16xi32>, vector<16xi32> -> vector<16xi32>
            %lt3A_547 = arith.cmpf olt, %gather3A_543, %select_n3A_536 : vector<16xf32>
            %eq3A_548 = arith.cmpf oeq, %gather3A_543, %select_n3A_536 : vector<16xf32>
            %lt3A_549 = arith.cmpi slt, %gather3A_546, %select_n3A_537 : vector<16xi32>
            %and3A_550 = arith.andi %eq3A_548, %lt3A_549 : vector<16xi1>
            %or3A_551 = arith.ori %lt3A_547, %and3A_550 : vector<16xi1>
            %and3A_552 = arith.constant 1 : i32
            %and3A_553 = vector.broadcast %and3A_552 : i32 to vector<16xi32>
            %and3A_554 = arith.andi %iota3A, %and3A_553 : vector<16xi32>
            %ne3A_555 = arith.constant 0 : i32
            %ne3A_556 = vector.broadcast %ne3A_555 : i32 to vector<16xi32>
            %ne3A_557 = arith.cmpi ne, %and3A_554, %ne3A_556 : vector<16xi32>
            %eq3A_558 = arith.xori %or3A_551, %ne3A_557 : vector<16xi1>
            %eq3A_559 = arith.constant dense<true> : vector<16xi1>
            %eq3A_560 = arith.xori %eq3A_558, %eq3A_559 : vector<16xi1>
            %ne3A_561 = arith.xori %eq3A_560, %ne3A_485 : vector<16xi1>
            %select_n3A_562 = arith.select %ne3A_561, %select_n3A_536, %gather3A_543 : vector<16xi1>, vector<16xf32>
            %select_n3A_563 = arith.select %ne3A_561, %select_n3A_537, %gather3A_546 : vector<16xi1>, vector<16xi32>
            %and3A_564 = arith.constant 16 : i32
            %and3A_565 = vector.broadcast %and3A_564 : i32 to vector<16xi32>
            %and3A_566 = arith.andi %iota3A, %and3A_565 : vector<16xi32>
            %ne3A_567 = arith.constant 0 : i32
            %ne3A_568 = vector.broadcast %ne3A_567 : i32 to vector<16xi32>
            %ne3A_569 = arith.cmpi ne, %and3A_566, %ne3A_568 : vector<16xi32>
            %xor3A_570 = arith.constant 8 : i32
            %xor3A_571 = vector.broadcast %xor3A_570 : i32 to vector<16xi32>
            %xor3A_572 = arith.xori %iota3A, %xor3A_571 : vector<16xi32>
            %broadcast_in_dim3A_573 = vector.shape_cast %xor3A_572 : vector<16xi32> to vector<16x1xi32>
            %gather3A_574 = vector.shape_cast %broadcast_in_dim3A_573 : vector<16x1xi32> to vector<16xi32>
            %gather3A_575 = tpu.dynamic_gather %select_n3A_562[%gather3A_574] in [0] : vector<16xf32>, vector<16xi32> -> vector<16xf32>
            %broadcast_in_dim3A_576 = vector.shape_cast %xor3A_572 : vector<16xi32> to vector<16x1xi32>
            %gather3A_577 = vector.shape_cast %broadcast_in_dim3A_576 : vector<16x1xi32> to vector<16xi32>
            %gather3A_578 = tpu.dynamic_gather %select_n3A_563[%gather3A_577] in [0] : vector<16xi32>, vector<16xi32> -> vector<16xi32>
            %lt3A_579 = arith.cmpf olt, %gather3A_575, %select_n3A_562 : vector<16xf32>
            %eq3A_580 = arith.cmpf oeq, %gather3A_575, %select_n3A_562 : vector<16xf32>
            %lt3A_581 = arith.cmpi slt, %gather3A_578, %select_n3A_563 : vector<16xi32>
            %and3A_582 = arith.andi %eq3A_580, %lt3A_581 : vector<16xi1>
            %or3A_583 = arith.ori %lt3A_579, %and3A_582 : vector<16xi1>
            %and3A_584 = arith.constant 8 : i32
            %and3A_585 = vector.broadcast %and3A_584 : i32 to vector<16xi32>
            %and3A_586 = arith.andi %iota3A, %and3A_585 : vector<16xi32>
            %ne3A_587 = arith.constant 0 : i32
            %ne3A_588 = vector.broadcast %ne3A_587 : i32 to vector<16xi32>
            %ne3A_589 = arith.cmpi ne, %and3A_586, %ne3A_588 : vector<16xi32>
            %eq3A_590 = arith.xori %or3A_583, %ne3A_589 : vector<16xi1>
            %eq3A_591 = arith.constant dense<true> : vector<16xi1>
            %eq3A_592 = arith.xori %eq3A_590, %eq3A_591 : vector<16xi1>
            %ne3A_593 = arith.xori %eq3A_592, %ne3A_569 : vector<16xi1>
            %select_n3A_594 = arith.select %ne3A_593, %select_n3A_562, %gather3A_575 : vector<16xi1>, vector<16xf32>
            %select_n3A_595 = arith.select %ne3A_593, %select_n3A_563, %gather3A_578 : vector<16xi1>, vector<16xi32>
            %xor3A_596 = arith.constant 4 : i32
            %xor3A_597 = vector.broadcast %xor3A_596 : i32 to vector<16xi32>
            %xor3A_598 = arith.xori %iota3A, %xor3A_597 : vector<16xi32>
            %broadcast_in_dim3A_599 = vector.shape_cast %xor3A_598 : vector<16xi32> to vector<16x1xi32>
            %gather3A_600 = vector.shape_cast %broadcast_in_dim3A_599 : vector<16x1xi32> to vector<16xi32>
            %gather3A_601 = tpu.dynamic_gather %select_n3A_594[%gather3A_600] in [0] : vector<16xf32>, vector<16xi32> -> vector<16xf32>
            %broadcast_in_dim3A_602 = vector.shape_cast %xor3A_598 : vector<16xi32> to vector<16x1xi32>
            %gather3A_603 = vector.shape_cast %broadcast_in_dim3A_602 : vector<16x1xi32> to vector<16xi32>
            %gather3A_604 = tpu.dynamic_gather %select_n3A_595[%gather3A_603] in [0] : vector<16xi32>, vector<16xi32> -> vector<16xi32>
            %lt3A_605 = arith.cmpf olt, %gather3A_601, %select_n3A_594 : vector<16xf32>
            %eq3A_606 = arith.cmpf oeq, %gather3A_601, %select_n3A_594 : vector<16xf32>
            %lt3A_607 = arith.cmpi slt, %gather3A_604, %select_n3A_595 : vector<16xi32>
            %and3A_608 = arith.andi %eq3A_606, %lt3A_607 : vector<16xi1>
            %or3A_609 = arith.ori %lt3A_605, %and3A_608 : vector<16xi1>
            %and3A_610 = arith.constant 4 : i32
            %and3A_611 = vector.broadcast %and3A_610 : i32 to vector<16xi32>
            %and3A_612 = arith.andi %iota3A, %and3A_611 : vector<16xi32>
            %ne3A_613 = arith.constant 0 : i32
            %ne3A_614 = vector.broadcast %ne3A_613 : i32 to vector<16xi32>
            %ne3A_615 = arith.cmpi ne, %and3A_612, %ne3A_614 : vector<16xi32>
            %eq3A_616 = arith.xori %or3A_609, %ne3A_615 : vector<16xi1>
            %eq3A_617 = arith.constant dense<true> : vector<16xi1>
            %eq3A_618 = arith.xori %eq3A_616, %eq3A_617 : vector<16xi1>
            %ne3A_619 = arith.xori %eq3A_618, %ne3A_569 : vector<16xi1>
            %select_n3A_620 = arith.select %ne3A_619, %select_n3A_594, %gather3A_601 : vector<16xi1>, vector<16xf32>
            %select_n3A_621 = arith.select %ne3A_619, %select_n3A_595, %gather3A_604 : vector<16xi1>, vector<16xi32>
            %xor3A_622 = arith.constant 2 : i32
            %xor3A_623 = vector.broadcast %xor3A_622 : i32 to vector<16xi32>
            %xor3A_624 = arith.xori %iota3A, %xor3A_623 : vector<16xi32>
            %broadcast_in_dim3A_625 = vector.shape_cast %xor3A_624 : vector<16xi32> to vector<16x1xi32>
            %gather3A_626 = vector.shape_cast %broadcast_in_dim3A_625 : vector<16x1xi32> to vector<16xi32>
            %gather3A_627 = tpu.dynamic_gather %select_n3A_620[%gather3A_626] in [0] : vector<16xf32>, vector<16xi32> -> vector<16xf32>
            %broadcast_in_dim3A_628 = vector.shape_cast %xor3A_624 : vector<16xi32> to vector<16x1xi32>
            %gather3A_629 = vector.shape_cast %broadcast_in_dim3A_628 : vector<16x1xi32> to vector<16xi32>
            %gather3A_630 = tpu.dynamic_gather %select_n3A_621[%gather3A_629] in [0] : vector<16xi32>, vector<16xi32> -> vector<16xi32>
            %lt3A_631 = arith.cmpf olt, %gather3A_627, %select_n3A_620 : vector<16xf32>
            %eq3A_632 = arith.cmpf oeq, %gather3A_627, %select_n3A_620 : vector<16xf32>
            %lt3A_633 = arith.cmpi slt, %gather3A_630, %select_n3A_621 : vector<16xi32>
            %and3A_634 = arith.andi %eq3A_632, %lt3A_633 : vector<16xi1>
            %or3A_635 = arith.ori %lt3A_631, %and3A_634 : vector<16xi1>
            %and3A_636 = arith.constant 2 : i32
            %and3A_637 = vector.broadcast %and3A_636 : i32 to vector<16xi32>
            %and3A_638 = arith.andi %iota3A, %and3A_637 : vector<16xi32>
            %ne3A_639 = arith.constant 0 : i32
            %ne3A_640 = vector.broadcast %ne3A_639 : i32 to vector<16xi32>
            %ne3A_641 = arith.cmpi ne, %and3A_638, %ne3A_640 : vector<16xi32>
            %eq3A_642 = arith.xori %or3A_635, %ne3A_641 : vector<16xi1>
            %eq3A_643 = arith.constant dense<true> : vector<16xi1>
            %eq3A_644 = arith.xori %eq3A_642, %eq3A_643 : vector<16xi1>
            %ne3A_645 = arith.xori %eq3A_644, %ne3A_569 : vector<16xi1>
            %select_n3A_646 = arith.select %ne3A_645, %select_n3A_620, %gather3A_627 : vector<16xi1>, vector<16xf32>
            %select_n3A_647 = arith.select %ne3A_645, %select_n3A_621, %gather3A_630 : vector<16xi1>, vector<16xi32>
            %xor3A_648 = arith.constant 1 : i32
            %xor3A_649 = vector.broadcast %xor3A_648 : i32 to vector<16xi32>
            %xor3A_650 = arith.xori %iota3A, %xor3A_649 : vector<16xi32>
            %broadcast_in_dim3A_651 = vector.shape_cast %xor3A_650 : vector<16xi32> to vector<16x1xi32>
            %gather3A_652 = vector.shape_cast %broadcast_in_dim3A_651 : vector<16x1xi32> to vector<16xi32>
            %gather3A_653 = tpu.dynamic_gather %select_n3A_646[%gather3A_652] in [0] : vector<16xf32>, vector<16xi32> -> vector<16xf32>
            %broadcast_in_dim3A_654 = vector.shape_cast %xor3A_650 : vector<16xi32> to vector<16x1xi32>
            %gather3A_655 = vector.shape_cast %broadcast_in_dim3A_654 : vector<16x1xi32> to vector<16xi32>
            %gather3A_656 = tpu.dynamic_gather %select_n3A_647[%gather3A_655] in [0] : vector<16xi32>, vector<16xi32> -> vector<16xi32>
            %lt3A_657 = arith.cmpf olt, %gather3A_653, %select_n3A_646 : vector<16xf32>
            %eq3A_658 = arith.cmpf oeq, %gather3A_653, %select_n3A_646 : vector<16xf32>
            %lt3A_659 = arith.cmpi slt, %gather3A_656, %select_n3A_647 : vector<16xi32>
            %and3A_660 = arith.andi %eq3A_658, %lt3A_659 : vector<16xi1>
            %or3A_661 = arith.ori %lt3A_657, %and3A_660 : vector<16xi1>
            %and3A_662 = arith.constant 1 : i32
            %and3A_663 = vector.broadcast %and3A_662 : i32 to vector<16xi32>
            %and3A_664 = arith.andi %iota3A, %and3A_663 : vector<16xi32>
            %ne3A_665 = arith.constant 0 : i32
            %ne3A_666 = vector.broadcast %ne3A_665 : i32 to vector<16xi32>
            %ne3A_667 = arith.cmpi ne, %and3A_664, %ne3A_666 : vector<16xi32>
            %eq3A_668 = arith.xori %or3A_661, %ne3A_667 : vector<16xi1>
            %eq3A_669 = arith.constant dense<true> : vector<16xi1>
            %eq3A_670 = arith.xori %eq3A_668, %eq3A_669 : vector<16xi1>
            %ne3A_671 = arith.xori %eq3A_670, %ne3A_569 : vector<16xi1>
            %select_n3A_672 = arith.select %ne3A_671, %select_n3A_646, %gather3A_653 : vector<16xi1>, vector<16xf32>
            %select_n3A_673 = arith.select %ne3A_671, %select_n3A_647, %gather3A_656 : vector<16xi1>, vector<16xi32>
            %sub3A_674 = arith.constant 15 : i32
            %sub3A_675 = vector.broadcast %sub3A_674 : i32 to vector<16xi32>
            %sub3A_676 = arith.subi %sub3A_675, %iota3A : vector<16xi32>
            %broadcast_in_dim3A_677 = vector.shape_cast %sub3A_676 : vector<16xi32> to vector<16x1xi32>
            %gather3A_678 = vector.shape_cast %broadcast_in_dim3A_677 : vector<16x1xi32> to vector<16xi32>
            %gather3A_679 = tpu.dynamic_gather %select_n3A_672[%gather3A_678] in [0] : vector<16xf32>, vector<16xi32> -> vector<16xf32>
            %broadcast_in_dim3A_680 = vector.shape_cast %sub3A_676 : vector<16xi32> to vector<16x1xi32>
            %gather3A_681 = vector.shape_cast %broadcast_in_dim3A_680 : vector<16x1xi32> to vector<16xi32>
            %gather3A_682 = tpu.dynamic_gather %select_n3A_673[%gather3A_681] in [0] : vector<16xi32>, vector<16xi32> -> vector<16xi32>
            %lt3A_683 = arith.cmpf olt, %gather3A_679, %while3A_377 : vector<16xf32>
            %eq3A_684 = arith.cmpf oeq, %gather3A_679, %while3A_377 : vector<16xf32>
            %lt3A_685 = arith.cmpi slt, %gather3A_682, %while3A_378 : vector<16xi32>
            %and3A_686 = arith.andi %eq3A_684, %lt3A_685 : vector<16xi1>
            %or3A_687 = arith.ori %lt3A_683, %and3A_686 : vector<16xi1>
            %select_n3A_688 = arith.select %or3A_687, %gather3A_679, %while3A_377 : vector<16xi1>, vector<16xf32>
            %select_n3A_689 = arith.select %or3A_687, %gather3A_682, %while3A_378 : vector<16xi1>, vector<16xi32>
            %select_n3A_690 = arith.select %or3A_687, %while3A_377, %gather3A_679 : vector<16xi1>, vector<16xf32>
            %select_n3A_691 = arith.select %or3A_687, %while3A_378, %gather3A_682 : vector<16xi1>, vector<16xi32>
            %lt3A_692 = arith.cmpf olt, %select_n3A_688, %while3A_375 : vector<16xf32>
            %eq3A_693 = arith.cmpf oeq, %select_n3A_688, %while3A_375 : vector<16xf32>
            %lt3A_694 = arith.cmpi slt, %select_n3A_689, %while3A_376 : vector<16xi32>
            %and3A_695 = arith.andi %eq3A_693, %lt3A_694 : vector<16xi1>
            %or3A_696 = arith.ori %lt3A_692, %and3A_695 : vector<16xi1>
            %select_n3A_697 = arith.select %or3A_696, %select_n3A_688, %while3A_375 : vector<16xi1>, vector<16xf32>
            %select_n3A_698 = arith.select %or3A_696, %select_n3A_689, %while3A_376 : vector<16xi1>, vector<16xi32>
            %select_n3A_699 = arith.select %or3A_696, %while3A_375, %select_n3A_688 : vector<16xi1>, vector<16xf32>
            %select_n3A_700 = arith.select %or3A_696, %while3A_376, %select_n3A_689 : vector<16xi1>, vector<16xi32>
            %xor3A_701 = arith.constant 8 : i32
            %xor3A_702 = vector.broadcast %xor3A_701 : i32 to vector<16xi32>
            %xor3A_703 = arith.xori %iota3A, %xor3A_702 : vector<16xi32>
            %broadcast_in_dim3A_704 = vector.shape_cast %xor3A_703 : vector<16xi32> to vector<16x1xi32>
            %gather3A_705 = vector.shape_cast %broadcast_in_dim3A_704 : vector<16x1xi32> to vector<16xi32>
            %gather3A_706 = tpu.dynamic_gather %select_n3A_697[%gather3A_705] in [0] : vector<16xf32>, vector<16xi32> -> vector<16xf32>
            %broadcast_in_dim3A_707 = vector.shape_cast %xor3A_703 : vector<16xi32> to vector<16x1xi32>
            %gather3A_708 = vector.shape_cast %broadcast_in_dim3A_707 : vector<16x1xi32> to vector<16xi32>
            %gather3A_709 = tpu.dynamic_gather %select_n3A_698[%gather3A_708] in [0] : vector<16xi32>, vector<16xi32> -> vector<16xi32>
            %lt3A_710 = arith.cmpf olt, %gather3A_706, %select_n3A_697 : vector<16xf32>
            %eq3A_711 = arith.cmpf oeq, %gather3A_706, %select_n3A_697 : vector<16xf32>
            %lt3A_712 = arith.cmpi slt, %gather3A_709, %select_n3A_698 : vector<16xi32>
            %and3A_713 = arith.andi %eq3A_711, %lt3A_712 : vector<16xi1>
            %or3A_714 = arith.ori %lt3A_710, %and3A_713 : vector<16xi1>
            %and3A_715 = arith.constant 8 : i32
            %and3A_716 = vector.broadcast %and3A_715 : i32 to vector<16xi32>
            %and3A_717 = arith.andi %iota3A, %and3A_716 : vector<16xi32>
            %ne3A_718 = arith.constant 0 : i32
            %ne3A_719 = vector.broadcast %ne3A_718 : i32 to vector<16xi32>
            %ne3A_720 = arith.cmpi ne, %and3A_717, %ne3A_719 : vector<16xi32>
            %eq3A_721 = arith.xori %or3A_714, %ne3A_720 : vector<16xi1>
            %eq3A_722 = arith.constant dense<true> : vector<16xi1>
            %eq3A_723 = arith.xori %eq3A_721, %eq3A_722 : vector<16xi1>
            %select_n3A_724 = arith.select %eq3A_723, %select_n3A_697, %gather3A_706 : vector<16xi1>, vector<16xf32>
            %select_n3A_725 = arith.select %eq3A_723, %select_n3A_698, %gather3A_709 : vector<16xi1>, vector<16xi32>
            %xor3A_726 = arith.constant 8 : i32
            %xor3A_727 = vector.broadcast %xor3A_726 : i32 to vector<16xi32>
            %xor3A_728 = arith.xori %iota3A, %xor3A_727 : vector<16xi32>
            %broadcast_in_dim3A_729 = vector.shape_cast %xor3A_728 : vector<16xi32> to vector<16x1xi32>
            %gather3A_730 = vector.shape_cast %broadcast_in_dim3A_729 : vector<16x1xi32> to vector<16xi32>
            %gather3A_731 = tpu.dynamic_gather %select_n3A_699[%gather3A_730] in [0] : vector<16xf32>, vector<16xi32> -> vector<16xf32>
            %broadcast_in_dim3A_732 = vector.shape_cast %xor3A_728 : vector<16xi32> to vector<16x1xi32>
            %gather3A_733 = vector.shape_cast %broadcast_in_dim3A_732 : vector<16x1xi32> to vector<16xi32>
            %gather3A_734 = tpu.dynamic_gather %select_n3A_700[%gather3A_733] in [0] : vector<16xi32>, vector<16xi32> -> vector<16xi32>
            %lt3A_735 = arith.cmpf olt, %gather3A_731, %select_n3A_699 : vector<16xf32>
            %eq3A_736 = arith.cmpf oeq, %gather3A_731, %select_n3A_699 : vector<16xf32>
            %lt3A_737 = arith.cmpi slt, %gather3A_734, %select_n3A_700 : vector<16xi32>
            %and3A_738 = arith.andi %eq3A_736, %lt3A_737 : vector<16xi1>
            %or3A_739 = arith.ori %lt3A_735, %and3A_738 : vector<16xi1>
            %and3A_740 = arith.constant 8 : i32
            %and3A_741 = vector.broadcast %and3A_740 : i32 to vector<16xi32>
            %and3A_742 = arith.andi %iota3A, %and3A_741 : vector<16xi32>
            %ne3A_743 = arith.constant 0 : i32
            %ne3A_744 = vector.broadcast %ne3A_743 : i32 to vector<16xi32>
            %ne3A_745 = arith.cmpi ne, %and3A_742, %ne3A_744 : vector<16xi32>
            %eq3A_746 = arith.xori %or3A_739, %ne3A_745 : vector<16xi1>
            %eq3A_747 = arith.constant dense<true> : vector<16xi1>
            %eq3A_748 = arith.xori %eq3A_746, %eq3A_747 : vector<16xi1>
            %select_n3A_749 = arith.select %eq3A_748, %select_n3A_699, %gather3A_731 : vector<16xi1>, vector<16xf32>
            %select_n3A_750 = arith.select %eq3A_748, %select_n3A_700, %gather3A_734 : vector<16xi1>, vector<16xi32>
            %xor3A_751 = arith.constant 4 : i32
            %xor3A_752 = vector.broadcast %xor3A_751 : i32 to vector<16xi32>
            %xor3A_753 = arith.xori %iota3A, %xor3A_752 : vector<16xi32>
            %broadcast_in_dim3A_754 = vector.shape_cast %xor3A_753 : vector<16xi32> to vector<16x1xi32>
            %gather3A_755 = vector.shape_cast %broadcast_in_dim3A_754 : vector<16x1xi32> to vector<16xi32>
            %gather3A_756 = tpu.dynamic_gather %select_n3A_724[%gather3A_755] in [0] : vector<16xf32>, vector<16xi32> -> vector<16xf32>
            %broadcast_in_dim3A_757 = vector.shape_cast %xor3A_753 : vector<16xi32> to vector<16x1xi32>
            %gather3A_758 = vector.shape_cast %broadcast_in_dim3A_757 : vector<16x1xi32> to vector<16xi32>
            %gather3A_759 = tpu.dynamic_gather %select_n3A_725[%gather3A_758] in [0] : vector<16xi32>, vector<16xi32> -> vector<16xi32>
            %lt3A_760 = arith.cmpf olt, %gather3A_756, %select_n3A_724 : vector<16xf32>
            %eq3A_761 = arith.cmpf oeq, %gather3A_756, %select_n3A_724 : vector<16xf32>
            %lt3A_762 = arith.cmpi slt, %gather3A_759, %select_n3A_725 : vector<16xi32>
            %and3A_763 = arith.andi %eq3A_761, %lt3A_762 : vector<16xi1>
            %or3A_764 = arith.ori %lt3A_760, %and3A_763 : vector<16xi1>
            %and3A_765 = arith.constant 4 : i32
            %and3A_766 = vector.broadcast %and3A_765 : i32 to vector<16xi32>
            %and3A_767 = arith.andi %iota3A, %and3A_766 : vector<16xi32>
            %ne3A_768 = arith.constant 0 : i32
            %ne3A_769 = vector.broadcast %ne3A_768 : i32 to vector<16xi32>
            %ne3A_770 = arith.cmpi ne, %and3A_767, %ne3A_769 : vector<16xi32>
            %eq3A_771 = arith.xori %or3A_764, %ne3A_770 : vector<16xi1>
            %eq3A_772 = arith.constant dense<true> : vector<16xi1>
            %eq3A_773 = arith.xori %eq3A_771, %eq3A_772 : vector<16xi1>
            %select_n3A_774 = arith.select %eq3A_773, %select_n3A_724, %gather3A_756 : vector<16xi1>, vector<16xf32>
            %select_n3A_775 = arith.select %eq3A_773, %select_n3A_725, %gather3A_759 : vector<16xi1>, vector<16xi32>
            %xor3A_776 = arith.constant 4 : i32
            %xor3A_777 = vector.broadcast %xor3A_776 : i32 to vector<16xi32>
            %xor3A_778 = arith.xori %iota3A, %xor3A_777 : vector<16xi32>
            %broadcast_in_dim3A_779 = vector.shape_cast %xor3A_778 : vector<16xi32> to vector<16x1xi32>
            %gather3A_780 = vector.shape_cast %broadcast_in_dim3A_779 : vector<16x1xi32> to vector<16xi32>
            %gather3A_781 = tpu.dynamic_gather %select_n3A_749[%gather3A_780] in [0] : vector<16xf32>, vector<16xi32> -> vector<16xf32>
            %broadcast_in_dim3A_782 = vector.shape_cast %xor3A_778 : vector<16xi32> to vector<16x1xi32>
            %gather3A_783 = vector.shape_cast %broadcast_in_dim3A_782 : vector<16x1xi32> to vector<16xi32>
            %gather3A_784 = tpu.dynamic_gather %select_n3A_750[%gather3A_783] in [0] : vector<16xi32>, vector<16xi32> -> vector<16xi32>
            %lt3A_785 = arith.cmpf olt, %gather3A_781, %select_n3A_749 : vector<16xf32>
            %eq3A_786 = arith.cmpf oeq, %gather3A_781, %select_n3A_749 : vector<16xf32>
            %lt3A_787 = arith.cmpi slt, %gather3A_784, %select_n3A_750 : vector<16xi32>
            %and3A_788 = arith.andi %eq3A_786, %lt3A_787 : vector<16xi1>
            %or3A_789 = arith.ori %lt3A_785, %and3A_788 : vector<16xi1>
            %and3A_790 = arith.constant 4 : i32
            %and3A_791 = vector.broadcast %and3A_790 : i32 to vector<16xi32>
            %and3A_792 = arith.andi %iota3A, %and3A_791 : vector<16xi32>
            %ne3A_793 = arith.constant 0 : i32
            %ne3A_794 = vector.broadcast %ne3A_793 : i32 to vector<16xi32>
            %ne3A_795 = arith.cmpi ne, %and3A_792, %ne3A_794 : vector<16xi32>
            %eq3A_796 = arith.xori %or3A_789, %ne3A_795 : vector<16xi1>
            %eq3A_797 = arith.constant dense<true> : vector<16xi1>
            %eq3A_798 = arith.xori %eq3A_796, %eq3A_797 : vector<16xi1>
            %select_n3A_799 = arith.select %eq3A_798, %select_n3A_749, %gather3A_781 : vector<16xi1>, vector<16xf32>
            %select_n3A_800 = arith.select %eq3A_798, %select_n3A_750, %gather3A_784 : vector<16xi1>, vector<16xi32>
            %xor3A_801 = arith.constant 2 : i32
            %xor3A_802 = vector.broadcast %xor3A_801 : i32 to vector<16xi32>
            %xor3A_803 = arith.xori %iota3A, %xor3A_802 : vector<16xi32>
            %broadcast_in_dim3A_804 = vector.shape_cast %xor3A_803 : vector<16xi32> to vector<16x1xi32>
            %gather3A_805 = vector.shape_cast %broadcast_in_dim3A_804 : vector<16x1xi32> to vector<16xi32>
            %gather3A_806 = tpu.dynamic_gather %select_n3A_774[%gather3A_805] in [0] : vector<16xf32>, vector<16xi32> -> vector<16xf32>
            %broadcast_in_dim3A_807 = vector.shape_cast %xor3A_803 : vector<16xi32> to vector<16x1xi32>
            %gather3A_808 = vector.shape_cast %broadcast_in_dim3A_807 : vector<16x1xi32> to vector<16xi32>
            %gather3A_809 = tpu.dynamic_gather %select_n3A_775[%gather3A_808] in [0] : vector<16xi32>, vector<16xi32> -> vector<16xi32>
            %lt3A_810 = arith.cmpf olt, %gather3A_806, %select_n3A_774 : vector<16xf32>
            %eq3A_811 = arith.cmpf oeq, %gather3A_806, %select_n3A_774 : vector<16xf32>
            %lt3A_812 = arith.cmpi slt, %gather3A_809, %select_n3A_775 : vector<16xi32>
            %and3A_813 = arith.andi %eq3A_811, %lt3A_812 : vector<16xi1>
            %or3A_814 = arith.ori %lt3A_810, %and3A_813 : vector<16xi1>
            %and3A_815 = arith.constant 2 : i32
            %and3A_816 = vector.broadcast %and3A_815 : i32 to vector<16xi32>
            %and3A_817 = arith.andi %iota3A, %and3A_816 : vector<16xi32>
            %ne3A_818 = arith.constant 0 : i32
            %ne3A_819 = vector.broadcast %ne3A_818 : i32 to vector<16xi32>
            %ne3A_820 = arith.cmpi ne, %and3A_817, %ne3A_819 : vector<16xi32>
            %eq3A_821 = arith.xori %or3A_814, %ne3A_820 : vector<16xi1>
            %eq3A_822 = arith.constant dense<true> : vector<16xi1>
            %eq3A_823 = arith.xori %eq3A_821, %eq3A_822 : vector<16xi1>
            %select_n3A_824 = arith.select %eq3A_823, %select_n3A_774, %gather3A_806 : vector<16xi1>, vector<16xf32>
            %select_n3A_825 = arith.select %eq3A_823, %select_n3A_775, %gather3A_809 : vector<16xi1>, vector<16xi32>
            %xor3A_826 = arith.constant 2 : i32
            %xor3A_827 = vector.broadcast %xor3A_826 : i32 to vector<16xi32>
            %xor3A_828 = arith.xori %iota3A, %xor3A_827 : vector<16xi32>
            %broadcast_in_dim3A_829 = vector.shape_cast %xor3A_828 : vector<16xi32> to vector<16x1xi32>
            %gather3A_830 = vector.shape_cast %broadcast_in_dim3A_829 : vector<16x1xi32> to vector<16xi32>
            %gather3A_831 = tpu.dynamic_gather %select_n3A_799[%gather3A_830] in [0] : vector<16xf32>, vector<16xi32> -> vector<16xf32>
            %broadcast_in_dim3A_832 = vector.shape_cast %xor3A_828 : vector<16xi32> to vector<16x1xi32>
            %gather3A_833 = vector.shape_cast %broadcast_in_dim3A_832 : vector<16x1xi32> to vector<16xi32>
            %gather3A_834 = tpu.dynamic_gather %select_n3A_800[%gather3A_833] in [0] : vector<16xi32>, vector<16xi32> -> vector<16xi32>
            %lt3A_835 = arith.cmpf olt, %gather3A_831, %select_n3A_799 : vector<16xf32>
            %eq3A_836 = arith.cmpf oeq, %gather3A_831, %select_n3A_799 : vector<16xf32>
            %lt3A_837 = arith.cmpi slt, %gather3A_834, %select_n3A_800 : vector<16xi32>
            %and3A_838 = arith.andi %eq3A_836, %lt3A_837 : vector<16xi1>
            %or3A_839 = arith.ori %lt3A_835, %and3A_838 : vector<16xi1>
            %and3A_840 = arith.constant 2 : i32
            %and3A_841 = vector.broadcast %and3A_840 : i32 to vector<16xi32>
            %and3A_842 = arith.andi %iota3A, %and3A_841 : vector<16xi32>
            %ne3A_843 = arith.constant 0 : i32
            %ne3A_844 = vector.broadcast %ne3A_843 : i32 to vector<16xi32>
            %ne3A_845 = arith.cmpi ne, %and3A_842, %ne3A_844 : vector<16xi32>
            %eq3A_846 = arith.xori %or3A_839, %ne3A_845 : vector<16xi1>
            %eq3A_847 = arith.constant dense<true> : vector<16xi1>
            %eq3A_848 = arith.xori %eq3A_846, %eq3A_847 : vector<16xi1>
            %select_n3A_849 = arith.select %eq3A_848, %select_n3A_799, %gather3A_831 : vector<16xi1>, vector<16xf32>
            %select_n3A_850 = arith.select %eq3A_848, %select_n3A_800, %gather3A_834 : vector<16xi1>, vector<16xi32>
            %xor3A_851 = arith.constant 1 : i32
            %xor3A_852 = vector.broadcast %xor3A_851 : i32 to vector<16xi32>
            %xor3A_853 = arith.xori %iota3A, %xor3A_852 : vector<16xi32>
            %broadcast_in_dim3A_854 = vector.shape_cast %xor3A_853 : vector<16xi32> to vector<16x1xi32>
            %gather3A_855 = vector.shape_cast %broadcast_in_dim3A_854 : vector<16x1xi32> to vector<16xi32>
            %gather3A_856 = tpu.dynamic_gather %select_n3A_824[%gather3A_855] in [0] : vector<16xf32>, vector<16xi32> -> vector<16xf32>
            %broadcast_in_dim3A_857 = vector.shape_cast %xor3A_853 : vector<16xi32> to vector<16x1xi32>
            %gather3A_858 = vector.shape_cast %broadcast_in_dim3A_857 : vector<16x1xi32> to vector<16xi32>
            %gather3A_859 = tpu.dynamic_gather %select_n3A_825[%gather3A_858] in [0] : vector<16xi32>, vector<16xi32> -> vector<16xi32>
            %lt3A_860 = arith.cmpf olt, %gather3A_856, %select_n3A_824 : vector<16xf32>
            %eq3A_861 = arith.cmpf oeq, %gather3A_856, %select_n3A_824 : vector<16xf32>
            %lt3A_862 = arith.cmpi slt, %gather3A_859, %select_n3A_825 : vector<16xi32>
            %and3A_863 = arith.andi %eq3A_861, %lt3A_862 : vector<16xi1>
            %or3A_864 = arith.ori %lt3A_860, %and3A_863 : vector<16xi1>
            %and3A_865 = arith.constant 1 : i32
            %and3A_866 = vector.broadcast %and3A_865 : i32 to vector<16xi32>
            %and3A_867 = arith.andi %iota3A, %and3A_866 : vector<16xi32>
            %ne3A_868 = arith.constant 0 : i32
            %ne3A_869 = vector.broadcast %ne3A_868 : i32 to vector<16xi32>
            %ne3A_870 = arith.cmpi ne, %and3A_867, %ne3A_869 : vector<16xi32>
            %eq3A_871 = arith.xori %or3A_864, %ne3A_870 : vector<16xi1>
            %eq3A_872 = arith.constant dense<true> : vector<16xi1>
            %eq3A_873 = arith.xori %eq3A_871, %eq3A_872 : vector<16xi1>
            %select_n3A_874 = arith.select %eq3A_873, %select_n3A_824, %gather3A_856 : vector<16xi1>, vector<16xf32>
            %select_n3A_875 = arith.select %eq3A_873, %select_n3A_825, %gather3A_859 : vector<16xi1>, vector<16xi32>
            %xor3A_876 = arith.constant 1 : i32
            %xor3A_877 = vector.broadcast %xor3A_876 : i32 to vector<16xi32>
            %xor3A_878 = arith.xori %iota3A, %xor3A_877 : vector<16xi32>
            %broadcast_in_dim3A_879 = vector.shape_cast %xor3A_878 : vector<16xi32> to vector<16x1xi32>
            %gather3A_880 = vector.shape_cast %broadcast_in_dim3A_879 : vector<16x1xi32> to vector<16xi32>
            %gather3A_881 = tpu.dynamic_gather %select_n3A_849[%gather3A_880] in [0] : vector<16xf32>, vector<16xi32> -> vector<16xf32>
            %broadcast_in_dim3A_882 = vector.shape_cast %xor3A_878 : vector<16xi32> to vector<16x1xi32>
            %gather3A_883 = vector.shape_cast %broadcast_in_dim3A_882 : vector<16x1xi32> to vector<16xi32>
            %gather3A_884 = tpu.dynamic_gather %select_n3A_850[%gather3A_883] in [0] : vector<16xi32>, vector<16xi32> -> vector<16xi32>
            %lt3A_885 = arith.cmpf olt, %gather3A_881, %select_n3A_849 : vector<16xf32>
            %eq3A_886 = arith.cmpf oeq, %gather3A_881, %select_n3A_849 : vector<16xf32>
            %lt3A_887 = arith.cmpi slt, %gather3A_884, %select_n3A_850 : vector<16xi32>
            %and3A_888 = arith.andi %eq3A_886, %lt3A_887 : vector<16xi1>
            %or3A_889 = arith.ori %lt3A_885, %and3A_888 : vector<16xi1>
            %and3A_890 = arith.constant 1 : i32
            %and3A_891 = vector.broadcast %and3A_890 : i32 to vector<16xi32>
            %and3A_892 = arith.andi %iota3A, %and3A_891 : vector<16xi32>
            %ne3A_893 = arith.constant 0 : i32
            %ne3A_894 = vector.broadcast %ne3A_893 : i32 to vector<16xi32>
            %ne3A_895 = arith.cmpi ne, %and3A_892, %ne3A_894 : vector<16xi32>
            %eq3A_896 = arith.xori %or3A_889, %ne3A_895 : vector<16xi1>
            %eq3A_897 = arith.constant dense<true> : vector<16xi1>
            %eq3A_898 = arith.xori %eq3A_896, %eq3A_897 : vector<16xi1>
            %select_n3A_899 = arith.select %eq3A_898, %select_n3A_849, %gather3A_881 : vector<16xi1>, vector<16xf32>
            %select_n3A_900 = arith.select %eq3A_898, %select_n3A_850, %gather3A_884 : vector<16xi1>, vector<16xi32>
            scf.yield %select_n3A_874, %select_n3A_875, %select_n3A_899, %select_n3A_900 : vector<16xf32>, vector<16xi32>, vector<16xf32>, vector<16xi32>
          } else {
            scf.yield %while3A_375, %while3A_376, %while3A_377, %while3A_378 : vector<16xf32>, vector<16xi32>, vector<16xf32>, vector<16xi32>
          }
          scf.yield %cond3A_391#0, %cond3A_391#1, %cond3A_391#2, %cond3A_391#3 : vector<16xf32>, vector<16xi32>, vector<16xf32>, vector<16xi32>
        }
        %mul3A_233 = arith.constant 16 : i32
        %mul3A_234 = arith.muli %scan3A_74, %mul3A_233 : i32
        %mul3A_235 = arith.constant 2 : i32
        %mul3A_236 = arith.muli %mul3A_235, %scan3A_98 : i32
        %add3A_237 = arith.addi %mul3A_234, %mul3A_236 : i32
        %add3A_238 = arith.constant 0 : i32
        %add3A_239 = arith.addi %add3A_237, %add3A_238 : i32
        %gather3A_240 = tpu.vector_load_idx %arg7[%while3A_232#1] : memref<8192xf32, #tpu.memory_space<vmem>>[vector<16xi32>], vector<16xf32>,
        %sub3A_241 = arith.subf %gather3A_240, %broadcast_in_dim3A_115 : vector<16xf32>
        %mul3A_242 = arith.constant 32 : i32
        %mul3A_243 = arith.muli %add3A_239, %mul3A_242 : i32
        %swap3A_244 = arith.index_cast %mul3A_243 : i32 to index
        %swap3A_245 = tpu.vector_load %arg20[%swap3A_244] {strides = array<i32>} : memref<4096xf32, #tpu.memory_space<vmem>>, vector<16xf32>,
        tpu.vector_store %arg20[%swap3A_244], %sub3A_241 {strides = array<i32>} : memref<4096xf32, #tpu.memory_space<vmem>>, vector<16xf32>,
        %gather3A_246 = tpu.vector_load_idx %arg8[%while3A_232#1] : memref<8192xf32, #tpu.memory_space<vmem>>[vector<16xi32>], vector<16xf32>,
        %sub3A_247 = arith.subf %gather3A_246, %broadcast_in_dim3A_123 : vector<16xf32>
        %mul3A_248 = arith.constant 32 : i32
        %mul3A_249 = arith.muli %add3A_239, %mul3A_248 : i32
        %swap3A_250 = arith.index_cast %mul3A_249 : i32 to index
        %swap3A_251 = tpu.vector_load %arg21[%swap3A_250] {strides = array<i32>} : memref<4096xf32, #tpu.memory_space<vmem>>, vector<16xf32>,
        tpu.vector_store %arg21[%swap3A_250], %sub3A_247 {strides = array<i32>} : memref<4096xf32, #tpu.memory_space<vmem>>, vector<16xf32>,
        %gather3A_252 = tpu.vector_load_idx %arg9[%while3A_232#1] : memref<8192xf32, #tpu.memory_space<vmem>>[vector<16xi32>], vector<16xf32>,
        %sub3A_253 = arith.subf %gather3A_252, %broadcast_in_dim3A_131 : vector<16xf32>
        %mul3A_254 = arith.constant 32 : i32
        %mul3A_255 = arith.muli %add3A_239, %mul3A_254 : i32
        %swap3A_256 = arith.index_cast %mul3A_255 : i32 to index
        %swap3A_257 = tpu.vector_load %arg22[%swap3A_256] {strides = array<i32>} : memref<4096xf32, #tpu.memory_space<vmem>>, vector<16xf32>,
        tpu.vector_store %arg22[%swap3A_256], %sub3A_253 {strides = array<i32>} : memref<4096xf32, #tpu.memory_space<vmem>>, vector<16xf32>,
        %gather3A_258 = tpu.vector_load_idx %arg7[%while3A_232#3] : memref<8192xf32, #tpu.memory_space<vmem>>[vector<16xi32>], vector<16xf32>,
        %sub3A_259 = arith.subf %gather3A_258, %broadcast_in_dim3A_115 : vector<16xf32>
        %mul3A_260 = arith.constant 32 : i32
        %mul3A_261 = arith.muli %add3A_239, %mul3A_260 : i32
        %add3A_262 = arith.constant 16 : i32
        %add3A_263 = arith.addi %mul3A_261, %add3A_262 : i32
        %swap3A_264 = arith.index_cast %add3A_263 : i32 to index
        %swap3A_265 = tpu.vector_load %arg20[%swap3A_264] {strides = array<i32>} : memref<4096xf32, #tpu.memory_space<vmem>>, vector<16xf32>,
        tpu.vector_store %arg20[%swap3A_264], %sub3A_259 {strides = array<i32>} : memref<4096xf32, #tpu.memory_space<vmem>>, vector<16xf32>,
        %gather3A_266 = tpu.vector_load_idx %arg8[%while3A_232#3] : memref<8192xf32, #tpu.memory_space<vmem>>[vector<16xi32>], vector<16xf32>,
        %sub3A_267 = arith.subf %gather3A_266, %broadcast_in_dim3A_123 : vector<16xf32>
        %mul3A_268 = arith.constant 32 : i32
        %mul3A_269 = arith.muli %add3A_239, %mul3A_268 : i32
        %add3A_270 = arith.constant 16 : i32
        %add3A_271 = arith.addi %mul3A_269, %add3A_270 : i32
        %swap3A_272 = arith.index_cast %add3A_271 : i32 to index
        %swap3A_273 = tpu.vector_load %arg21[%swap3A_272] {strides = array<i32>} : memref<4096xf32, #tpu.memory_space<vmem>>, vector<16xf32>,
        tpu.vector_store %arg21[%swap3A_272], %sub3A_267 {strides = array<i32>} : memref<4096xf32, #tpu.memory_space<vmem>>, vector<16xf32>,
        %gather3A_274 = tpu.vector_load_idx %arg9[%while3A_232#3] : memref<8192xf32, #tpu.memory_space<vmem>>[vector<16xi32>], vector<16xf32>,
        %sub3A_275 = arith.subf %gather3A_274, %broadcast_in_dim3A_131 : vector<16xf32>
        %mul3A_276 = arith.constant 32 : i32
        %mul3A_277 = arith.muli %add3A_239, %mul3A_276 : i32
        %add3A_278 = arith.constant 16 : i32
        %add3A_279 = arith.addi %mul3A_277, %add3A_278 : i32
        %swap3A_280 = arith.index_cast %add3A_279 : i32 to index
        %swap3A_281 = tpu.vector_load %arg22[%swap3A_280] {strides = array<i32>} : memref<4096xf32, #tpu.memory_space<vmem>>, vector<16xf32>,
        tpu.vector_store %arg22[%swap3A_280], %sub3A_275 {strides = array<i32>} : memref<4096xf32, #tpu.memory_space<vmem>>, vector<16xf32>,
        %add3A_282 = arith.constant 16 : i32
        %add3A_283 = arith.addi %scan3A_189#2, %add3A_282 : i32
        %sub3A_284 = arith.constant 1 : i32
        %sub3A_285 = arith.subi %add3A_283, %sub3A_284 : i32
        %jit3A_286 = arith.constant 16 : i32
        %div3A_287 = arith.divsi %sub3A_285, %jit3A_286 : i32
        %sign3A_288 = arith.constant 0 : i32
        %sign3A_289 = arith.cmpi sgt, %sub3A_285, %sign3A_288 : i32
        %sign3A_290 = arith.extui %sign3A_289 : i1 to i32
        %sign3A_291 = arith.constant 0 : i32
        %sign3A_292 = arith.cmpi slt, %sub3A_285, %sign3A_291 : i32
        %sign3A_293 = arith.extui %sign3A_292 : i1 to i32
        %sign3A_294 = arith.subi %sign3A_290, %sign3A_293 : i32
        %sign3A_295 = arith.constant 0 : i32
        %sign3A_296 = arith.cmpi sgt, %jit3A_286, %sign3A_295 : i32
        %sign3A_297 = arith.extui %sign3A_296 : i1 to i32
        %sign3A_298 = arith.constant 0 : i32
        %sign3A_299 = arith.cmpi slt, %jit3A_286, %sign3A_298 : i32
        %sign3A_300 = arith.extui %sign3A_299 : i1 to i32
        %sign3A_301 = arith.subi %sign3A_297, %sign3A_300 : i32
        %ne3A_302 = arith.cmpi ne, %sign3A_294, %sign3A_301 : i32
        %rem3A_303 = arith.remsi %sub3A_285, %jit3A_286 : i32
        %ne3A_304 = arith.constant 0 : i32
        %ne3A_305 = arith.cmpi ne, %rem3A_303, %ne3A_304 : i32
        %and3A_306 = arith.andi %ne3A_302, %ne3A_305 : i1
        %sub3A_307 = arith.constant 1 : i32
        %sub3A_308 = arith.subi %div3A_287, %sub3A_307 : i32
        %select_n3A_309 = arith.select %and3A_306, %sub3A_308, %div3A_287 : i32
        %broadcast_in_dim3A_310 = arith.constant 0x7F800000 : f32
        %broadcast_in_dim3A_311 = vector.broadcast %broadcast_in_dim3A_310 : f32 to vector<16xf32>
        %broadcast_in_dim3A_312 = arith.constant 0 : i32
        %broadcast_in_dim3A_313 = vector.broadcast %broadcast_in_dim3A_312 : i32 to vector<16xi32>
        %while3A_314 = arith.constant 0 : i32
        %while3A_315 = arith.subi %select_n3A_309, %while3A_314 : i32
        %while3A_316 = arith.addi %while3A_314, %while3A_315 : i32
        %while3A_317 = arith.constant 1 : i32
        %while3A_318 = arith.divsi %while3A_315, %while3A_317 : i32
        %while3A_319 = arith.muli %while3A_318, %while3A_317 : i32
        %while3A_320 = arith.addi %while3A_314, %while3A_319 : i32
        %while3A_321 = arith.constant 1 : i32
        %while3A_322:4 = scf.for %while3A_374 = %while3A_314 to %while3A_320 step %while3A_321 iter_args(%while3A_375 = %broadcast_in_dim3A_311, %while3A_376 = %broadcast_in_dim3A_313, %while3A_377 = %broadcast_in_dim3A_311, %while3A_378 = %broadcast_in_dim3A_313) -> (vector<16xf32>, vector<16xi32>, vector<16xf32>, vector<16xi32>)  : i32 {
          %mul3A_379 = arith.constant 16 : i32
          %mul3A_380 = arith.muli %while3A_374, %mul3A_379 : i32
          %get3A_381 = arith.index_cast %mul3A_380 : i32 to index
          %get3A_382 = tpu.vector_load %arg17[%get3A_381] {strides = array<i32>} : memref<512xf32, #tpu.memory_space<vmem>>, vector<16xf32>,
          %mul3A_383 = arith.constant 16 : i32
          %mul3A_384 = arith.muli %while3A_374, %mul3A_383 : i32
          %get3A_385 = arith.index_cast %mul3A_384 : i32 to index
          %get3A_386 = tpu.vector_load %arg18[%get3A_385] {strides = array<i32>} : memref<512xi32, #tpu.memory_space<vmem>>, vector<16xi32>,
          %slice3A = vector.extract_strided_slice %while3A_377 {offsets = [15], sizes = [1], strides = [1]} : vector<16xf32> to vector<1xf32>
          %squeeze3A = vector.extract %slice3A[0] : f32 from vector<1xf32>
          %reduce_min3A = arith.constant true
          %reduce_min3A_387 = vector.broadcast %reduce_min3A : i1 to vector<16xi1>
          %reduce_min3A_388 = tpu.scan <min>, %get3A_382 masked %reduce_min3A_387 : vector<16xf32>, vector<16xi1> -> vector<16xf32>
          %reduce_min3A_389 = vector.extract %reduce_min3A_388[15] : f32 from vector<16xf32>
          %le3A = arith.cmpf ole, %reduce_min3A_389, %squeeze3A : f32
          %convert_element_type3A = arith.extui %le3A : i1 to i32
          %cond3A = arith.constant 0 : i32
          %cond3A_390 = arith.cmpi ne, %convert_element_type3A, %cond3A : i32
          %cond3A_391:4 = scf.if %cond3A_390 -> (vector<16xf32>, vector<16xi32>, vector<16xf32>, vector<16xi32>) {
            %and3A_392 = arith.constant 2 : i32
            %and3A_393 = vector.broadcast %and3A_392 : i32 to vector<16xi32>
            %and3A_394 = arith.andi %iota3A, %and3A_393 : vector<16xi32>
            %ne3A_395 = arith.constant 0 : i32
            %ne3A_396 = vector.broadcast %ne3A_395 : i32 to vector<16xi32>
            %ne3A_397 = arith.cmpi ne, %and3A_394, %ne3A_396 : vector<16xi32>
            %xor3A = arith.constant 1 : i32
            %xor3A_398 = vector.broadcast %xor3A : i32 to vector<16xi32>
            %xor3A_399 = arith.xori %iota3A, %xor3A_398 : vector<16xi32>
            %broadcast_in_dim3A_400 = vector.shape_cast %xor3A_399 : vector<16xi32> to vector<16x1xi32>
            %gather3A_401 = vector.shape_cast %broadcast_in_dim3A_400 : vector<16x1xi32> to vector<16xi32>
            %gather3A_402 = tpu.dynamic_gather %get3A_382[%gather3A_401] in [0] : vector<16xf32>, vector<16xi32> -> vector<16xf32>
            %broadcast_in_dim3A_403 = vector.shape_cast %xor3A_399 : vector<16xi32> to vector<16x1xi32>
            %gather3A_404 = vector.shape_cast %broadcast_in_dim3A_403 : vector<16x1xi32> to vector<16xi32>
            %gather3A_405 = tpu.dynamic_gather %get3A_386[%gather3A_404] in [0] : vector<16xi32>, vector<16xi32> -> vector<16xi32>
            %lt3A_406 = arith.cmpf olt, %gather3A_402, %get3A_382 : vector<16xf32>
            %eq3A_407 = arith.cmpf oeq, %gather3A_402, %get3A_382 : vector<16xf32>
            %lt3A_408 = arith.cmpi slt, %gather3A_405, %get3A_386 : vector<16xi32>
            %and3A_409 = arith.andi %eq3A_407, %lt3A_408 : vector<16xi1>
            %or3A = arith.ori %lt3A_406, %and3A_409 : vector<16xi1>
            %and3A_410 = arith.constant 1 : i32
            %and3A_411 = vector.broadcast %and3A_410 : i32 to vector<16xi32>
            %and3A_412 = arith.andi %iota3A, %and3A_411 : vector<16xi32>
            %ne3A_413 = arith.constant 0 : i32
            %ne3A_414 = vector.broadcast %ne3A_413 : i32 to vector<16xi32>
            %ne3A_415 = arith.cmpi ne, %and3A_412, %ne3A_414 : vector<16xi32>
            %eq3A_416 = arith.xori %or3A, %ne3A_415 : vector<16xi1>
            %eq3A_417 = arith.constant dense<true> : vector<16xi1>
            %eq3A_418 = arith.xori %eq3A_416, %eq3A_417 : vector<16xi1>
            %ne3A_419 = arith.xori %eq3A_418, %ne3A_397 : vector<16xi1>
            %select_n3A_420 = arith.select %ne3A_419, %get3A_382, %gather3A_402 : vector<16xi1>, vector<16xf32>
            %select_n3A_421 = arith.select %ne3A_419, %get3A_386, %gather3A_405 : vector<16xi1>, vector<16xi32>
            %and3A_422 = arith.constant 4 : i32
            %and3A_423 = vector.broadcast %and3A_422 : i32 to vector<16xi32>
            %and3A_424 = arith.andi %iota3A, %and3A_423 : vector<16xi32>
            %ne3A_425 = arith.constant 0 : i32
            %ne3A_426 = vector.broadcast %ne3A_425 : i32 to vector<16xi32>
            %ne3A_427 = arith.cmpi ne, %and3A_424, %ne3A_426 : vector<16xi32>
            %xor3A_428 = arith.constant 2 : i32
            %xor3A_429 = vector.broadcast %xor3A_428 : i32 to vector<16xi32>
            %xor3A_430 = arith.xori %iota3A, %xor3A_429 : vector<16xi32>
            %broadcast_in_dim3A_431 = vector.shape_cast %xor3A_430 : vector<16xi32> to vector<16x1xi32>
            %gather3A_432 = vector.shape_cast %broadcast_in_dim3A_431 : vector<16x1xi32> to vector<16xi32>
            %gather3A_433 = tpu.dynamic_gather %select_n3A_420[%gather3A_432] in [0] : vector<16xf32>, vector<16xi32> -> vector<16xf32>
            %broadcast_in_dim3A_434 = vector.shape_cast %xor3A_430 : vector<16xi32> to vector<16x1xi32>
            %gather3A_435 = vector.shape_cast %broadcast_in_dim3A_434 : vector<16x1xi32> to vector<16xi32>
            %gather3A_436 = tpu.dynamic_gather %select_n3A_421[%gather3A_435] in [0] : vector<16xi32>, vector<16xi32> -> vector<16xi32>
            %lt3A_437 = arith.cmpf olt, %gather3A_433, %select_n3A_420 : vector<16xf32>
            %eq3A_438 = arith.cmpf oeq, %gather3A_433, %select_n3A_420 : vector<16xf32>
            %lt3A_439 = arith.cmpi slt, %gather3A_436, %select_n3A_421 : vector<16xi32>
            %and3A_440 = arith.andi %eq3A_438, %lt3A_439 : vector<16xi1>
            %or3A_441 = arith.ori %lt3A_437, %and3A_440 : vector<16xi1>
            %and3A_442 = arith.constant 2 : i32
            %and3A_443 = vector.broadcast %and3A_442 : i32 to vector<16xi32>
            %and3A_444 = arith.andi %iota3A, %and3A_443 : vector<16xi32>
            %ne3A_445 = arith.constant 0 : i32
            %ne3A_446 = vector.broadcast %ne3A_445 : i32 to vector<16xi32>
            %ne3A_447 = arith.cmpi ne, %and3A_444, %ne3A_446 : vector<16xi32>
            %eq3A_448 = arith.xori %or3A_441, %ne3A_447 : vector<16xi1>
            %eq3A_449 = arith.constant dense<true> : vector<16xi1>
            %eq3A_450 = arith.xori %eq3A_448, %eq3A_449 : vector<16xi1>
            %ne3A_451 = arith.xori %eq3A_450, %ne3A_427 : vector<16xi1>
            %select_n3A_452 = arith.select %ne3A_451, %select_n3A_420, %gather3A_433 : vector<16xi1>, vector<16xf32>
            %select_n3A_453 = arith.select %ne3A_451, %select_n3A_421, %gather3A_436 : vector<16xi1>, vector<16xi32>
            %xor3A_454 = arith.constant 1 : i32
            %xor3A_455 = vector.broadcast %xor3A_454 : i32 to vector<16xi32>
            %xor3A_456 = arith.xori %iota3A, %xor3A_455 : vector<16xi32>
            %broadcast_in_dim3A_457 = vector.shape_cast %xor3A_456 : vector<16xi32> to vector<16x1xi32>
            %gather3A_458 = vector.shape_cast %broadcast_in_dim3A_457 : vector<16x1xi32> to vector<16xi32>
            %gather3A_459 = tpu.dynamic_gather %select_n3A_452[%gather3A_458] in [0] : vector<16xf32>, vector<16xi32> -> vector<16xf32>
            %broadcast_in_dim3A_460 = vector.shape_cast %xor3A_456 : vector<16xi32> to vector<16x1xi32>
            %gather3A_461 = vector.shape_cast %broadcast_in_dim3A_460 : vector<16x1xi32> to vector<16xi32>
            %gather3A_462 = tpu.dynamic_gather %select_n3A_453[%gather3A_461] in [0] : vector<16xi32>, vector<16xi32> -> vector<16xi32>
            %lt3A_463 = arith.cmpf olt, %gather3A_459, %select_n3A_452 : vector<16xf32>
            %eq3A_464 = arith.cmpf oeq, %gather3A_459, %select_n3A_452 : vector<16xf32>
            %lt3A_465 = arith.cmpi slt, %gather3A_462, %select_n3A_453 : vector<16xi32>
            %and3A_466 = arith.andi %eq3A_464, %lt3A_465 : vector<16xi1>
            %or3A_467 = arith.ori %lt3A_463, %and3A_466 : vector<16xi1>
            %and3A_468 = arith.constant 1 : i32
            %and3A_469 = vector.broadcast %and3A_468 : i32 to vector<16xi32>
            %and3A_470 = arith.andi %iota3A, %and3A_469 : vector<16xi32>
            %ne3A_471 = arith.constant 0 : i32
            %ne3A_472 = vector.broadcast %ne3A_471 : i32 to vector<16xi32>
            %ne3A_473 = arith.cmpi ne, %and3A_470, %ne3A_472 : vector<16xi32>
            %eq3A_474 = arith.xori %or3A_467, %ne3A_473 : vector<16xi1>
            %eq3A_475 = arith.constant dense<true> : vector<16xi1>
            %eq3A_476 = arith.xori %eq3A_474, %eq3A_475 : vector<16xi1>
            %ne3A_477 = arith.xori %eq3A_476, %ne3A_427 : vector<16xi1>
            %select_n3A_478 = arith.select %ne3A_477, %select_n3A_452, %gather3A_459 : vector<16xi1>, vector<16xf32>
            %select_n3A_479 = arith.select %ne3A_477, %select_n3A_453, %gather3A_462 : vector<16xi1>, vector<16xi32>
            %and3A_480 = arith.constant 8 : i32
            %and3A_481 = vector.broadcast %and3A_480 : i32 to vector<16xi32>
            %and3A_482 = arith.andi %iota3A, %and3A_481 : vector<16xi32>
            %ne3A_483 = arith.constant 0 : i32
            %ne3A_484 = vector.broadcast %ne3A_483 : i32 to vector<16xi32>
            %ne3A_485 = arith.cmpi ne, %and3A_482, %ne3A_484 : vector<16xi32>
            %xor3A_486 = arith.constant 4 : i32
            %xor3A_487 = vector.broadcast %xor3A_486 : i32 to vector<16xi32>
            %xor3A_488 = arith.xori %iota3A, %xor3A_487 : vector<16xi32>
            %broadcast_in_dim3A_489 = vector.shape_cast %xor3A_488 : vector<16xi32> to vector<16x1xi32>
            %gather3A_490 = vector.shape_cast %broadcast_in_dim3A_489 : vector<16x1xi32> to vector<16xi32>
            %gather3A_491 = tpu.dynamic_gather %select_n3A_478[%gather3A_490] in [0] : vector<16xf32>, vector<16xi32> -> vector<16xf32>
            %broadcast_in_dim3A_492 = vector.shape_cast %xor3A_488 : vector<16xi32> to vector<16x1xi32>
            %gather3A_493 = vector.shape_cast %broadcast_in_dim3A_492 : vector<16x1xi32> to vector<16xi32>
            %gather3A_494 = tpu.dynamic_gather %select_n3A_479[%gather3A_493] in [0] : vector<16xi32>, vector<16xi32> -> vector<16xi32>
            %lt3A_495 = arith.cmpf olt, %gather3A_491, %select_n3A_478 : vector<16xf32>
            %eq3A_496 = arith.cmpf oeq, %gather3A_491, %select_n3A_478 : vector<16xf32>
            %lt3A_497 = arith.cmpi slt, %gather3A_494, %select_n3A_479 : vector<16xi32>
            %and3A_498 = arith.andi %eq3A_496, %lt3A_497 : vector<16xi1>
            %or3A_499 = arith.ori %lt3A_495, %and3A_498 : vector<16xi1>
            %and3A_500 = arith.constant 4 : i32
            %and3A_501 = vector.broadcast %and3A_500 : i32 to vector<16xi32>
            %and3A_502 = arith.andi %iota3A, %and3A_501 : vector<16xi32>
            %ne3A_503 = arith.constant 0 : i32
            %ne3A_504 = vector.broadcast %ne3A_503 : i32 to vector<16xi32>
            %ne3A_505 = arith.cmpi ne, %and3A_502, %ne3A_504 : vector<16xi32>
            %eq3A_506 = arith.xori %or3A_499, %ne3A_505 : vector<16xi1>
            %eq3A_507 = arith.constant dense<true> : vector<16xi1>
            %eq3A_508 = arith.xori %eq3A_506, %eq3A_507 : vector<16xi1>
            %ne3A_509 = arith.xori %eq3A_508, %ne3A_485 : vector<16xi1>
            %select_n3A_510 = arith.select %ne3A_509, %select_n3A_478, %gather3A_491 : vector<16xi1>, vector<16xf32>
            %select_n3A_511 = arith.select %ne3A_509, %select_n3A_479, %gather3A_494 : vector<16xi1>, vector<16xi32>
            %xor3A_512 = arith.constant 2 : i32
            %xor3A_513 = vector.broadcast %xor3A_512 : i32 to vector<16xi32>
            %xor3A_514 = arith.xori %iota3A, %xor3A_513 : vector<16xi32>
            %broadcast_in_dim3A_515 = vector.shape_cast %xor3A_514 : vector<16xi32> to vector<16x1xi32>
            %gather3A_516 = vector.shape_cast %broadcast_in_dim3A_515 : vector<16x1xi32> to vector<16xi32>
            %gather3A_517 = tpu.dynamic_gather %select_n3A_510[%gather3A_516] in [0] : vector<16xf32>, vector<16xi32> -> vector<16xf32>
            %broadcast_in_dim3A_518 = vector.shape_cast %xor3A_514 : vector<16xi32> to vector<16x1xi32>
            %gather3A_519 = vector.shape_cast %broadcast_in_dim3A_518 : vector<16x1xi32> to vector<16xi32>
            %gather3A_520 = tpu.dynamic_gather %select_n3A_511[%gather3A_519] in [0] : vector<16xi32>, vector<16xi32> -> vector<16xi32>
            %lt3A_521 = arith.cmpf olt, %gather3A_517, %select_n3A_510 : vector<16xf32>
            %eq3A_522 = arith.cmpf oeq, %gather3A_517, %select_n3A_510 : vector<16xf32>
            %lt3A_523 = arith.cmpi slt, %gather3A_520, %select_n3A_511 : vector<16xi32>
            %and3A_524 = arith.andi %eq3A_522, %lt3A_523 : vector<16xi1>
            %or3A_525 = arith.ori %lt3A_521, %and3A_524 : vector<16xi1>
            %and3A_526 = arith.constant 2 : i32
            %and3A_527 = vector.broadcast %and3A_526 : i32 to vector<16xi32>
            %and3A_528 = arith.andi %iota3A, %and3A_527 : vector<16xi32>
            %ne3A_529 = arith.constant 0 : i32
            %ne3A_530 = vector.broadcast %ne3A_529 : i32 to vector<16xi32>
            %ne3A_531 = arith.cmpi ne, %and3A_528, %ne3A_530 : vector<16xi32>
            %eq3A_532 = arith.xori %or3A_525, %ne3A_531 : vector<16xi1>
            %eq3A_533 = arith.constant dense<true> : vector<16xi1>
            %eq3A_534 = arith.xori %eq3A_532, %eq3A_533 : vector<16xi1>
            %ne3A_535 = arith.xori %eq3A_534, %ne3A_485 : vector<16xi1>
            %select_n3A_536 = arith.select %ne3A_535, %select_n3A_510, %gather3A_517 : vector<16xi1>, vector<16xf32>
            %select_n3A_537 = arith.select %ne3A_535, %select_n3A_511, %gather3A_520 : vector<16xi1>, vector<16xi32>
            %xor3A_538 = arith.constant 1 : i32
            %xor3A_539 = vector.broadcast %xor3A_538 : i32 to vector<16xi32>
            %xor3A_540 = arith.xori %iota3A, %xor3A_539 : vector<16xi32>
            %broadcast_in_dim3A_541 = vector.shape_cast %xor3A_540 : vector<16xi32> to vector<16x1xi32>
            %gather3A_542 = vector.shape_cast %broadcast_in_dim3A_541 : vector<16x1xi32> to vector<16xi32>
            %gather3A_543 = tpu.dynamic_gather %select_n3A_536[%gather3A_542] in [0] : vector<16xf32>, vector<16xi32> -> vector<16xf32>
            %broadcast_in_dim3A_544 = vector.shape_cast %xor3A_540 : vector<16xi32> to vector<16x1xi32>
            %gather3A_545 = vector.shape_cast %broadcast_in_dim3A_544 : vector<16x1xi32> to vector<16xi32>
            %gather3A_546 = tpu.dynamic_gather %select_n3A_537[%gather3A_545] in [0] : vector<16xi32>, vector<16xi32> -> vector<16xi32>
            %lt3A_547 = arith.cmpf olt, %gather3A_543, %select_n3A_536 : vector<16xf32>
            %eq3A_548 = arith.cmpf oeq, %gather3A_543, %select_n3A_536 : vector<16xf32>
            %lt3A_549 = arith.cmpi slt, %gather3A_546, %select_n3A_537 : vector<16xi32>
            %and3A_550 = arith.andi %eq3A_548, %lt3A_549 : vector<16xi1>
            %or3A_551 = arith.ori %lt3A_547, %and3A_550 : vector<16xi1>
            %and3A_552 = arith.constant 1 : i32
            %and3A_553 = vector.broadcast %and3A_552 : i32 to vector<16xi32>
            %and3A_554 = arith.andi %iota3A, %and3A_553 : vector<16xi32>
            %ne3A_555 = arith.constant 0 : i32
            %ne3A_556 = vector.broadcast %ne3A_555 : i32 to vector<16xi32>
            %ne3A_557 = arith.cmpi ne, %and3A_554, %ne3A_556 : vector<16xi32>
            %eq3A_558 = arith.xori %or3A_551, %ne3A_557 : vector<16xi1>
            %eq3A_559 = arith.constant dense<true> : vector<16xi1>
            %eq3A_560 = arith.xori %eq3A_558, %eq3A_559 : vector<16xi1>
            %ne3A_561 = arith.xori %eq3A_560, %ne3A_485 : vector<16xi1>
            %select_n3A_562 = arith.select %ne3A_561, %select_n3A_536, %gather3A_543 : vector<16xi1>, vector<16xf32>
            %select_n3A_563 = arith.select %ne3A_561, %select_n3A_537, %gather3A_546 : vector<16xi1>, vector<16xi32>
            %and3A_564 = arith.constant 16 : i32
            %and3A_565 = vector.broadcast %and3A_564 : i32 to vector<16xi32>
            %and3A_566 = arith.andi %iota3A, %and3A_565 : vector<16xi32>
            %ne3A_567 = arith.constant 0 : i32
            %ne3A_568 = vector.broadcast %ne3A_567 : i32 to vector<16xi32>
            %ne3A_569 = arith.cmpi ne, %and3A_566, %ne3A_568 : vector<16xi32>
            %xor3A_570 = arith.constant 8 : i32
            %xor3A_571 = vector.broadcast %xor3A_570 : i32 to vector<16xi32>
            %xor3A_572 = arith.xori %iota3A, %xor3A_571 : vector<16xi32>
            %broadcast_in_dim3A_573 = vector.shape_cast %xor3A_572 : vector<16xi32> to vector<16x1xi32>
            %gather3A_574 = vector.shape_cast %broadcast_in_dim3A_573 : vector<16x1xi32> to vector<16xi32>
            %gather3A_575 = tpu.dynamic_gather %select_n3A_562[%gather3A_574] in [0] : vector<16xf32>, vector<16xi32> -> vector<16xf32>
            %broadcast_in_dim3A_576 = vector.shape_cast %xor3A_572 : vector<16xi32> to vector<16x1xi32>
            %gather3A_577 = vector.shape_cast %broadcast_in_dim3A_576 : vector<16x1xi32> to vector<16xi32>
            %gather3A_578 = tpu.dynamic_gather %select_n3A_563[%gather3A_577] in [0] : vector<16xi32>, vector<16xi32> -> vector<16xi32>
            %lt3A_579 = arith.cmpf olt, %gather3A_575, %select_n3A_562 : vector<16xf32>
            %eq3A_580 = arith.cmpf oeq, %gather3A_575, %select_n3A_562 : vector<16xf32>
            %lt3A_581 = arith.cmpi slt, %gather3A_578, %select_n3A_563 : vector<16xi32>
            %and3A_582 = arith.andi %eq3A_580, %lt3A_581 : vector<16xi1>
            %or3A_583 = arith.ori %lt3A_579, %and3A_582 : vector<16xi1>
            %and3A_584 = arith.constant 8 : i32
            %and3A_585 = vector.broadcast %and3A_584 : i32 to vector<16xi32>
            %and3A_586 = arith.andi %iota3A, %and3A_585 : vector<16xi32>
            %ne3A_587 = arith.constant 0 : i32
            %ne3A_588 = vector.broadcast %ne3A_587 : i32 to vector<16xi32>
            %ne3A_589 = arith.cmpi ne, %and3A_586, %ne3A_588 : vector<16xi32>
            %eq3A_590 = arith.xori %or3A_583, %ne3A_589 : vector<16xi1>
            %eq3A_591 = arith.constant dense<true> : vector<16xi1>
            %eq3A_592 = arith.xori %eq3A_590, %eq3A_591 : vector<16xi1>
            %ne3A_593 = arith.xori %eq3A_592, %ne3A_569 : vector<16xi1>
            %select_n3A_594 = arith.select %ne3A_593, %select_n3A_562, %gather3A_575 : vector<16xi1>, vector<16xf32>
            %select_n3A_595 = arith.select %ne3A_593, %select_n3A_563, %gather3A_578 : vector<16xi1>, vector<16xi32>
            %xor3A_596 = arith.constant 4 : i32
            %xor3A_597 = vector.broadcast %xor3A_596 : i32 to vector<16xi32>
            %xor3A_598 = arith.xori %iota3A, %xor3A_597 : vector<16xi32>
            %broadcast_in_dim3A_599 = vector.shape_cast %xor3A_598 : vector<16xi32> to vector<16x1xi32>
            %gather3A_600 = vector.shape_cast %broadcast_in_dim3A_599 : vector<16x1xi32> to vector<16xi32>
            %gather3A_601 = tpu.dynamic_gather %select_n3A_594[%gather3A_600] in [0] : vector<16xf32>, vector<16xi32> -> vector<16xf32>
            %broadcast_in_dim3A_602 = vector.shape_cast %xor3A_598 : vector<16xi32> to vector<16x1xi32>
            %gather3A_603 = vector.shape_cast %broadcast_in_dim3A_602 : vector<16x1xi32> to vector<16xi32>
            %gather3A_604 = tpu.dynamic_gather %select_n3A_595[%gather3A_603] in [0] : vector<16xi32>, vector<16xi32> -> vector<16xi32>
            %lt3A_605 = arith.cmpf olt, %gather3A_601, %select_n3A_594 : vector<16xf32>
            %eq3A_606 = arith.cmpf oeq, %gather3A_601, %select_n3A_594 : vector<16xf32>
            %lt3A_607 = arith.cmpi slt, %gather3A_604, %select_n3A_595 : vector<16xi32>
            %and3A_608 = arith.andi %eq3A_606, %lt3A_607 : vector<16xi1>
            %or3A_609 = arith.ori %lt3A_605, %and3A_608 : vector<16xi1>
            %and3A_610 = arith.constant 4 : i32
            %and3A_611 = vector.broadcast %and3A_610 : i32 to vector<16xi32>
            %and3A_612 = arith.andi %iota3A, %and3A_611 : vector<16xi32>
            %ne3A_613 = arith.constant 0 : i32
            %ne3A_614 = vector.broadcast %ne3A_613 : i32 to vector<16xi32>
            %ne3A_615 = arith.cmpi ne, %and3A_612, %ne3A_614 : vector<16xi32>
            %eq3A_616 = arith.xori %or3A_609, %ne3A_615 : vector<16xi1>
            %eq3A_617 = arith.constant dense<true> : vector<16xi1>
            %eq3A_618 = arith.xori %eq3A_616, %eq3A_617 : vector<16xi1>
            %ne3A_619 = arith.xori %eq3A_618, %ne3A_569 : vector<16xi1>
            %select_n3A_620 = arith.select %ne3A_619, %select_n3A_594, %gather3A_601 : vector<16xi1>, vector<16xf32>
            %select_n3A_621 = arith.select %ne3A_619, %select_n3A_595, %gather3A_604 : vector<16xi1>, vector<16xi32>
            %xor3A_622 = arith.constant 2 : i32
            %xor3A_623 = vector.broadcast %xor3A_622 : i32 to vector<16xi32>
            %xor3A_624 = arith.xori %iota3A, %xor3A_623 : vector<16xi32>
            %broadcast_in_dim3A_625 = vector.shape_cast %xor3A_624 : vector<16xi32> to vector<16x1xi32>
            %gather3A_626 = vector.shape_cast %broadcast_in_dim3A_625 : vector<16x1xi32> to vector<16xi32>
            %gather3A_627 = tpu.dynamic_gather %select_n3A_620[%gather3A_626] in [0] : vector<16xf32>, vector<16xi32> -> vector<16xf32>
            %broadcast_in_dim3A_628 = vector.shape_cast %xor3A_624 : vector<16xi32> to vector<16x1xi32>
            %gather3A_629 = vector.shape_cast %broadcast_in_dim3A_628 : vector<16x1xi32> to vector<16xi32>
            %gather3A_630 = tpu.dynamic_gather %select_n3A_621[%gather3A_629] in [0] : vector<16xi32>, vector<16xi32> -> vector<16xi32>
            %lt3A_631 = arith.cmpf olt, %gather3A_627, %select_n3A_620 : vector<16xf32>
            %eq3A_632 = arith.cmpf oeq, %gather3A_627, %select_n3A_620 : vector<16xf32>
            %lt3A_633 = arith.cmpi slt, %gather3A_630, %select_n3A_621 : vector<16xi32>
            %and3A_634 = arith.andi %eq3A_632, %lt3A_633 : vector<16xi1>
            %or3A_635 = arith.ori %lt3A_631, %and3A_634 : vector<16xi1>
            %and3A_636 = arith.constant 2 : i32
            %and3A_637 = vector.broadcast %and3A_636 : i32 to vector<16xi32>
            %and3A_638 = arith.andi %iota3A, %and3A_637 : vector<16xi32>
            %ne3A_639 = arith.constant 0 : i32
            %ne3A_640 = vector.broadcast %ne3A_639 : i32 to vector<16xi32>
            %ne3A_641 = arith.cmpi ne, %and3A_638, %ne3A_640 : vector<16xi32>
            %eq3A_642 = arith.xori %or3A_635, %ne3A_641 : vector<16xi1>
            %eq3A_643 = arith.constant dense<true> : vector<16xi1>
            %eq3A_644 = arith.xori %eq3A_642, %eq3A_643 : vector<16xi1>
            %ne3A_645 = arith.xori %eq3A_644, %ne3A_569 : vector<16xi1>
            %select_n3A_646 = arith.select %ne3A_645, %select_n3A_620, %gather3A_627 : vector<16xi1>, vector<16xf32>
            %select_n3A_647 = arith.select %ne3A_645, %select_n3A_621, %gather3A_630 : vector<16xi1>, vector<16xi32>
            %xor3A_648 = arith.constant 1 : i32
            %xor3A_649 = vector.broadcast %xor3A_648 : i32 to vector<16xi32>
            %xor3A_650 = arith.xori %iota3A, %xor3A_649 : vector<16xi32>
            %broadcast_in_dim3A_651 = vector.shape_cast %xor3A_650 : vector<16xi32> to vector<16x1xi32>
            %gather3A_652 = vector.shape_cast %broadcast_in_dim3A_651 : vector<16x1xi32> to vector<16xi32>
            %gather3A_653 = tpu.dynamic_gather %select_n3A_646[%gather3A_652] in [0] : vector<16xf32>, vector<16xi32> -> vector<16xf32>
            %broadcast_in_dim3A_654 = vector.shape_cast %xor3A_650 : vector<16xi32> to vector<16x1xi32>
            %gather3A_655 = vector.shape_cast %broadcast_in_dim3A_654 : vector<16x1xi32> to vector<16xi32>
            %gather3A_656 = tpu.dynamic_gather %select_n3A_647[%gather3A_655] in [0] : vector<16xi32>, vector<16xi32> -> vector<16xi32>
            %lt3A_657 = arith.cmpf olt, %gather3A_653, %select_n3A_646 : vector<16xf32>
            %eq3A_658 = arith.cmpf oeq, %gather3A_653, %select_n3A_646 : vector<16xf32>
            %lt3A_659 = arith.cmpi slt, %gather3A_656, %select_n3A_647 : vector<16xi32>
            %and3A_660 = arith.andi %eq3A_658, %lt3A_659 : vector<16xi1>
            %or3A_661 = arith.ori %lt3A_657, %and3A_660 : vector<16xi1>
            %and3A_662 = arith.constant 1 : i32
            %and3A_663 = vector.broadcast %and3A_662 : i32 to vector<16xi32>
            %and3A_664 = arith.andi %iota3A, %and3A_663 : vector<16xi32>
            %ne3A_665 = arith.constant 0 : i32
            %ne3A_666 = vector.broadcast %ne3A_665 : i32 to vector<16xi32>
            %ne3A_667 = arith.cmpi ne, %and3A_664, %ne3A_666 : vector<16xi32>
            %eq3A_668 = arith.xori %or3A_661, %ne3A_667 : vector<16xi1>
            %eq3A_669 = arith.constant dense<true> : vector<16xi1>
            %eq3A_670 = arith.xori %eq3A_668, %eq3A_669 : vector<16xi1>
            %ne3A_671 = arith.xori %eq3A_670, %ne3A_569 : vector<16xi1>
            %select_n3A_672 = arith.select %ne3A_671, %select_n3A_646, %gather3A_653 : vector<16xi1>, vector<16xf32>
            %select_n3A_673 = arith.select %ne3A_671, %select_n3A_647, %gather3A_656 : vector<16xi1>, vector<16xi32>
            %sub3A_674 = arith.constant 15 : i32
            %sub3A_675 = vector.broadcast %sub3A_674 : i32 to vector<16xi32>
            %sub3A_676 = arith.subi %sub3A_675, %iota3A : vector<16xi32>
            %broadcast_in_dim3A_677 = vector.shape_cast %sub3A_676 : vector<16xi32> to vector<16x1xi32>
            %gather3A_678 = vector.shape_cast %broadcast_in_dim3A_677 : vector<16x1xi32> to vector<16xi32>
            %gather3A_679 = tpu.dynamic_gather %select_n3A_672[%gather3A_678] in [0] : vector<16xf32>, vector<16xi32> -> vector<16xf32>
            %broadcast_in_dim3A_680 = vector.shape_cast %sub3A_676 : vector<16xi32> to vector<16x1xi32>
            %gather3A_681 = vector.shape_cast %broadcast_in_dim3A_680 : vector<16x1xi32> to vector<16xi32>
            %gather3A_682 = tpu.dynamic_gather %select_n3A_673[%gather3A_681] in [0] : vector<16xi32>, vector<16xi32> -> vector<16xi32>
            %lt3A_683 = arith.cmpf olt, %gather3A_679, %while3A_377 : vector<16xf32>
            %eq3A_684 = arith.cmpf oeq, %gather3A_679, %while3A_377 : vector<16xf32>
            %lt3A_685 = arith.cmpi slt, %gather3A_682, %while3A_378 : vector<16xi32>
            %and3A_686 = arith.andi %eq3A_684, %lt3A_685 : vector<16xi1>
            %or3A_687 = arith.ori %lt3A_683, %and3A_686 : vector<16xi1>
            %select_n3A_688 = arith.select %or3A_687, %gather3A_679, %while3A_377 : vector<16xi1>, vector<16xf32>
            %select_n3A_689 = arith.select %or3A_687, %gather3A_682, %while3A_378 : vector<16xi1>, vector<16xi32>
            %select_n3A_690 = arith.select %or3A_687, %while3A_377, %gather3A_679 : vector<16xi1>, vector<16xf32>
            %select_n3A_691 = arith.select %or3A_687, %while3A_378, %gather3A_682 : vector<16xi1>, vector<16xi32>
            %lt3A_692 = arith.cmpf olt, %select_n3A_688, %while3A_375 : vector<16xf32>
            %eq3A_693 = arith.cmpf oeq, %select_n3A_688, %while3A_375 : vector<16xf32>
            %lt3A_694 = arith.cmpi slt, %select_n3A_689, %while3A_376 : vector<16xi32>
            %and3A_695 = arith.andi %eq3A_693, %lt3A_694 : vector<16xi1>
            %or3A_696 = arith.ori %lt3A_692, %and3A_695 : vector<16xi1>
            %select_n3A_697 = arith.select %or3A_696, %select_n3A_688, %while3A_375 : vector<16xi1>, vector<16xf32>
            %select_n3A_698 = arith.select %or3A_696, %select_n3A_689, %while3A_376 : vector<16xi1>, vector<16xi32>
            %select_n3A_699 = arith.select %or3A_696, %while3A_375, %select_n3A_688 : vector<16xi1>, vector<16xf32>
            %select_n3A_700 = arith.select %or3A_696, %while3A_376, %select_n3A_689 : vector<16xi1>, vector<16xi32>
            %xor3A_701 = arith.constant 8 : i32
            %xor3A_702 = vector.broadcast %xor3A_701 : i32 to vector<16xi32>
            %xor3A_703 = arith.xori %iota3A, %xor3A_702 : vector<16xi32>
            %broadcast_in_dim3A_704 = vector.shape_cast %xor3A_703 : vector<16xi32> to vector<16x1xi32>
            %gather3A_705 = vector.shape_cast %broadcast_in_dim3A_704 : vector<16x1xi32> to vector<16xi32>
            %gather3A_706 = tpu.dynamic_gather %select_n3A_697[%gather3A_705] in [0] : vector<16xf32>, vector<16xi32> -> vector<16xf32>
            %broadcast_in_dim3A_707 = vector.shape_cast %xor3A_703 : vector<16xi32> to vector<16x1xi32>
            %gather3A_708 = vector.shape_cast %broadcast_in_dim3A_707 : vector<16x1xi32> to vector<16xi32>
            %gather3A_709 = tpu.dynamic_gather %select_n3A_698[%gather3A_708] in [0] : vector<16xi32>, vector<16xi32> -> vector<16xi32>
            %lt3A_710 = arith.cmpf olt, %gather3A_706, %select_n3A_697 : vector<16xf32>
            %eq3A_711 = arith.cmpf oeq, %gather3A_706, %select_n3A_697 : vector<16xf32>
            %lt3A_712 = arith.cmpi slt, %gather3A_709, %select_n3A_698 : vector<16xi32>
            %and3A_713 = arith.andi %eq3A_711, %lt3A_712 : vector<16xi1>
            %or3A_714 = arith.ori %lt3A_710, %and3A_713 : vector<16xi1>
            %and3A_715 = arith.constant 8 : i32
            %and3A_716 = vector.broadcast %and3A_715 : i32 to vector<16xi32>
            %and3A_717 = arith.andi %iota3A, %and3A_716 : vector<16xi32>
            %ne3A_718 = arith.constant 0 : i32
            %ne3A_719 = vector.broadcast %ne3A_718 : i32 to vector<16xi32>
            %ne3A_720 = arith.cmpi ne, %and3A_717, %ne3A_719 : vector<16xi32>
            %eq3A_721 = arith.xori %or3A_714, %ne3A_720 : vector<16xi1>
            %eq3A_722 = arith.constant dense<true> : vector<16xi1>
            %eq3A_723 = arith.xori %eq3A_721, %eq3A_722 : vector<16xi1>
            %select_n3A_724 = arith.select %eq3A_723, %select_n3A_697, %gather3A_706 : vector<16xi1>, vector<16xf32>
            %select_n3A_725 = arith.select %eq3A_723, %select_n3A_698, %gather3A_709 : vector<16xi1>, vector<16xi32>
            %xor3A_726 = arith.constant 8 : i32
            %xor3A_727 = vector.broadcast %xor3A_726 : i32 to vector<16xi32>
            %xor3A_728 = arith.xori %iota3A, %xor3A_727 : vector<16xi32>
            %broadcast_in_dim3A_729 = vector.shape_cast %xor3A_728 : vector<16xi32> to vector<16x1xi32>
            %gather3A_730 = vector.shape_cast %broadcast_in_dim3A_729 : vector<16x1xi32> to vector<16xi32>
            %gather3A_731 = tpu.dynamic_gather %select_n3A_699[%gather3A_730] in [0] : vector<16xf32>, vector<16xi32> -> vector<16xf32>
            %broadcast_in_dim3A_732 = vector.shape_cast %xor3A_728 : vector<16xi32> to vector<16x1xi32>
            %gather3A_733 = vector.shape_cast %broadcast_in_dim3A_732 : vector<16x1xi32> to vector<16xi32>
            %gather3A_734 = tpu.dynamic_gather %select_n3A_700[%gather3A_733] in [0] : vector<16xi32>, vector<16xi32> -> vector<16xi32>
            %lt3A_735 = arith.cmpf olt, %gather3A_731, %select_n3A_699 : vector<16xf32>
            %eq3A_736 = arith.cmpf oeq, %gather3A_731, %select_n3A_699 : vector<16xf32>
            %lt3A_737 = arith.cmpi slt, %gather3A_734, %select_n3A_700 : vector<16xi32>
            %and3A_738 = arith.andi %eq3A_736, %lt3A_737 : vector<16xi1>
            %or3A_739 = arith.ori %lt3A_735, %and3A_738 : vector<16xi1>
            %and3A_740 = arith.constant 8 : i32
            %and3A_741 = vector.broadcast %and3A_740 : i32 to vector<16xi32>
            %and3A_742 = arith.andi %iota3A, %and3A_741 : vector<16xi32>
            %ne3A_743 = arith.constant 0 : i32
            %ne3A_744 = vector.broadcast %ne3A_743 : i32 to vector<16xi32>
            %ne3A_745 = arith.cmpi ne, %and3A_742, %ne3A_744 : vector<16xi32>
            %eq3A_746 = arith.xori %or3A_739, %ne3A_745 : vector<16xi1>
            %eq3A_747 = arith.constant dense<true> : vector<16xi1>
            %eq3A_748 = arith.xori %eq3A_746, %eq3A_747 : vector<16xi1>
            %select_n3A_749 = arith.select %eq3A_748, %select_n3A_699, %gather3A_731 : vector<16xi1>, vector<16xf32>
            %select_n3A_750 = arith.select %eq3A_748, %select_n3A_700, %gather3A_734 : vector<16xi1>, vector<16xi32>
            %xor3A_751 = arith.constant 4 : i32
            %xor3A_752 = vector.broadcast %xor3A_751 : i32 to vector<16xi32>
            %xor3A_753 = arith.xori %iota3A, %xor3A_752 : vector<16xi32>
            %broadcast_in_dim3A_754 = vector.shape_cast %xor3A_753 : vector<16xi32> to vector<16x1xi32>
            %gather3A_755 = vector.shape_cast %broadcast_in_dim3A_754 : vector<16x1xi32> to vector<16xi32>
            %gather3A_756 = tpu.dynamic_gather %select_n3A_724[%gather3A_755] in [0] : vector<16xf32>, vector<16xi32> -> vector<16xf32>
            %broadcast_in_dim3A_757 = vector.shape_cast %xor3A_753 : vector<16xi32> to vector<16x1xi32>
            %gather3A_758 = vector.shape_cast %broadcast_in_dim3A_757 : vector<16x1xi32> to vector<16xi32>
            %gather3A_759 = tpu.dynamic_gather %select_n3A_725[%gather3A_758] in [0] : vector<16xi32>, vector<16xi32> -> vector<16xi32>
            %lt3A_760 = arith.cmpf olt, %gather3A_756, %select_n3A_724 : vector<16xf32>
            %eq3A_761 = arith.cmpf oeq, %gather3A_756, %select_n3A_724 : vector<16xf32>
            %lt3A_762 = arith.cmpi slt, %gather3A_759, %select_n3A_725 : vector<16xi32>
            %and3A_763 = arith.andi %eq3A_761, %lt3A_762 : vector<16xi1>
            %or3A_764 = arith.ori %lt3A_760, %and3A_763 : vector<16xi1>
            %and3A_765 = arith.constant 4 : i32
            %and3A_766 = vector.broadcast %and3A_765 : i32 to vector<16xi32>
            %and3A_767 = arith.andi %iota3A, %and3A_766 : vector<16xi32>
            %ne3A_768 = arith.constant 0 : i32
            %ne3A_769 = vector.broadcast %ne3A_768 : i32 to vector<16xi32>
            %ne3A_770 = arith.cmpi ne, %and3A_767, %ne3A_769 : vector<16xi32>
            %eq3A_771 = arith.xori %or3A_764, %ne3A_770 : vector<16xi1>
            %eq3A_772 = arith.constant dense<true> : vector<16xi1>
            %eq3A_773 = arith.xori %eq3A_771, %eq3A_772 : vector<16xi1>
            %select_n3A_774 = arith.select %eq3A_773, %select_n3A_724, %gather3A_756 : vector<16xi1>, vector<16xf32>
            %select_n3A_775 = arith.select %eq3A_773, %select_n3A_725, %gather3A_759 : vector<16xi1>, vector<16xi32>
            %xor3A_776 = arith.constant 4 : i32
            %xor3A_777 = vector.broadcast %xor3A_776 : i32 to vector<16xi32>
            %xor3A_778 = arith.xori %iota3A, %xor3A_777 : vector<16xi32>
            %broadcast_in_dim3A_779 = vector.shape_cast %xor3A_778 : vector<16xi32> to vector<16x1xi32>
            %gather3A_780 = vector.shape_cast %broadcast_in_dim3A_779 : vector<16x1xi32> to vector<16xi32>
            %gather3A_781 = tpu.dynamic_gather %select_n3A_749[%gather3A_780] in [0] : vector<16xf32>, vector<16xi32> -> vector<16xf32>
            %broadcast_in_dim3A_782 = vector.shape_cast %xor3A_778 : vector<16xi32> to vector<16x1xi32>
            %gather3A_783 = vector.shape_cast %broadcast_in_dim3A_782 : vector<16x1xi32> to vector<16xi32>
            %gather3A_784 = tpu.dynamic_gather %select_n3A_750[%gather3A_783] in [0] : vector<16xi32>, vector<16xi32> -> vector<16xi32>
            %lt3A_785 = arith.cmpf olt, %gather3A_781, %select_n3A_749 : vector<16xf32>
            %eq3A_786 = arith.cmpf oeq, %gather3A_781, %select_n3A_749 : vector<16xf32>
            %lt3A_787 = arith.cmpi slt, %gather3A_784, %select_n3A_750 : vector<16xi32>
            %and3A_788 = arith.andi %eq3A_786, %lt3A_787 : vector<16xi1>
            %or3A_789 = arith.ori %lt3A_785, %and3A_788 : vector<16xi1>
            %and3A_790 = arith.constant 4 : i32
            %and3A_791 = vector.broadcast %and3A_790 : i32 to vector<16xi32>
            %and3A_792 = arith.andi %iota3A, %and3A_791 : vector<16xi32>
            %ne3A_793 = arith.constant 0 : i32
            %ne3A_794 = vector.broadcast %ne3A_793 : i32 to vector<16xi32>
            %ne3A_795 = arith.cmpi ne, %and3A_792, %ne3A_794 : vector<16xi32>
            %eq3A_796 = arith.xori %or3A_789, %ne3A_795 : vector<16xi1>
            %eq3A_797 = arith.constant dense<true> : vector<16xi1>
            %eq3A_798 = arith.xori %eq3A_796, %eq3A_797 : vector<16xi1>
            %select_n3A_799 = arith.select %eq3A_798, %select_n3A_749, %gather3A_781 : vector<16xi1>, vector<16xf32>
            %select_n3A_800 = arith.select %eq3A_798, %select_n3A_750, %gather3A_784 : vector<16xi1>, vector<16xi32>
            %xor3A_801 = arith.constant 2 : i32
            %xor3A_802 = vector.broadcast %xor3A_801 : i32 to vector<16xi32>
            %xor3A_803 = arith.xori %iota3A, %xor3A_802 : vector<16xi32>
            %broadcast_in_dim3A_804 = vector.shape_cast %xor3A_803 : vector<16xi32> to vector<16x1xi32>
            %gather3A_805 = vector.shape_cast %broadcast_in_dim3A_804 : vector<16x1xi32> to vector<16xi32>
            %gather3A_806 = tpu.dynamic_gather %select_n3A_774[%gather3A_805] in [0] : vector<16xf32>, vector<16xi32> -> vector<16xf32>
            %broadcast_in_dim3A_807 = vector.shape_cast %xor3A_803 : vector<16xi32> to vector<16x1xi32>
            %gather3A_808 = vector.shape_cast %broadcast_in_dim3A_807 : vector<16x1xi32> to vector<16xi32>
            %gather3A_809 = tpu.dynamic_gather %select_n3A_775[%gather3A_808] in [0] : vector<16xi32>, vector<16xi32> -> vector<16xi32>
            %lt3A_810 = arith.cmpf olt, %gather3A_806, %select_n3A_774 : vector<16xf32>
            %eq3A_811 = arith.cmpf oeq, %gather3A_806, %select_n3A_774 : vector<16xf32>
            %lt3A_812 = arith.cmpi slt, %gather3A_809, %select_n3A_775 : vector<16xi32>
            %and3A_813 = arith.andi %eq3A_811, %lt3A_812 : vector<16xi1>
            %or3A_814 = arith.ori %lt3A_810, %and3A_813 : vector<16xi1>
            %and3A_815 = arith.constant 2 : i32
            %and3A_816 = vector.broadcast %and3A_815 : i32 to vector<16xi32>
            %and3A_817 = arith.andi %iota3A, %and3A_816 : vector<16xi32>
            %ne3A_818 = arith.constant 0 : i32
            %ne3A_819 = vector.broadcast %ne3A_818 : i32 to vector<16xi32>
            %ne3A_820 = arith.cmpi ne, %and3A_817, %ne3A_819 : vector<16xi32>
            %eq3A_821 = arith.xori %or3A_814, %ne3A_820 : vector<16xi1>
            %eq3A_822 = arith.constant dense<true> : vector<16xi1>
            %eq3A_823 = arith.xori %eq3A_821, %eq3A_822 : vector<16xi1>
            %select_n3A_824 = arith.select %eq3A_823, %select_n3A_774, %gather3A_806 : vector<16xi1>, vector<16xf32>
            %select_n3A_825 = arith.select %eq3A_823, %select_n3A_775, %gather3A_809 : vector<16xi1>, vector<16xi32>
            %xor3A_826 = arith.constant 2 : i32
            %xor3A_827 = vector.broadcast %xor3A_826 : i32 to vector<16xi32>
            %xor3A_828 = arith.xori %iota3A, %xor3A_827 : vector<16xi32>
            %broadcast_in_dim3A_829 = vector.shape_cast %xor3A_828 : vector<16xi32> to vector<16x1xi32>
            %gather3A_830 = vector.shape_cast %broadcast_in_dim3A_829 : vector<16x1xi32> to vector<16xi32>
            %gather3A_831 = tpu.dynamic_gather %select_n3A_799[%gather3A_830] in [0] : vector<16xf32>, vector<16xi32> -> vector<16xf32>
            %broadcast_in_dim3A_832 = vector.shape_cast %xor3A_828 : vector<16xi32> to vector<16x1xi32>
            %gather3A_833 = vector.shape_cast %broadcast_in_dim3A_832 : vector<16x1xi32> to vector<16xi32>
            %gather3A_834 = tpu.dynamic_gather %select_n3A_800[%gather3A_833] in [0] : vector<16xi32>, vector<16xi32> -> vector<16xi32>
            %lt3A_835 = arith.cmpf olt, %gather3A_831, %select_n3A_799 : vector<16xf32>
            %eq3A_836 = arith.cmpf oeq, %gather3A_831, %select_n3A_799 : vector<16xf32>
            %lt3A_837 = arith.cmpi slt, %gather3A_834, %select_n3A_800 : vector<16xi32>
            %and3A_838 = arith.andi %eq3A_836, %lt3A_837 : vector<16xi1>
            %or3A_839 = arith.ori %lt3A_835, %and3A_838 : vector<16xi1>
            %and3A_840 = arith.constant 2 : i32
            %and3A_841 = vector.broadcast %and3A_840 : i32 to vector<16xi32>
            %and3A_842 = arith.andi %iota3A, %and3A_841 : vector<16xi32>
            %ne3A_843 = arith.constant 0 : i32
            %ne3A_844 = vector.broadcast %ne3A_843 : i32 to vector<16xi32>
            %ne3A_845 = arith.cmpi ne, %and3A_842, %ne3A_844 : vector<16xi32>
            %eq3A_846 = arith.xori %or3A_839, %ne3A_845 : vector<16xi1>
            %eq3A_847 = arith.constant dense<true> : vector<16xi1>
            %eq3A_848 = arith.xori %eq3A_846, %eq3A_847 : vector<16xi1>
            %select_n3A_849 = arith.select %eq3A_848, %select_n3A_799, %gather3A_831 : vector<16xi1>, vector<16xf32>
            %select_n3A_850 = arith.select %eq3A_848, %select_n3A_800, %gather3A_834 : vector<16xi1>, vector<16xi32>
            %xor3A_851 = arith.constant 1 : i32
            %xor3A_852 = vector.broadcast %xor3A_851 : i32 to vector<16xi32>
            %xor3A_853 = arith.xori %iota3A, %xor3A_852 : vector<16xi32>
            %broadcast_in_dim3A_854 = vector.shape_cast %xor3A_853 : vector<16xi32> to vector<16x1xi32>
            %gather3A_855 = vector.shape_cast %broadcast_in_dim3A_854 : vector<16x1xi32> to vector<16xi32>
            %gather3A_856 = tpu.dynamic_gather %select_n3A_824[%gather3A_855] in [0] : vector<16xf32>, vector<16xi32> -> vector<16xf32>
            %broadcast_in_dim3A_857 = vector.shape_cast %xor3A_853 : vector<16xi32> to vector<16x1xi32>
            %gather3A_858 = vector.shape_cast %broadcast_in_dim3A_857 : vector<16x1xi32> to vector<16xi32>
            %gather3A_859 = tpu.dynamic_gather %select_n3A_825[%gather3A_858] in [0] : vector<16xi32>, vector<16xi32> -> vector<16xi32>
            %lt3A_860 = arith.cmpf olt, %gather3A_856, %select_n3A_824 : vector<16xf32>
            %eq3A_861 = arith.cmpf oeq, %gather3A_856, %select_n3A_824 : vector<16xf32>
            %lt3A_862 = arith.cmpi slt, %gather3A_859, %select_n3A_825 : vector<16xi32>
            %and3A_863 = arith.andi %eq3A_861, %lt3A_862 : vector<16xi1>
            %or3A_864 = arith.ori %lt3A_860, %and3A_863 : vector<16xi1>
            %and3A_865 = arith.constant 1 : i32
            %and3A_866 = vector.broadcast %and3A_865 : i32 to vector<16xi32>
            %and3A_867 = arith.andi %iota3A, %and3A_866 : vector<16xi32>
            %ne3A_868 = arith.constant 0 : i32
            %ne3A_869 = vector.broadcast %ne3A_868 : i32 to vector<16xi32>
            %ne3A_870 = arith.cmpi ne, %and3A_867, %ne3A_869 : vector<16xi32>
            %eq3A_871 = arith.xori %or3A_864, %ne3A_870 : vector<16xi1>
            %eq3A_872 = arith.constant dense<true> : vector<16xi1>
            %eq3A_873 = arith.xori %eq3A_871, %eq3A_872 : vector<16xi1>
            %select_n3A_874 = arith.select %eq3A_873, %select_n3A_824, %gather3A_856 : vector<16xi1>, vector<16xf32>
            %select_n3A_875 = arith.select %eq3A_873, %select_n3A_825, %gather3A_859 : vector<16xi1>, vector<16xi32>
            %xor3A_876 = arith.constant 1 : i32
            %xor3A_877 = vector.broadcast %xor3A_876 : i32 to vector<16xi32>
            %xor3A_878 = arith.xori %iota3A, %xor3A_877 : vector<16xi32>
            %broadcast_in_dim3A_879 = vector.shape_cast %xor3A_878 : vector<16xi32> to vector<16x1xi32>
            %gather3A_880 = vector.shape_cast %broadcast_in_dim3A_879 : vector<16x1xi32> to vector<16xi32>
            %gather3A_881 = tpu.dynamic_gather %select_n3A_849[%gather3A_880] in [0] : vector<16xf32>, vector<16xi32> -> vector<16xf32>
            %broadcast_in_dim3A_882 = vector.shape_cast %xor3A_878 : vector<16xi32> to vector<16x1xi32>
            %gather3A_883 = vector.shape_cast %broadcast_in_dim3A_882 : vector<16x1xi32> to vector<16xi32>
            %gather3A_884 = tpu.dynamic_gather %select_n3A_850[%gather3A_883] in [0] : vector<16xi32>, vector<16xi32> -> vector<16xi32>
            %lt3A_885 = arith.cmpf olt, %gather3A_881, %select_n3A_849 : vector<16xf32>
            %eq3A_886 = arith.cmpf oeq, %gather3A_881, %select_n3A_849 : vector<16xf32>
            %lt3A_887 = arith.cmpi slt, %gather3A_884, %select_n3A_850 : vector<16xi32>
            %and3A_888 = arith.andi %eq3A_886, %lt3A_887 : vector<16xi1>
            %or3A_889 = arith.ori %lt3A_885, %and3A_888 : vector<16xi1>
            %and3A_890 = arith.constant 1 : i32
            %and3A_891 = vector.broadcast %and3A_890 : i32 to vector<16xi32>
            %and3A_892 = arith.andi %iota3A, %and3A_891 : vector<16xi32>
            %ne3A_893 = arith.constant 0 : i32
            %ne3A_894 = vector.broadcast %ne3A_893 : i32 to vector<16xi32>
            %ne3A_895 = arith.cmpi ne, %and3A_892, %ne3A_894 : vector<16xi32>
            %eq3A_896 = arith.xori %or3A_889, %ne3A_895 : vector<16xi1>
            %eq3A_897 = arith.constant dense<true> : vector<16xi1>
            %eq3A_898 = arith.xori %eq3A_896, %eq3A_897 : vector<16xi1>
            %select_n3A_899 = arith.select %eq3A_898, %select_n3A_849, %gather3A_881 : vector<16xi1>, vector<16xf32>
            %select_n3A_900 = arith.select %eq3A_898, %select_n3A_850, %gather3A_884 : vector<16xi1>, vector<16xi32>
            scf.yield %select_n3A_874, %select_n3A_875, %select_n3A_899, %select_n3A_900 : vector<16xf32>, vector<16xi32>, vector<16xf32>, vector<16xi32>
          } else {
            scf.yield %while3A_375, %while3A_376, %while3A_377, %while3A_378 : vector<16xf32>, vector<16xi32>, vector<16xf32>, vector<16xi32>
          }
          scf.yield %cond3A_391#0, %cond3A_391#1, %cond3A_391#2, %cond3A_391#3 : vector<16xf32>, vector<16xi32>, vector<16xf32>, vector<16xi32>
        }
        %while3A_323 = arith.constant 1 : i32
        %while3A_324:4 = scf.for %while3A_374 = %while3A_320 to %while3A_316 step %while3A_323 iter_args(%while3A_375 = %while3A_322#0, %while3A_376 = %while3A_322#1, %while3A_377 = %while3A_322#2, %while3A_378 = %while3A_322#3) -> (vector<16xf32>, vector<16xi32>, vector<16xf32>, vector<16xi32>)  : i32 {
          %mul3A_379 = arith.constant 16 : i32
          %mul3A_380 = arith.muli %while3A_374, %mul3A_379 : i32
          %get3A_381 = arith.index_cast %mul3A_380 : i32 to index
          %get3A_382 = tpu.vector_load %arg17[%get3A_381] {strides = array<i32>} : memref<512xf32, #tpu.memory_space<vmem>>, vector<16xf32>,
          %mul3A_383 = arith.constant 16 : i32
          %mul3A_384 = arith.muli %while3A_374, %mul3A_383 : i32
          %get3A_385 = arith.index_cast %mul3A_384 : i32 to index
          %get3A_386 = tpu.vector_load %arg18[%get3A_385] {strides = array<i32>} : memref<512xi32, #tpu.memory_space<vmem>>, vector<16xi32>,
          %slice3A = vector.extract_strided_slice %while3A_377 {offsets = [15], sizes = [1], strides = [1]} : vector<16xf32> to vector<1xf32>
          %squeeze3A = vector.extract %slice3A[0] : f32 from vector<1xf32>
          %reduce_min3A = arith.constant true
          %reduce_min3A_387 = vector.broadcast %reduce_min3A : i1 to vector<16xi1>
          %reduce_min3A_388 = tpu.scan <min>, %get3A_382 masked %reduce_min3A_387 : vector<16xf32>, vector<16xi1> -> vector<16xf32>
          %reduce_min3A_389 = vector.extract %reduce_min3A_388[15] : f32 from vector<16xf32>
          %le3A = arith.cmpf ole, %reduce_min3A_389, %squeeze3A : f32
          %convert_element_type3A = arith.extui %le3A : i1 to i32
          %cond3A = arith.constant 0 : i32
          %cond3A_390 = arith.cmpi ne, %convert_element_type3A, %cond3A : i32
          %cond3A_391:4 = scf.if %cond3A_390 -> (vector<16xf32>, vector<16xi32>, vector<16xf32>, vector<16xi32>) {
            %and3A_392 = arith.constant 2 : i32
            %and3A_393 = vector.broadcast %and3A_392 : i32 to vector<16xi32>
            %and3A_394 = arith.andi %iota3A, %and3A_393 : vector<16xi32>
            %ne3A_395 = arith.constant 0 : i32
            %ne3A_396 = vector.broadcast %ne3A_395 : i32 to vector<16xi32>
            %ne3A_397 = arith.cmpi ne, %and3A_394, %ne3A_396 : vector<16xi32>
            %xor3A = arith.constant 1 : i32
            %xor3A_398 = vector.broadcast %xor3A : i32 to vector<16xi32>
            %xor3A_399 = arith.xori %iota3A, %xor3A_398 : vector<16xi32>
            %broadcast_in_dim3A_400 = vector.shape_cast %xor3A_399 : vector<16xi32> to vector<16x1xi32>
            %gather3A_401 = vector.shape_cast %broadcast_in_dim3A_400 : vector<16x1xi32> to vector<16xi32>
            %gather3A_402 = tpu.dynamic_gather %get3A_382[%gather3A_401] in [0] : vector<16xf32>, vector<16xi32> -> vector<16xf32>
            %broadcast_in_dim3A_403 = vector.shape_cast %xor3A_399 : vector<16xi32> to vector<16x1xi32>
            %gather3A_404 = vector.shape_cast %broadcast_in_dim3A_403 : vector<16x1xi32> to vector<16xi32>
            %gather3A_405 = tpu.dynamic_gather %get3A_386[%gather3A_404] in [0] : vector<16xi32>, vector<16xi32> -> vector<16xi32>
            %lt3A_406 = arith.cmpf olt, %gather3A_402, %get3A_382 : vector<16xf32>
            %eq3A_407 = arith.cmpf oeq, %gather3A_402, %get3A_382 : vector<16xf32>
            %lt3A_408 = arith.cmpi slt, %gather3A_405, %get3A_386 : vector<16xi32>
            %and3A_409 = arith.andi %eq3A_407, %lt3A_408 : vector<16xi1>
            %or3A = arith.ori %lt3A_406, %and3A_409 : vector<16xi1>
            %and3A_410 = arith.constant 1 : i32
            %and3A_411 = vector.broadcast %and3A_410 : i32 to vector<16xi32>
            %and3A_412 = arith.andi %iota3A, %and3A_411 : vector<16xi32>
            %ne3A_413 = arith.constant 0 : i32
            %ne3A_414 = vector.broadcast %ne3A_413 : i32 to vector<16xi32>
            %ne3A_415 = arith.cmpi ne, %and3A_412, %ne3A_414 : vector<16xi32>
            %eq3A_416 = arith.xori %or3A, %ne3A_415 : vector<16xi1>
            %eq3A_417 = arith.constant dense<true> : vector<16xi1>
            %eq3A_418 = arith.xori %eq3A_416, %eq3A_417 : vector<16xi1>
            %ne3A_419 = arith.xori %eq3A_418, %ne3A_397 : vector<16xi1>
            %select_n3A_420 = arith.select %ne3A_419, %get3A_382, %gather3A_402 : vector<16xi1>, vector<16xf32>
            %select_n3A_421 = arith.select %ne3A_419, %get3A_386, %gather3A_405 : vector<16xi1>, vector<16xi32>
            %and3A_422 = arith.constant 4 : i32
            %and3A_423 = vector.broadcast %and3A_422 : i32 to vector<16xi32>
            %and3A_424 = arith.andi %iota3A, %and3A_423 : vector<16xi32>
            %ne3A_425 = arith.constant 0 : i32
            %ne3A_426 = vector.broadcast %ne3A_425 : i32 to vector<16xi32>
            %ne3A_427 = arith.cmpi ne, %and3A_424, %ne3A_426 : vector<16xi32>
            %xor3A_428 = arith.constant 2 : i32
            %xor3A_429 = vector.broadcast %xor3A_428 : i32 to vector<16xi32>
            %xor3A_430 = arith.xori %iota3A, %xor3A_429 : vector<16xi32>
            %broadcast_in_dim3A_431 = vector.shape_cast %xor3A_430 : vector<16xi32> to vector<16x1xi32>
            %gather3A_432 = vector.shape_cast %broadcast_in_dim3A_431 : vector<16x1xi32> to vector<16xi32>
            %gather3A_433 = tpu.dynamic_gather %select_n3A_420[%gather3A_432] in [0] : vector<16xf32>, vector<16xi32> -> vector<16xf32>
            %broadcast_in_dim3A_434 = vector.shape_cast %xor3A_430 : vector<16xi32> to vector<16x1xi32>
            %gather3A_435 = vector.shape_cast %broadcast_in_dim3A_434 : vector<16x1xi32> to vector<16xi32>
            %gather3A_436 = tpu.dynamic_gather %select_n3A_421[%gather3A_435] in [0] : vector<16xi32>, vector<16xi32> -> vector<16xi32>
            %lt3A_437 = arith.cmpf olt, %gather3A_433, %select_n3A_420 : vector<16xf32>
            %eq3A_438 = arith.cmpf oeq, %gather3A_433, %select_n3A_420 : vector<16xf32>
            %lt3A_439 = arith.cmpi slt, %gather3A_436, %select_n3A_421 : vector<16xi32>
            %and3A_440 = arith.andi %eq3A_438, %lt3A_439 : vector<16xi1>
            %or3A_441 = arith.ori %lt3A_437, %and3A_440 : vector<16xi1>
            %and3A_442 = arith.constant 2 : i32
            %and3A_443 = vector.broadcast %and3A_442 : i32 to vector<16xi32>
            %and3A_444 = arith.andi %iota3A, %and3A_443 : vector<16xi32>
            %ne3A_445 = arith.constant 0 : i32
            %ne3A_446 = vector.broadcast %ne3A_445 : i32 to vector<16xi32>
            %ne3A_447 = arith.cmpi ne, %and3A_444, %ne3A_446 : vector<16xi32>
            %eq3A_448 = arith.xori %or3A_441, %ne3A_447 : vector<16xi1>
            %eq3A_449 = arith.constant dense<true> : vector<16xi1>
            %eq3A_450 = arith.xori %eq3A_448, %eq3A_449 : vector<16xi1>
            %ne3A_451 = arith.xori %eq3A_450, %ne3A_427 : vector<16xi1>
            %select_n3A_452 = arith.select %ne3A_451, %select_n3A_420, %gather3A_433 : vector<16xi1>, vector<16xf32>
            %select_n3A_453 = arith.select %ne3A_451, %select_n3A_421, %gather3A_436 : vector<16xi1>, vector<16xi32>
            %xor3A_454 = arith.constant 1 : i32
            %xor3A_455 = vector.broadcast %xor3A_454 : i32 to vector<16xi32>
            %xor3A_456 = arith.xori %iota3A, %xor3A_455 : vector<16xi32>
            %broadcast_in_dim3A_457 = vector.shape_cast %xor3A_456 : vector<16xi32> to vector<16x1xi32>
            %gather3A_458 = vector.shape_cast %broadcast_in_dim3A_457 : vector<16x1xi32> to vector<16xi32>
            %gather3A_459 = tpu.dynamic_gather %select_n3A_452[%gather3A_458] in [0] : vector<16xf32>, vector<16xi32> -> vector<16xf32>
            %broadcast_in_dim3A_460 = vector.shape_cast %xor3A_456 : vector<16xi32> to vector<16x1xi32>
            %gather3A_461 = vector.shape_cast %broadcast_in_dim3A_460 : vector<16x1xi32> to vector<16xi32>
            %gather3A_462 = tpu.dynamic_gather %select_n3A_453[%gather3A_461] in [0] : vector<16xi32>, vector<16xi32> -> vector<16xi32>
            %lt3A_463 = arith.cmpf olt, %gather3A_459, %select_n3A_452 : vector<16xf32>
            %eq3A_464 = arith.cmpf oeq, %gather3A_459, %select_n3A_452 : vector<16xf32>
            %lt3A_465 = arith.cmpi slt, %gather3A_462, %select_n3A_453 : vector<16xi32>
            %and3A_466 = arith.andi %eq3A_464, %lt3A_465 : vector<16xi1>
            %or3A_467 = arith.ori %lt3A_463, %and3A_466 : vector<16xi1>
            %and3A_468 = arith.constant 1 : i32
            %and3A_469 = vector.broadcast %and3A_468 : i32 to vector<16xi32>
            %and3A_470 = arith.andi %iota3A, %and3A_469 : vector<16xi32>
            %ne3A_471 = arith.constant 0 : i32
            %ne3A_472 = vector.broadcast %ne3A_471 : i32 to vector<16xi32>
            %ne3A_473 = arith.cmpi ne, %and3A_470, %ne3A_472 : vector<16xi32>
            %eq3A_474 = arith.xori %or3A_467, %ne3A_473 : vector<16xi1>
            %eq3A_475 = arith.constant dense<true> : vector<16xi1>
            %eq3A_476 = arith.xori %eq3A_474, %eq3A_475 : vector<16xi1>
            %ne3A_477 = arith.xori %eq3A_476, %ne3A_427 : vector<16xi1>
            %select_n3A_478 = arith.select %ne3A_477, %select_n3A_452, %gather3A_459 : vector<16xi1>, vector<16xf32>
            %select_n3A_479 = arith.select %ne3A_477, %select_n3A_453, %gather3A_462 : vector<16xi1>, vector<16xi32>
            %and3A_480 = arith.constant 8 : i32
            %and3A_481 = vector.broadcast %and3A_480 : i32 to vector<16xi32>
            %and3A_482 = arith.andi %iota3A, %and3A_481 : vector<16xi32>
            %ne3A_483 = arith.constant 0 : i32
            %ne3A_484 = vector.broadcast %ne3A_483 : i32 to vector<16xi32>
            %ne3A_485 = arith.cmpi ne, %and3A_482, %ne3A_484 : vector<16xi32>
            %xor3A_486 = arith.constant 4 : i32
            %xor3A_487 = vector.broadcast %xor3A_486 : i32 to vector<16xi32>
            %xor3A_488 = arith.xori %iota3A, %xor3A_487 : vector<16xi32>
            %broadcast_in_dim3A_489 = vector.shape_cast %xor3A_488 : vector<16xi32> to vector<16x1xi32>
            %gather3A_490 = vector.shape_cast %broadcast_in_dim3A_489 : vector<16x1xi32> to vector<16xi32>
            %gather3A_491 = tpu.dynamic_gather %select_n3A_478[%gather3A_490] in [0] : vector<16xf32>, vector<16xi32> -> vector<16xf32>
            %broadcast_in_dim3A_492 = vector.shape_cast %xor3A_488 : vector<16xi32> to vector<16x1xi32>
            %gather3A_493 = vector.shape_cast %broadcast_in_dim3A_492 : vector<16x1xi32> to vector<16xi32>
            %gather3A_494 = tpu.dynamic_gather %select_n3A_479[%gather3A_493] in [0] : vector<16xi32>, vector<16xi32> -> vector<16xi32>
            %lt3A_495 = arith.cmpf olt, %gather3A_491, %select_n3A_478 : vector<16xf32>
            %eq3A_496 = arith.cmpf oeq, %gather3A_491, %select_n3A_478 : vector<16xf32>
            %lt3A_497 = arith.cmpi slt, %gather3A_494, %select_n3A_479 : vector<16xi32>
            %and3A_498 = arith.andi %eq3A_496, %lt3A_497 : vector<16xi1>
            %or3A_499 = arith.ori %lt3A_495, %and3A_498 : vector<16xi1>
            %and3A_500 = arith.constant 4 : i32
            %and3A_501 = vector.broadcast %and3A_500 : i32 to vector<16xi32>
            %and3A_502 = arith.andi %iota3A, %and3A_501 : vector<16xi32>
            %ne3A_503 = arith.constant 0 : i32
            %ne3A_504 = vector.broadcast %ne3A_503 : i32 to vector<16xi32>
            %ne3A_505 = arith.cmpi ne, %and3A_502, %ne3A_504 : vector<16xi32>
            %eq3A_506 = arith.xori %or3A_499, %ne3A_505 : vector<16xi1>
            %eq3A_507 = arith.constant dense<true> : vector<16xi1>
            %eq3A_508 = arith.xori %eq3A_506, %eq3A_507 : vector<16xi1>
            %ne3A_509 = arith.xori %eq3A_508, %ne3A_485 : vector<16xi1>
            %select_n3A_510 = arith.select %ne3A_509, %select_n3A_478, %gather3A_491 : vector<16xi1>, vector<16xf32>
            %select_n3A_511 = arith.select %ne3A_509, %select_n3A_479, %gather3A_494 : vector<16xi1>, vector<16xi32>
            %xor3A_512 = arith.constant 2 : i32
            %xor3A_513 = vector.broadcast %xor3A_512 : i32 to vector<16xi32>
            %xor3A_514 = arith.xori %iota3A, %xor3A_513 : vector<16xi32>
            %broadcast_in_dim3A_515 = vector.shape_cast %xor3A_514 : vector<16xi32> to vector<16x1xi32>
            %gather3A_516 = vector.shape_cast %broadcast_in_dim3A_515 : vector<16x1xi32> to vector<16xi32>
            %gather3A_517 = tpu.dynamic_gather %select_n3A_510[%gather3A_516] in [0] : vector<16xf32>, vector<16xi32> -> vector<16xf32>
            %broadcast_in_dim3A_518 = vector.shape_cast %xor3A_514 : vector<16xi32> to vector<16x1xi32>
            %gather3A_519 = vector.shape_cast %broadcast_in_dim3A_518 : vector<16x1xi32> to vector<16xi32>
            %gather3A_520 = tpu.dynamic_gather %select_n3A_511[%gather3A_519] in [0] : vector<16xi32>, vector<16xi32> -> vector<16xi32>
            %lt3A_521 = arith.cmpf olt, %gather3A_517, %select_n3A_510 : vector<16xf32>
            %eq3A_522 = arith.cmpf oeq, %gather3A_517, %select_n3A_510 : vector<16xf32>
            %lt3A_523 = arith.cmpi slt, %gather3A_520, %select_n3A_511 : vector<16xi32>
            %and3A_524 = arith.andi %eq3A_522, %lt3A_523 : vector<16xi1>
            %or3A_525 = arith.ori %lt3A_521, %and3A_524 : vector<16xi1>
            %and3A_526 = arith.constant 2 : i32
            %and3A_527 = vector.broadcast %and3A_526 : i32 to vector<16xi32>
            %and3A_528 = arith.andi %iota3A, %and3A_527 : vector<16xi32>
            %ne3A_529 = arith.constant 0 : i32
            %ne3A_530 = vector.broadcast %ne3A_529 : i32 to vector<16xi32>
            %ne3A_531 = arith.cmpi ne, %and3A_528, %ne3A_530 : vector<16xi32>
            %eq3A_532 = arith.xori %or3A_525, %ne3A_531 : vector<16xi1>
            %eq3A_533 = arith.constant dense<true> : vector<16xi1>
            %eq3A_534 = arith.xori %eq3A_532, %eq3A_533 : vector<16xi1>
            %ne3A_535 = arith.xori %eq3A_534, %ne3A_485 : vector<16xi1>
            %select_n3A_536 = arith.select %ne3A_535, %select_n3A_510, %gather3A_517 : vector<16xi1>, vector<16xf32>
            %select_n3A_537 = arith.select %ne3A_535, %select_n3A_511, %gather3A_520 : vector<16xi1>, vector<16xi32>
            %xor3A_538 = arith.constant 1 : i32
            %xor3A_539 = vector.broadcast %xor3A_538 : i32 to vector<16xi32>
            %xor3A_540 = arith.xori %iota3A, %xor3A_539 : vector<16xi32>
            %broadcast_in_dim3A_541 = vector.shape_cast %xor3A_540 : vector<16xi32> to vector<16x1xi32>
            %gather3A_542 = vector.shape_cast %broadcast_in_dim3A_541 : vector<16x1xi32> to vector<16xi32>
            %gather3A_543 = tpu.dynamic_gather %select_n3A_536[%gather3A_542] in [0] : vector<16xf32>, vector<16xi32> -> vector<16xf32>
            %broadcast_in_dim3A_544 = vector.shape_cast %xor3A_540 : vector<16xi32> to vector<16x1xi32>
            %gather3A_545 = vector.shape_cast %broadcast_in_dim3A_544 : vector<16x1xi32> to vector<16xi32>
            %gather3A_546 = tpu.dynamic_gather %select_n3A_537[%gather3A_545] in [0] : vector<16xi32>, vector<16xi32> -> vector<16xi32>
            %lt3A_547 = arith.cmpf olt, %gather3A_543, %select_n3A_536 : vector<16xf32>
            %eq3A_548 = arith.cmpf oeq, %gather3A_543, %select_n3A_536 : vector<16xf32>
            %lt3A_549 = arith.cmpi slt, %gather3A_546, %select_n3A_537 : vector<16xi32>
            %and3A_550 = arith.andi %eq3A_548, %lt3A_549 : vector<16xi1>
            %or3A_551 = arith.ori %lt3A_547, %and3A_550 : vector<16xi1>
            %and3A_552 = arith.constant 1 : i32
            %and3A_553 = vector.broadcast %and3A_552 : i32 to vector<16xi32>
            %and3A_554 = arith.andi %iota3A, %and3A_553 : vector<16xi32>
            %ne3A_555 = arith.constant 0 : i32
            %ne3A_556 = vector.broadcast %ne3A_555 : i32 to vector<16xi32>
            %ne3A_557 = arith.cmpi ne, %and3A_554, %ne3A_556 : vector<16xi32>
            %eq3A_558 = arith.xori %or3A_551, %ne3A_557 : vector<16xi1>
            %eq3A_559 = arith.constant dense<true> : vector<16xi1>
            %eq3A_560 = arith.xori %eq3A_558, %eq3A_559 : vector<16xi1>
            %ne3A_561 = arith.xori %eq3A_560, %ne3A_485 : vector<16xi1>
            %select_n3A_562 = arith.select %ne3A_561, %select_n3A_536, %gather3A_543 : vector<16xi1>, vector<16xf32>
            %select_n3A_563 = arith.select %ne3A_561, %select_n3A_537, %gather3A_546 : vector<16xi1>, vector<16xi32>
            %and3A_564 = arith.constant 16 : i32
            %and3A_565 = vector.broadcast %and3A_564 : i32 to vector<16xi32>
            %and3A_566 = arith.andi %iota3A, %and3A_565 : vector<16xi32>
            %ne3A_567 = arith.constant 0 : i32
            %ne3A_568 = vector.broadcast %ne3A_567 : i32 to vector<16xi32>
            %ne3A_569 = arith.cmpi ne, %and3A_566, %ne3A_568 : vector<16xi32>
            %xor3A_570 = arith.constant 8 : i32
            %xor3A_571 = vector.broadcast %xor3A_570 : i32 to vector<16xi32>
            %xor3A_572 = arith.xori %iota3A, %xor3A_571 : vector<16xi32>
            %broadcast_in_dim3A_573 = vector.shape_cast %xor3A_572 : vector<16xi32> to vector<16x1xi32>
            %gather3A_574 = vector.shape_cast %broadcast_in_dim3A_573 : vector<16x1xi32> to vector<16xi32>
            %gather3A_575 = tpu.dynamic_gather %select_n3A_562[%gather3A_574] in [0] : vector<16xf32>, vector<16xi32> -> vector<16xf32>
            %broadcast_in_dim3A_576 = vector.shape_cast %xor3A_572 : vector<16xi32> to vector<16x1xi32>
            %gather3A_577 = vector.shape_cast %broadcast_in_dim3A_576 : vector<16x1xi32> to vector<16xi32>
            %gather3A_578 = tpu.dynamic_gather %select_n3A_563[%gather3A_577] in [0] : vector<16xi32>, vector<16xi32> -> vector<16xi32>
            %lt3A_579 = arith.cmpf olt, %gather3A_575, %select_n3A_562 : vector<16xf32>
            %eq3A_580 = arith.cmpf oeq, %gather3A_575, %select_n3A_562 : vector<16xf32>
            %lt3A_581 = arith.cmpi slt, %gather3A_578, %select_n3A_563 : vector<16xi32>
            %and3A_582 = arith.andi %eq3A_580, %lt3A_581 : vector<16xi1>
            %or3A_583 = arith.ori %lt3A_579, %and3A_582 : vector<16xi1>
            %and3A_584 = arith.constant 8 : i32
            %and3A_585 = vector.broadcast %and3A_584 : i32 to vector<16xi32>
            %and3A_586 = arith.andi %iota3A, %and3A_585 : vector<16xi32>
            %ne3A_587 = arith.constant 0 : i32
            %ne3A_588 = vector.broadcast %ne3A_587 : i32 to vector<16xi32>
            %ne3A_589 = arith.cmpi ne, %and3A_586, %ne3A_588 : vector<16xi32>
            %eq3A_590 = arith.xori %or3A_583, %ne3A_589 : vector<16xi1>
            %eq3A_591 = arith.constant dense<true> : vector<16xi1>
            %eq3A_592 = arith.xori %eq3A_590, %eq3A_591 : vector<16xi1>
            %ne3A_593 = arith.xori %eq3A_592, %ne3A_569 : vector<16xi1>
            %select_n3A_594 = arith.select %ne3A_593, %select_n3A_562, %gather3A_575 : vector<16xi1>, vector<16xf32>
            %select_n3A_595 = arith.select %ne3A_593, %select_n3A_563, %gather3A_578 : vector<16xi1>, vector<16xi32>
            %xor3A_596 = arith.constant 4 : i32
            %xor3A_597 = vector.broadcast %xor3A_596 : i32 to vector<16xi32>
            %xor3A_598 = arith.xori %iota3A, %xor3A_597 : vector<16xi32>
            %broadcast_in_dim3A_599 = vector.shape_cast %xor3A_598 : vector<16xi32> to vector<16x1xi32>
            %gather3A_600 = vector.shape_cast %broadcast_in_dim3A_599 : vector<16x1xi32> to vector<16xi32>
            %gather3A_601 = tpu.dynamic_gather %select_n3A_594[%gather3A_600] in [0] : vector<16xf32>, vector<16xi32> -> vector<16xf32>
            %broadcast_in_dim3A_602 = vector.shape_cast %xor3A_598 : vector<16xi32> to vector<16x1xi32>
            %gather3A_603 = vector.shape_cast %broadcast_in_dim3A_602 : vector<16x1xi32> to vector<16xi32>
            %gather3A_604 = tpu.dynamic_gather %select_n3A_595[%gather3A_603] in [0] : vector<16xi32>, vector<16xi32> -> vector<16xi32>
            %lt3A_605 = arith.cmpf olt, %gather3A_601, %select_n3A_594 : vector<16xf32>
            %eq3A_606 = arith.cmpf oeq, %gather3A_601, %select_n3A_594 : vector<16xf32>
            %lt3A_607 = arith.cmpi slt, %gather3A_604, %select_n3A_595 : vector<16xi32>
            %and3A_608 = arith.andi %eq3A_606, %lt3A_607 : vector<16xi1>
            %or3A_609 = arith.ori %lt3A_605, %and3A_608 : vector<16xi1>
            %and3A_610 = arith.constant 4 : i32
            %and3A_611 = vector.broadcast %and3A_610 : i32 to vector<16xi32>
            %and3A_612 = arith.andi %iota3A, %and3A_611 : vector<16xi32>
            %ne3A_613 = arith.constant 0 : i32
            %ne3A_614 = vector.broadcast %ne3A_613 : i32 to vector<16xi32>
            %ne3A_615 = arith.cmpi ne, %and3A_612, %ne3A_614 : vector<16xi32>
            %eq3A_616 = arith.xori %or3A_609, %ne3A_615 : vector<16xi1>
            %eq3A_617 = arith.constant dense<true> : vector<16xi1>
            %eq3A_618 = arith.xori %eq3A_616, %eq3A_617 : vector<16xi1>
            %ne3A_619 = arith.xori %eq3A_618, %ne3A_569 : vector<16xi1>
            %select_n3A_620 = arith.select %ne3A_619, %select_n3A_594, %gather3A_601 : vector<16xi1>, vector<16xf32>
            %select_n3A_621 = arith.select %ne3A_619, %select_n3A_595, %gather3A_604 : vector<16xi1>, vector<16xi32>
            %xor3A_622 = arith.constant 2 : i32
            %xor3A_623 = vector.broadcast %xor3A_622 : i32 to vector<16xi32>
            %xor3A_624 = arith.xori %iota3A, %xor3A_623 : vector<16xi32>
            %broadcast_in_dim3A_625 = vector.shape_cast %xor3A_624 : vector<16xi32> to vector<16x1xi32>
            %gather3A_626 = vector.shape_cast %broadcast_in_dim3A_625 : vector<16x1xi32> to vector<16xi32>
            %gather3A_627 = tpu.dynamic_gather %select_n3A_620[%gather3A_626] in [0] : vector<16xf32>, vector<16xi32> -> vector<16xf32>
            %broadcast_in_dim3A_628 = vector.shape_cast %xor3A_624 : vector<16xi32> to vector<16x1xi32>
            %gather3A_629 = vector.shape_cast %broadcast_in_dim3A_628 : vector<16x1xi32> to vector<16xi32>
            %gather3A_630 = tpu.dynamic_gather %select_n3A_621[%gather3A_629] in [0] : vector<16xi32>, vector<16xi32> -> vector<16xi32>
            %lt3A_631 = arith.cmpf olt, %gather3A_627, %select_n3A_620 : vector<16xf32>
            %eq3A_632 = arith.cmpf oeq, %gather3A_627, %select_n3A_620 : vector<16xf32>
            %lt3A_633 = arith.cmpi slt, %gather3A_630, %select_n3A_621 : vector<16xi32>
            %and3A_634 = arith.andi %eq3A_632, %lt3A_633 : vector<16xi1>
            %or3A_635 = arith.ori %lt3A_631, %and3A_634 : vector<16xi1>
            %and3A_636 = arith.constant 2 : i32
            %and3A_637 = vector.broadcast %and3A_636 : i32 to vector<16xi32>
            %and3A_638 = arith.andi %iota3A, %and3A_637 : vector<16xi32>
            %ne3A_639 = arith.constant 0 : i32
            %ne3A_640 = vector.broadcast %ne3A_639 : i32 to vector<16xi32>
            %ne3A_641 = arith.cmpi ne, %and3A_638, %ne3A_640 : vector<16xi32>
            %eq3A_642 = arith.xori %or3A_635, %ne3A_641 : vector<16xi1>
            %eq3A_643 = arith.constant dense<true> : vector<16xi1>
            %eq3A_644 = arith.xori %eq3A_642, %eq3A_643 : vector<16xi1>
            %ne3A_645 = arith.xori %eq3A_644, %ne3A_569 : vector<16xi1>
            %select_n3A_646 = arith.select %ne3A_645, %select_n3A_620, %gather3A_627 : vector<16xi1>, vector<16xf32>
            %select_n3A_647 = arith.select %ne3A_645, %select_n3A_621, %gather3A_630 : vector<16xi1>, vector<16xi32>
            %xor3A_648 = arith.constant 1 : i32
            %xor3A_649 = vector.broadcast %xor3A_648 : i32 to vector<16xi32>
            %xor3A_650 = arith.xori %iota3A, %xor3A_649 : vector<16xi32>
            %broadcast_in_dim3A_651 = vector.shape_cast %xor3A_650 : vector<16xi32> to vector<16x1xi32>
            %gather3A_652 = vector.shape_cast %broadcast_in_dim3A_651 : vector<16x1xi32> to vector<16xi32>
            %gather3A_653 = tpu.dynamic_gather %select_n3A_646[%gather3A_652] in [0] : vector<16xf32>, vector<16xi32> -> vector<16xf32>
            %broadcast_in_dim3A_654 = vector.shape_cast %xor3A_650 : vector<16xi32> to vector<16x1xi32>
            %gather3A_655 = vector.shape_cast %broadcast_in_dim3A_654 : vector<16x1xi32> to vector<16xi32>
            %gather3A_656 = tpu.dynamic_gather %select_n3A_647[%gather3A_655] in [0] : vector<16xi32>, vector<16xi32> -> vector<16xi32>
            %lt3A_657 = arith.cmpf olt, %gather3A_653, %select_n3A_646 : vector<16xf32>
            %eq3A_658 = arith.cmpf oeq, %gather3A_653, %select_n3A_646 : vector<16xf32>
            %lt3A_659 = arith.cmpi slt, %gather3A_656, %select_n3A_647 : vector<16xi32>
            %and3A_660 = arith.andi %eq3A_658, %lt3A_659 : vector<16xi1>
            %or3A_661 = arith.ori %lt3A_657, %and3A_660 : vector<16xi1>
            %and3A_662 = arith.constant 1 : i32
            %and3A_663 = vector.broadcast %and3A_662 : i32 to vector<16xi32>
            %and3A_664 = arith.andi %iota3A, %and3A_663 : vector<16xi32>
            %ne3A_665 = arith.constant 0 : i32
            %ne3A_666 = vector.broadcast %ne3A_665 : i32 to vector<16xi32>
            %ne3A_667 = arith.cmpi ne, %and3A_664, %ne3A_666 : vector<16xi32>
            %eq3A_668 = arith.xori %or3A_661, %ne3A_667 : vector<16xi1>
            %eq3A_669 = arith.constant dense<true> : vector<16xi1>
            %eq3A_670 = arith.xori %eq3A_668, %eq3A_669 : vector<16xi1>
            %ne3A_671 = arith.xori %eq3A_670, %ne3A_569 : vector<16xi1>
            %select_n3A_672 = arith.select %ne3A_671, %select_n3A_646, %gather3A_653 : vector<16xi1>, vector<16xf32>
            %select_n3A_673 = arith.select %ne3A_671, %select_n3A_647, %gather3A_656 : vector<16xi1>, vector<16xi32>
            %sub3A_674 = arith.constant 15 : i32
            %sub3A_675 = vector.broadcast %sub3A_674 : i32 to vector<16xi32>
            %sub3A_676 = arith.subi %sub3A_675, %iota3A : vector<16xi32>
            %broadcast_in_dim3A_677 = vector.shape_cast %sub3A_676 : vector<16xi32> to vector<16x1xi32>
            %gather3A_678 = vector.shape_cast %broadcast_in_dim3A_677 : vector<16x1xi32> to vector<16xi32>
            %gather3A_679 = tpu.dynamic_gather %select_n3A_672[%gather3A_678] in [0] : vector<16xf32>, vector<16xi32> -> vector<16xf32>
            %broadcast_in_dim3A_680 = vector.shape_cast %sub3A_676 : vector<16xi32> to vector<16x1xi32>
            %gather3A_681 = vector.shape_cast %broadcast_in_dim3A_680 : vector<16x1xi32> to vector<16xi32>
            %gather3A_682 = tpu.dynamic_gather %select_n3A_673[%gather3A_681] in [0] : vector<16xi32>, vector<16xi32> -> vector<16xi32>
            %lt3A_683 = arith.cmpf olt, %gather3A_679, %while3A_377 : vector<16xf32>
            %eq3A_684 = arith.cmpf oeq, %gather3A_679, %while3A_377 : vector<16xf32>
            %lt3A_685 = arith.cmpi slt, %gather3A_682, %while3A_378 : vector<16xi32>
            %and3A_686 = arith.andi %eq3A_684, %lt3A_685 : vector<16xi1>
            %or3A_687 = arith.ori %lt3A_683, %and3A_686 : vector<16xi1>
            %select_n3A_688 = arith.select %or3A_687, %gather3A_679, %while3A_377 : vector<16xi1>, vector<16xf32>
            %select_n3A_689 = arith.select %or3A_687, %gather3A_682, %while3A_378 : vector<16xi1>, vector<16xi32>
            %select_n3A_690 = arith.select %or3A_687, %while3A_377, %gather3A_679 : vector<16xi1>, vector<16xf32>
            %select_n3A_691 = arith.select %or3A_687, %while3A_378, %gather3A_682 : vector<16xi1>, vector<16xi32>
            %lt3A_692 = arith.cmpf olt, %select_n3A_688, %while3A_375 : vector<16xf32>
            %eq3A_693 = arith.cmpf oeq, %select_n3A_688, %while3A_375 : vector<16xf32>
            %lt3A_694 = arith.cmpi slt, %select_n3A_689, %while3A_376 : vector<16xi32>
            %and3A_695 = arith.andi %eq3A_693, %lt3A_694 : vector<16xi1>
            %or3A_696 = arith.ori %lt3A_692, %and3A_695 : vector<16xi1>
            %select_n3A_697 = arith.select %or3A_696, %select_n3A_688, %while3A_375 : vector<16xi1>, vector<16xf32>
            %select_n3A_698 = arith.select %or3A_696, %select_n3A_689, %while3A_376 : vector<16xi1>, vector<16xi32>
            %select_n3A_699 = arith.select %or3A_696, %while3A_375, %select_n3A_688 : vector<16xi1>, vector<16xf32>
            %select_n3A_700 = arith.select %or3A_696, %while3A_376, %select_n3A_689 : vector<16xi1>, vector<16xi32>
            %xor3A_701 = arith.constant 8 : i32
            %xor3A_702 = vector.broadcast %xor3A_701 : i32 to vector<16xi32>
            %xor3A_703 = arith.xori %iota3A, %xor3A_702 : vector<16xi32>
            %broadcast_in_dim3A_704 = vector.shape_cast %xor3A_703 : vector<16xi32> to vector<16x1xi32>
            %gather3A_705 = vector.shape_cast %broadcast_in_dim3A_704 : vector<16x1xi32> to vector<16xi32>
            %gather3A_706 = tpu.dynamic_gather %select_n3A_697[%gather3A_705] in [0] : vector<16xf32>, vector<16xi32> -> vector<16xf32>
            %broadcast_in_dim3A_707 = vector.shape_cast %xor3A_703 : vector<16xi32> to vector<16x1xi32>
            %gather3A_708 = vector.shape_cast %broadcast_in_dim3A_707 : vector<16x1xi32> to vector<16xi32>
            %gather3A_709 = tpu.dynamic_gather %select_n3A_698[%gather3A_708] in [0] : vector<16xi32>, vector<16xi32> -> vector<16xi32>
            %lt3A_710 = arith.cmpf olt, %gather3A_706, %select_n3A_697 : vector<16xf32>
            %eq3A_711 = arith.cmpf oeq, %gather3A_706, %select_n3A_697 : vector<16xf32>
            %lt3A_712 = arith.cmpi slt, %gather3A_709, %select_n3A_698 : vector<16xi32>
            %and3A_713 = arith.andi %eq3A_711, %lt3A_712 : vector<16xi1>
            %or3A_714 = arith.ori %lt3A_710, %and3A_713 : vector<16xi1>
            %and3A_715 = arith.constant 8 : i32
            %and3A_716 = vector.broadcast %and3A_715 : i32 to vector<16xi32>
            %and3A_717 = arith.andi %iota3A, %and3A_716 : vector<16xi32>
            %ne3A_718 = arith.constant 0 : i32
            %ne3A_719 = vector.broadcast %ne3A_718 : i32 to vector<16xi32>
            %ne3A_720 = arith.cmpi ne, %and3A_717, %ne3A_719 : vector<16xi32>
            %eq3A_721 = arith.xori %or3A_714, %ne3A_720 : vector<16xi1>
            %eq3A_722 = arith.constant dense<true> : vector<16xi1>
            %eq3A_723 = arith.xori %eq3A_721, %eq3A_722 : vector<16xi1>
            %select_n3A_724 = arith.select %eq3A_723, %select_n3A_697, %gather3A_706 : vector<16xi1>, vector<16xf32>
            %select_n3A_725 = arith.select %eq3A_723, %select_n3A_698, %gather3A_709 : vector<16xi1>, vector<16xi32>
            %xor3A_726 = arith.constant 8 : i32
            %xor3A_727 = vector.broadcast %xor3A_726 : i32 to vector<16xi32>
            %xor3A_728 = arith.xori %iota3A, %xor3A_727 : vector<16xi32>
            %broadcast_in_dim3A_729 = vector.shape_cast %xor3A_728 : vector<16xi32> to vector<16x1xi32>
            %gather3A_730 = vector.shape_cast %broadcast_in_dim3A_729 : vector<16x1xi32> to vector<16xi32>
            %gather3A_731 = tpu.dynamic_gather %select_n3A_699[%gather3A_730] in [0] : vector<16xf32>, vector<16xi32> -> vector<16xf32>
            %broadcast_in_dim3A_732 = vector.shape_cast %xor3A_728 : vector<16xi32> to vector<16x1xi32>
            %gather3A_733 = vector.shape_cast %broadcast_in_dim3A_732 : vector<16x1xi32> to vector<16xi32>
            %gather3A_734 = tpu.dynamic_gather %select_n3A_700[%gather3A_733] in [0] : vector<16xi32>, vector<16xi32> -> vector<16xi32>
            %lt3A_735 = arith.cmpf olt, %gather3A_731, %select_n3A_699 : vector<16xf32>
            %eq3A_736 = arith.cmpf oeq, %gather3A_731, %select_n3A_699 : vector<16xf32>
            %lt3A_737 = arith.cmpi slt, %gather3A_734, %select_n3A_700 : vector<16xi32>
            %and3A_738 = arith.andi %eq3A_736, %lt3A_737 : vector<16xi1>
            %or3A_739 = arith.ori %lt3A_735, %and3A_738 : vector<16xi1>
            %and3A_740 = arith.constant 8 : i32
            %and3A_741 = vector.broadcast %and3A_740 : i32 to vector<16xi32>
            %and3A_742 = arith.andi %iota3A, %and3A_741 : vector<16xi32>
            %ne3A_743 = arith.constant 0 : i32
            %ne3A_744 = vector.broadcast %ne3A_743 : i32 to vector<16xi32>
            %ne3A_745 = arith.cmpi ne, %and3A_742, %ne3A_744 : vector<16xi32>
            %eq3A_746 = arith.xori %or3A_739, %ne3A_745 : vector<16xi1>
            %eq3A_747 = arith.constant dense<true> : vector<16xi1>
            %eq3A_748 = arith.xori %eq3A_746, %eq3A_747 : vector<16xi1>
            %select_n3A_749 = arith.select %eq3A_748, %select_n3A_699, %gather3A_731 : vector<16xi1>, vector<16xf32>
            %select_n3A_750 = arith.select %eq3A_748, %select_n3A_700, %gather3A_734 : vector<16xi1>, vector<16xi32>
            %xor3A_751 = arith.constant 4 : i32
            %xor3A_752 = vector.broadcast %xor3A_751 : i32 to vector<16xi32>
            %xor3A_753 = arith.xori %iota3A, %xor3A_752 : vector<16xi32>
            %broadcast_in_dim3A_754 = vector.shape_cast %xor3A_753 : vector<16xi32> to vector<16x1xi32>
            %gather3A_755 = vector.shape_cast %broadcast_in_dim3A_754 : vector<16x1xi32> to vector<16xi32>
            %gather3A_756 = tpu.dynamic_gather %select_n3A_724[%gather3A_755] in [0] : vector<16xf32>, vector<16xi32> -> vector<16xf32>
            %broadcast_in_dim3A_757 = vector.shape_cast %xor3A_753 : vector<16xi32> to vector<16x1xi32>
            %gather3A_758 = vector.shape_cast %broadcast_in_dim3A_757 : vector<16x1xi32> to vector<16xi32>
            %gather3A_759 = tpu.dynamic_gather %select_n3A_725[%gather3A_758] in [0] : vector<16xi32>, vector<16xi32> -> vector<16xi32>
            %lt3A_760 = arith.cmpf olt, %gather3A_756, %select_n3A_724 : vector<16xf32>
            %eq3A_761 = arith.cmpf oeq, %gather3A_756, %select_n3A_724 : vector<16xf32>
            %lt3A_762 = arith.cmpi slt, %gather3A_759, %select_n3A_725 : vector<16xi32>
            %and3A_763 = arith.andi %eq3A_761, %lt3A_762 : vector<16xi1>
            %or3A_764 = arith.ori %lt3A_760, %and3A_763 : vector<16xi1>
            %and3A_765 = arith.constant 4 : i32
            %and3A_766 = vector.broadcast %and3A_765 : i32 to vector<16xi32>
            %and3A_767 = arith.andi %iota3A, %and3A_766 : vector<16xi32>
            %ne3A_768 = arith.constant 0 : i32
            %ne3A_769 = vector.broadcast %ne3A_768 : i32 to vector<16xi32>
            %ne3A_770 = arith.cmpi ne, %and3A_767, %ne3A_769 : vector<16xi32>
            %eq3A_771 = arith.xori %or3A_764, %ne3A_770 : vector<16xi1>
            %eq3A_772 = arith.constant dense<true> : vector<16xi1>
            %eq3A_773 = arith.xori %eq3A_771, %eq3A_772 : vector<16xi1>
            %select_n3A_774 = arith.select %eq3A_773, %select_n3A_724, %gather3A_756 : vector<16xi1>, vector<16xf32>
            %select_n3A_775 = arith.select %eq3A_773, %select_n3A_725, %gather3A_759 : vector<16xi1>, vector<16xi32>
            %xor3A_776 = arith.constant 4 : i32
            %xor3A_777 = vector.broadcast %xor3A_776 : i32 to vector<16xi32>
            %xor3A_778 = arith.xori %iota3A, %xor3A_777 : vector<16xi32>
            %broadcast_in_dim3A_779 = vector.shape_cast %xor3A_778 : vector<16xi32> to vector<16x1xi32>
            %gather3A_780 = vector.shape_cast %broadcast_in_dim3A_779 : vector<16x1xi32> to vector<16xi32>
            %gather3A_781 = tpu.dynamic_gather %select_n3A_749[%gather3A_780] in [0] : vector<16xf32>, vector<16xi32> -> vector<16xf32>
            %broadcast_in_dim3A_782 = vector.shape_cast %xor3A_778 : vector<16xi32> to vector<16x1xi32>
            %gather3A_783 = vector.shape_cast %broadcast_in_dim3A_782 : vector<16x1xi32> to vector<16xi32>
            %gather3A_784 = tpu.dynamic_gather %select_n3A_750[%gather3A_783] in [0] : vector<16xi32>, vector<16xi32> -> vector<16xi32>
            %lt3A_785 = arith.cmpf olt, %gather3A_781, %select_n3A_749 : vector<16xf32>
            %eq3A_786 = arith.cmpf oeq, %gather3A_781, %select_n3A_749 : vector<16xf32>
            %lt3A_787 = arith.cmpi slt, %gather3A_784, %select_n3A_750 : vector<16xi32>
            %and3A_788 = arith.andi %eq3A_786, %lt3A_787 : vector<16xi1>
            %or3A_789 = arith.ori %lt3A_785, %and3A_788 : vector<16xi1>
            %and3A_790 = arith.constant 4 : i32
            %and3A_791 = vector.broadcast %and3A_790 : i32 to vector<16xi32>
            %and3A_792 = arith.andi %iota3A, %and3A_791 : vector<16xi32>
            %ne3A_793 = arith.constant 0 : i32
            %ne3A_794 = vector.broadcast %ne3A_793 : i32 to vector<16xi32>
            %ne3A_795 = arith.cmpi ne, %and3A_792, %ne3A_794 : vector<16xi32>
            %eq3A_796 = arith.xori %or3A_789, %ne3A_795 : vector<16xi1>
            %eq3A_797 = arith.constant dense<true> : vector<16xi1>
            %eq3A_798 = arith.xori %eq3A_796, %eq3A_797 : vector<16xi1>
            %select_n3A_799 = arith.select %eq3A_798, %select_n3A_749, %gather3A_781 : vector<16xi1>, vector<16xf32>
            %select_n3A_800 = arith.select %eq3A_798, %select_n3A_750, %gather3A_784 : vector<16xi1>, vector<16xi32>
            %xor3A_801 = arith.constant 2 : i32
            %xor3A_802 = vector.broadcast %xor3A_801 : i32 to vector<16xi32>
            %xor3A_803 = arith.xori %iota3A, %xor3A_802 : vector<16xi32>
            %broadcast_in_dim3A_804 = vector.shape_cast %xor3A_803 : vector<16xi32> to vector<16x1xi32>
            %gather3A_805 = vector.shape_cast %broadcast_in_dim3A_804 : vector<16x1xi32> to vector<16xi32>
            %gather3A_806 = tpu.dynamic_gather %select_n3A_774[%gather3A_805] in [0] : vector<16xf32>, vector<16xi32> -> vector<16xf32>
            %broadcast_in_dim3A_807 = vector.shape_cast %xor3A_803 : vector<16xi32> to vector<16x1xi32>
            %gather3A_808 = vector.shape_cast %broadcast_in_dim3A_807 : vector<16x1xi32> to vector<16xi32>
            %gather3A_809 = tpu.dynamic_gather %select_n3A_775[%gather3A_808] in [0] : vector<16xi32>, vector<16xi32> -> vector<16xi32>
            %lt3A_810 = arith.cmpf olt, %gather3A_806, %select_n3A_774 : vector<16xf32>
            %eq3A_811 = arith.cmpf oeq, %gather3A_806, %select_n3A_774 : vector<16xf32>
            %lt3A_812 = arith.cmpi slt, %gather3A_809, %select_n3A_775 : vector<16xi32>
            %and3A_813 = arith.andi %eq3A_811, %lt3A_812 : vector<16xi1>
            %or3A_814 = arith.ori %lt3A_810, %and3A_813 : vector<16xi1>
            %and3A_815 = arith.constant 2 : i32
            %and3A_816 = vector.broadcast %and3A_815 : i32 to vector<16xi32>
            %and3A_817 = arith.andi %iota3A, %and3A_816 : vector<16xi32>
            %ne3A_818 = arith.constant 0 : i32
            %ne3A_819 = vector.broadcast %ne3A_818 : i32 to vector<16xi32>
            %ne3A_820 = arith.cmpi ne, %and3A_817, %ne3A_819 : vector<16xi32>
            %eq3A_821 = arith.xori %or3A_814, %ne3A_820 : vector<16xi1>
            %eq3A_822 = arith.constant dense<true> : vector<16xi1>
            %eq3A_823 = arith.xori %eq3A_821, %eq3A_822 : vector<16xi1>
            %select_n3A_824 = arith.select %eq3A_823, %select_n3A_774, %gather3A_806 : vector<16xi1>, vector<16xf32>
            %select_n3A_825 = arith.select %eq3A_823, %select_n3A_775, %gather3A_809 : vector<16xi1>, vector<16xi32>
            %xor3A_826 = arith.constant 2 : i32
            %xor3A_827 = vector.broadcast %xor3A_826 : i32 to vector<16xi32>
            %xor3A_828 = arith.xori %iota3A, %xor3A_827 : vector<16xi32>
            %broadcast_in_dim3A_829 = vector.shape_cast %xor3A_828 : vector<16xi32> to vector<16x1xi32>
            %gather3A_830 = vector.shape_cast %broadcast_in_dim3A_829 : vector<16x1xi32> to vector<16xi32>
            %gather3A_831 = tpu.dynamic_gather %select_n3A_799[%gather3A_830] in [0] : vector<16xf32>, vector<16xi32> -> vector<16xf32>
            %broadcast_in_dim3A_832 = vector.shape_cast %xor3A_828 : vector<16xi32> to vector<16x1xi32>
            %gather3A_833 = vector.shape_cast %broadcast_in_dim3A_832 : vector<16x1xi32> to vector<16xi32>
            %gather3A_834 = tpu.dynamic_gather %select_n3A_800[%gather3A_833] in [0] : vector<16xi32>, vector<16xi32> -> vector<16xi32>
            %lt3A_835 = arith.cmpf olt, %gather3A_831, %select_n3A_799 : vector<16xf32>
            %eq3A_836 = arith.cmpf oeq, %gather3A_831, %select_n3A_799 : vector<16xf32>
            %lt3A_837 = arith.cmpi slt, %gather3A_834, %select_n3A_800 : vector<16xi32>
            %and3A_838 = arith.andi %eq3A_836, %lt3A_837 : vector<16xi1>
            %or3A_839 = arith.ori %lt3A_835, %and3A_838 : vector<16xi1>
            %and3A_840 = arith.constant 2 : i32
            %and3A_841 = vector.broadcast %and3A_840 : i32 to vector<16xi32>
            %and3A_842 = arith.andi %iota3A, %and3A_841 : vector<16xi32>
            %ne3A_843 = arith.constant 0 : i32
            %ne3A_844 = vector.broadcast %ne3A_843 : i32 to vector<16xi32>
            %ne3A_845 = arith.cmpi ne, %and3A_842, %ne3A_844 : vector<16xi32>
            %eq3A_846 = arith.xori %or3A_839, %ne3A_845 : vector<16xi1>
            %eq3A_847 = arith.constant dense<true> : vector<16xi1>
            %eq3A_848 = arith.xori %eq3A_846, %eq3A_847 : vector<16xi1>
            %select_n3A_849 = arith.select %eq3A_848, %select_n3A_799, %gather3A_831 : vector<16xi1>, vector<16xf32>
            %select_n3A_850 = arith.select %eq3A_848, %select_n3A_800, %gather3A_834 : vector<16xi1>, vector<16xi32>
            %xor3A_851 = arith.constant 1 : i32
            %xor3A_852 = vector.broadcast %xor3A_851 : i32 to vector<16xi32>
            %xor3A_853 = arith.xori %iota3A, %xor3A_852 : vector<16xi32>
            %broadcast_in_dim3A_854 = vector.shape_cast %xor3A_853 : vector<16xi32> to vector<16x1xi32>
            %gather3A_855 = vector.shape_cast %broadcast_in_dim3A_854 : vector<16x1xi32> to vector<16xi32>
            %gather3A_856 = tpu.dynamic_gather %select_n3A_824[%gather3A_855] in [0] : vector<16xf32>, vector<16xi32> -> vector<16xf32>
            %broadcast_in_dim3A_857 = vector.shape_cast %xor3A_853 : vector<16xi32> to vector<16x1xi32>
            %gather3A_858 = vector.shape_cast %broadcast_in_dim3A_857 : vector<16x1xi32> to vector<16xi32>
            %gather3A_859 = tpu.dynamic_gather %select_n3A_825[%gather3A_858] in [0] : vector<16xi32>, vector<16xi32> -> vector<16xi32>
            %lt3A_860 = arith.cmpf olt, %gather3A_856, %select_n3A_824 : vector<16xf32>
            %eq3A_861 = arith.cmpf oeq, %gather3A_856, %select_n3A_824 : vector<16xf32>
            %lt3A_862 = arith.cmpi slt, %gather3A_859, %select_n3A_825 : vector<16xi32>
            %and3A_863 = arith.andi %eq3A_861, %lt3A_862 : vector<16xi1>
            %or3A_864 = arith.ori %lt3A_860, %and3A_863 : vector<16xi1>
            %and3A_865 = arith.constant 1 : i32
            %and3A_866 = vector.broadcast %and3A_865 : i32 to vector<16xi32>
            %and3A_867 = arith.andi %iota3A, %and3A_866 : vector<16xi32>
            %ne3A_868 = arith.constant 0 : i32
            %ne3A_869 = vector.broadcast %ne3A_868 : i32 to vector<16xi32>
            %ne3A_870 = arith.cmpi ne, %and3A_867, %ne3A_869 : vector<16xi32>
            %eq3A_871 = arith.xori %or3A_864, %ne3A_870 : vector<16xi1>
            %eq3A_872 = arith.constant dense<true> : vector<16xi1>
            %eq3A_873 = arith.xori %eq3A_871, %eq3A_872 : vector<16xi1>
            %select_n3A_874 = arith.select %eq3A_873, %select_n3A_824, %gather3A_856 : vector<16xi1>, vector<16xf32>
            %select_n3A_875 = arith.select %eq3A_873, %select_n3A_825, %gather3A_859 : vector<16xi1>, vector<16xi32>
            %xor3A_876 = arith.constant 1 : i32
            %xor3A_877 = vector.broadcast %xor3A_876 : i32 to vector<16xi32>
            %xor3A_878 = arith.xori %iota3A, %xor3A_877 : vector<16xi32>
            %broadcast_in_dim3A_879 = vector.shape_cast %xor3A_878 : vector<16xi32> to vector<16x1xi32>
            %gather3A_880 = vector.shape_cast %broadcast_in_dim3A_879 : vector<16x1xi32> to vector<16xi32>
            %gather3A_881 = tpu.dynamic_gather %select_n3A_849[%gather3A_880] in [0] : vector<16xf32>, vector<16xi32> -> vector<16xf32>
            %broadcast_in_dim3A_882 = vector.shape_cast %xor3A_878 : vector<16xi32> to vector<16x1xi32>
            %gather3A_883 = vector.shape_cast %broadcast_in_dim3A_882 : vector<16x1xi32> to vector<16xi32>
            %gather3A_884 = tpu.dynamic_gather %select_n3A_850[%gather3A_883] in [0] : vector<16xi32>, vector<16xi32> -> vector<16xi32>
            %lt3A_885 = arith.cmpf olt, %gather3A_881, %select_n3A_849 : vector<16xf32>
            %eq3A_886 = arith.cmpf oeq, %gather3A_881, %select_n3A_849 : vector<16xf32>
            %lt3A_887 = arith.cmpi slt, %gather3A_884, %select_n3A_850 : vector<16xi32>
            %and3A_888 = arith.andi %eq3A_886, %lt3A_887 : vector<16xi1>
            %or3A_889 = arith.ori %lt3A_885, %and3A_888 : vector<16xi1>
            %and3A_890 = arith.constant 1 : i32
            %and3A_891 = vector.broadcast %and3A_890 : i32 to vector<16xi32>
            %and3A_892 = arith.andi %iota3A, %and3A_891 : vector<16xi32>
            %ne3A_893 = arith.constant 0 : i32
            %ne3A_894 = vector.broadcast %ne3A_893 : i32 to vector<16xi32>
            %ne3A_895 = arith.cmpi ne, %and3A_892, %ne3A_894 : vector<16xi32>
            %eq3A_896 = arith.xori %or3A_889, %ne3A_895 : vector<16xi1>
            %eq3A_897 = arith.constant dense<true> : vector<16xi1>
            %eq3A_898 = arith.xori %eq3A_896, %eq3A_897 : vector<16xi1>
            %select_n3A_899 = arith.select %eq3A_898, %select_n3A_849, %gather3A_881 : vector<16xi1>, vector<16xf32>
            %select_n3A_900 = arith.select %eq3A_898, %select_n3A_850, %gather3A_884 : vector<16xi1>, vector<16xi32>
            scf.yield %select_n3A_874, %select_n3A_875, %select_n3A_899, %select_n3A_900 : vector<16xf32>, vector<16xi32>, vector<16xf32>, vector<16xi32>
          } else {
            scf.yield %while3A_375, %while3A_376, %while3A_377, %while3A_378 : vector<16xf32>, vector<16xi32>, vector<16xf32>, vector<16xi32>
          }
          scf.yield %cond3A_391#0, %cond3A_391#1, %cond3A_391#2, %cond3A_391#3 : vector<16xf32>, vector<16xi32>, vector<16xf32>, vector<16xi32>
        }
        %mul3A_325 = arith.constant 16 : i32
        %mul3A_326 = arith.muli %scan3A_74, %mul3A_325 : i32
        %mul3A_327 = arith.constant 2 : i32
        %mul3A_328 = arith.muli %mul3A_327, %scan3A_98 : i32
        %add3A_329 = arith.addi %mul3A_326, %mul3A_328 : i32
        %add3A_330 = arith.constant 1 : i32
        %add3A_331 = arith.addi %add3A_329, %add3A_330 : i32
        %gather3A_332 = tpu.vector_load_idx %arg7[%while3A_324#1] : memref<8192xf32, #tpu.memory_space<vmem>>[vector<16xi32>], vector<16xf32>,
        %sub3A_333 = arith.subf %gather3A_332, %broadcast_in_dim3A_139 : vector<16xf32>
        %mul3A_334 = arith.constant 32 : i32
        %mul3A_335 = arith.muli %add3A_331, %mul3A_334 : i32
        %swap3A_336 = arith.index_cast %mul3A_335 : i32 to index
        %swap3A_337 = tpu.vector_load %arg20[%swap3A_336] {strides = array<i32>} : memref<4096xf32, #tpu.memory_space<vmem>>, vector<16xf32>,
        tpu.vector_store %arg20[%swap3A_336], %sub3A_333 {strides = array<i32>} : memref<4096xf32, #tpu.memory_space<vmem>>, vector<16xf32>,
        %gather3A_338 = tpu.vector_load_idx %arg8[%while3A_324#1] : memref<8192xf32, #tpu.memory_space<vmem>>[vector<16xi32>], vector<16xf32>,
        %sub3A_339 = arith.subf %gather3A_338, %broadcast_in_dim3A_147 : vector<16xf32>
        %mul3A_340 = arith.constant 32 : i32
        %mul3A_341 = arith.muli %add3A_331, %mul3A_340 : i32
        %swap3A_342 = arith.index_cast %mul3A_341 : i32 to index
        %swap3A_343 = tpu.vector_load %arg21[%swap3A_342] {strides = array<i32>} : memref<4096xf32, #tpu.memory_space<vmem>>, vector<16xf32>,
        tpu.vector_store %arg21[%swap3A_342], %sub3A_339 {strides = array<i32>} : memref<4096xf32, #tpu.memory_space<vmem>>, vector<16xf32>,
        %gather3A_344 = tpu.vector_load_idx %arg9[%while3A_324#1] : memref<8192xf32, #tpu.memory_space<vmem>>[vector<16xi32>], vector<16xf32>,
        %sub3A_345 = arith.subf %gather3A_344, %broadcast_in_dim3A_155 : vector<16xf32>
        %mul3A_346 = arith.constant 32 : i32
        %mul3A_347 = arith.muli %add3A_331, %mul3A_346 : i32
        %swap3A_348 = arith.index_cast %mul3A_347 : i32 to index
        %swap3A_349 = tpu.vector_load %arg22[%swap3A_348] {strides = array<i32>} : memref<4096xf32, #tpu.memory_space<vmem>>, vector<16xf32>,
        tpu.vector_store %arg22[%swap3A_348], %sub3A_345 {strides = array<i32>} : memref<4096xf32, #tpu.memory_space<vmem>>, vector<16xf32>,
        %gather3A_350 = tpu.vector_load_idx %arg7[%while3A_324#3] : memref<8192xf32, #tpu.memory_space<vmem>>[vector<16xi32>], vector<16xf32>,
        %sub3A_351 = arith.subf %gather3A_350, %broadcast_in_dim3A_139 : vector<16xf32>
        %mul3A_352 = arith.constant 32 : i32
        %mul3A_353 = arith.muli %add3A_331, %mul3A_352 : i32
        %add3A_354 = arith.constant 16 : i32
        %add3A_355 = arith.addi %mul3A_353, %add3A_354 : i32
        %swap3A_356 = arith.index_cast %add3A_355 : i32 to index
        %swap3A_357 = tpu.vector_load %arg20[%swap3A_356] {strides = array<i32>} : memref<4096xf32, #tpu.memory_space<vmem>>, vector<16xf32>,
        tpu.vector_store %arg20[%swap3A_356], %sub3A_351 {strides = array<i32>} : memref<4096xf32, #tpu.memory_space<vmem>>, vector<16xf32>,
        %gather3A_358 = tpu.vector_load_idx %arg8[%while3A_324#3] : memref<8192xf32, #tpu.memory_space<vmem>>[vector<16xi32>], vector<16xf32>,
        %sub3A_359 = arith.subf %gather3A_358, %broadcast_in_dim3A_147 : vector<16xf32>
        %mul3A_360 = arith.constant 32 : i32
        %mul3A_361 = arith.muli %add3A_331, %mul3A_360 : i32
        %add3A_362 = arith.constant 16 : i32
        %add3A_363 = arith.addi %mul3A_361, %add3A_362 : i32
        %swap3A_364 = arith.index_cast %add3A_363 : i32 to index
        %swap3A_365 = tpu.vector_load %arg21[%swap3A_364] {strides = array<i32>} : memref<4096xf32, #tpu.memory_space<vmem>>, vector<16xf32>,
        tpu.vector_store %arg21[%swap3A_364], %sub3A_359 {strides = array<i32>} : memref<4096xf32, #tpu.memory_space<vmem>>, vector<16xf32>,
        %gather3A_366 = tpu.vector_load_idx %arg9[%while3A_324#3] : memref<8192xf32, #tpu.memory_space<vmem>>[vector<16xi32>], vector<16xf32>,
        %sub3A_367 = arith.subf %gather3A_366, %broadcast_in_dim3A_155 : vector<16xf32>
        %mul3A_368 = arith.constant 32 : i32
        %mul3A_369 = arith.muli %add3A_331, %mul3A_368 : i32
        %add3A_370 = arith.constant 16 : i32
        %add3A_371 = arith.addi %mul3A_369, %add3A_370 : i32
        %swap3A_372 = arith.index_cast %add3A_371 : i32 to index
        %swap3A_373 = tpu.vector_load %arg22[%swap3A_372] {strides = array<i32>} : memref<4096xf32, #tpu.memory_space<vmem>>, vector<16xf32>,
        tpu.vector_store %arg22[%swap3A_372], %sub3A_367 {strides = array<i32>} : memref<4096xf32, #tpu.memory_space<vmem>>, vector<16xf32>,
      }
      %scan3A_97 = arith.constant 8 : i32
    }
    %scan3A_53 = arith.constant 8 : i32
    %mul3A_54 = arith.constant 3 : i32
    %mul3A_55 = arith.muli %add3A, %mul3A_54 : i32
    %mul3A_56 = arith.constant 512 : i32
    %mul3A_57 = arith.muli %mul3A_55, %mul3A_56 : i32
    %add3A_58 = arith.addi %mul3A_57, %mul3A_47 : i32
    %mul3A_59 = arith.constant 32 : i32
    %mul3A_60 = arith.muli %add3A_58, %mul3A_59 : i32
    "tpu.region"() ({
      %run_scoped3A = tpu.sem_alloc : memref<!tpu.dma_semaphore, #tpu.memory_space<semaphore_mem>>
      %dma_start3A = tpu.memref_slice %arg5[%mul3A_60] : memref<393216xf32, #tpu.memory_space<hbm>> -> memref<4096xf32, #tpu.memory_space<hbm>>
      %dma_start3A_74 = tpu.memref_slice %arg5[%mul3A_60] : memref<393216xf32, #tpu.memory_space<hbm>> -> memref<4096xf32, #tpu.memory_space<hbm>>
      tpu.enqueue_dma source(%arg20 : memref<4096xf32, #tpu.memory_space<vmem>>) target(%dma_start3A_74 : memref<4096xf32, #tpu.memory_space<hbm>>) target_semaphore(%run_scoped3A : memref<!tpu.dma_semaphore, #tpu.memory_space<semaphore_mem>>)
      %dma_wait3A = tpu.memref_slice %arg5[%mul3A_60] : memref<393216xf32, #tpu.memory_space<hbm>> -> memref<4096xf32, #tpu.memory_space<hbm>>
      %dma_wait3A_75 = tpu.memref_slice %arg5[%mul3A_60] : memref<393216xf32, #tpu.memory_space<hbm>> -> memref<4096xf32, #tpu.memory_space<hbm>>
      tpu.wait_dma2 semaphore(%run_scoped3A : memref<!tpu.dma_semaphore, #tpu.memory_space<semaphore_mem>>) src(%arg20 : memref<4096xf32, #tpu.memory_space<vmem>>) dst(%dma_wait3A_75 : memref<4096xf32, #tpu.memory_space<hbm>>)
      tpu.yield
    }) : () -> ()
    %add3A_61 = arith.constant 16384 : i32
    %add3A_62 = arith.addi %mul3A_60, %add3A_61 : i32
    "tpu.region"() ({
      %run_scoped3A = tpu.sem_alloc : memref<!tpu.dma_semaphore, #tpu.memory_space<semaphore_mem>>
      %dma_start3A = tpu.memref_slice %arg5[%add3A_62] : memref<393216xf32, #tpu.memory_space<hbm>> -> memref<4096xf32, #tpu.memory_space<hbm>>
      %dma_start3A_74 = tpu.memref_slice %arg5[%add3A_62] : memref<393216xf32, #tpu.memory_space<hbm>> -> memref<4096xf32, #tpu.memory_space<hbm>>
      tpu.enqueue_dma source(%arg21 : memref<4096xf32, #tpu.memory_space<vmem>>) target(%dma_start3A_74 : memref<4096xf32, #tpu.memory_space<hbm>>) target_semaphore(%run_scoped3A : memref<!tpu.dma_semaphore, #tpu.memory_space<semaphore_mem>>)
      %dma_wait3A = tpu.memref_slice %arg5[%add3A_62] : memref<393216xf32, #tpu.memory_space<hbm>> -> memref<4096xf32, #tpu.memory_space<hbm>>
      %dma_wait3A_75 = tpu.memref_slice %arg5[%add3A_62] : memref<393216xf32, #tpu.memory_space<hbm>> -> memref<4096xf32, #tpu.memory_space<hbm>>
      tpu.wait_dma2 semaphore(%run_scoped3A : memref<!tpu.dma_semaphore, #tpu.memory_space<semaphore_mem>>) src(%arg21 : memref<4096xf32, #tpu.memory_space<vmem>>) dst(%dma_wait3A_75 : memref<4096xf32, #tpu.memory_space<hbm>>)
      tpu.yield
    }) : () -> ()
    %add3A_63 = arith.constant 32768 : i32
    %add3A_64 = arith.addi %mul3A_60, %add3A_63 : i32
    "tpu.region"() ({
      %run_scoped3A = tpu.sem_alloc : memref<!tpu.dma_semaphore, #tpu.memory_space<semaphore_mem>>
      %dma_start3A = tpu.memref_slice %arg5[%add3A_64] : memref<393216xf32, #tpu.memory_space<hbm>> -> memref<4096xf32, #tpu.memory_space<hbm>>
      %dma_start3A_74 = tpu.memref_slice %arg5[%add3A_64] : memref<393216xf32, #tpu.memory_space<hbm>> -> memref<4096xf32, #tpu.memory_space<hbm>>
      tpu.enqueue_dma source(%arg22 : memref<4096xf32, #tpu.memory_space<vmem>>) target(%dma_start3A_74 : memref<4096xf32, #tpu.memory_space<hbm>>) target_semaphore(%run_scoped3A : memref<!tpu.dma_semaphore, #tpu.memory_space<semaphore_mem>>)
      %dma_wait3A = tpu.memref_slice %arg5[%add3A_64] : memref<393216xf32, #tpu.memory_space<hbm>> -> memref<4096xf32, #tpu.memory_space<hbm>>
      %dma_wait3A_75 = tpu.memref_slice %arg5[%add3A_64] : memref<393216xf32, #tpu.memory_space<hbm>> -> memref<4096xf32, #tpu.memory_space<hbm>>
      tpu.wait_dma2 semaphore(%run_scoped3A : memref<!tpu.dma_semaphore, #tpu.memory_space<semaphore_mem>>) src(%arg22 : memref<4096xf32, #tpu.memory_space<vmem>>) dst(%dma_wait3A_75 : memref<4096xf32, #tpu.memory_space<hbm>>)
      tpu.yield
    }) : () -> ()
    %mul3A_65 = arith.constant 3 : i32
    %mul3A_66 = arith.muli %add3A, %mul3A_65 : i32
    %mul3A_67 = arith.constant 512 : i32
    %mul3A_68 = arith.muli %mul3A_66, %mul3A_67 : i32
    %add3A_69 = arith.addi %mul3A_68, %mul3A_47 : i32
    "tpu.region"() ({
      %run_scoped3A = tpu.sem_alloc : memref<!tpu.dma_semaphore, #tpu.memory_space<semaphore_mem>>
      %dma_start3A = tpu.memref_slice %arg6[%add3A_69] : memref<12288xf32, #tpu.memory_space<hbm>> -> memref<128xf32, #tpu.memory_space<hbm>>
      %dma_start3A_74 = tpu.memref_slice %arg6[%add3A_69] : memref<12288xf32, #tpu.memory_space<hbm>> -> memref<128xf32, #tpu.memory_space<hbm>>
      tpu.enqueue_dma source(%arg23 : memref<128xf32, #tpu.memory_space<vmem>>) target(%dma_start3A_74 : memref<128xf32, #tpu.memory_space<hbm>>) target_semaphore(%run_scoped3A : memref<!tpu.dma_semaphore, #tpu.memory_space<semaphore_mem>>)
      %dma_wait3A = tpu.memref_slice %arg6[%add3A_69] : memref<12288xf32, #tpu.memory_space<hbm>> -> memref<128xf32, #tpu.memory_space<hbm>>
      %dma_wait3A_75 = tpu.memref_slice %arg6[%add3A_69] : memref<12288xf32, #tpu.memory_space<hbm>> -> memref<128xf32, #tpu.memory_space<hbm>>
      tpu.wait_dma2 semaphore(%run_scoped3A : memref<!tpu.dma_semaphore, #tpu.memory_space<semaphore_mem>>) src(%arg23 : memref<128xf32, #tpu.memory_space<vmem>>) dst(%dma_wait3A_75 : memref<128xf32, #tpu.memory_space<hbm>>)
      tpu.yield
    }) : () -> ()
    %add3A_70 = arith.constant 512 : i32
    %add3A_71 = arith.addi %add3A_69, %add3A_70 : i32
    "tpu.region"() ({
      %run_scoped3A = tpu.sem_alloc : memref<!tpu.dma_semaphore, #tpu.memory_space<semaphore_mem>>
      %dma_start3A = tpu.memref_slice %arg6[%add3A_71] : memref<12288xf32, #tpu.memory_space<hbm>> -> memref<128xf32, #tpu.memory_space<hbm>>
      %dma_start3A_74 = tpu.memref_slice %arg6[%add3A_71] : memref<12288xf32, #tpu.memory_space<hbm>> -> memref<128xf32, #tpu.memory_space<hbm>>
      tpu.enqueue_dma source(%arg24 : memref<128xf32, #tpu.memory_space<vmem>>) target(%dma_start3A_74 : memref<128xf32, #tpu.memory_space<hbm>>) target_semaphore(%run_scoped3A : memref<!tpu.dma_semaphore, #tpu.memory_space<semaphore_mem>>)
      %dma_wait3A = tpu.memref_slice %arg6[%add3A_71] : memref<12288xf32, #tpu.memory_space<hbm>> -> memref<128xf32, #tpu.memory_space<hbm>>
      %dma_wait3A_75 = tpu.memref_slice %arg6[%add3A_71] : memref<12288xf32, #tpu.memory_space<hbm>> -> memref<128xf32, #tpu.memory_space<hbm>>
      tpu.wait_dma2 semaphore(%run_scoped3A : memref<!tpu.dma_semaphore, #tpu.memory_space<semaphore_mem>>) src(%arg24 : memref<128xf32, #tpu.memory_space<vmem>>) dst(%dma_wait3A_75 : memref<128xf32, #tpu.memory_space<hbm>>)
      tpu.yield
    }) : () -> ()
    %add3A_72 = arith.constant 1024 : i32
    %add3A_73 = arith.addi %add3A_69, %add3A_72 : i32
    "tpu.region"() ({
      %run_scoped3A = tpu.sem_alloc : memref<!tpu.dma_semaphore, #tpu.memory_space<semaphore_mem>>
      %dma_start3A = tpu.memref_slice %arg6[%add3A_73] : memref<12288xf32, #tpu.memory_space<hbm>> -> memref<128xf32, #tpu.memory_space<hbm>>
      %dma_start3A_74 = tpu.memref_slice %arg6[%add3A_73] : memref<12288xf32, #tpu.memory_space<hbm>> -> memref<128xf32, #tpu.memory_space<hbm>>
      tpu.enqueue_dma source(%arg25 : memref<128xf32, #tpu.memory_space<vmem>>) target(%dma_start3A_74 : memref<128xf32, #tpu.memory_space<hbm>>) target_semaphore(%run_scoped3A : memref<!tpu.dma_semaphore, #tpu.memory_space<semaphore_mem>>)
      %dma_wait3A = tpu.memref_slice %arg6[%add3A_73] : memref<12288xf32, #tpu.memory_space<hbm>> -> memref<128xf32, #tpu.memory_space<hbm>>
      %dma_wait3A_75 = tpu.memref_slice %arg6[%add3A_73] : memref<12288xf32, #tpu.memory_space<hbm>> -> memref<128xf32, #tpu.memory_space<hbm>>
      tpu.wait_dma2 semaphore(%run_scoped3A : memref<!tpu.dma_semaphore, #tpu.memory_space<semaphore_mem>>) src(%arg25 : memref<128xf32, #tpu.memory_space<vmem>>) dst(%dma_wait3A_75 : memref<128xf32, #tpu.memory_space<hbm>>)
      tpu.yield
    }) : () -> ()
    return
  }
}

</mosaic_0001>

<sc_bundles>
// kernel: _group_sc.3.cloned.1.call-start
scs
__scs_entry_jumppad:
0x0: {  	(pc) =	sbr.rel $0x88, $3  }
0x1: {  	(tag) =	ssettag $0x0;
	lr =	simm.s32 $0x1  }
0x2: {  	[smem:$0x3F9E] =	sst lr;
	_ =	strace $0xD0000000  }
0x3: {  	_ = 	snop  }
0x4: {  	_ = 	snop  }
0x5: {  	_ = 	snop  }
0x6: {  	_ = 	snop  }
0x7: {  	_ = 	snop  }
__scs_overlays_trampoline_lowered:
0x8: {  	[smem:$0x3FAD] =	sst s0  }
0x9: {  	[smem:$0x3FAE] =	sst s1  }
0xa: {  	[smem:$0x3FAF] =	sst s2  }
0xb: {  	[smem:$0x3FB0] =	sst s3  }
0xc: {  	[smem:$0x3FB1] =	sst s4  }
0xd: {  	[smem:$0x3FB2] =	sst s5  }
0xe: {  	[smem:$0x3FB3] =	sst s6  }
0xf: {  	[smem:$0x3FB4] =	sst s7  }
0x10: {  	[smem:$0x3FB5] =	sst s8  }
0x11: {  	[smem:$0x3FB6] =	sst s9;
	s0 =	simm.s32 @!p0 $0x0  }
0x12: {  	s1 =	sld [smem:$0x3F9C];
	s0 =	simm.s32 @p0 $0x1  }
0x13: {  	[smem:$0x3FB7] =	sst s0;
	s0 =	simm.s32 @!p1 $0x0  }
0x14: {  	s2 =	sld [smem:$0x3F9B];
	s0 =	simm.s32 @p1 $0x1  }
0x15: {  	[smem:$0x3FB8] =	sst s0;
	s0 =	simm.s32 @!p2 $0x0  }
0x16: {  	s3 =	sld [smem:$0x3FDB];
	s0 =	simm.s32 @p2 $0x1  }
0x17: {  	s4 =	simm.s32 $0x1BF5;
	[smem:$0x3FBA] =	sst s0  }
0x18: {  	s0 =	sld [smem:$0x3F9D];
	_ =	swait.ge [sflag:s4], $0x0  }
0x19: {  	s7 =	sld [smem:$0x3F9E]  }
0x1a: {  	s8 =	sadd.s32 $0xFFFFE003, lr  }
0x1b: {  	s9 =	sadd.s32 $0xFFFFFEF7, lr;
	s5 =	simm.s32 $0xFFFFFFFF;
	p2 =	slt.u32 s8, $0xFFFFF086  }
0x1c: {  	p1 =	slt.u32 s9, $0xF7A;
	s5 =	simm.s32 @!p2 $0x0  }
0x1d: {  	s5 =	simm.s32 @p1 $0x1;
	p0 =	seq.s32 s7, s2  }
0x1e: {  	s7 =	smul.u32 @!p0 $0xF7A, s2;
	p2 =	seq.s32 @!p0 s5, $0x0  }
0x1f: {  	s9 =	smul.u32 $0xF7A, s1;
	s8 =	simm.s32 @!p0 $0x1BF5;
	p2 =	por !p2, p0  }
0x20: {  	[sflag:s8] =	ssyncset.s32 @!p0 $0xFFFFF086;
	s6 =	sadd.s32 @!p0 s3, s7;
	s7 =	simm.s32 @!p0 $0x108  }
0x21: {  	s3 =	sadd.s32 s3, s9;
	s6 =	sadd.s32 @!p0 $0x88, s6;
	s7 =	simm.s32 @p2 $0x1082  }
0x22: {  	[simem:s7], [sflag:s8] =	dma.local @!p0 [hbm:s6], $0xF7A  }
0x23: {  	s9 =	sor.u32 $0xD0000000, s2;
	s6 =	simm.s32 $0x108;
	_ =	swait.ge @!p0 [sflag:s8], $0x0  }
0x24: {  	s3 =	sadd.s32 $0x88, s3;
	s6 =	simm.s32 @!p1 $0x1082;
	[sflag:s4] =	ssyncset.s32 $0xFFFFF086  }
0x25: {  	[simem:s6], [sflag:s4] =	dma.local [hbm:s3], $0xF7A  }
0x26: {  	[smem:$0x3F9E] =	sst s1;
	(tag) =	ssettag s2;
	_ =	strace s9  }
0x27: {  	s1 =	sld [smem:$0x3FAE]  }
0x28: {  	s2 =	sld [smem:$0x3FAF]  }
0x29: {  	s4 =	sld [smem:$0x3FB1]  }
0x2a: {  	p0 =	seq.s32 s5, $0x0;
	s5 =	sld [smem:$0x3FB2]  }
0x2b: {  	s6 =	sld [smem:$0x3FB3]  }
0x2c: {  	s7 =	sld [smem:$0x3FB4]  }
0x2d: {  	s3 =	simm.s32 $0x108;
	s8 =	sld [smem:$0x3FB5]  }
0x2e: {  	s3 =	simm.s32 @!p0 $0x1082;
	s9 =	sld [smem:$0x3FB6]  }
0x2f: {  	lr =	sadd.s32 s0, s3;
	s0 =	sld [smem:$0x3FAD]  }
0x30: {  	s3 =	sld [smem:$0x3FB0]  }
0x31: {  	[smem:$0x3FB9] =	sst s10  }
0x32: {  	s10 =	sld [smem:$0x3FB7];
	_ =	sdelay $0x3  }
0x33: {  	p0 =	seq.s32 s10, $0x1;
	s10 =	sld [smem:$0x3FB9];
	_ =	sdelay $0x3  }
0x34: {  	[smem:$0x3FB9] =	sst s10  }
0x35: {  	s10 =	sld [smem:$0x3FB8];
	_ =	sdelay $0x3  }
0x36: {  	p1 =	seq.s32 s10, $0x1;
	s10 =	sld [smem:$0x3FB9];
	_ =	sdelay $0x3  }
0x37: {  	[smem:$0x3FB9] =	sst s10  }
0x38: {  	s10 =	sld [smem:$0x3FBA]  }
0x39: {  	_ = 	snop;
	(pc) =	sbr.ind lr, $3  }
0x3a: {  	_ = 	snop  }
0x3b: {  	_ = 	snop  }
0x3c: {  	p2 =	seq.s32 s10, $0x1;
	s10 =	sld [smem:$0x3FB9]  }
0x3d: {  	_ =	shalt  }
0x3e: {  	_ =	shalt  }
0x3f: {  	_ =	shalt  }
0x40: {  	_ =	shalt  }
0x41: {  	_ =	shalt  }
0x42: {  	_ =	shalt  }
0x43: {  	_ =	shalt  }
0x44: {  	_ =	shalt  }
0x45: {  	_ =	shalt  }
0x46: {  	_ =	shalt  }
0x47: {  	_ =	shalt  }
0x48: {  	_ =	shalt  }
0x49: {  	_ =	shalt  }
0x4a: {  	_ =	shalt  }
0x4b: {  	_ =	shalt  }
0x4c: {  	_ =	shalt  }
0x4d: {  	_ =	shalt  }
0x4e: {  	_ =	shalt  }
0x4f: {  	_ =	shalt  }
0x50: {  	_ =	shalt  }
0x51: {  	_ =	shalt  }
0x52: {  	_ =	shalt  }
0x53: {  	_ =	shalt  }
0x54: {  	_ =	shalt  }
0x55: {  	_ =	shalt  }
0x56: {  	_ =	shalt  }
0x57: {  	_ =	shalt  }
0x58: {  	_ =	shalt  }
0x59: {  	_ =	shalt  }
0x5a: {  	_ =	shalt  }
0x5b: {  	_ =	shalt  }
0x5c: {  	_ =	shalt  }
0x5d: {  	_ =	shalt  }
0x5e: {  	_ =	shalt  }
0x5f: {  	_ =	shalt  }
0x60: {  	_ =	shalt  }
0x61: {  	_ =	shalt  }
0x62: {  	_ =	shalt  }
0x63: {  	_ =	shalt  }
0x64: {  	_ =	shalt  }
0x65: {  	_ =	shalt  }
0x66: {  	_ =	shalt  }
0x67: {  	_ =	shalt  }
0x68: {  	_ =	shalt  }
0x69: {  	_ =	shalt  }
0x6a: {  	_ =	shalt  }
0x6b: {  	_ =	shalt  }
0x6c: {  	_ =	shalt  }
0x6d: {  	_ =	shalt  }
0x6e: {  	_ =	shalt  }
0x6f: {  	_ =	shalt  }
0x70: {  	_ =	shalt  }
0x71: {  	_ =	shalt  }
0x72: {  	_ =	shalt  }
0x73: {  	_ =	shalt  }
0x74: {  	_ =	shalt  }
0x75: {  	_ =	shalt  }
0x76: {  	_ =	shalt  }
0x77: {  	_ =	shalt  }
0x78: {  	_ =	shalt  }
0x79: {  	_ =	shalt  }
0x7a: {  	_ =	shalt  }
0x7b: {  	_ =	shalt  }
0x7c: {  	_ =	shalt  }
0x7d: {  	_ =	shalt  }
0x7e: {  	_ =	shalt  }
0x7f: {  	_ =	shalt  }
0x80: {  	_ =	shalt  }
0x81: {  	_ =	shalt  }
0x82: {  	_ =	shalt  }
0x83: {  	_ =	shalt  }
0x84: {  	_ =	shalt  }
0x85: {  	_ =	shalt  }
0x86: {  	_ =	shalt  }
0x87: {  	_ =	shalt  }
.Lfunc_end0:
.L_simem_size_0:
called_computation_lowered:
.L_overlay_start_0:
0x88: {  	s2 =	sld [smem:$0x3FD9]  }
0x89: {  	s3 =	sld [smem:$0x3FFE];
	_ =	sdelay $0x1  }
0x8a: {  	s1 =	srdreg.scid  }
0x8b: {  	s0 =	sand.u32 $0x1, s1  }
0x8c: {  	s15 =	sshll.u32 s0, $0xA;
	s2 =	sadd.s32 s3, s2  }
0x8d: {  	s2 =	sadd.s32 s2, s15  }
0x8e: {  	[smem:$0x3FC5] =	sst s2  }
0x8f: {  	_ = 	snop  }
0x90: {  	s2 =	sld [smem:$0x3FD0]  }
0x91: {  	s16 =	sld [smem:$0x3FC9]  }
0x92: {  	s4 =	sld [smem:$0x3FC8]  }
0x93: {  	s6 =	simm.s32 $0xA;
	s7 =	simm.s32 $0x10;
	s5 =	sld [smem:$0x3FC7]  }
0x94: {  	[smem:s7], [sflag:s6] =	dma.local [hbm:s2], $0x1  }
0x95: {  	_ =	swait.eq [sflag:s6], $0x1  }
0x96: {  	[sflag:s6] =	ssyncset.done $0x0  }
0x97: {  	s17 =	sld [smem:$0x10];
	[sflag:s6] =	ssyncadd.s32 $0xFFFFFFFF  }
0x98: {  	s18 =	sld [smem:$0x11];
	(tm) =	ssettm $0x1  }
0x99: {  	s19 =	sld [smem:$0x3FFB];
	_ =	sdelay $0x3  }
0x9a: {  	_ =	strace s19  }
0x9b: {  	s7 =	sld [smem:$0x3FFC];
	_ =	sdelay $0x3  }
0x9c: {  	_ =	strace s7  }
0x9d: {  	s7 =	sld [smem:$0x3FFD];
	_ =	sdelay $0x3  }
0x9e: {  	_ =	strace s7  }
0x9f: {  	_ =	strace $0x8FFFFFFF  }
0xa0: {  	s20 =	sld [smem:$0x3FDB];
	_ =	sdelay $0x1  }
0xa1: {  	s8 =	simm.s32 $_scs_section_size  }
0xa2: {  	s9 =	simm.s32 $_size__tile_overlayer_lowered;
	s10 =	simm.s32 $_tile_overlayer_lowered  }
0xa3: {  	s23 =	simm.s32 $0x1BFF;
	s22 =	sshll.u32 s10, $0x1;
	s7 =	sadd.s32 s8, s20  }
0xa4: {  	s11 =	simm.s32 $0x0;
	s21 =	sshll.u32 s9, $0x1;
	s9 =	sadd.s32 s22, s7  }
0xa5: {  	[timem:s11], [sflag:s23] =	dma.local [hbm:s9], s21  }
0xa6: {  	_ =	swait.ge [sflag:s23], s21  }
0xa7: {  	s8 =	ssub.s32 $0x0, s21;
	[sflag:s23] =	ssyncset.done $0x0  }
0xa8: {  	[sflag:s23] =	ssyncadd.s32 s8;
	_ =	sdelay $0x1  }
0xa9: {  	s24 =	simm.s32 $0x1B8B  }
0xaa: {  	_ =	swait.ge [sflag:s24], $0x1  }
0xab: {  	[sflag:s24] =	ssyncset.done $0x0  }
0xac: {  	s25 =	simm.s32 $0x1B8E;
	[sflag:s24] =	ssyncadd.s32 $0xFFFFFFFF  }
0xad: {  	s26 =	simm.s32 $execute0_lowered;
	[smem:$0x3FD2] =	sst s25  }
0xae: {  	s8 =	sshll.u32 s26, $0x1;
	_ =	strace $0x80000046;
	[dreg:$0x1] =	wrdreg $0xFFFFFFFF  }
0xaf: {  	s28 =	simm.s32 $_size_execute0_lowered;
	s7 =	sadd.s32 s7, s8;
	[dreg:$0x0] =	wrdreg $0x0  }
0xb0: {  	s8 =	sshll.u32 s28, $0x1;
	[dreg:$0x2] =	wrdreg s7  }
0xb1: {  	[dreg:$0x3] =	wrdreg s8  }
0xb2: {  	[dreg:$0x4] =	wrdreg $0xC0  }
0xb3: {  	_ =	task [dreg:s11], $0x5FFFF  }
0xb4: {  	[dreg:$0x1] =	wrdreg $0xFFFFFFFF  }
0xb5: {  	[dreg:$0x0] =	wrdreg $0x60  }
0xb6: {  	[dreg:$0x2] =	wrdreg s16  }
0xb7: {  	[dreg:$0x3] =	wrdreg s4  }
0xb8: {  	[dreg:$0x4] =	wrdreg s5  }
0xb9: {  	[dreg:$0x5] =	wrdreg s17  }
0xba: {  	[dreg:$0x6] =	wrdreg s18  }
0xbb: {  	[dreg:$0x7] =	wrdreg $0xE4800  }
0xbc: {  	[dreg:$0x8] =	wrdreg $0x9  }
0xbd: {  	_ =	task.clear_ibuf [dreg:s11], $0x9FFFF;
	_ =	strace $0x90000046  }
0xbe: {  	s29 =	simm.s32 $0x9;
	_ =	strace $0x80000048  }
0xbf: {  	_ =	swait.ge [sflag:s29], $0x1  }
0xc0: {  	[sflag:s29] =	ssyncadd.s32 $0xFFFFFFFF  }
0xc1: {  	_ =	strace $0x90000048  }
0xc2: {  	_ =	sfence  }
0xc3: {  	s30 =	sld [smem:$0x0];
	_ =	sdelay $0x2  }
0xc4: {  	s31 =	sshll.u32 s1, $0xD;
	s1 =	sshrl.u32 s1, $0x2  }
0xc5: {  	s3 =	sand.u32 $0x4000, s31;
	s1 =	sadd.s32 s1, s30  }
0xc6: {  	s0 =	sor.u32 s3, s0;
	s1 =	sshll.u32 s1, $0x11  }
0xc7: {  	s0 =	sor.u32 s1, s0  }
0xc8: {  	s0 =	sadd.s32 $0x8F2B, s0  }
0xc9: {  	[sflag:s0] =	ssyncadd.remote.s32 $0x1  }
0xca: {  	_ =	sfence.sel $0xFFFF  }
0xcb: {  	[dreg:$0x0] =	wrdreg $0xFFFFFFFF;
	(pc) =	sbr.abs _section_cstart, $3  }
0xcc: {  	[dreg:$0x1] =	wrdreg $0xFFFFFFFF  }
0xcd: {  	_ =	task.clear_ibuf [dreg:s11], $0x2FFFF;
	_ =	strace $0x9FFFFFFF  }
0xce: {  	(tm) =	ssettm $0x7FFFFFFF  }
0xcf: {  	_ =	shalt  }
tec
execute0_lowered:
.L_overlay_start_1:
0x0: {  	(tag) =	ssettag $0x1  }
0x1: {  	v0 =	vimm.s32 $0xEFCDAB89;
	v1 =	vimm.s32 $0x67452301;
	vm0 =	vmmov $0x1  }
0x2: {  	v4 =	vimm.s32 $0x0;
	v5 =	vimm.s32 $0x54761032;
	vm1 =	vcmask $0x33C  }
0x3: {  	s1 =	rddreg [dreg:$0x0];
	v6 =	vimm.s32 $0x32107654;
	v7 =	vimm.s32 $0xFEDCBA98;
	vm6 =	vcmask $0xB08  }
0x4: {  	s3 =	rddreg [dreg:$0x1];
	vm7 =	vcmask $0x2B28;
	vm8 =	vcmask $0x1710;
	vm9 =	vcmask $0x1310  }
0x5: {  	s4 =	rddreg [dreg:$0x2];
	vm10 =	vcmask $0x1B18;
	vm2 =	vcmask $0xF00;
	vm4 =	vcmask $0x700  }
0x6: {  	s5 =	rddreg [dreg:$0x3];
	vm15 =	vcmask $0x3734;
	v2 =	vunpack.c.l.s4.s8 v0;
	v3 =	vunpack.c.l.s4.s8 v1  }
0x7: {  	s0 =	rddreg [dreg:$0x4];
	s2 =	simm.s32 $0x0;
	v0 =	vimm.f32 $1.000000000e+10;
	v1 =	vlaneseq.u32;
	v4 =	vsel vm0, $0xFFFFFFFF, v4  }
0x8: {  	s6 =	srdreg.scid;
	s12 =	stileid.u32;
	s13 =	simm.s32 $0x1;
	vm0 =	vcmask $0x130C;
	v5 =	vunpack.c.l.s4.s8 v5;
	v6 =	vunpack.c.l.s4.s8 v6  }
0x9: {  	[smem:$0x7FF] =	sst s2;
	s6 =	sand.u32 $0x1, s6;
	s8 =	sshrl.u32 s12, $0x2;
	[tilespmem:$0x1FFF0] =	vst v4;
	v4 =	vimm.s32 $0xDCFE98BA;
	vm0 =	vmor vm1, vm0;
	vm1 =	vcmask $0x231C  }
0xa: {  	s14 =	sand.u32 $0x3, s12;
	s18 =	sshll.u32 s12, $0x6;
	s7 =	ssub.s32 $0x2, s6;
	v2 =	vunpack.c.0.s8.s32 v2;
	v3 =	vunpack.c.0.s8.s32 v3;
	v4 =	vunpack.c.l.s4.s8 v4  }
0xb: {  	s6 =	sshll.u32 s6, $0x2;
	s11 =	sshll.u32 s14, $0xB;
	s20 =	sshll.u32 s8, $0x8;
	vm0 =	vmor vm0, vm1;
	vm1 =	vcmask $0x332C;
	v6 =	vunpack.c.0.s8.s32 v6  }
0xc: {  	s30 =	sshrl.u32 s18, $0x2;
	_ =	strace $0x80000047;
	s9 =	sshrl.u32 s7, $0x1;
	vm3 =	vmor vm0, vm1;
	vm0 =	vcmask $0x2718;
	vm1 =	vcmask $0x738  }
0xd: {  	s6 =	sor.u32 s8, s6;
	s28 =	sor.u32 $0x2040, s11;
	[dreg:$0x13] =	wrdreg s30;
	v3 =	vcombine.low v3, v2;
	v2 =	vunpack.c.0.s8.s32 v4;
	v4 =	vunpack.c.0.s8.s32 v5  }
0xe: {  	s29 =	sor.u32 $0x4040, s11;
	s31 =	sshrl.u32 s20, $0x2;
	[dreg:$0x11] =	wrdreg s28;
	v5 =	vimm.s32 $0xBA98FEDC;
	vm5 =	vmor vm1, vm0;
	vm1 =	vcmask $0x300  }
0xf: {  	s10 =	smul.u32 $0x600, s6;
	s6 =	sshll.u32 s6, $0x4;
	[dreg:$0x12] =	wrdreg s29;
	vm0 =	vcmask $0x2F20;
	v5 =	vunpack.c.l.s4.s8 v5;
	vm1 =	vmor vm1, vm6  }
0x10: {  	s7 =	ssub.s32 s7, s9;
	[dreg:$0x14] =	wrdreg s31;
	s1 =	sadd.s32 s1, s6;
	vm11 =	vmor vm2, vm0;
	vm0 =	vmor vm4, vm8;
	vm2 =	vcmask $0x2720  }
0x11: {  	s9 =	sshll.u32 s14, $0x7;
	s15 =	sadd.s32 s3, s6;
	[dreg:$0x7] =	wrdreg s1;
	vm4 =	vcmask $0x2320;
	v4 =	vcombine.low v4, v2;
	v2 =	vimm.f32 $+Inf  }
0x12: {  	s17 =	sadd.s32 s4, s6;
	[dreg:$0x8] =	wrdreg s15;
	s16 =	sor.u32 s9, s10;
	v3 =	vand.u32 $0xF, v3;
	vm1 =	vmor vm1, vm9;
	vm0 =	vmor vm0, vm2  }
0x13: {  	s26 =	smax.u32 s7, $0x1;
	[dreg:$0x9] =	wrdreg s17;
	s19 =	sshll.u32 s16, $0x2;
	v5 =	vunpack.c.0.s8.s32 v5;
	vm1 =	vmor vm1, vm10;
	v4 =	vand.u32 $0xF, v4  }
0x14: {  	[dreg:$0x10] =	wrdreg s26;
	s1 =	sshrl.u32 s16, $0x3;
	s5 =	sadd.s32 s5, s19;
	vm2 =	vmor vm1, vm4;
	vm1 =	vmmov vm7;
	vm4 =	vcmask $0x3730  }
0x15: {  	s21 =	simm.s32 $0x2000;
	s0 =	sadd.s32 s0, s1;
	[dreg:$0xa] =	wrdreg s5;
	v8 =	vcombine.low v6, v5;
	v5 =	vimm.s32 $0x76543210;
	v6 =	vunpack.c.l.s4.s8 v7  }
.Ltmp0:
0x16: {  	s23 =	sadd.s32 $0x800, s5;
	[dreg:$0xc] =	wrdreg s0;
	vm6 =	vmor vm2, vm7;
	vm2 =	vcmask $0x3330;
	v5 =	vunpack.c.l.s4.s8 v5;
	(pc) =	sbr.rel .LBB2_1-.Ltmp0, $4  }
0x17: {  	s22 =	sor.u32 $0x6800, s9;
	s24 =	sadd.s32 $0x1000, s5;
	[dreg:$0xb] =	wrdreg s23;
	vm12 =	vmor vm0, vm4;
	vm4 =	vcmask $0x2F2C;
	v6 =	vunpack.c.0.s8.s32 v6  }
0x18: {  	s7 =	sor.u32 $0x40, s11;
	s25 =	sadd.s32 $0x40, s0;
	[dreg:$0xd] =	wrdreg s24;
	vm6 =	vmor vm6, vm2;
	vm2 =	vcmask $0x3B38;
	v5 =	vunpack.c.0.s8.s32 v5  }
0x19: {  	s3 =	simm.s32 $0x0;
	s0 =	sadd.s32 $0x80, s0;
	[dreg:$0xe] =	wrdreg s25;
	vm14 =	vmor vm6, vm2;
	v7 =	vand.u32 $0xF, v8;
	v6 =	vand.u32 $0xF, v6  }
0x1a: {  	s1 =	sor.u32 $0x70, s11;
	[dreg:$0xf] =	wrdreg s0;
	vm2 =	vcmask $0x2724;
	v5 =	vcombine.low v6, v5;
	v6 =	vmov s22;
	s22 =	simm.s32 $0x4000  }
.LBB2_38:
0x1b: {  	s0 =	rddreg [dreg:$0xa];
	s3 =	simm.s32 $0xB300  }
0x1c: {  	[hbm4b:s0+s2] =	stream.linear.scatter [tilespmem:s3], [sflag:$0x1], $0x1000, $0x38;
	[tilespmem:$0xE4A0] =	vst v63  }
0x1d: {  	_ =	swait.ge [sflag:s13], $0x1000  }
0x1e: {  	[sflag:s13] =	ssyncset.done $0x0  }
0x1f: {  	s18 =	simm.s32 $0xC300;
	s17 =	rddreg [dreg:$0xb];
	[sflag:s13] =	ssyncadd.s32 $0xFFFFF000  }
0x20: {  	[hbm4b:s17+s2] =	stream.linear.scatter [tilespmem:s18], [sflag:$0x1], $0x1000, $0x38;
	[tilespmem:$0xE4A0] =	vst v63  }
0x21: {  	_ =	swait.ge [sflag:s13], $0x1000  }
0x22: {  	[sflag:s13] =	ssyncset.done $0x0  }
0x23: {  	s20 =	simm.s32 $0xD300;
	s19 =	rddreg [dreg:$0xd];
	[sflag:s13] =	ssyncadd.s32 $0xFFFFF000  }
0x24: {  	[hbm4b:s19+s2] =	stream.linear.scatter [tilespmem:s20], [sflag:$0x1], $0x1000, $0x38;
	[tilespmem:$0xE4A0] =	vst v63  }
0x25: {  	_ =	swait.ge [sflag:s13], $0x1000  }
0x26: {  	[sflag:s13] =	ssyncset.done $0x0  }
0x27: {  	s24 =	simm.s32 $0xE300;
	s23 =	rddreg [dreg:$0xc];
	[sflag:s13] =	ssyncadd.s32 $0xFFFFF000  }
0x28: {  	[hbm4b:s23+s2] =	stream.linear.scatter [tilespmem:s24], [sflag:$0x1], $0x80, $0x38;
	[tilespmem:$0xE4A0] =	vst v63  }
0x29: {  	_ =	swait.ge [sflag:s13], $0x80  }
0x2a: {  	[sflag:s13] =	ssyncset.done $0x0  }
0x2b: {  	s26 =	simm.s32 $0xE380;
	s25 =	rddreg [dreg:$0xe];
	[sflag:s13] =	ssyncadd.s32 $0xFFFFFF80  }
0x2c: {  	[hbm4b:s25+s2] =	stream.linear.scatter [tilespmem:s26], [sflag:$0x1], $0x80, $0x38;
	[tilespmem:$0xE4A0] =	vst v63  }
0x2d: {  	_ =	swait.ge [sflag:s13], $0x80  }
0x2e: {  	[sflag:s13] =	ssyncset.done $0x0  }
0x2f: {  	s29 =	simm.s32 $0xE400;
	s28 =	rddreg [dreg:$0xf];
	[sflag:s13] =	ssyncadd.s32 $0xFFFFFF80  }
0x30: {  	[hbm4b:s28+s2] =	stream.linear.scatter [tilespmem:s29], [sflag:$0x1], $0x80, $0x38;
	[tilespmem:$0xE4A0] =	vst v63  }
0x31: {  	_ =	swait.ge [sflag:s13], $0x80  }
0x32: {  	s30 =	rddreg [dreg:$0x15]  }
0x33: {  	s31 =	rddreg [dreg:$0x10];
	s3 =	sadd.s32 $0x1, s30  }
0x34: {  	p0 =	sne.s32 s3, s31  }
.Ltmp1:
0x35: {  	_ = 	snop;
	(pc) =	sbr.rel @!p0 .LBB2_39-.Ltmp1, $3  }
0x36: {  	_ =	sdelay $0x1  }
0x37: {  	[sflag:s13] =	ssyncset.done $0x0  }
0x38: {  	[sflag:s13] =	ssyncadd.s32 $0xFFFFFF80  }
.LBB2_1:
0x39: {  	[dreg:$0x15] =	wrdreg s3  }
0x3a: {  	s0 =	rddreg [dreg:$0x7];
	s29 =	simm.s32 $0x80;
	s4 =	simm.s32 $0x400  }
0x3b: {  	[tilespmem:s2], [sflag:$0x1] =	stream.strided.gather [hbm4b:s0+s29], $0x2000, s4, s29, $0x38;
	[tilespmem:$0xE4A0] =	vst v63  }
0x3c: {  	_ =	swait.ge [sflag:s13], $0x2000  }
0x3d: {  	[sflag:s13] =	ssyncset.done $0x0  }
0x3e: {  	s30 =	rddreg [dreg:$0x8];
	[sflag:s13] =	ssyncadd.s32 $0xFFFFE000  }
0x3f: {  	[tilespmem:s21], [sflag:$0x1] =	stream.strided.gather [hbm4b:s30+s29], $0x2000, s4, s29, $0x38;
	[tilespmem:$0xE4A0] =	vst v63  }
0x40: {  	_ =	swait.ge [sflag:s13], $0x2000  }
0x41: {  	[sflag:s13] =	ssyncset.done $0x0  }
0x42: {  	s31 =	rddreg [dreg:$0x9];
	[sflag:s13] =	ssyncadd.s32 $0xFFFFE000  }
0x43: {  	[tilespmem:s22], [sflag:$0x1] =	stream.strided.gather [hbm4b:s31+s29], $0x2000, s4, s29, $0x38;
	[tilespmem:$0xE4A0] =	vst v63  }
0x44: {  	_ =	swait.ge [sflag:s13], $0x2000  }
0x45: {  	[sflag:s13] =	ssyncset.done $0x0  }
0x46: {  	s0 =	simm.s32 $0x0;
	[sflag:s13] =	ssyncadd.s32 $0xFFFFE000  }
.LBB2_2:
0x47: {  	p0 =	sne.s32 s0, $0x1FC0  }
.Ltmp2:
0x48: {  	_ = 	snop;
	(pc) =	sbr.rel @p0 .LBB2_2-.Ltmp2, $3  }
0x49: {  	_ =	sdelay $0x1  }
0x4a: {  	s3 =	sshra.s32 s0, $0x2  }
0x4b: {  	s0 =	sadd.s32 $0x40, s0;
	[tilespmem:s3+$0x6000] =	vst v0  }
0x4c: {  	s3 =	simm.s32 $0x0;
	v8 =	vimm.s32 $0x0;
	s0 =	simm.s32 $0x0  }
.LBB2_4:
0x4d: {  	s4 =	sand.u32 $0xF, s0;
	v11 =	vmov s3  }
0x4e: {  	v9 =	vmov s4  }
0x4f: {  	p0 =	sne.s32 s4, $0xF;
	vm0 =	veq.s32 v9, v1  }
0x50: {  	v8 =	vsel vm0, s3, v8;
	s3 =	sand.u32 @!p0 $0x1F0, s0  }
0x51: {  	[tilespmem:s3+$0x6800] =	vst @!p0 v8  }
0x52: {  	v9 =	vld.idx.msk [tilespmem:v11+s2+$0x0], $0xffff  }
0x53: {  	v10 =	vld.idx.msk [tilespmem:v11+s21+$0x0], $0xffff  }
0x54: {  	s16 =	rddreg [dreg:$0x11];
	v12 =	vld [tilespmem:s7+$0xFFFFFFC0]  }
0x55: {  	v13 =	vld [tilespmem:s16+$0xFFFFFFC0]  }
0x56: {  	s17 =	rddreg [dreg:$0x12];
	v11 =	vld.idx.msk [tilespmem:v11+s22+$0x0], $0xffff  }
0x57: {  	v14 =	vld [tilespmem:s17+$0xFFFFFFC0];
	_ =	sdelay $0x2  }
0x58: {  	v12 =	vsub.f32 v12, v9;
	v13 =	vsub.f32 v13, v10;
	_ =	sdelay $0x1  }
0x59: {  	s3 =	simm.s32 $0x6040;
	v14 =	vsub.f32 v14, v11;
	v12 =	vmul.f32 v12, v12;
	v13 =	vmul.f32 v13, v13  }
0x5a: {  	v15 =	vld [tilespmem:s3+$0xFFFFFFC0]  }
0x5b: {  	v12 =	vadd.f32 v13, v12;
	v13 =	vmul.f32 v14, v14;
	_ =	sdelay $0x1  }
0x5c: {  	v12 =	vadd.f32 v13, v12;
	_ =	sdelay $0x1  }
0x5d: {  	v12 =	vmin.f32 v15, v12  }
0x5e: {  	[tilespmem:s3+$0xFFFFFFC0] =	vst v12  }
0x5f: {  	v13 =	vld [tilespmem:s7+$0xFFFFFFD0]  }
0x60: {  	v14 =	vld [tilespmem:s16+$0xFFFFFFD0];
	_ =	sdelay $0x1  }
0x61: {  	v15 =	vld [tilespmem:s17+$0xFFFFFFD0];
	_ =	sdelay $0x2  }
0x62: {  	v13 =	vsub.f32 v13, v9;
	v14 =	vsub.f32 v14, v10;
	_ =	sdelay $0x1  }
0x63: {  	v15 =	vsub.f32 v15, v11;
	v13 =	vmul.f32 v13, v13;
	v14 =	vmul.f32 v14, v14  }
0x64: {  	v16 =	vld [tilespmem:s3+$0xFFFFFFD0]  }
0x65: {  	v13 =	vadd.f32 v14, v13;
	v14 =	vmul.f32 v15, v15;
	_ =	sdelay $0x1  }
0x66: {  	v13 =	vadd.f32 v14, v13;
	_ =	sdelay $0x1  }
0x67: {  	v13 =	vmin.f32 v16, v13  }
0x68: {  	[tilespmem:s3+$0xFFFFFFD0] =	vst v13  }
0x69: {  	v14 =	vld [tilespmem:s7+$0xFFFFFFE0]  }
0x6a: {  	v15 =	vld [tilespmem:s16+$0xFFFFFFE0];
	_ =	sdelay $0x1  }
0x6b: {  	v16 =	vld [tilespmem:s17+$0xFFFFFFE0];
	_ =	sdelay $0x2  }
0x6c: {  	v14 =	vsub.f32 v14, v9;
	v15 =	vsub.f32 v15, v10;
	_ =	sdelay $0x1  }
0x6d: {  	v16 =	vsub.f32 v16, v11;
	v14 =	vmul.f32 v14, v14;
	v15 =	vmul.f32 v15, v15  }
0x6e: {  	v17 =	vld [tilespmem:s3+$0xFFFFFFE0]  }
0x6f: {  	v14 =	vadd.f32 v15, v14;
	v15 =	vmul.f32 v16, v16;
	_ =	sdelay $0x1  }
0x70: {  	v14 =	vadd.f32 v15, v14;
	_ =	sdelay $0x1  }
0x71: {  	v14 =	vmin.f32 v17, v14  }
0x72: {  	[tilespmem:s3+$0xFFFFFFE0] =	vst v14  }
0x73: {  	v15 =	vld [tilespmem:s7+$0xFFFFFFF0]  }
0x74: {  	v16 =	vld [tilespmem:s16+$0xFFFFFFF0];
	_ =	sdelay $0x1  }
0x75: {  	v17 =	vld [tilespmem:s17+$0xFFFFFFF0];
	_ =	sdelay $0x2  }
0x76: {  	v15 =	vsub.f32 v15, v9;
	v16 =	vsub.f32 v16, v10;
	_ =	sdelay $0x1  }
0x77: {  	v17 =	vsub.f32 v17, v11;
	v15 =	vmul.f32 v15, v15;
	v16 =	vmul.f32 v16, v16  }
0x78: {  	v18 =	vld [tilespmem:s3+$0xFFFFFFF0]  }
0x79: {  	v15 =	vadd.f32 v16, v15;
	v16 =	vmul.f32 v17, v17;
	_ =	sdelay $0x1  }
0x7a: {  	v15 =	vadd.f32 v16, v15;
	_ =	sdelay $0x1  }
0x7b: {  	v15 =	vmin.f32 v18, v15  }
0x7c: {  	[tilespmem:s3+$0xFFFFFFF0] =	vst v15  }
0x7d: {  	v16 =	vld [tilespmem:s7+$0x0]  }
0x7e: {  	v17 =	vld [tilespmem:s16+$0x0];
	_ =	sdelay $0x1  }
0x7f: {  	v62 =	vld [tilespmem:s17+$0x0];
	_ =	sdelay $0x2  }
0x80: {  	v19 =	vimm.f32 $-Inf;
	v16 =	vsub.f32 v16, v9;
	v17 =	vsub.f32 v17, v10  }
0x81: {  	vm6 =	vgt.f32 v12, v19  }
0x82: {  	v18 =	vsub.f32 v62, v11;
	v16 =	vmul.f32 v16, v16;
	v17 =	vmul.f32 v17, v17  }
0x83: {  	v63 =	vld [tilespmem:s3+$0x0];
	v12 =	vsel vm6, v12, v19  }
0x84: {  	vm7 =	vgt.f32 v13, v12;
	v16 =	vadd.f32 v17, v16;
	v17 =	vmul.f32 v18, v18  }
0x85: {  	v12 =	vsel vm7, v13, v12  }
0x86: {  	s9 =	simm.s32 $0x0;
	s31 =	sadd.s32 $0xFFFFFF90, s1;
	s30 =	sadd.s32 $0xFFFFFFA0, s1;
	vm8 =	vgt.f32 v14, v12;
	v13 =	vadd.f32 v17, v16  }
0x87: {  	s29 =	sadd.s32 $0xFFFFFFB0, s1;
	s8 =	sadd.s32 $0xFFFFFFC0, s1;
	s5 =	sadd.s32 $0xFFFFFFD0, s1;
	v12 =	vsel vm8, v14, v12  }
0x88: {  	s10 =	sadd.s32 $0xFFFFFFE0, s1;
	s6 =	sadd.s32 $0xFFFFFFF0, s1;
	s18 =	sadd.s32 $0x80, s7;
	vm9 =	vgt.f32 v15, v12;
	v13 =	vmin.f32 v63, v13  }
0x89: {  	s11 =	smov.u32 s1;
	s15 =	smov.u32 s7;
	s14 =	smov.u32 s1;
	v14 =	vsel vm9, v15, v12;
	[tilespmem:s3+$0x0] =	vst v13  }
0x8a: {  	s19 =	sadd.s32 $0x80, s16;
	s28 =	sadd.s32 $0x80, s17;
	s4 =	simm.s32 $0x6040;
	v12 =	vimm.s32 $0x0;
	vm10 =	vgt.f32 v13, v14;
	v15 =	vld [tilespmem:s7+$0x10]  }
.LBB2_5:
0x8b: {  	s9 =	sadd.s32 $0x8, s9;
	v16 =	vld [tilespmem:s16+$0x10];
	s3 =	sadd.s32 $0x80, s3;
	s11 =	sadd.s32 $0x80, s11  }
0x8c: {  	s13 =	sadd.s32 $0xFFFFFF90, s11;
	s12 =	sadd.s32 $0xFFFFFFA0, s11;
	p0 =	slt.u32 s9, $0x78;
	v17 =	vld [tilespmem:s17+$0x10]  }
0x8d: {  	s20 =	sadd.s32 $0xFFFFFFB0, s11;
	s25 =	sadd.s32 $0xFFFFFFC0, s11;
	s23 =	sadd.s32 $0xFFFFFFD0, s11  }
0x8e: {  	s26 =	sadd.s32 $0xFFFFFFE0, s11;
	s24 =	sadd.s32 $0xFFFFFFF0, s11  }
0x8f: {  	v15 =	vsub.f32 v15, v9  }
0x90: {  	v16 =	vsub.f32 v16, v10  }
0x91: {  	v17 =	vsub.f32 v17, v11;
	v15 =	vmul.f32 v15, v15  }
0x92: {  	v16 =	vmul.f32 v16, v16  }
0x93: {  	v18 =	vld [tilespmem:s4+$0x10]  }
0x94: {  	v15 =	vadd.f32 v16, v15;
	v16 =	vmul.f32 v17, v17;
	_ =	sdelay $0x1  }
0x95: {  	v15 =	vadd.f32 v16, v15;
	_ =	sdelay $0x1  }
0x96: {  	v13 =	vsel vm10, v13, v14;
	v14 =	vmin.f32 v18, v15  }
0x97: {  	[tilespmem:s4+$0x10] =	vst v14;
	vm13 =	vgt.f32 v14, v13  }
0x98: {  	v15 =	vld [tilespmem:s15+$0x20]  }
0x99: {  	v16 =	vld [tilespmem:s16+$0x20]  }
0x9a: {  	v17 =	vld [tilespmem:s17+$0x20];
	_ =	sdelay $0x2  }
0x9b: {  	v15 =	vsub.f32 v15, v9  }
0x9c: {  	v16 =	vsub.f32 v16, v10  }
0x9d: {  	v17 =	vsub.f32 v17, v11  }
0x9e: {  	v15 =	vmul.f32 v15, v15;
	v16 =	vmul.f32 v16, v16  }
0x9f: {  	v18 =	vld [tilespmem:s4+$0x20]  }
0xa0: {  	v15 =	vadd.f32 v16, v15;
	v16 =	vmul.f32 v17, v17;
	_ =	sdelay $0x1  }
0xa1: {  	v15 =	vadd.f32 v16, v15;
	_ =	sdelay $0x1  }
0xa2: {  	v13 =	vsel vm13, v14, v13;
	v14 =	vmin.f32 v18, v15  }
0xa3: {  	[tilespmem:s4+$0x20] =	vst v14;
	vm0 =	vgt.f32 v14, v13  }
0xa4: {  	v15 =	vld [tilespmem:s15+$0x30];
	s15 =	smov.u32 s18  }
0xa5: {  	v16 =	vld [tilespmem:s16+$0x30];
	s16 =	smov.u32 s19  }
0xa6: {  	v17 =	vld [tilespmem:s17+$0x30];
	s17 =	smov.u32 s28;
	_ =	sdelay $0x2  }
0xa7: {  	v15 =	vsub.f32 v15, v9  }
0xa8: {  	v16 =	vsub.f32 v16, v10  }
0xa9: {  	v18 =	vor.u32 s31, v1;
	s31 =	smov.u32 s13;
	v17 =	vsub.f32 v17, v11;
	v15 =	vmul.f32 v15, v15  }
0xaa: {  	v12 =	vsel vm6, v18, v12;
	v18 =	vor.u32 s30, v1;
	s30 =	smov.u32 s12;
	v16 =	vmul.f32 v16, v16;
	v19 =	vld [tilespmem:s4+$0x30]  }
0xab: {  	v12 =	vsel vm7, v18, v12;
	v18 =	vor.u32 s29, v1;
	s29 =	smov.u32 s20;
	v17 =	vmul.f32 v17, v17  }
0xac: {  	v12 =	vsel vm8, v18, v12;
	v18 =	vor.u32 s8, v1;
	s8 =	smov.u32 s25;
	v15 =	vadd.f32 v16, v15  }
0xad: {  	v12 =	vsel vm9, v18, v12;
	v16 =	vor.u32 s5, v1;
	s5 =	smov.u32 s23  }
0xae: {  	v12 =	vsel vm10, v16, v12;
	v16 =	vor.u32 s10, v1;
	s10 =	smov.u32 s26;
	v15 =	vadd.f32 v17, v15  }
0xaf: {  	v13 =	vsel vm0, v14, v13;
	v12 =	vsel vm13, v16, v12;
	v16 =	vor.u32 s6, v1;
	s6 =	smov.u32 s24  }
0xb0: {  	v12 =	vsel vm0, v16, v12;
	v14 =	vmin.f32 v19, v15;
	v15 =	vor.u32 s14, v1;
	s14 =	smov.u32 s11  }
0xb1: {  	[tilespmem:s4+$0x30] =	vst v14;
	vm0 =	vgt.f32 v14, v13;
	s4 =	smov.u32 s3  }
0xb2: {  	v16 =	vld [tilespmem:s18+$0xFFFFFFC0];
	v13 =	vsel vm0, v14, v13;
	v12 =	vsel vm0, v15, v12  }
0xb3: {  	v14 =	vld [tilespmem:s19+$0xFFFFFFC0];
	_ =	sdelay $0x1  }
0xb4: {  	v15 =	vld [tilespmem:s28+$0xFFFFFFC0];
	_ =	sdelay $0x1  }
0xb5: {  	v16 =	vsub.f32 v16, v9  }
0xb6: {  	v14 =	vsub.f32 v14, v10  }
0xb7: {  	v16 =	vmul.f32 v16, v16  }
0xb8: {  	v15 =	vsub.f32 v15, v11;
	v14 =	vmul.f32 v14, v14  }
0xb9: {  	v17 =	vld [tilespmem:s3+$0xFFFFFFC0]  }
0xba: {  	v14 =	vadd.f32 v14, v16;
	v15 =	vmul.f32 v15, v15;
	_ =	sdelay $0x1  }
0xbb: {  	v14 =	vadd.f32 v15, v14;
	_ =	sdelay $0x1  }
0xbc: {  	v14 =	vmin.f32 v17, v14  }
0xbd: {  	[tilespmem:s3+$0xFFFFFFC0] =	vst v14  }
0xbe: {  	v15 =	vld [tilespmem:s18+$0xFFFFFFD0]  }
0xbf: {  	v16 =	vld [tilespmem:s19+$0xFFFFFFD0];
	_ =	sdelay $0x1  }
0xc0: {  	v17 =	vld [tilespmem:s28+$0xFFFFFFD0];
	_ =	sdelay $0x1  }
0xc1: {  	v15 =	vsub.f32 v15, v9  }
0xc2: {  	v16 =	vsub.f32 v16, v10  }
0xc3: {  	v15 =	vmul.f32 v15, v15  }
0xc4: {  	v17 =	vsub.f32 v17, v11;
	v16 =	vmul.f32 v16, v16  }
0xc5: {  	v18 =	vld [tilespmem:s3+$0xFFFFFFD0]  }
0xc6: {  	v15 =	vadd.f32 v16, v15;
	v16 =	vmul.f32 v17, v17;
	_ =	sdelay $0x1  }
0xc7: {  	v15 =	vadd.f32 v16, v15  }
0xc8: {  	vm6 =	vgt.f32 v14, v13  }
0xc9: {  	v13 =	vsel vm6, v14, v13;
	v14 =	vmin.f32 v18, v15  }
0xca: {  	[tilespmem:s3+$0xFFFFFFD0] =	vst v14;
	vm7 =	vgt.f32 v14, v13  }
0xcb: {  	v13 =	vsel vm7, v14, v13;
	v14 =	vld [tilespmem:s18+$0xFFFFFFE0]  }
0xcc: {  	v15 =	vld [tilespmem:s19+$0xFFFFFFE0];
	_ =	sdelay $0x1  }
0xcd: {  	v16 =	vld [tilespmem:s28+$0xFFFFFFE0];
	_ =	sdelay $0x1  }
0xce: {  	v14 =	vsub.f32 v14, v9  }
0xcf: {  	v15 =	vsub.f32 v15, v10;
	_ =	sdelay $0x1  }
0xd0: {  	v14 =	vmul.f32 v14, v14;
	v16 =	vsub.f32 v16, v11;
	v15 =	vmul.f32 v15, v15  }
0xd1: {  	v17 =	vld [tilespmem:s3+$0xFFFFFFE0]  }
0xd2: {  	v14 =	vadd.f32 v15, v14;
	v15 =	vmul.f32 v16, v16;
	_ =	sdelay $0x1  }
0xd3: {  	v14 =	vadd.f32 v15, v14;
	_ =	sdelay $0x1  }
0xd4: {  	v14 =	vmin.f32 v17, v14  }
0xd5: {  	[tilespmem:s3+$0xFFFFFFE0] =	vst v14;
	vm8 =	vgt.f32 v14, v13  }
0xd6: {  	v13 =	vsel vm8, v14, v13;
	v14 =	vld [tilespmem:s18+$0xFFFFFFF0]  }
0xd7: {  	v15 =	vld [tilespmem:s19+$0xFFFFFFF0];
	_ =	sdelay $0x1  }
0xd8: {  	v16 =	vld [tilespmem:s28+$0xFFFFFFF0];
	_ =	sdelay $0x1  }
0xd9: {  	v14 =	vsub.f32 v14, v9  }
0xda: {  	v15 =	vsub.f32 v15, v10;
	_ =	sdelay $0x1  }
0xdb: {  	v14 =	vmul.f32 v14, v14;
	v16 =	vsub.f32 v16, v11;
	v15 =	vmul.f32 v15, v15  }
0xdc: {  	v17 =	vld [tilespmem:s3+$0xFFFFFFF0]  }
0xdd: {  	v14 =	vadd.f32 v15, v14;
	v15 =	vmul.f32 v16, v16;
	_ =	sdelay $0x1  }
0xde: {  	v14 =	vadd.f32 v15, v14;
	_ =	sdelay $0x1  }
0xdf: {  	v14 =	vmin.f32 v17, v14  }
0xe0: {  	[tilespmem:s3+$0xFFFFFFF0] =	vst v14;
	vm9 =	vgt.f32 v14, v13  }
0xe1: {  	v15 =	vld [tilespmem:s18+$0x0]  }
0xe2: {  	v16 =	vld [tilespmem:s19+$0x0];
	_ =	sdelay $0x1  }
0xe3: {  	v17 =	vld [tilespmem:s28+$0x0];
	_ =	sdelay $0x1  }
0xe4: {  	v15 =	vsub.f32 v15, v9  }
0xe5: {  	v16 =	vsub.f32 v16, v10  }
0xe6: {  	v15 =	vmul.f32 v15, v15  }
0xe7: {  	v17 =	vsub.f32 v17, v11;
	v16 =	vmul.f32 v16, v16  }
0xe8: {  	v18 =	vld [tilespmem:s3+$0x0]  }
0xe9: {  	v15 =	vadd.f32 v16, v15;
	v16 =	vmul.f32 v17, v17;
	_ =	sdelay $0x1  }
.Ltmp3:
0xea: {  	v15 =	vadd.f32 v16, v15;
	(pc) =	sbr.rel @p0 .LBB2_5-.Ltmp3, $4  }
0xeb: {  	_ = 	snop  }
0xec: {  	v14 =	vsel vm9, v14, v13;
	v13 =	vmin.f32 v18, v15  }
0xed: {  	[tilespmem:s3+$0x0] =	vst v13;
	vm10 =	vgt.f32 v13, v14  }
0xee: {  	s18 =	sadd.s32 $0x80, s18;
	s19 =	sadd.s32 $0x80, s19;
	s28 =	sadd.s32 $0x80, s28;
	v15 =	vld [tilespmem:s15+$0x10]  }
0xef: {  	v16 =	vld [tilespmem:s16+$0x10];
	_ =	sdelay $0x1  }
0xf0: {  	v17 =	vld [tilespmem:s17+$0x10];
	_ =	sdelay $0x2  }
0xf1: {  	v15 =	vsub.f32 v15, v9;
	v16 =	vsub.f32 v16, v10;
	_ =	sdelay $0x1  }
0xf2: {  	v17 =	vsub.f32 v17, v11;
	v15 =	vmul.f32 v15, v15;
	v16 =	vmul.f32 v16, v16  }
0xf3: {  	v18 =	vld [tilespmem:s4+$0x10]  }
0xf4: {  	v46 =	vmul.f32 v17, v17;
	v15 =	vadd.f32 v16, v15;
	_ =	sdelay $0x1  }
0xf5: {  	v15 =	vadd.f32 v46, v15;
	_ =	sdelay $0x1  }
0xf6: {  	v15 =	vmin.f32 v18, v15  }
0xf7: {  	[tilespmem:s4+$0x10] =	vst v15  }
0xf8: {  	v47 =	vld [tilespmem:s15+$0x20]  }
0xf9: {  	v48 =	vld [tilespmem:s16+$0x20];
	_ =	sdelay $0x1  }
0xfa: {  	v49 =	vld [tilespmem:s17+$0x20];
	_ =	sdelay $0x2  }
0xfb: {  	v16 =	vsub.f32 v47, v9;
	v17 =	vsub.f32 v48, v10;
	_ =	sdelay $0x1  }
0xfc: {  	v18 =	vsub.f32 v49, v11;
	v16 =	vmul.f32 v16, v16;
	v17 =	vmul.f32 v17, v17  }
0xfd: {  	v19 =	vld [tilespmem:s4+$0x20]  }
0xfe: {  	v50 =	vmul.f32 v18, v18;
	v16 =	vadd.f32 v17, v16;
	_ =	sdelay $0x1  }
0xff: {  	v16 =	vadd.f32 v50, v16;
	_ =	sdelay $0x1  }
0x100: {  	v16 =	vmin.f32 v19, v16  }
0x101: {  	[tilespmem:s4+$0x20] =	vst v16  }
0x102: {  	v51 =	vld [tilespmem:s15+$0x30]  }
0x103: {  	v52 =	vld [tilespmem:s16+$0x30];
	_ =	sdelay $0x1  }
0x104: {  	v53 =	vld [tilespmem:s17+$0x30];
	_ =	sdelay $0x2  }
0x105: {  	v9 =	vsub.f32 v51, v9;
	v10 =	vsub.f32 v52, v10  }
0x106: {  	v13 =	vsel vm10, v13, v14  }
0x107: {  	v11 =	vsub.f32 v53, v11;
	v9 =	vmul.f32 v9, v9;
	v10 =	vmul.f32 v10, v10  }
0x108: {  	v54 =	vld [tilespmem:s4+$0x30];
	vm0 =	vgt.f32 v15, v13  }
0x109: {  	v11 =	vmul.f32 v11, v11;
	v9 =	vadd.f32 v10, v9;
	v10 =	vimm.s32 $0x0  }
0x10a: {  	v10 =	vsel vm0, $0xFFFFFFFF, v10  }
0x10b: {  	[tilespmem:$0x1FFE0] =	vst v10;
	v10 =	vsel vm0, v15, v13;
	v9 =	vadd.f32 v11, v9  }
0x10c: {  	vm13 =	vgt.f32 v16, v10  }
0x10d: {  	v10 =	vsel vm13, v16, v10;
	v9 =	vmin.f32 v54, v9  }
0x10e: {  	vm0 =	vgt.f32 v9, v10  }
0x10f: {  	v10 =	vsel vm0, v9, v10  }
0x110: {  	v11 =	vor.u32 s31, v1;
	v60 =	vld [tilespmem:$0x1FFE0];
	(xrf0) =	vmax.scan.msk.f32 $0xffff, v10  }
0x111: {  	v55 =	vor.u32 s30, v1;
	v11 =	vsel vm6, v11, v12  }
0x112: {  	v56 =	vor.u32 s29, v1;
	v11 =	vsel vm7, v55, v11  }
0x113: {  	v57 =	vor.u32 s8, v1;
	v11 =	vsel vm8, v56, v11  }
0x114: {  	v58 =	vor.u32 s5, v1;
	v11 =	vsel vm9, v57, v11  }
0x115: {  	v59 =	vor.u32 s10, v1;
	v11 =	vsel vm10, v58, v11;
	vm6 =	vnez.u8 v60  }
0x116: {  	v61 =	vor.u32 s6, v1;
	v11 =	vsel vm6, v59, v11;
	v62, _, _ =	vpop (xrf0)  }
0x117: {  	v63 =	vor.u32 s14, v1;
	v11 =	vsel vm13, v61, v11;
	v13 =	vbroadcast v62, $0xF  }
0x118: {  	v11 =	vsel vm0, v63, v11  }
0x119: {  	vm0 =	veq.f32 v10, v13;
	v10 =	vxor.u32 $0x80000000, v11  }
0x11a: {  	v10 =	vnsel vm0, $0xC0000000, v10  }
0x11b: {  	(xrf0) =	vmin.scan.msk.u32 $0xffff, v10;
	_ =	sdelay $0x5  }
0x11c: {  	v10, _, _ =	vpop (xrf0)  }
0x11d: {  	(v2sf) =	vpush v10, $0xF;
	_ =	sdelay $0xc  }
0x11e: {  	[tilespmem:s4+$0x30] =	vst v9;
	v9 =	vld [tilespmem:$0x1FFF0];
	_ =	sdelay $0x1  }
0x11f: {  	s3 =	spop (v2sf)  }
0x120: {  	s3 =	sxor.u32 $0x80000000, s3  }
0x121: {  	s24 =	sshll.u32 s0, $0x8;
	s3 =	scvt.s32.f32 s3  }
0x122: {  	s25 =	rddreg [dreg:$0x5];
	s5 =	sand.u32 $0x100, s24;
	vm0 =	vnez.u8 v9  }
0x123: {  	s26 =	rddreg [dreg:$0x13];
	v9 =	vnsel vm0, s3, v13;
	s3 =	sadd.s32 s5, s25  }
0x124: {  	s28 =	simm.s32 $0x6A00;
	s13 =	simm.s32 $0x1;
	[tilespmem:$0x6A00] =	vst v9;
	s4 =	sadd.s32 s26, s3  }
0x125: {  	[spmem:s4] =	stream.linear.scatter [tilespmem:s28], [sflag:$0x1], $0x10, $0x38;
	[tilespmem:$0xE4A0] =	vst v63  }
0x126: {  	_ =	swait.ge [sflag:s13], $0x10  }
0x127: {  	[sflag:s13] =	ssyncset.done $0x0  }
0x128: {  	[sflag:s13] =	ssyncadd.s32 $0xFFFFFFF0  }
0x129: {  	[bflag:$0x0] =	sbarrier.arrive $0xFFFF  }
0x12a: {  	s30 =	rddreg [dreg:$0x14]  }
0x12b: {  	s31 =	simm.s32 $0x6A80;
	s3 =	sadd.s32 s30, s3  }
0x12c: {  	[tilespmem:s31], [sflag:$0x1] =	stream.linear.gather [spmem:s3], $0x40, $0x38;
	[tilespmem:$0xE4A0] =	vst v63  }
0x12d: {  	_ =	swait.ge [sflag:s13], $0x40  }
0x12e: {  	[sflag:s13] =	ssyncset.done $0x0  }
0x12f: {  	[sflag:s13] =	ssyncadd.s32 $0xFFFFFFC0  }
0x130: {  	v9 =	vld [tilespmem:$0x6A80];
	_ =	sdelay $0x2  }
0x131: {  	v10 =	vld [tilespmem:$0x6A90];
	_ =	sdelay $0x1  }
0x132: {  	(v2sf) =	vpush v9, $0x0  }
0x133: {  	v11 =	vld [tilespmem:$0x6AA0]  }
0x134: {  	(v2sf) =	vpush v9, $0x1  }
0x135: {  	(v2sf) =	vpush v10, $0x0  }
0x136: {  	v9 =	vld [tilespmem:$0x6AB0]  }
0x137: {  	(v2sf) =	vpush v10, $0x1  }
0x138: {  	(v2sf) =	vpush v11, $0x0;
	_ =	sdelay $0x1  }
0x139: {  	(v2sf) =	vpush v11, $0x1  }
0x13a: {  	(v2sf) =	vpush v9, $0x0;
	_ =	sdelay $0x1  }
0x13b: {  	(v2sf) =	vpush v9, $0x1;
	_ =	sdelay $0x3  }
0x13c: {  	s3 =	spop (v2sf)  }
0x13d: {  	p0 =	sgt.f32 s3, $-Inf  }
0x13e: {  	s4 =	spop (v2sf)  }
0x13f: {  	s5 =	spop (v2sf);
	s3 =	simm.s32 @!p0 $0xFF800000  }
0x140: {  	p1 =	sgt.f32 s5, s3  }
0x141: {  	s6 =	spop (v2sf)  }
0x142: {  	s8 =	spop (v2sf);
	s3 =	smov.u32 @p1 s5  }
0x143: {  	p2 =	sgt.f32 s8, s3  }
0x144: {  	s5 =	spop (v2sf)  }
0x145: {  	s4 =	simm.s32 @!p0 $0x0;
	s9 =	spop (v2sf);
	s3 =	smov.u32 @p2 s8  }
0x146: {  	s4 =	smov.u32 @p1 s6;
	p0 =	sgt.f32 s9, s3  }
0x147: {  	s0 =	sadd.s32 $0x1, s0;
	s4 =	smov.u32 @p2 s5;
	s3 =	spop (v2sf)  }
0x148: {  	s4 =	smov.u32 @p0 s3;
	p0 =	sne.s32 s0, $0x200  }
.Ltmp4:
0x149: {  	_ = 	snop;
	(pc) =	sbr.rel @p0 .LBB2_4-.Ltmp4, $3  }
0x14a: {  	_ =	sdelay $0x1  }
0x14b: {  	s3 =	scvt.f32.s32 s4  }
0x14c: {  	s29 =	simm.s32 $0x0  }
.Ltmp5:
0x14d: {  	(pc) =	sbr.rel .LBB2_8-.Ltmp5, $2  }
0x14e: {  	_ =	sdelay $0x2  }
0x14f: {  	s30 =	simm.s32 $0x0;
	vm10 =	vcmask $0x33C;
	vm13 =	vcmask $0x231C  }
.LBB2_37:
0x150: {  	s30 =	sadd.s32 $0x1, s30  }
0x151: {  	p0 =	sne.s32 s30, $0x8  }
.Ltmp6:
0x152: {  	_ = 	snop;
	(pc) =	sbr.rel @!p0 .LBB2_38-.Ltmp6, $1  }
0x153: {  	_ =	sdelay $0x3  }
.LBB2_8:
0x154: {  	_ =	sdelay $0x2  }
0x155: {  	s31 =	sshll.u32 s30, $0x4  }
0x156: {  	v10 =	vld.idx.msk [tilespmem:v6+s31+$0x0 ss:$0x1], $0xffff;
	_ =	sdelay $0x7  }
0x157: {  	v8 =	vld.idx.msk [tilespmem:v10+s29+$0x0], $0xffff  }
0x158: {  	v9 =	vld.idx.msk [tilespmem:v10+s21+$0x0], $0xffff  }
0x159: {  	v10 =	vld.idx.msk [tilespmem:v10+s22+$0x0], $0xffff  }
.Ltmp7:
0x15a: {  	_ = 	snop;
	(pc) =	sbr.rel .LBB2_9-.Ltmp7, $4  }
0x15b: {  	_ = 	snop  }
0x15c: {  	[tilespmem:s31+$0xE300] =	vst v8  }
0x15d: {  	[tilespmem:s31+$0xE380] =	vst v9  }
0x15e: {  	s0 =	simm.s32 $0x0;
	[tilespmem:s31+$0xE400] =	vst v10  }
.LBB2_31:
0x15f: {  	v14 =	vimm.s32 $0x0  }
.LBB2_36:
0x160: {  	_ =	sdelay $0x3  }
0x161: {  	v15 =	vld.idx.msk [tilespmem:v14+s2+$0x0], $0xffff;
	_ =	sdelay $0x4  }
0x162: {  	v15 =	vsub.f32 v15, v12;
	_ =	sdelay $0x1  }
0x163: {  	[tilespmem:s3+$0xB320] =	vst v15  }
0x164: {  	v15 =	vld.idx.msk [tilespmem:v14+s21+$0x0], $0xffff;
	_ =	sdelay $0x4  }
0x165: {  	v15 =	vsub.f32 v15, v13;
	_ =	sdelay $0x1  }
0x166: {  	[tilespmem:s3+$0xC320] =	vst v15  }
0x167: {  	v62 =	vld.idx.msk [tilespmem:v14+s22+$0x0], $0xffff;
	_ =	sdelay $0x4  }
0x168: {  	v14 =	vsub.f32 v62, v11;
	_ =	sdelay $0x1  }
0x169: {  	[tilespmem:s3+$0xD320] =	vst v14  }
0x16a: {  	v14 =	vld.idx.msk [tilespmem:v17+s2+$0x0], $0xffff;
	_ =	sdelay $0x4  }
0x16b: {  	v63 =	vsub.f32 v14, v12;
	_ =	sdelay $0x1  }
0x16c: {  	[tilespmem:s3+$0xB330] =	vst v63  }
0x16d: {  	v12 =	vld.idx.msk [tilespmem:v17+s21+$0x0], $0xffff;
	_ =	sdelay $0x4  }
0x16e: {  	v12 =	vsub.f32 v12, v13;
	_ =	sdelay $0x1  }
0x16f: {  	[tilespmem:s3+$0xC330] =	vst v12  }
0x170: {  	v12 =	vld.idx.msk [tilespmem:v17+s22+$0x0], $0xffff  }
0x171: {  	s0 =	sadd.s32 $0x1, s0  }
0x172: {  	p0 =	sne.s32 s0, $0x8  }
.Ltmp8:
0x173: {  	_ = 	snop;
	(pc) =	sbr.rel @!p0 .LBB2_37-.Ltmp8, $3  }
0x174: {  	_ = 	snop  }
0x175: {  	v11 =	vsub.f32 v12, v11;
	_ =	sdelay $0x1  }
0x176: {  	[tilespmem:s3+$0xD330] =	vst v11  }
.LBB2_9:
0x177: {  	v20 =	vimm.f32 $+Inf  }
0x178: {  	[tilespmem:$0x6B00] =	vst v20  }
0x179: {  	[tilespmem:$0x6B10] =	vst v20  }
0x17a: {  	[tilespmem:$0x6B20] =	vst v20  }
0x17b: {  	[tilespmem:$0x6B30] =	vst v20  }
0x17c: {  	[tilespmem:$0x6B40] =	vst v20  }
0x17d: {  	[tilespmem:$0x6B50] =	vst v20  }
0x17e: {  	[tilespmem:$0x6B60] =	vst v20  }
0x17f: {  	[tilespmem:$0x6B70] =	vst v20  }
0x180: {  	[tilespmem:$0x6B80] =	vst v20  }
0x181: {  	[tilespmem:$0x6B90] =	vst v20  }
0x182: {  	[tilespmem:$0x6BA0] =	vst v20  }
0x183: {  	[tilespmem:$0x6BB0] =	vst v20  }
0x184: {  	[tilespmem:$0x6BC0] =	vst v20  }
0x185: {  	[tilespmem:$0x6BD0] =	vst v20  }
0x186: {  	[tilespmem:$0x6BE0] =	vst v20  }
0x187: {  	[tilespmem:$0x6BF0] =	vst v20  }
0x188: {  	[tilespmem:$0x6C00] =	vst v20  }
0x189: {  	[tilespmem:$0x6C10] =	vst v20  }
0x18a: {  	[tilespmem:$0x6C20] =	vst v20  }
0x18b: {  	[tilespmem:$0x6C30] =	vst v20  }
0x18c: {  	[tilespmem:$0x6C40] =	vst v20  }
0x18d: {  	[tilespmem:$0x6C50] =	vst v20  }
0x18e: {  	[tilespmem:$0x6C60] =	vst v20  }
0x18f: {  	[tilespmem:$0x6C70] =	vst v20  }
0x190: {  	[tilespmem:$0x6C80] =	vst v20  }
0x191: {  	[tilespmem:$0x6C90] =	vst v20  }
0x192: {  	[tilespmem:$0x6CA0] =	vst v20  }
0x193: {  	[tilespmem:$0x6CB0] =	vst v20  }
0x194: {  	[tilespmem:$0x6CC0] =	vst v20  }
0x195: {  	[tilespmem:$0x6CD0] =	vst v20  }
0x196: {  	[tilespmem:$0x6CE0] =	vst v20  }
0x197: {  	[tilespmem:$0x6CF0] =	vst v20  }
0x198: {  	[tilespmem:$0x8F00] =	vst v20  }
0x199: {  	[tilespmem:$0x8F10] =	vst v20  }
0x19a: {  	[tilespmem:$0x8F20] =	vst v20  }
0x19b: {  	[tilespmem:$0x8F30] =	vst v20  }
0x19c: {  	[tilespmem:$0x8F40] =	vst v20  }
0x19d: {  	[tilespmem:$0x8F50] =	vst v20  }
0x19e: {  	[tilespmem:$0x8F60] =	vst v20  }
0x19f: {  	[tilespmem:$0x8F70] =	vst v20  }
0x1a0: {  	[tilespmem:$0x8F80] =	vst v20  }
0x1a1: {  	[tilespmem:$0x8F90] =	vst v20  }
0x1a2: {  	[tilespmem:$0x8FA0] =	vst v20  }
0x1a3: {  	[tilespmem:$0x8FB0] =	vst v20  }
0x1a4: {  	[tilespmem:$0x8FC0] =	vst v20  }
0x1a5: {  	[tilespmem:$0x8FD0] =	vst v20  }
0x1a6: {  	[tilespmem:$0x8FE0] =	vst v20  }
0x1a7: {  	[tilespmem:$0x8FF0] =	vst v20  }
0x1a8: {  	[tilespmem:$0x9000] =	vst v20  }
0x1a9: {  	[tilespmem:$0x9010] =	vst v20  }
0x1aa: {  	[tilespmem:$0x9020] =	vst v20  }
0x1ab: {  	[tilespmem:$0x9030] =	vst v20  }
0x1ac: {  	[tilespmem:$0x9040] =	vst v20  }
0x1ad: {  	[tilespmem:$0x9050] =	vst v20  }
0x1ae: {  	[tilespmem:$0x9060] =	vst v20  }
0x1af: {  	[tilespmem:$0x9070] =	vst v20  }
0x1b0: {  	[tilespmem:$0x9080] =	vst v20  }
0x1b1: {  	s3 =	sshll.u32 s0, $0x1;
	[tilespmem:$0x9090] =	vst v20  }
0x1b2: {  	v11 =	vmov s3;
	[tilespmem:$0x90A0] =	vst v20  }
0x1b3: {  	[tilespmem:$0x90B0] =	vst v20;
	vm0 =	veq.s32 v11, v1  }
0x1b4: {  	[tilespmem:$0x90C0] =	vst v20;
	v11 =	vnsel vm0, $0x0, v8  }
0x1b5: {  	s4 =	sshllo.u32 s0, $0x1;
	[tilespmem:$0x90D0] =	vst v20;
	(xrf2) =	vadd.scan.msk.f32 $0xffff, v11  }
0x1b6: {  	v12 =	vmov s4;
	[tilespmem:$0x90E0] =	vst v20;
	v11 =	vnsel vm0, $0x0, v9  }
0x1b7: {  	[tilespmem:$0x90F0] =	vst v20;
	s4 =	simm.s32 $0x0;
	vm6 =	veq.s32 v12, v1;
	(xrf2) =	vadd.scan.msk.f32 $0xffff, v11;
	v11 =	vnsel vm0, $0x0, v10  }
0x1b8: {  	v19 =	vld [tilespmem:s4+$0x60];
	(xrf2) =	vadd.scan.msk.f32 $0xffff, v11;
	v11 =	vnsel vm6, $0x0, v8  }
0x1b9: {  	v22 =	vld [tilespmem:s4+$0x2060];
	(xrf2) =	vadd.scan.msk.f32 $0xffff, v11  }
0x1ba: {  	v17 =	vld [tilespmem:s4+$0x4070]  }
0x1bb: {  	v27 =	vld [tilespmem:s4+$0x50];
	v11 =	vnsel vm6, $0x0, v9  }
0x1bc: {  	v28 =	vld [tilespmem:s4+$0x70];
	(xrf2) =	vadd.scan.msk.f32 $0xffff, v11;
	v11 =	vnsel vm6, $0x0, v10  }
0x1bd: {  	v35 =	vld [tilespmem:s4+$0x4030]  }
0x1be: {  	v49 =	vld [tilespmem:s4+$0x10]  }
0x1bf: {  	v39 =	vld [tilespmem:s4+$0x2030];
	(xrf2) =	vadd.scan.msk.f32 $0xffff, v11;
	v11, _, _ =	vpop (xrf2)  }
0x1c0: {  	v60 =	vld [tilespmem:s4+$0x2020];
	v15 =	vbroadcast v11, $0xF  }
0x1c1: {  	v53 =	vld [tilespmem:s4+$0x2000];
	v12, _, _ =	vpop (xrf2)  }
0x1c2: {  	v40 =	vld [tilespmem:s4+$0x4000];
	v13, _, _ =	vpop (xrf2);
	v16 =	vbroadcast v12, $0xF;
	v36 =	vsub.f32 v15, v27  }
0x1c3: {  	v23, _, _ =	vpop (xrf2);
	v14 =	vbroadcast v13, $0xF;
	v38 =	vsub.f32 v15, v28;
	v57 =	vsub.f32 v15, v49  }
0x1c4: {  	v31 =	vld [tilespmem:s4+$0x40];
	v12 =	vbroadcast v23, $0xF;
	v23 =	vsub.f32 v15, v19;
	v29 =	vsub.f32 v16, v22  }
0x1c5: {  	v52 =	vld [tilespmem:s4+$0x30];
	v50 =	vsub.f32 v16, v39;
	v54 =	vsub.f32 v16, v60  }
0x1c6: {  	v25 =	vld [tilespmem:s4+$0x2040];
	v61 =	vsub.f32 v16, v53;
	v33 =	vsub.f32 v14, v17  }
0x1c7: {  	v26 =	vld [tilespmem:s4+$0x2070];
	v24, _, _ =	vpop (xrf2);
	v44 =	vsub.f32 v14, v35;
	v62 =	vsub.f32 v14, v40  }
0x1c8: {  	v13 =	vbroadcast v24, $0xF;
	v19 =	vsub.f32 v12, v19;
	v27 =	vsub.f32 v12, v27  }
0x1c9: {  	v18 =	vld [tilespmem:s4+$0x4060];
	v11, _, _ =	vpop (xrf2);
	v36 =	vmul.f32 v36, v36;
	v48 =	vsub.f32 v12, v31;
	v31 =	vsub.f32 v15, v31  }
0x1ca: {  	v21 =	vld [tilespmem:s4+$0x4040];
	v11 =	vbroadcast v11, $0xF;
	v56 =	vsub.f32 v12, v52;
	v52 =	vsub.f32 v15, v52  }
0x1cb: {  	v23 =	vmul.f32 v23, v23;
	v28 =	vsub.f32 v12, v28;
	v32 =	vsub.f32 v13, v22  }
0x1cc: {  	v54 =	vmul.f32 v54, v54;
	v34 =	vsub.f32 v13, v26;
	v41 =	vsub.f32 v13, v25  }
0x1cd: {  	v50 =	vmul.f32 v50, v50;
	v39 =	vsub.f32 v13, v39;
	v25 =	vsub.f32 v16, v25  }
0x1ce: {  	v24 =	vsub.f32 v11, v18;
	v18 =	vsub.f32 v14, v18;
	v37 =	vmul.f32 v19, v19  }
0x1cf: {  	v30 =	vld [tilespmem:s4+$0x2050];
	v27 =	vmul.f32 v27, v27;
	v45 =	vsub.f32 v11, v21;
	v48 =	vmul.f32 v48, v48  }
0x1d0: {  	v51 =	vsub.f32 v11, v40;
	v31 =	vmul.f32 v31, v31;
	v52 =	vmul.f32 v52, v52  }
0x1d1: {  	v35 =	vsub.f32 v11, v35;
	v63 =	vmul.f32 v56, v56;
	v32 =	vmul.f32 v32, v32  }
0x1d2: {  	v46 =	vld [tilespmem:s4+$0x0];
	v21 =	vsub.f32 v14, v21;
	v19 =	vmul.f32 v34, v34;
	v41 =	vmul.f32 v41, v41  }
0x1d3: {  	v55 =	vld [tilespmem:s4+$0x2010];
	v40 =	vsub.f32 v12, v49;
	v25 =	vmul.f32 v25, v25;
	v39 =	vmul.f32 v39, v39  }
0x1d4: {  	v34 =	vsub.f32 v16, v30;
	v22 =	vmul.f32 v24, v24;
	v24 =	vmul.f32 v29, v29  }
0x1d5: {  	v30 =	vsub.f32 v13, v30;
	v18 =	vmul.f32 v18, v18;
	v45 =	vmul.f32 v45, v45  }
0x1d6: {  	v21 =	vmul.f32 v21, v21;
	v59 =	vadd.f32 v50, v52;
	v41 =	vadd.f32 v41, v48  }
0x1d7: {  	v51 =	vmul.f32 v51, v51;
	v48 =	vsub.f32 v12, v46;
	v25 =	vadd.f32 v25, v31  }
0x1d8: {  	v30 =	vmul.f32 v30, v30;
	v31 =	vsub.f32 v16, v55;
	v55 =	vsub.f32 v13, v55  }
0x1d9: {  	v35 =	vmul.f32 v35, v35;
	v32 =	vadd.f32 v32, v37;
	v39 =	vadd.f32 v39, v63  }
0x1da: {  	v34 =	vmul.f32 v34, v34;
	v23 =	vadd.f32 v24, v23;
	v30 =	vadd.f32 v30, v27  }
0x1db: {  	v29 =	vld [tilespmem:s4+$0x4050];
	v37 =	vmul.f32 v62, v62;
	v41 =	vadd.f32 v45, v41;
	v21 =	vadd.f32 v21, v25  }
0x1dc: {  	v24 =	vld [tilespmem:s4+$0x4020];
	v45 =	vmul.f32 v61, v61;
	v25 =	vsub.f32 v15, v46;
	v46 =	vsub.f32 v13, v53  }
0x1dd: {  	v49 =	vmul.f32 v55, v55;
	v35 =	vadd.f32 v35, v39;
	v22 =	vadd.f32 v22, v32  }
0x1de: {  	v27 =	vld [tilespmem:s4+$0x4010];
	v31 =	vmul.f32 v31, v31;
	v18 =	vadd.f32 v18, v23;
	v23 =	vsub.f32 v16, v26  }
0x1df: {  	v26 =	vmul.f32 v38, v38;
	v38 =	vsub.f32 v13, v60;
	v60 =	vmul.f32 v57, v57  }
0x1e0: {  	v43 =	vld [tilespmem:s4+$0x20];
	v42 =	vsub.f32 v11, v29;
	v25 =	vmul.f32 v25, v25;
	v46 =	vmul.f32 v46, v46  }
0x1e1: {  	v29 =	vsub.f32 v14, v29;
	v38 =	vmul.f32 v38, v38;
	v47 =	vsub.f32 v11, v24  }
0x1e2: {  	v23 =	vmul.f32 v23, v23;
	v24 =	vsub.f32 v14, v24;
	v25 =	vadd.f32 v45, v25  }
0x1e3: {  	v42 =	vmul.f32 v42, v42;
	v29 =	vmul.f32 v29, v29;
	v58 =	vsub.f32 v14, v27  }
0x1e4: {  	v26 =	vadd.f32 v23, v26;
	v23 =	vmul.f32 v40, v40;
	v37 =	vadd.f32 v37, v25  }
0x1e5: {  	v53 =	vmul.f32 v58, v58;
	v58 =	vsub.f32 v11, v27;
	v27 =	vsub.f32 v15, v43  }
0x1e6: {  	v25 =	vadd.f32 v34, v36;
	v24 =	vmul.f32 v24, v24;
	v43 =	vsub.f32 v12, v43  }
0x1e7: {  	v30 =	vadd.f32 v42, v30;
	v55 =	vmul.f32 v47, v47;
	v27 =	vmul.f32 v27, v27  }
0x1e8: {  	v23 =	vadd.f32 v49, v23;
	v34 =	vmin.f32 v20, v37;
	v50 =	vmul.f32 v43, v43  }
0x1e9: {  	v61 =	vadd.f32 v54, v27;
	v27 =	vadd.f32 v31, v60;
	v31 =	vmul.f32 v48, v48  }
0x1ea: {  	v63 =	vmul.f32 v58, v58;
	v54 =	vmax.f32 v20, v37;
	v38 =	vadd.f32 v38, v50  }
0x1eb: {  	[tilespmem:s4+$0x9340] =	vst v41;
	v62 =	vadd.f32 v53, v27;
	v31 =	vadd.f32 v46, v31;
	v53 =	vmul.f32 v44, v44  }
0x1ec: {  	[tilespmem:s4+$0x6F40] =	vst v21;
	v27 =	vmul.f32 v33, v33;
	v24 =	vadd.f32 v24, v61;
	v33 =	vadd.f32 v63, v23  }
0x1ed: {  	[tilespmem:s4+$0x9330] =	vst v35;
	v48 =	vmin.f32 v34, v62;
	v31 =	vadd.f32 v51, v31;
	v43 =	vadd.f32 v53, v59  }
0x1ee: {  	[tilespmem:s4+$0x9360] =	vst v22;
	v38 =	vadd.f32 v55, v38;
	v59 =	vmin.f32 v20, v54;
	v58 =	vmin.f32 v48, v24  }
0x1ef: {  	[tilespmem:s4+$0x6F60] =	vst v18;
	v23 =	vmax.f32 v48, v24;
	v56 =	vmax.f32 v20, v31;
	v61 =	vmax.f32 v58, v43  }
0x1f0: {  	[tilespmem:s4+$0x6F10] =	vst v62;
	v32 =	vmin.f32 v58, v43;
	v57 =	vmin.f32 v20, v56;
	v20 =	vmin.f32 v20, v31  }
0x1f1: {  	[tilespmem:s4+$0x9300] =	vst v31;
	v31 =	vmax.f32 v34, v62;
	v60 =	vmax.f32 v20, v33;
	v20 =	vmin.f32 v20, v33  }
0x1f2: {  	[tilespmem:s4+$0x6F20] =	vst v24;
	v24 =	vmin.f32 v59, v31;
	v62 =	vmin.f32 v57, v60;
	v31 =	vmax.f32 v20, v38  }
0x1f3: {  	[tilespmem:s4+$0x6F00] =	vst v37;
	v20 =	vmin.f32 v20, v38;
	v23 =	vmin.f32 v24, v23;
	v24 =	vmin.f32 v62, v31  }
0x1f4: {  	[tilespmem:s4+$0x9350] =	vst v30;
	v31 =	vmax.f32 v20, v35;
	v23 =	vmin.f32 v23, v61;
	v20 =	vmin.f32 v20, v35  }
0x1f5: {  	[tilespmem:s4+$0x9310] =	vst v33;
	v24 =	vmin.f32 v24, v31;
	v31 =	vmax.f32 v20, v41;
	v63 =	vmin.f32 v20, v41  }
0x1f6: {  	[tilespmem:s4+$0x9320] =	vst v38;
	v20 =	vmin.f32 v24, v31;
	v24 =	vmax.f32 v63, v30;
	v33 =	vmin.f32 v63, v30  }
0x1f7: {  	s5 =	simm.s32 $0x200;
	[tilespmem:s4+$0x6F30] =	vst v43;
	v31 =	vmin.f32 v32, v21;
	v30 =	vmax.f32 v33, v22;
	v22 =	vmin.f32 v33, v22  }
.LBB2_10:
0x1f8: {  	s6 =	sshra.s32 s5, $0x2;
	p0 =	sne.s32 s5, $0x7E00;
	s5 =	sadd.s32 $0x200, s5;
	v17 =	vsub.f32 v11, v17;
	v28 =	vmul.f32 v28, v28  }
0x1f9: {  	v25 =	vadd.f32 v29, v25;
	v33 =	vld [tilespmem:s6+$0x4060]  }
0x1fa: {  	v21 =	vmax.f32 v32, v21;
	v26 =	vadd.f32 v27, v26;
	v29 =	vld [tilespmem:s6+$0x60];
	v19 =	vadd.f32 v19, v28  }
0x1fb: {  	v21 =	vmin.f32 v23, v21;
	v23 =	vmax.f32 v31, v25;
	v32 =	vld [tilespmem:s6+$0x4040];
	[tilespmem:s4+$0x6F50] =	vst v25;
	v25 =	vmin.f32 v31, v25  }
0x1fc: {  	v28 =	vmul.f32 v17, v17;
	v21 =	vmin.f32 v21, v23;
	v27 =	vld [tilespmem:s6+$0x2060];
	v23 =	vmax.f32 v25, v18;
	[tilespmem:s4+$0x6F70] =	vst v26  }
0x1fd: {  	v18 =	vmin.f32 v25, v18;
	v17 =	vld [tilespmem:s6+$0x4070];
	v21 =	vmin.f32 v21, v23  }
0x1fe: {  	v19 =	vadd.f32 v28, v19;
	v34 =	vmax.f32 v18, v26;
	v25 =	vld [tilespmem:s6+$0x2040];
	v31 =	vsub.f32 v14, v33  }
0x1ff: {  	v23 =	vmin.f32 v18, v26;
	v28 =	vsub.f32 v15, v29;
	v29 =	vsub.f32 v12, v29;
	v35 =	vld [tilespmem:s6+$0x2070]  }
0x200: {  	v26 =	vsub.f32 v11, v33;
	v33 =	vmax.f32 v22, v19;
	v22 =	vmin.f32 v22, v19;
	v18 =	vld [tilespmem:s6+$0x50];
	[tilespmem:s4+$0x9370] =	vst v19;
	s4 =	smov.u32 s6  }
0x201: {  	v37 =	vmin.f32 v20, v24;
	v19 =	vsub.f32 v16, v27;
	v36 =	vmul.f32 v28, v28;
	v28 =	vld [tilespmem:s4+$0x70]  }
0x202: {  	v20 =	vmul.f32 v26, v26;
	v39 =	vsub.f32 v13, v27;
	v38 =	vld [tilespmem:s4+$0x2050];
	v27 =	vsub.f32 v14, v17  }
0x203: {  	v24 =	vmin.f32 v21, v34;
	v31 =	vmul.f32 v31, v31;
	v40 =	vld [tilespmem:s4+$0x40];
	v19 =	vmul.f32 v19, v19  }
0x204: {  	v30 =	vmin.f32 v37, v30;
	v34 =	vmul.f32 v39, v39;
	v26 =	vld [tilespmem:s4+$0x4050];
	v21 =	vsub.f32 v13, v35  }
0x205: {  	v29 =	vmul.f32 v29, v29;
	v37 =	vld [tilespmem:s4+$0x4030];
	v39 =	vsub.f32 v15, v18;
	v36 =	vadd.f32 v19, v36  }
0x206: {  	v42 =	vsub.f32 v12, v18;
	v41 =	vld [tilespmem:s4+$0x4020];
	v43 =	vsub.f32 v15, v28;
	v19 =	vmul.f32 v21, v21  }
0x207: {  	v30 =	vmin.f32 v30, v33;
	v21 =	vld [tilespmem:s4+$0x2030];
	v44 =	vsub.f32 v16, v38;
	v38 =	vsub.f32 v13, v38  }
0x208: {  	v35 =	vsub.f32 v16, v35;
	v18 =	vadd.f32 v31, v36;
	v33 =	vld [tilespmem:s4+$0x4000];
	v36 =	vmul.f32 v43, v43  }
0x209: {  	v31 =	vsub.f32 v13, v25;
	v42 =	vmul.f32 v42, v42;
	v43 =	vld [tilespmem:s4+$0x2020];
	v45 =	vsub.f32 v11, v26  }
0x20a: {  	v48 =	vsub.f32 v11, v32;
	v38 =	vmul.f32 v38, v38;
	v46 =	vld [tilespmem:s4+$0x20];
	v47 =	vsub.f32 v14, v37;
	[tilespmem:s4+$0x6F60] =	vst v18  }
0x20b: {  	v51 =	vsub.f32 v12, v40;
	v31 =	vmul.f32 v31, v31;
	v49 =	vld [tilespmem:s4+$0x0];
	v50 =	vsub.f32 v11, v41  }
0x20c: {  	v39 =	vmul.f32 v39, v39;
	v41 =	vsub.f32 v14, v41;
	v52 =	vld [tilespmem:s4+$0x10];
	v53 =	vsub.f32 v16, v21  }
0x20d: {  	v40 =	vsub.f32 v15, v40;
	v51 =	vmul.f32 v51, v51;
	v54 =	vsub.f32 v11, v33;
	v55 =	vld [tilespmem:s4+$0x30]  }
0x20e: {  	v48 =	vmul.f32 v48, v48;
	v38 =	vadd.f32 v38, v42;
	v56 =	vld [tilespmem:s4+$0x2000];
	v57 =	vsub.f32 v16, v43  }
0x20f: {  	v45 =	vmul.f32 v45, v45;
	v21 =	vsub.f32 v13, v21;
	v31 =	vadd.f32 v31, v51;
	v42 =	vld [tilespmem:s4+$0x4010]  }
0x210: {  	v25 =	vsub.f32 v16, v25;
	v51 =	vsub.f32 v12, v49;
	v58 =	vld [tilespmem:s4+$0x2010];
	v57 =	vmul.f32 v57, v57  }
0x211: {  	v32 =	vsub.f32 v14, v32;
	v37 =	vsub.f32 v11, v37;
	v40 =	vmul.f32 v40, v40  }
0x212: {  	v25 =	vmul.f32 v25, v25;
	v31 =	vadd.f32 v48, v31;
	v59 =	vsub.f32 v12, v55  }
0x213: {  	v61 =	vmul.f32 v21, v21;
	v60 =	vsub.f32 v15, v52;
	v48 =	vsub.f32 v16, v56  }
0x214: {  	v32 =	vmul.f32 v32, v32;
	v25 =	vadd.f32 v25, v40;
	v21 =	vsub.f32 v15, v55;
	[tilespmem:s4+$0x9340] =	vst v31  }
0x215: {  	v53 =	vmul.f32 v53, v53;
	v55 =	vsub.f32 v14, v42;
	v40 =	vsub.f32 v16, v58  }
0x216: {  	v62 =	vmul.f32 v21, v21;
	v21 =	vadd.f32 v32, v25;
	v48 =	vmul.f32 v48, v48  }
0x217: {  	v25 =	vsub.f32 v15, v49;
	v32 =	vsub.f32 v13, v56;
	v49 =	vmul.f32 v55, v55  }
0x218: {  	v54 =	vmul.f32 v54, v54;
	v42 =	vsub.f32 v11, v42;
	v55 =	vsub.f32 v15, v46;
	[tilespmem:s4+$0x6F40] =	vst v21  }
0x219: {  	v34 =	vadd.f32 v34, v29;
	v56 =	vsub.f32 v13, v58;
	v25 =	vmul.f32 v25, v25  }
0x21a: {  	v29 =	vsub.f32 v14, v33;
	v33 =	vsub.f32 v12, v52;
	v52 =	vmul.f32 v55, v55  }
0x21b: {  	v43 =	vsub.f32 v13, v43;
	v55 =	vmul.f32 v56, v56;
	v56 =	vmul.f32 v59, v59  }
0x21c: {  	v44 =	vmul.f32 v44, v44;
	v25 =	vadd.f32 v48, v25;
	v48 =	vadd.f32 v53, v62  }
0x21d: {  	v29 =	vmul.f32 v29, v29;
	v53 =	vmul.f32 v60, v60;
	v56 =	vadd.f32 v61, v56  }
0x21e: {  	v46 =	vsub.f32 v12, v46;
	v40 =	vmul.f32 v40, v40;
	v52 =	vadd.f32 v57, v52  }
0x21f: {  	v43 =	vmul.f32 v43, v43;
	v32 =	vmul.f32 v32, v32;
	v57 =	vadd.f32 v29, v25  }
0x220: {  	v35 =	vmul.f32 v35, v35;
	v29 =	vadd.f32 v40, v53;
	v25 =	vadd.f32 v44, v39  }
0x221: {  	v39 =	vmul.f32 v51, v51;
	v44 =	vsub.f32 v14, v26;
	v40 =	vmin.f32 v23, v57;
	[tilespmem:s4+$0x6F00] =	vst v57  }
0x222: {  	v27 =	vmul.f32 v27, v27;
	v26 =	vadd.f32 v35, v36;
	v49 =	vadd.f32 v49, v29  }
0x223: {  	v28 =	vsub.f32 v12, v28;
	v33 =	vmul.f32 v33, v33;
	v29 =	vmul.f32 v44, v44  }
0x224: {  	v35 =	vmul.f32 v42, v42;
	v36 =	vadd.f32 v45, v38;
	v32 =	vadd.f32 v32, v39;
	[tilespmem:s4+$0x6F10] =	vst v49  }
0x225: {  	v39 =	vmul.f32 v41, v41;
	v41 =	vmul.f32 v46, v46;
	v38 =	vmin.f32 v40, v49  }
0x226: {  	v33 =	vadd.f32 v55, v33;
	v42 =	vmul.f32 v47, v47;
	v32 =	vadd.f32 v54, v32;
	[tilespmem:s4+$0x9350] =	vst v36  }
0x227: {  	v23 =	vmax.f32 v23, v57;
	v44 =	vmul.f32 v50, v50;
	v39 =	vadd.f32 v39, v52  }
0x228: {  	v37 =	vmul.f32 v37, v37;
	v42 =	vadd.f32 v42, v48;
	v45 =	vmax.f32 v22, v32;
	[tilespmem:s4+$0x9300] =	vst v32  }
0x229: {  	v41 =	vadd.f32 v43, v41;
	v43 =	vmin.f32 v38, v39;
	v30 =	vmin.f32 v30, v45;
	[tilespmem:s4+$0x6F20] =	vst v39  }
0x22a: {  	v33 =	vadd.f32 v35, v33;
	v37 =	vadd.f32 v37, v56;
	v35 =	vmax.f32 v38, v39;
	[tilespmem:s4+$0x6F30] =	vst v42  }
0x22b: {  	v23 =	vmin.f32 v24, v23;
	v22 =	vmin.f32 v22, v32;
	v24 =	vadd.f32 v44, v41  }
0x22c: {  	v38 =	vmax.f32 v43, v42;
	v32 =	vmax.f32 v22, v33;
	v22 =	vmin.f32 v22, v33;
	[tilespmem:s4+$0x9330] =	vst v37  }
0x22d: {  	v34 =	vadd.f32 v20, v34;
	v30 =	vmin.f32 v30, v32;
	[tilespmem:s4+$0x9310] =	vst v33;
	v33 =	vmax.f32 v40, v49  }
0x22e: {  	v20 =	vmin.f32 v23, v33;
	[tilespmem:s4+$0x9320] =	vst v24;
	v23 =	vmax.f32 v22, v24;
	v22 =	vmin.f32 v22, v24  }
.Ltmp9:
0x22f: {  	v20 =	vmin.f32 v20, v35;
	v24 =	vmin.f32 v30, v23;
	v30 =	vmax.f32 v22, v37;
	[tilespmem:s4+$0x9360] =	vst v34;
	(pc) =	sbr.rel @p0 .LBB2_10-.Ltmp9, $4  }
0x230: {  	v23 =	vmin.f32 v20, v38;
	v20 =	vmin.f32 v22, v37;
	v22 =	vmin.f32 v24, v30  }
0x231: {  	v32 =	vmin.f32 v43, v42;
	v24 =	vmax.f32 v20, v31;
	v30 =	vmin.f32 v20, v31  }
0x232: {  	v20 =	vmin.f32 v22, v24;
	v24 =	vmax.f32 v30, v36;
	v22 =	vmin.f32 v30, v36  }
0x233: {  	v31 =	vmin.f32 v32, v21;
	v30 =	vmax.f32 v22, v34;
	v22 =	vmin.f32 v22, v34  }
0x234: {  	v28 =	vmul.f32 v28, v28  }
0x235: {  	v17 =	vsub.f32 v11, v17;
	v25 =	vadd.f32 v29, v25;
	v21 =	vmax.f32 v32, v21  }
0x236: {  	v21 =	vmin.f32 v23, v21  }
0x237: {  	v19 =	vadd.f32 v19, v28;
	v60 =	vmax.f32 v31, v25;
	v17 =	vmul.f32 v17, v17  }
0x238: {  	v26 =	vadd.f32 v27, v26;
	v61 =	vmin.f32 v31, v25;
	v21 =	vmin.f32 v21, v60  }
0x239: {  	v62 =	vmax.f32 v61, v18;
	v18 =	vmin.f32 v61, v18;
	v17 =	vadd.f32 v17, v19  }
0x23a: {  	v20 =	vmin.f32 v20, v24;
	v19 =	vmin.f32 v21, v62;
	v18 =	vmax.f32 v18, v26  }
0x23b: {  	v18 =	vmin.f32 v19, v18;
	v19 =	vmin.f32 v20, v30;
	v63 =	vmax.f32 v22, v17  }
0x23c: {  	(xrf0) =	vmax.scan.msk.f32 $0xffff, v18;
	v19 =	vmin.f32 v19, v63  }
0x23d: {  	(xrf0) =	vmax.scan.msk.f32 $0xffff, v19;
	_ =	sdelay $0x4  }
0x23e: {  	v18, _, _ =	vpop (xrf0)  }
0x23f: {  	(v2sf) =	vpush v18, $0xF;
	v18, _, _ =	vpop (xrf0)  }
0x240: {  	(v2sf) =	vpush v18, $0xF;
	_ =	sdelay $0xa  }
.Ltmp10:
0x241: {  	_ = 	snop;
	(pc) =	sbr.rel .LBB2_12-.Ltmp10, $4  }
0x242: {  	_ = 	snop  }
0x243: {  	[tilespmem:s4+$0x6F50] =	vst v25  }
0x244: {  	s6 =	simm.s32 $0x0;
	[tilespmem:s4+$0x6F70] =	vst v26;
	s8 =	spop (v2sf)  }
0x245: {  	s5 =	simm.s32 $0x0;
	[tilespmem:s4+$0x9370] =	vst v17;
	s4 =	simm.s32 $0x0;
	s10 =	spop (v2sf)  }
.LBB2_23:
0x246: {  	[tilespmem:$0x8F00] =	vst v19  }
0x247: {  	[tilespmem:$0x9100] =	vst v18  }
0x248: {  	[tilespmem:$0x8F10] =	vst v17  }
0x249: {  	[tilespmem:$0x9110] =	vst v20  }
0x24a: {  	[tilespmem:$0x8F20] =	vst v2  }
0x24b: {  	[tilespmem:$0x8F30] =	vst v2  }
0x24c: {  	[tilespmem:$0x8F40] =	vst v2  }
0x24d: {  	[tilespmem:$0x8F50] =	vst v2  }
0x24e: {  	[tilespmem:$0x8F60] =	vst v2  }
0x24f: {  	[tilespmem:$0x8F70] =	vst v2  }
0x250: {  	[tilespmem:$0x8F80] =	vst v2  }
0x251: {  	[tilespmem:$0x8F90] =	vst v2  }
0x252: {  	[tilespmem:$0x8FA0] =	vst v2  }
0x253: {  	[tilespmem:$0x8FB0] =	vst v2  }
0x254: {  	[tilespmem:$0x8FC0] =	vst v2  }
0x255: {  	[tilespmem:$0x8FD0] =	vst v2  }
0x256: {  	[tilespmem:$0x8FE0] =	vst v2  }
0x257: {  	[tilespmem:$0x8FF0] =	vst v2  }
0x258: {  	[tilespmem:$0x9000] =	vst v2;
	(v2sf) =	vpush v17, $0xF  }
0x259: {  	[tilespmem:$0x9010] =	vst v2  }
0x25a: {  	[tilespmem:$0x9020] =	vst v2  }
0x25b: {  	[tilespmem:$0x9030] =	vst v2  }
0x25c: {  	[tilespmem:$0x9040] =	vst v2  }
0x25d: {  	[tilespmem:$0x9050] =	vst v2  }
0x25e: {  	[tilespmem:$0x9060] =	vst v2  }
0x25f: {  	[tilespmem:$0x9070] =	vst v2  }
0x260: {  	[tilespmem:$0x9080] =	vst v2  }
0x261: {  	[tilespmem:$0x9090] =	vst v2  }
0x262: {  	[tilespmem:$0x90A0] =	vst v2  }
0x263: {  	[tilespmem:$0x90B0] =	vst v2  }
0x264: {  	[tilespmem:$0x90C0] =	vst v2  }
0x265: {  	[tilespmem:$0x90D0] =	vst v2  }
0x266: {  	[tilespmem:$0x90E0] =	vst v2  }
0x267: {  	[tilespmem:$0x90F0] =	vst v2;
	s10 =	spop (v2sf)  }
.LBB2_24:
0x268: {  	s9 =	sshll.u32 s5, $0x7  }
0x269: {  	v17 =	vld [tilespmem:s9+$0x6F00];
	_ =	sdelay $0x1  }
0x26a: {  	v18 =	vld [tilespmem:s9+$0x9300];
	_ =	sdelay $0x1  }
0x26b: {  	p0 =	sgt.s32 s6, $0x170  }
0x26c: {  	s6 =	simm.s32 @p0 $0x20;
	vm0 =	vle.f32 v17, s8  }
0x26d: {  	p0 =	sgt.s32 s4, $0x170;
	v19 =	vor.u32 s9, v1;
	v20 =	vmpcnt.ones.xlane vm0;
	[tilespmem:s6+$0x6B00] =	vst.msk vm0, v17  }
0x26e: {  	s4 =	simm.s32 @p0 $0x20;
	vm6 =	vle.f32 v18, s10;
	[tilespmem:s6+$0x6D00] =	vst.msk vm0, v19  }
0x26f: {  	v17 =	vmpcnt.ones.xlane vm6;
	(v2sf) =	vpush v20, $0x0;
	[tilespmem:s4+$0x8F00] =	vst.msk vm6, v18  }
0x270: {  	[tilespmem:s4+$0x9100] =	vst.msk vm6, v19  }
0x271: {  	(v2sf) =	vpush v17, $0x0;
	v17 =	vld [tilespmem:s9+$0x6F10];
	_ =	sdelay $0x1  }
0x272: {  	v18 =	vld [tilespmem:s9+$0x9310];
	_ =	sdelay $0x2  }
0x273: {  	vm0 =	vle.f32 v17, s8  }
0x274: {  	v19 =	vmpcnt.ones.xlane vm0  }
0x275: {  	vm6 =	vle.f32 v18, s10  }
0x276: {  	(v2sf) =	vpush v19, $0x0;
	v19 =	vmpcnt.ones.xlane vm6;
	_ =	sdelay $0x1  }
0x277: {  	(v2sf) =	vpush v19, $0x0;
	_ =	sdelay $0x2  }
0x278: {  	s11 =	spop (v2sf)  }
0x279: {  	s19 =	sor.u32 $0x10, s9;
	s6 =	sadd.s32 s6, s11  }
0x27a: {  	v19 =	vor.u32 s19, v1;
	s12 =	spop (v2sf);
	[tilespmem:s6+$0x6B00] =	vst.msk vm0, v17  }
0x27b: {  	s4 =	sadd.s32 s4, s12;
	[tilespmem:s6+$0x6D00] =	vst.msk vm0, v19  }
0x27c: {  	[tilespmem:s4+$0x8F00] =	vst.msk vm6, v18  }
0x27d: {  	[tilespmem:s4+$0x9100] =	vst.msk vm6, v19  }
0x27e: {  	v17 =	vld [tilespmem:s9+$0x6F20];
	_ =	sdelay $0x1  }
0x27f: {  	v18 =	vld [tilespmem:s9+$0x9320];
	_ =	sdelay $0x1  }
0x280: {  	s20 =	spop (v2sf)  }
0x281: {  	s23 =	sor.u32 $0x20, s9;
	s6 =	sadd.s32 s6, s20;
	vm0 =	vle.f32 v17, s8  }
0x282: {  	v19 =	vor.u32 s23, v1;
	s24 =	spop (v2sf);
	v61 =	vmpcnt.ones.xlane vm0;
	[tilespmem:s6+$0x6B00] =	vst.msk vm0, v17  }
0x283: {  	vm6 =	vle.f32 v18, s10;
	s4 =	sadd.s32 s4, s24;
	[tilespmem:s6+$0x6D00] =	vst.msk vm0, v19  }
0x284: {  	v17 =	vmpcnt.ones.xlane vm6;
	(v2sf) =	vpush v61, $0x0;
	[tilespmem:s4+$0x8F00] =	vst.msk vm6, v18  }
0x285: {  	[tilespmem:s4+$0x9100] =	vst.msk vm6, v19  }
0x286: {  	(v2sf) =	vpush v17, $0x0;
	v17 =	vld [tilespmem:s9+$0x6F30];
	_ =	sdelay $0x1  }
0x287: {  	v18 =	vld [tilespmem:s9+$0x9330];
	_ =	sdelay $0x2  }
0x288: {  	vm0 =	vle.f32 v17, s8  }
0x289: {  	v19 =	vmpcnt.ones.xlane vm0  }
0x28a: {  	vm6 =	vle.f32 v18, s10  }
0x28b: {  	(v2sf) =	vpush v19, $0x0;
	v19 =	vmpcnt.ones.xlane vm6;
	_ =	sdelay $0x1  }
0x28c: {  	(v2sf) =	vpush v19, $0x0;
	_ =	sdelay $0x2  }
0x28d: {  	s25 =	spop (v2sf)  }
0x28e: {  	s26 =	sor.u32 $0x30, s9;
	s6 =	sadd.s32 s6, s25  }
0x28f: {  	v19 =	vor.u32 s26, v1;
	s28 =	spop (v2sf);
	[tilespmem:s6+$0x6B00] =	vst.msk vm0, v17  }
0x290: {  	s4 =	sadd.s32 s4, s28;
	[tilespmem:s6+$0x6D00] =	vst.msk vm0, v19  }
0x291: {  	[tilespmem:s4+$0x8F00] =	vst.msk vm6, v18  }
0x292: {  	[tilespmem:s4+$0x9100] =	vst.msk vm6, v19  }
0x293: {  	v17 =	vld [tilespmem:s9+$0x6F40];
	_ =	sdelay $0x1  }
0x294: {  	v18 =	vld [tilespmem:s9+$0x9340];
	_ =	sdelay $0x1  }
0x295: {  	s12 =	spop (v2sf)  }
0x296: {  	s14 =	sor.u32 $0x40, s9;
	s6 =	sadd.s32 s6, s12;
	vm0 =	vle.f32 v17, s8  }
0x297: {  	v19 =	vor.u32 s14, v1;
	s15 =	spop (v2sf);
	v62 =	vmpcnt.ones.xlane vm0;
	[tilespmem:s6+$0x6B00] =	vst.msk vm0, v17  }
0x298: {  	vm6 =	vle.f32 v18, s10;
	s4 =	sadd.s32 s4, s15;
	[tilespmem:s6+$0x6D00] =	vst.msk vm0, v19  }
0x299: {  	v17 =	vmpcnt.ones.xlane vm6;
	(v2sf) =	vpush v62, $0x0;
	[tilespmem:s4+$0x8F00] =	vst.msk vm6, v18  }
0x29a: {  	[tilespmem:s4+$0x9100] =	vst.msk vm6, v19  }
0x29b: {  	(v2sf) =	vpush v17, $0x0;
	v17 =	vld [tilespmem:s9+$0x6F50];
	_ =	sdelay $0x1  }
0x29c: {  	v18 =	vld [tilespmem:s9+$0x9350];
	_ =	sdelay $0x2  }
0x29d: {  	vm0 =	vle.f32 v17, s8  }
0x29e: {  	v19 =	vmpcnt.ones.xlane vm0  }
0x29f: {  	vm6 =	vle.f32 v18, s10  }
0x2a0: {  	(v2sf) =	vpush v19, $0x0;
	v19 =	vmpcnt.ones.xlane vm6;
	_ =	sdelay $0x1  }
0x2a1: {  	(v2sf) =	vpush v19, $0x0;
	_ =	sdelay $0x2  }
0x2a2: {  	s16 =	spop (v2sf)  }
0x2a3: {  	s17 =	sor.u32 $0x50, s9;
	s6 =	sadd.s32 s6, s16  }
0x2a4: {  	v19 =	vor.u32 s17, v1;
	s18 =	spop (v2sf);
	[tilespmem:s6+$0x6B00] =	vst.msk vm0, v17  }
0x2a5: {  	s4 =	sadd.s32 s4, s18;
	[tilespmem:s6+$0x6D00] =	vst.msk vm0, v19  }
0x2a6: {  	[tilespmem:s4+$0x8F00] =	vst.msk vm6, v18  }
0x2a7: {  	[tilespmem:s4+$0x9100] =	vst.msk vm6, v19  }
0x2a8: {  	v17 =	vld [tilespmem:s9+$0x6F60];
	_ =	sdelay $0x1  }
0x2a9: {  	v18 =	vld [tilespmem:s9+$0x9360];
	_ =	sdelay $0x1  }
0x2aa: {  	s19 =	spop (v2sf)  }
0x2ab: {  	s20 =	sor.u32 $0x60, s9;
	s6 =	sadd.s32 s6, s19;
	vm0 =	vle.f32 v17, s8  }
0x2ac: {  	v19 =	vor.u32 s20, v1;
	s23 =	spop (v2sf);
	[tilespmem:s6+$0x6B00] =	vst.msk vm0, v17  }
0x2ad: {  	vm6 =	vle.f32 v18, s10;
	s4 =	sadd.s32 s4, s23;
	[tilespmem:s6+$0x6D00] =	vst.msk vm0, v19  }
0x2ae: {  	[tilespmem:s4+$0x8F00] =	vst.msk vm6, v18  }
0x2af: {  	[tilespmem:s4+$0x9100] =	vst.msk vm6, v19  }
0x2b0: {  	v17 =	vld [tilespmem:s9+$0x6F70]  }
0x2b1: {  	v18 =	vld [tilespmem:s9+$0x9370];
	_ =	sdelay $0x1  }
0x2b2: {  	v19 =	vmpcnt.ones.xlane vm0;
	_ =	sdelay $0x1  }
0x2b3: {  	(v2sf) =	vpush v19, $0x0;
	v19 =	vmpcnt.ones.xlane vm6;
	vm0 =	vle.f32 v17, s8  }
0x2b4: {  	vm6 =	vle.f32 v18, s10;
	v63 =	vmpcnt.ones.xlane vm0  }
0x2b5: {  	(v2sf) =	vpush v19, $0x0;
	v19 =	vmpcnt.ones.xlane vm6  }
0x2b6: {  	(v2sf) =	vpush v63, $0x0  }
0x2b7: {  	(v2sf) =	vpush v19, $0x0;
	_ =	sdelay $0x9  }
0x2b8: {  	s5 =	sadd.s32 $0x1, s5  }
0x2b9: {  	p0 =	sne.s32 s5, $0x40;
	s24 =	spop (v2sf)  }
.Ltmp11:
0x2ba: {  	s9 =	sor.u32 $0x70, s9;
	s6 =	sadd.s32 s6, s24;
	(pc) =	sbr.rel @!p0 .LBB2_25-.Ltmp11, $4  }
0x2bb: {  	v19 =	vor.u32 s9, v1;
	s25 =	spop (v2sf);
	[tilespmem:s6+$0x6B00] =	vst.msk vm0, v17  }
0x2bc: {  	s4 =	sadd.s32 s4, s25;
	[tilespmem:s6+$0x6D00] =	vst.msk vm0, v19;
	s26 =	spop (v2sf)  }
0x2bd: {  	[tilespmem:s4+$0x8F00] =	vst.msk vm6, v18;
	s28 =	spop (v2sf)  }
0x2be: {  	[tilespmem:s4+$0x9100] =	vst.msk vm6, v19;
	s6 =	sadd.s32 s6, s26;
	s4 =	sadd.s32 s4, s28  }
.LBB2_12:
0x2bf: {  	p0 =	slt.s32 s6, $0x171  }
.Ltmp12:
0x2c0: {  	_ = 	snop;
	(pc) =	sbr.rel @p0 .LBB2_18-.Ltmp12, $1  }
0x2c1: {  	_ =	sdelay $0x3  }
.Ltmp13:
0x2c2: {  	(pc) =	sbr.rel .LBB2_14-.Ltmp13, $3  }
0x2c3: {  	_ =	sdelay $0x1  }
0x2c4: {  	v17 =	vimm.f32 $+Inf  }
0x2c5: {  	v20 =	vimm.s32 $0x0;
	s8 =	simm.s32 $0x0;
	v18 =	vimm.s32 $0x0;
	v19 =	vimm.f32 $+Inf  }
.LBB2_16:
0x2c6: {  	s8 =	sadd.s32 $0x40, s8  }
0x2c7: {  	p0 =	sne.s32 s8, $0x800  }
.Ltmp14:
0x2c8: {  	_ = 	snop;
	(pc) =	sbr.rel @!p0 .LBB2_17-.Ltmp14, $1  }
0x2c9: {  	_ =	sdelay $0x3  }
.LBB2_14:
0x2ca: {  	s9 =	sshra.s32 s8, $0x2  }
0x2cb: {  	v21 =	vld [tilespmem:s9+$0x6B00];
	_ =	sdelay $0x4  }
0x2cc: {  	(xrf0) =	vmin.scan.msk.f32 $0xffff, v21;
	_ =	sdelay $0x5  }
0x2cd: {  	(v2sf) =	vpush v17, $0xF;
	v22, _, _ =	vpop (xrf0)  }
0x2ce: {  	(v2sf) =	vpush v22, $0xF;
	_ =	sdelay $0xd  }
0x2cf: {  	s11 =	spop (v2sf)  }
0x2d0: {  	s12 =	spop (v2sf)  }
0x2d1: {  	p0 =	sle.f32 s12, s11  }
.Ltmp15:
0x2d2: {  	_ = 	snop;
	(pc) =	sbr.rel @!p0 .LBB2_16-.Ltmp15, $1  }
0x2d3: {  	_ =	sdelay $0x3  }
0x2d4: {  	v22 =	vld [tilespmem:s9+$0x6D00];
	_ =	sdelay $0x4  }
0x2d5: {  	v23 =	vperm.xlane v21, v3;
	v24 =	vperm.xlane v22, v3;
	_ =	sdelay $0x1  }
0x2d6: {  	vm0 =	veq.f32 v23, v21;
	vm6 =	vlt.s32 v24, v22  }
0x2d7: {  	vm7 =	vlt.f32 v23, v21;
	vm0 =	vmand vm0, vm6  }
0x2d8: {  	vm0 =	vmor vm7, vm0  }
0x2d9: {  	vm0 =	vmxor vm0, vm3  }
0x2da: {  	v21 =	vsel vm0, v21, v23;
	v22 =	vsel vm0, v22, v24  }
0x2db: {  	v23 =	vperm.xlane v21, v4;
	v24 =	vperm.xlane v22, v4;
	_ =	sdelay $0x1  }
0x2dc: {  	vm0 =	veq.f32 v23, v21;
	vm6 =	vlt.s32 v24, v22  }
0x2dd: {  	vm7 =	vlt.f32 v23, v21;
	vm0 =	vmand vm0, vm6  }
0x2de: {  	vm0 =	vmor vm7, vm0  }
0x2df: {  	vm6 =	vcmask $0x1714;
	vm0 =	vmxor vm0, vm5  }
0x2e0: {  	v21 =	vsel vm0, v21, v23;
	v22 =	vsel vm0, v22, v24;
	vm0 =	vcmask $0xB08  }
0x2e1: {  	v23 =	vperm.xlane v21, v3;
	v24 =	vperm.xlane v22, v3;
	vm0 =	vmor vm10, vm0  }
0x2e2: {  	vm6 =	vmor vm0, vm6  }
0x2e3: {  	vm7 =	veq.f32 v23, v21;
	vm8 =	vlt.s32 v24, v22;
	vm6 =	vmor vm6, vm13  }
0x2e4: {  	vm9 =	vlt.f32 v23, v21;
	vm7 =	vmand vm7, vm8;
	vm6 =	vmor vm6, vm1  }
0x2e5: {  	vm7 =	vmor vm9, vm7;
	vm6 =	vmor vm6, vm15  }
0x2e6: {  	vm6 =	vmxor vm7, vm6  }
0x2e7: {  	v21 =	vsel vm6, v21, v23;
	v22 =	vsel vm6, v22, v24  }
0x2e8: {  	v23 =	vperm.xlane v21, v7;
	v24 =	vperm.xlane v22, v7;
	_ =	sdelay $0x1  }
0x2e9: {  	vm6 =	veq.f32 v23, v21;
	vm7 =	vlt.s32 v24, v22  }
0x2ea: {  	vm8 =	vlt.f32 v23, v21;
	vm6 =	vmand vm6, vm7  }
0x2eb: {  	vm7 =	vcmask $0xF30;
	vm6 =	vmor vm8, vm6  }
0x2ec: {  	vm6 =	vmxor vm6, vm7  }
0x2ed: {  	v21 =	vsel vm6, v21, v23;
	v22 =	vsel vm6, v22, v24  }
0x2ee: {  	v23 =	vperm.xlane v21, v4;
	v24 =	vperm.xlane v22, v4;
	_ =	sdelay $0x1  }
0x2ef: {  	vm9 =	vcmask $0x1710;
	vm6 =	veq.f32 v23, v21;
	vm7 =	vlt.s32 v24, v22  }
0x2f0: {  	vm8 =	vlt.f32 v23, v21;
	vm6 =	vmand vm6, vm7;
	vm7 =	vcmask $0x738  }
0x2f1: {  	vm7 =	vmor vm7, vm9;
	vm6 =	vmor vm8, vm6;
	vm8 =	vcmask $0x2F28  }
0x2f2: {  	vm7 =	vmor vm7, vm8  }
0x2f3: {  	vm6 =	vmxor vm6, vm7  }
0x2f4: {  	v21 =	vsel vm6, v21, v23  }
0x2f5: {  	v22 =	vsel vm6, v22, v24;
	vm6 =	vcmask $0x1310;
	v23 =	vperm.xlane v21, v3  }
0x2f6: {  	v24 =	vperm.xlane v22, v3;
	vm0 =	vmor vm0, vm6;
	vm6 =	vcmask $0x1B18  }
0x2f7: {  	vm0 =	vmor vm0, vm6  }
0x2f8: {  	vm6 =	veq.f32 v23, v21;
	vm7 =	vlt.s32 v24, v22;
	vm0 =	vmor vm0, vm2  }
0x2f9: {  	vm8 =	vlt.f32 v23, v21;
	vm6 =	vmand vm6, vm7;
	vm0 =	vmor vm0, vm4  }
0x2fa: {  	vm6 =	vmor vm8, vm6;
	vm0 =	vmor vm0, vm15  }
0x2fb: {  	vm0 =	vmxor vm6, vm0  }
0x2fc: {  	v21 =	vsel vm0, v21, v23;
	v22 =	vsel vm0, v22, v24  }
0x2fd: {  	v23 =	vperm.xlane v21, v5;
	v24 =	vperm.xlane v22, v5;
	_ =	sdelay $0x1  }
0x2fe: {  	vm0 =	veq.f32 v23, v21;
	vm6 =	vlt.s32 v24, v22  }
0x2ff: {  	vm7 =	vlt.f32 v23, v21;
	vm0 =	vmand vm0, vm6  }
0x300: {  	vm6 =	vmmov $0xff;
	vm0 =	vmor vm7, vm0  }
0x301: {  	vm0 =	vmxor vm0, vm6  }
0x302: {  	v21 =	vsel vm0, v21, v23;
	v22 =	vsel vm0, v22, v24  }
0x303: {  	v23 =	vperm.xlane v21, v7;
	v24 =	vperm.xlane v22, v7;
	_ =	sdelay $0x1  }
0x304: {  	vm0 =	veq.f32 v23, v21;
	vm7 =	vlt.s32 v24, v22  }
0x305: {  	vm8 =	vlt.f32 v23, v21;
	vm0 =	vmand vm0, vm7  }
0x306: {  	vm0 =	vmor vm8, vm0  }
0x307: {  	vm0 =	vmxor vm0, vm11  }
0x308: {  	v21 =	vsel vm0, v21, v23;
	v22 =	vsel vm0, v22, v24  }
0x309: {  	v23 =	vperm.xlane v21, v4;
	v24 =	vperm.xlane v22, v4;
	_ =	sdelay $0x1  }
0x30a: {  	vm0 =	veq.f32 v23, v21;
	vm7 =	vlt.s32 v24, v22  }
0x30b: {  	vm8 =	vlt.f32 v23, v21;
	vm0 =	vmand vm0, vm7  }
0x30c: {  	vm0 =	vmor vm8, vm0  }
0x30d: {  	vm0 =	vmxor vm0, vm12  }
0x30e: {  	v21 =	vsel vm0, v21, v23;
	v22 =	vsel vm0, v22, v24  }
0x30f: {  	v23 =	vperm.xlane v21, v3;
	v24 =	vperm.xlane v22, v3;
	_ =	sdelay $0x1  }
0x310: {  	vm0 =	veq.f32 v23, v21;
	vm7 =	vlt.s32 v24, v22  }
0x311: {  	vm8 =	vlt.f32 v23, v21;
	vm0 =	vmand vm0, vm7  }
0x312: {  	v25 =	vmul.u32 $0xFFFFFFFF, v1;
	vm0 =	vmor vm8, vm0  }
0x313: {  	vm0 =	vmxor vm0, vm14  }
0x314: {  	v21 =	vsel vm0, v21, v23;
	v22 =	vsel vm0, v22, v24;
	v23 =	vadd.s32 $0xF, v25  }
0x315: {  	v21 =	vperm.xlane v21, v23;
	v22 =	vperm.xlane v22, v23;
	_ =	sdelay $0x1  }
0x316: {  	vm0 =	veq.f32 v21, v17;
	vm7 =	vlt.s32 v22, v20  }
0x317: {  	vm8 =	vlt.f32 v21, v17;
	vm0 =	vmand vm0, vm7  }
0x318: {  	vm0 =	vmor vm8, vm0  }
0x319: {  	v17 =	vsel vm0, v21, v17;
	v20 =	vsel vm0, v22, v20  }
0x31a: {  	vm0 =	veq.f32 v17, v19;
	vm7 =	vlt.s32 v20, v18  }
0x31b: {  	vm8 =	vlt.f32 v17, v19;
	vm0 =	vmand vm0, vm7  }
0x31c: {  	vm0 =	vmor vm8, vm0  }
0x31d: {  	v21 =	vsel vm0, v17, v19;
	v22 =	vsel vm0, v20, v18;
	v17 =	vsel vm0, v19, v17  }
0x31e: {  	v18 =	vsel vm0, v18, v20;
	v19 =	vperm.xlane v21, v5;
	v20 =	vperm.xlane v22, v5  }
0x31f: {  	v23 =	vperm.xlane v17, v5;
	v63 =	vperm.xlane v18, v5  }
0x320: {  	vm0 =	veq.f32 v19, v21;
	vm7 =	vlt.s32 v20, v22  }
0x321: {  	vm8 =	vlt.s32 v63, v18;
	vm0 =	vmand vm0, vm7;
	vm7 =	veq.f32 v23, v17  }
0x322: {  	vm9 =	vlt.f32 v19, v21;
	vm7 =	vmand vm7, vm8;
	vm8 =	vlt.f32 v23, v17  }
0x323: {  	vm0 =	vmor vm9, vm0;
	vm7 =	vmor vm8, vm7  }
0x324: {  	vm0 =	vmxor vm0, vm6;
	vm6 =	vmxor vm7, vm6  }
0x325: {  	v19 =	vsel vm0, v21, v19;
	v20 =	vsel vm0, v22, v20;
	v17 =	vsel vm6, v17, v23  }
0x326: {  	v18 =	vsel vm6, v18, v63;
	v21 =	vperm.xlane v19, v7;
	v22 =	vperm.xlane v20, v7  }
0x327: {  	v23 =	vperm.xlane v17, v7;
	v24 =	vperm.xlane v18, v7  }
0x328: {  	vm0 =	veq.f32 v21, v19;
	vm6 =	vlt.s32 v22, v20  }
0x329: {  	vm0 =	vmand vm0, vm6;
	vm6 =	veq.f32 v23, v17;
	vm7 =	vlt.s32 v24, v18  }
0x32a: {  	vm8 =	vlt.f32 v21, v19;
	vm6 =	vmand vm6, vm7;
	vm7 =	vlt.f32 v23, v17  }
0x32b: {  	vm0 =	vmor vm8, vm0;
	vm6 =	vmor vm7, vm6  }
0x32c: {  	vm0 =	vmxor vm0, vm11;
	vm6 =	vmxor vm6, vm11  }
0x32d: {  	v19 =	vsel vm0, v19, v21;
	v20 =	vsel vm0, v20, v22;
	v17 =	vsel vm6, v17, v23  }
0x32e: {  	v18 =	vsel vm6, v18, v24;
	v21 =	vperm.xlane v19, v4;
	v22 =	vperm.xlane v20, v4  }
0x32f: {  	v23 =	vperm.xlane v17, v4;
	v24 =	vperm.xlane v18, v4  }
0x330: {  	vm0 =	veq.f32 v21, v19;
	vm6 =	vlt.s32 v22, v20  }
0x331: {  	vm0 =	vmand vm0, vm6;
	vm6 =	veq.f32 v23, v17;
	vm7 =	vlt.s32 v24, v18  }
0x332: {  	vm8 =	vlt.f32 v21, v19;
	vm6 =	vmand vm6, vm7;
	vm7 =	vlt.f32 v23, v17  }
0x333: {  	vm0 =	vmor vm8, vm0;
	vm6 =	vmor vm7, vm6  }
0x334: {  	vm0 =	vmxor vm0, vm12;
	vm6 =	vmxor vm6, vm12  }
0x335: {  	v19 =	vsel vm0, v19, v21;
	v20 =	vsel vm0, v20, v22;
	v17 =	vsel vm6, v17, v23  }
0x336: {  	v21 =	vsel vm6, v18, v24;
	v18 =	vperm.xlane v19, v3;
	v22 =	vperm.xlane v20, v3  }
0x337: {  	v23 =	vperm.xlane v17, v3;
	v24 =	vperm.xlane v21, v3  }
0x338: {  	vm0 =	vlt.f32 v18, v19;
	vm6 =	veq.f32 v18, v19;
	vm7 =	vlt.s32 v22, v20  }
.Ltmp16:
0x339: {  	vm6 =	vmand vm6, vm7;
	vm7 =	veq.f32 v23, v17;
	vm8 =	vlt.s32 v24, v21;
	(pc) =	sbr.rel .LBB2_16-.Ltmp16, $4  }
0x33a: {  	vm0 =	vmor vm0, vm6;
	vm6 =	vmand vm7, vm8;
	vm7 =	vlt.f32 v23, v17  }
0x33b: {  	vm6 =	vmor vm7, vm6;
	vm0 =	vmxor vm0, vm14  }
0x33c: {  	v19 =	vsel vm0, v19, v18;
	vm6 =	vmxor vm6, vm14  }
0x33d: {  	v18 =	vsel vm0, v20, v22;
	v17 =	vsel vm6, v17, v23;
	v20 =	vsel vm6, v21, v24  }
.LBB2_17:
0x33e: {  	[tilespmem:$0x6B00] =	vst v19  }
0x33f: {  	[tilespmem:$0x6D00] =	vst v18  }
0x340: {  	[tilespmem:$0x6B10] =	vst v17  }
0x341: {  	[tilespmem:$0x6D10] =	vst v20  }
0x342: {  	[tilespmem:$0x6B20] =	vst v2  }
0x343: {  	[tilespmem:$0x6B30] =	vst v2  }
0x344: {  	[tilespmem:$0x6B40] =	vst v2  }
0x345: {  	[tilespmem:$0x6B50] =	vst v2  }
0x346: {  	[tilespmem:$0x6B60] =	vst v2  }
0x347: {  	[tilespmem:$0x6B70] =	vst v2  }
0x348: {  	[tilespmem:$0x6B80] =	vst v2  }
0x349: {  	[tilespmem:$0x6B90] =	vst v2  }
0x34a: {  	[tilespmem:$0x6BA0] =	vst v2  }
0x34b: {  	[tilespmem:$0x6BB0] =	vst v2  }
0x34c: {  	[tilespmem:$0x6BC0] =	vst v2  }
0x34d: {  	[tilespmem:$0x6BD0] =	vst v2  }
0x34e: {  	[tilespmem:$0x6BE0] =	vst v2  }
0x34f: {  	[tilespmem:$0x6BF0] =	vst v2  }
0x350: {  	[tilespmem:$0x6C00] =	vst v2;
	(v2sf) =	vpush v17, $0xF  }
0x351: {  	[tilespmem:$0x6C10] =	vst v2  }
0x352: {  	[tilespmem:$0x6C20] =	vst v2  }
0x353: {  	[tilespmem:$0x6C30] =	vst v2  }
0x354: {  	[tilespmem:$0x6C40] =	vst v2  }
0x355: {  	[tilespmem:$0x6C50] =	vst v2  }
0x356: {  	[tilespmem:$0x6C60] =	vst v2  }
0x357: {  	[tilespmem:$0x6C70] =	vst v2  }
0x358: {  	[tilespmem:$0x6C80] =	vst v2  }
0x359: {  	[tilespmem:$0x6C90] =	vst v2  }
0x35a: {  	[tilespmem:$0x6CA0] =	vst v2  }
0x35b: {  	[tilespmem:$0x6CB0] =	vst v2  }
0x35c: {  	[tilespmem:$0x6CC0] =	vst v2  }
0x35d: {  	[tilespmem:$0x6CD0] =	vst v2  }
0x35e: {  	[tilespmem:$0x6CE0] =	vst v2  }
0x35f: {  	[tilespmem:$0x6CF0] =	vst v2;
	s8 =	spop (v2sf)  }
.LBB2_18:
0x360: {  	p0 =	slt.s32 s4, $0x171  }
.Ltmp17:
0x361: {  	_ = 	snop;
	(pc) =	sbr.rel @p0 .LBB2_24-.Ltmp17, $1  }
0x362: {  	_ =	sdelay $0x3  }
.Ltmp18:
0x363: {  	(pc) =	sbr.rel .LBB2_20-.Ltmp18, $3  }
0x364: {  	_ =	sdelay $0x1  }
0x365: {  	v17 =	vimm.f32 $+Inf  }
0x366: {  	v20 =	vimm.s32 $0x0;
	s9 =	simm.s32 $0x0;
	v18 =	vimm.s32 $0x0;
	v19 =	vimm.f32 $+Inf  }
.LBB2_22:
0x367: {  	s9 =	sadd.s32 $0x40, s9  }
0x368: {  	p0 =	sne.s32 s9, $0x800  }
.Ltmp19:
0x369: {  	_ = 	snop;
	(pc) =	sbr.rel @!p0 .LBB2_23-.Ltmp19, $1  }
0x36a: {  	_ =	sdelay $0x3  }
.LBB2_20:
0x36b: {  	s10 =	sshra.s32 s9, $0x2  }
0x36c: {  	v21 =	vld [tilespmem:s10+$0x8F00];
	_ =	sdelay $0x4  }
0x36d: {  	(xrf0) =	vmin.scan.msk.f32 $0xffff, v21;
	_ =	sdelay $0x5  }
0x36e: {  	(v2sf) =	vpush v17, $0xF;
	v22, _, _ =	vpop (xrf0)  }
0x36f: {  	(v2sf) =	vpush v22, $0xF;
	_ =	sdelay $0xd  }
0x370: {  	s11 =	spop (v2sf)  }
0x371: {  	s12 =	spop (v2sf)  }
0x372: {  	p0 =	sle.f32 s12, s11  }
.Ltmp20:
0x373: {  	_ = 	snop;
	(pc) =	sbr.rel @!p0 .LBB2_22-.Ltmp20, $1  }
0x374: {  	_ =	sdelay $0x3  }
0x375: {  	v22 =	vld [tilespmem:s10+$0x9100];
	_ =	sdelay $0x4  }
0x376: {  	v23 =	vperm.xlane v21, v3;
	v24 =	vperm.xlane v22, v3;
	_ =	sdelay $0x1  }
0x377: {  	vm0 =	veq.f32 v23, v21;
	vm6 =	vlt.s32 v24, v22  }
0x378: {  	vm7 =	vlt.f32 v23, v21;
	vm0 =	vmand vm0, vm6  }
0x379: {  	vm0 =	vmor vm7, vm0  }
0x37a: {  	vm0 =	vmxor vm0, vm3  }
0x37b: {  	v21 =	vsel vm0, v21, v23;
	v22 =	vsel vm0, v22, v24  }
0x37c: {  	v23 =	vperm.xlane v21, v4;
	v24 =	vperm.xlane v22, v4;
	_ =	sdelay $0x1  }
0x37d: {  	vm0 =	veq.f32 v23, v21;
	vm6 =	vlt.s32 v24, v22  }
0x37e: {  	vm7 =	vlt.f32 v23, v21;
	vm0 =	vmand vm0, vm6  }
0x37f: {  	vm0 =	vmor vm7, vm0  }
0x380: {  	vm6 =	vcmask $0x1714;
	vm0 =	vmxor vm0, vm5  }
0x381: {  	v21 =	vsel vm0, v21, v23;
	v22 =	vsel vm0, v22, v24;
	vm0 =	vcmask $0xB08  }
0x382: {  	v23 =	vperm.xlane v21, v3;
	v24 =	vperm.xlane v22, v3;
	vm0 =	vmor vm10, vm0  }
0x383: {  	vm6 =	vmor vm0, vm6  }
0x384: {  	vm7 =	veq.f32 v23, v21;
	vm8 =	vlt.s32 v24, v22;
	vm6 =	vmor vm6, vm13  }
0x385: {  	vm9 =	vlt.f32 v23, v21;
	vm7 =	vmand vm7, vm8;
	vm6 =	vmor vm6, vm1  }
0x386: {  	vm7 =	vmor vm9, vm7;
	vm6 =	vmor vm6, vm15  }
0x387: {  	vm6 =	vmxor vm7, vm6  }
0x388: {  	v21 =	vsel vm6, v21, v23;
	v22 =	vsel vm6, v22, v24  }
0x389: {  	v23 =	vperm.xlane v21, v7;
	v24 =	vperm.xlane v22, v7;
	_ =	sdelay $0x1  }
0x38a: {  	vm6 =	veq.f32 v23, v21;
	vm7 =	vlt.s32 v24, v22  }
0x38b: {  	vm8 =	vlt.f32 v23, v21;
	vm6 =	vmand vm6, vm7  }
0x38c: {  	vm7 =	vcmask $0xF30;
	vm6 =	vmor vm8, vm6  }
0x38d: {  	vm6 =	vmxor vm6, vm7  }
0x38e: {  	v21 =	vsel vm6, v21, v23;
	v22 =	vsel vm6, v22, v24  }
0x38f: {  	v23 =	vperm.xlane v21, v4;
	v24 =	vperm.xlane v22, v4;
	_ =	sdelay $0x1  }
0x390: {  	vm9 =	vcmask $0x1710;
	vm6 =	veq.f32 v23, v21;
	vm7 =	vlt.s32 v24, v22  }
0x391: {  	vm8 =	vlt.f32 v23, v21;
	vm6 =	vmand vm6, vm7;
	vm7 =	vcmask $0x738  }
0x392: {  	vm7 =	vmor vm7, vm9;
	vm6 =	vmor vm8, vm6;
	vm8 =	vcmask $0x2F28  }
0x393: {  	vm7 =	vmor vm7, vm8  }
0x394: {  	vm6 =	vmxor vm6, vm7  }
0x395: {  	v21 =	vsel vm6, v21, v23  }
0x396: {  	v22 =	vsel vm6, v22, v24;
	vm6 =	vcmask $0x1310;
	v23 =	vperm.xlane v21, v3  }
0x397: {  	v24 =	vperm.xlane v22, v3;
	vm0 =	vmor vm0, vm6;
	vm6 =	vcmask $0x1B18  }
0x398: {  	vm0 =	vmor vm0, vm6  }
0x399: {  	vm6 =	veq.f32 v23, v21;
	vm7 =	vlt.s32 v24, v22;
	vm0 =	vmor vm0, vm2  }
0x39a: {  	vm8 =	vlt.f32 v23, v21;
	vm6 =	vmand vm6, vm7;
	vm0 =	vmor vm0, vm4  }
0x39b: {  	vm6 =	vmor vm8, vm6;
	vm0 =	vmor vm0, vm15  }
0x39c: {  	vm0 =	vmxor vm6, vm0  }
0x39d: {  	v21 =	vsel vm0, v21, v23;
	v22 =	vsel vm0, v22, v24  }
0x39e: {  	v23 =	vperm.xlane v21, v5;
	v24 =	vperm.xlane v22, v5;
	_ =	sdelay $0x1  }
0x39f: {  	vm0 =	veq.f32 v23, v21;
	vm6 =	vlt.s32 v24, v22  }
0x3a0: {  	vm7 =	vlt.f32 v23, v21;
	vm0 =	vmand vm0, vm6  }
0x3a1: {  	vm6 =	vmmov $0xff;
	vm0 =	vmor vm7, vm0  }
0x3a2: {  	vm0 =	vmxor vm0, vm6  }
0x3a3: {  	v21 =	vsel vm0, v21, v23;
	v22 =	vsel vm0, v22, v24  }
0x3a4: {  	v23 =	vperm.xlane v21, v7;
	v24 =	vperm.xlane v22, v7;
	_ =	sdelay $0x1  }
0x3a5: {  	vm0 =	veq.f32 v23, v21;
	vm7 =	vlt.s32 v24, v22  }
0x3a6: {  	vm8 =	vlt.f32 v23, v21;
	vm0 =	vmand vm0, vm7  }
0x3a7: {  	vm0 =	vmor vm8, vm0  }
0x3a8: {  	vm0 =	vmxor vm0, vm11  }
0x3a9: {  	v21 =	vsel vm0, v21, v23;
	v22 =	vsel vm0, v22, v24  }
0x3aa: {  	v23 =	vperm.xlane v21, v4;
	v24 =	vperm.xlane v22, v4;
	_ =	sdelay $0x1  }
0x3ab: {  	vm0 =	veq.f32 v23, v21;
	vm7 =	vlt.s32 v24, v22  }
0x3ac: {  	vm8 =	vlt.f32 v23, v21;
	vm0 =	vmand vm0, vm7  }
0x3ad: {  	vm0 =	vmor vm8, vm0  }
0x3ae: {  	vm0 =	vmxor vm0, vm12  }
0x3af: {  	v21 =	vsel vm0, v21, v23;
	v22 =	vsel vm0, v22, v24  }
0x3b0: {  	v23 =	vperm.xlane v21, v3;
	v24 =	vperm.xlane v22, v3;
	_ =	sdelay $0x1  }
0x3b1: {  	vm0 =	veq.f32 v23, v21;
	vm7 =	vlt.s32 v24, v22  }
0x3b2: {  	vm8 =	vlt.f32 v23, v21;
	vm0 =	vmand vm0, vm7  }
0x3b3: {  	v25 =	vmul.u32 $0xFFFFFFFF, v1;
	vm0 =	vmor vm8, vm0  }
0x3b4: {  	vm0 =	vmxor vm0, vm14  }
0x3b5: {  	v21 =	vsel vm0, v21, v23;
	v22 =	vsel vm0, v22, v24;
	v23 =	vadd.s32 $0xF, v25  }
0x3b6: {  	v21 =	vperm.xlane v21, v23;
	v22 =	vperm.xlane v22, v23;
	_ =	sdelay $0x1  }
0x3b7: {  	vm0 =	veq.f32 v21, v17;
	vm7 =	vlt.s32 v22, v20  }
0x3b8: {  	vm8 =	vlt.f32 v21, v17;
	vm0 =	vmand vm0, vm7  }
0x3b9: {  	vm0 =	vmor vm8, vm0  }
0x3ba: {  	v17 =	vsel vm0, v21, v17;
	v20 =	vsel vm0, v22, v20  }
0x3bb: {  	vm0 =	veq.f32 v17, v19;
	vm7 =	vlt.s32 v20, v18  }
0x3bc: {  	vm8 =	vlt.f32 v17, v19;
	vm0 =	vmand vm0, vm7  }
0x3bd: {  	vm0 =	vmor vm8, vm0  }
0x3be: {  	v21 =	vsel vm0, v17, v19;
	v22 =	vsel vm0, v20, v18;
	v17 =	vsel vm0, v19, v17  }
0x3bf: {  	v18 =	vsel vm0, v18, v20;
	v19 =	vperm.xlane v21, v5;
	v20 =	vperm.xlane v22, v5  }
0x3c0: {  	v23 =	vperm.xlane v17, v5;
	v63 =	vperm.xlane v18, v5  }
0x3c1: {  	vm0 =	veq.f32 v19, v21;
	vm7 =	vlt.s32 v20, v22  }
0x3c2: {  	vm8 =	vlt.s32 v63, v18;
	vm0 =	vmand vm0, vm7;
	vm7 =	veq.f32 v23, v17  }
0x3c3: {  	vm9 =	vlt.f32 v19, v21;
	vm7 =	vmand vm7, vm8;
	vm8 =	vlt.f32 v23, v17  }
0x3c4: {  	vm0 =	vmor vm9, vm0;
	vm7 =	vmor vm8, vm7  }
0x3c5: {  	vm0 =	vmxor vm0, vm6;
	vm6 =	vmxor vm7, vm6  }
0x3c6: {  	v19 =	vsel vm0, v21, v19;
	v20 =	vsel vm0, v22, v20;
	v17 =	vsel vm6, v17, v23  }
0x3c7: {  	v18 =	vsel vm6, v18, v63;
	v21 =	vperm.xlane v19, v7;
	v22 =	vperm.xlane v20, v7  }
0x3c8: {  	v23 =	vperm.xlane v17, v7;
	v24 =	vperm.xlane v18, v7  }
0x3c9: {  	vm0 =	veq.f32 v21, v19;
	vm6 =	vlt.s32 v22, v20  }
0x3ca: {  	vm0 =	vmand vm0, vm6;
	vm6 =	veq.f32 v23, v17;
	vm7 =	vlt.s32 v24, v18  }
0x3cb: {  	vm8 =	vlt.f32 v21, v19;
	vm6 =	vmand vm6, vm7;
	vm7 =	vlt.f32 v23, v17  }
0x3cc: {  	vm0 =	vmor vm8, vm0;
	vm6 =	vmor vm7, vm6  }
0x3cd: {  	vm0 =	vmxor vm0, vm11;
	vm6 =	vmxor vm6, vm11  }
0x3ce: {  	v19 =	vsel vm0, v19, v21;
	v20 =	vsel vm0, v20, v22;
	v17 =	vsel vm6, v17, v23  }
0x3cf: {  	v18 =	vsel vm6, v18, v24;
	v21 =	vperm.xlane v19, v4;
	v22 =	vperm.xlane v20, v4  }
0x3d0: {  	v23 =	vperm.xlane v17, v4;
	v24 =	vperm.xlane v18, v4  }
0x3d1: {  	vm0 =	veq.f32 v21, v19;
	vm6 =	vlt.s32 v22, v20  }
0x3d2: {  	vm0 =	vmand vm0, vm6;
	vm6 =	veq.f32 v23, v17;
	vm7 =	vlt.s32 v24, v18  }
0x3d3: {  	vm8 =	vlt.f32 v21, v19;
	vm6 =	vmand vm6, vm7;
	vm7 =	vlt.f32 v23, v17  }
0x3d4: {  	vm0 =	vmor vm8, vm0;
	vm6 =	vmor vm7, vm6  }
0x3d5: {  	vm0 =	vmxor vm0, vm12;
	vm6 =	vmxor vm6, vm12  }
0x3d6: {  	v19 =	vsel vm0, v19, v21;
	v20 =	vsel vm0, v20, v22;
	v17 =	vsel vm6, v17, v23  }
0x3d7: {  	v21 =	vsel vm6, v18, v24;
	v18 =	vperm.xlane v19, v3;
	v22 =	vperm.xlane v20, v3  }
0x3d8: {  	v23 =	vperm.xlane v17, v3;
	v24 =	vperm.xlane v21, v3  }
0x3d9: {  	vm0 =	vlt.f32 v18, v19;
	vm6 =	veq.f32 v18, v19;
	vm7 =	vlt.s32 v22, v20  }
.Ltmp21:
0x3da: {  	vm6 =	vmand vm6, vm7;
	vm7 =	veq.f32 v23, v17;
	vm8 =	vlt.s32 v24, v21;
	(pc) =	sbr.rel .LBB2_22-.Ltmp21, $4  }
0x3db: {  	vm0 =	vmor vm0, vm6;
	vm6 =	vmand vm7, vm8;
	vm7 =	vlt.f32 v23, v17  }
0x3dc: {  	vm6 =	vmor vm7, vm6;
	vm0 =	vmxor vm0, vm14  }
0x3dd: {  	v19 =	vsel vm0, v19, v18;
	vm6 =	vmxor vm6, vm14  }
0x3de: {  	v18 =	vsel vm0, v20, v22;
	v17 =	vsel vm6, v17, v23;
	v20 =	vsel vm6, v21, v24  }
.LBB2_25:
0x3df: {  	s5 =	sadd.s32 $0xF, s6  }
0x3e0: {  	s6 =	sand.u32 $0xF, s5  }
0x3e1: {  	s28 =	sshra.s32 s5, $0x1F;
	p1 =	slt.s32 s5, $0x1;
	p0 =	sne.s32 s6, $0x0  }
0x3e2: {  	s6 =	sshrl.u32 s28, $0x1C;
	p0 =	por !p1, !p0  }
0x3e3: {  	s5 =	sadd.s32 s6, s5;
	s6 =	simm.s32 $0x1;
	p0 =	por !p0, !p0  }
0x3e4: {  	s5 =	sshra.s32 s5, $0x4;
	s6 =	simm.s32 @!p0 $0x0  }
0x3e5: {  	s5 =	ssub.s32 s5, s6  }
0x3e6: {  	p0 =	slt.s32 s5, $0x1  }
.Ltmp22:
0x3e7: {  	_ = 	snop;
	(pc) =	sbr.rel @p0 .LBB2_30-.Ltmp22, $2  }
0x3e8: {  	_ =	sdelay $0x2  }
0x3e9: {  	v17 =	vimm.s32 $0x0;
	v18 =	vimm.s32 $0x0;
	v19 =	vimm.s32 $0x0  }
.Ltmp23:
0x3ea: {  	(pc) =	sbr.rel .LBB2_27-.Ltmp23, $3  }
0x3eb: {  	_ =	sdelay $0x1  }
0x3ec: {  	v21 =	vimm.f32 $+Inf  }
0x3ed: {  	s6 =	simm.s32 $0x6B00;
	s8 =	simm.s32 $0x6D00;
	v19 =	vimm.s32 $0x0;
	v18 =	vimm.s32 $0x0;
	v20 =	vimm.f32 $+Inf  }
.LBB2_29:
0x3ee: {  	s5 =	sadd.s32 $0xFFFFFFFF, s5  }
0x3ef: {  	p0 =	sne.s32 s5, $0x0  }
.Ltmp24:
0x3f0: {  	_ = 	snop;
	(pc) =	sbr.rel @!p0 .LBB2_30-.Ltmp24, $2  }
0x3f1: {  	_ =	sdelay $0x2  }
0x3f2: {  	s6 =	sadd.s32 $0x10, s6;
	s8 =	sadd.s32 $0x10, s8  }
.LBB2_27:
0x3f3: {  	v22 =	vld [tilespmem:s6+$0x0];
	_ =	sdelay $0x4  }
0x3f4: {  	(xrf0) =	vmin.scan.msk.f32 $0xffff, v22;
	_ =	sdelay $0x5  }
0x3f5: {  	(v2sf) =	vpush v21, $0xF;
	v23, _, _ =	vpop (xrf0)  }
0x3f6: {  	(v2sf) =	vpush v23, $0xF;
	_ =	sdelay $0xd  }
0x3f7: {  	s9 =	spop (v2sf)  }
0x3f8: {  	s10 =	spop (v2sf)  }
0x3f9: {  	p0 =	sle.f32 s10, s9  }
.Ltmp25:
0x3fa: {  	_ = 	snop;
	(pc) =	sbr.rel @!p0 .LBB2_29-.Ltmp25, $1  }
0x3fb: {  	_ =	sdelay $0x3  }
0x3fc: {  	v23 =	vld [tilespmem:s8+$0x0];
	_ =	sdelay $0x4  }
0x3fd: {  	v24 =	vperm.xlane v22, v3;
	v25 =	vperm.xlane v23, v3;
	_ =	sdelay $0x1  }
0x3fe: {  	vm0 =	veq.f32 v24, v22;
	vm6 =	vlt.s32 v25, v23  }
0x3ff: {  	vm7 =	vlt.f32 v24, v22;
	vm0 =	vmand vm0, vm6  }
0x400: {  	vm0 =	vmor vm7, vm0  }
0x401: {  	vm0 =	vmxor vm0, vm3  }
0x402: {  	v22 =	vsel vm0, v22, v24;
	v23 =	vsel vm0, v23, v25  }
0x403: {  	v24 =	vperm.xlane v22, v4;
	v25 =	vperm.xlane v23, v4;
	_ =	sdelay $0x1  }
0x404: {  	vm0 =	veq.f32 v24, v22;
	vm6 =	vlt.s32 v25, v23  }
0x405: {  	vm7 =	vlt.f32 v24, v22;
	vm0 =	vmand vm0, vm6  }
0x406: {  	vm0 =	vmor vm7, vm0  }
0x407: {  	vm6 =	vcmask $0x1714;
	vm0 =	vmxor vm0, vm5  }
0x408: {  	v22 =	vsel vm0, v22, v24;
	v23 =	vsel vm0, v23, v25;
	vm0 =	vcmask $0xB08  }
0x409: {  	v24 =	vperm.xlane v22, v3;
	v25 =	vperm.xlane v23, v3;
	vm0 =	vmor vm10, vm0  }
0x40a: {  	vm6 =	vmor vm0, vm6  }
0x40b: {  	vm7 =	veq.f32 v24, v22;
	vm8 =	vlt.s32 v25, v23;
	vm6 =	vmor vm6, vm13  }
0x40c: {  	vm9 =	vlt.f32 v24, v22;
	vm7 =	vmand vm7, vm8;
	vm6 =	vmor vm6, vm1  }
0x40d: {  	vm7 =	vmor vm9, vm7;
	vm6 =	vmor vm6, vm15  }
0x40e: {  	vm6 =	vmxor vm7, vm6  }
0x40f: {  	v22 =	vsel vm6, v22, v24;
	v23 =	vsel vm6, v23, v25  }
0x410: {  	v24 =	vperm.xlane v22, v7;
	v25 =	vperm.xlane v23, v7;
	_ =	sdelay $0x1  }
0x411: {  	vm6 =	veq.f32 v24, v22;
	vm7 =	vlt.s32 v25, v23  }
0x412: {  	vm8 =	vlt.f32 v24, v22;
	vm6 =	vmand vm6, vm7  }
0x413: {  	vm7 =	vcmask $0xF30;
	vm6 =	vmor vm8, vm6  }
0x414: {  	vm6 =	vmxor vm6, vm7  }
0x415: {  	v22 =	vsel vm6, v22, v24;
	v23 =	vsel vm6, v23, v25  }
0x416: {  	v24 =	vperm.xlane v22, v4;
	v25 =	vperm.xlane v23, v4;
	_ =	sdelay $0x1  }
0x417: {  	vm9 =	vcmask $0x1710;
	vm6 =	veq.f32 v24, v22;
	vm7 =	vlt.s32 v25, v23  }
0x418: {  	vm8 =	vlt.f32 v24, v22;
	vm6 =	vmand vm6, vm7;
	vm7 =	vcmask $0x738  }
0x419: {  	vm7 =	vmor vm7, vm9;
	vm6 =	vmor vm8, vm6;
	vm8 =	vcmask $0x2F28  }
0x41a: {  	vm7 =	vmor vm7, vm8  }
0x41b: {  	vm6 =	vmxor vm6, vm7  }
0x41c: {  	v22 =	vsel vm6, v22, v24  }
0x41d: {  	v23 =	vsel vm6, v23, v25;
	vm6 =	vcmask $0x1310;
	v24 =	vperm.xlane v22, v3  }
0x41e: {  	v25 =	vperm.xlane v23, v3;
	vm0 =	vmor vm0, vm6;
	vm6 =	vcmask $0x1B18  }
0x41f: {  	vm0 =	vmor vm0, vm6  }
0x420: {  	vm6 =	veq.f32 v24, v22;
	vm7 =	vlt.s32 v25, v23;
	vm0 =	vmor vm0, vm2  }
0x421: {  	vm8 =	vlt.f32 v24, v22;
	vm6 =	vmand vm6, vm7;
	vm0 =	vmor vm0, vm4  }
0x422: {  	vm6 =	vmor vm8, vm6;
	vm0 =	vmor vm0, vm15  }
0x423: {  	vm0 =	vmxor vm6, vm0  }
0x424: {  	v22 =	vsel vm0, v22, v24;
	v23 =	vsel vm0, v23, v25  }
0x425: {  	v24 =	vperm.xlane v22, v5;
	v25 =	vperm.xlane v23, v5;
	_ =	sdelay $0x1  }
0x426: {  	vm0 =	veq.f32 v24, v22;
	vm6 =	vlt.s32 v25, v23  }
0x427: {  	vm7 =	vlt.f32 v24, v22;
	vm0 =	vmand vm0, vm6  }
0x428: {  	vm6 =	vmmov $0xff;
	vm0 =	vmor vm7, vm0  }
0x429: {  	vm0 =	vmxor vm0, vm6  }
0x42a: {  	v22 =	vsel vm0, v22, v24;
	v23 =	vsel vm0, v23, v25  }
0x42b: {  	v24 =	vperm.xlane v22, v7;
	v25 =	vperm.xlane v23, v7;
	_ =	sdelay $0x1  }
0x42c: {  	vm0 =	veq.f32 v24, v22;
	vm7 =	vlt.s32 v25, v23  }
0x42d: {  	vm8 =	vlt.f32 v24, v22;
	vm0 =	vmand vm0, vm7  }
0x42e: {  	vm0 =	vmor vm8, vm0  }
0x42f: {  	vm0 =	vmxor vm0, vm11  }
0x430: {  	v22 =	vsel vm0, v22, v24;
	v23 =	vsel vm0, v23, v25  }
0x431: {  	v24 =	vperm.xlane v22, v4;
	v25 =	vperm.xlane v23, v4;
	_ =	sdelay $0x1  }
0x432: {  	vm0 =	veq.f32 v24, v22;
	vm7 =	vlt.s32 v25, v23  }
0x433: {  	vm8 =	vlt.f32 v24, v22;
	vm0 =	vmand vm0, vm7  }
0x434: {  	vm0 =	vmor vm8, vm0  }
0x435: {  	vm0 =	vmxor vm0, vm12  }
0x436: {  	v22 =	vsel vm0, v22, v24;
	v23 =	vsel vm0, v23, v25  }
0x437: {  	v24 =	vperm.xlane v22, v3;
	v25 =	vperm.xlane v23, v3;
	_ =	sdelay $0x1  }
0x438: {  	vm0 =	veq.f32 v24, v22;
	vm7 =	vlt.s32 v25, v23  }
0x439: {  	vm8 =	vlt.f32 v24, v22;
	vm0 =	vmand vm0, vm7  }
0x43a: {  	v26 =	vmul.u32 $0xFFFFFFFF, v1;
	vm0 =	vmor vm8, vm0  }
0x43b: {  	vm0 =	vmxor vm0, vm14  }
0x43c: {  	v58 =	vadd.s32 $0xF, v26;
	v22 =	vsel vm0, v22, v24;
	v23 =	vsel vm0, v23, v25  }
0x43d: {  	v22 =	vperm.xlane v22, v58;
	v23 =	vperm.xlane v23, v58;
	_ =	sdelay $0x1  }
0x43e: {  	vm0 =	veq.f32 v22, v21;
	vm7 =	vlt.s32 v23, v19  }
0x43f: {  	vm8 =	vlt.f32 v22, v21;
	vm0 =	vmand vm0, vm7  }
0x440: {  	vm0 =	vmor vm8, vm0  }
0x441: {  	v21 =	vsel vm0, v22, v21;
	v19 =	vsel vm0, v23, v19  }
0x442: {  	vm0 =	veq.f32 v21, v20;
	vm7 =	vlt.s32 v19, v18  }
0x443: {  	vm8 =	vlt.f32 v21, v20;
	vm0 =	vmand vm0, vm7  }
0x444: {  	vm0 =	vmor vm8, vm0  }
0x445: {  	v22 =	vsel vm0, v21, v20;
	v23 =	vsel vm0, v19, v18;
	v20 =	vsel vm0, v20, v21  }
0x446: {  	v18 =	vsel vm0, v18, v19;
	v19 =	vperm.xlane v22, v5;
	v21 =	vperm.xlane v23, v5  }
0x447: {  	v59 =	vperm.xlane v20, v5;
	v60 =	vperm.xlane v18, v5  }
0x448: {  	vm0 =	veq.f32 v19, v22;
	vm7 =	vlt.s32 v21, v23  }
0x449: {  	vm8 =	vlt.s32 v60, v18;
	vm0 =	vmand vm0, vm7;
	vm7 =	veq.f32 v59, v20  }
0x44a: {  	vm9 =	vlt.f32 v19, v22;
	vm7 =	vmand vm7, vm8;
	vm8 =	vlt.f32 v59, v20  }
0x44b: {  	vm0 =	vmor vm9, vm0;
	vm7 =	vmor vm8, vm7  }
0x44c: {  	vm0 =	vmxor vm0, vm6;
	vm6 =	vmxor vm7, vm6  }
0x44d: {  	v19 =	vsel vm0, v22, v19;
	v21 =	vsel vm0, v23, v21;
	v20 =	vsel vm6, v20, v59  }
0x44e: {  	v18 =	vsel vm6, v18, v60;
	v22 =	vperm.xlane v19, v7;
	v23 =	vperm.xlane v21, v7  }
0x44f: {  	v24 =	vperm.xlane v20, v7;
	v25 =	vperm.xlane v18, v7  }
0x450: {  	vm0 =	veq.f32 v22, v19;
	vm6 =	vlt.s32 v23, v21  }
0x451: {  	vm0 =	vmand vm0, vm6;
	vm6 =	veq.f32 v24, v20;
	vm7 =	vlt.s32 v25, v18  }
0x452: {  	vm8 =	vlt.f32 v22, v19;
	vm6 =	vmand vm6, vm7;
	vm7 =	vlt.f32 v24, v20  }
0x453: {  	vm0 =	vmor vm8, vm0;
	vm6 =	vmor vm7, vm6  }
0x454: {  	vm0 =	vmxor vm0, vm11;
	vm6 =	vmxor vm6, vm11  }
0x455: {  	v19 =	vsel vm0, v19, v22;
	v21 =	vsel vm0, v21, v23;
	v20 =	vsel vm6, v20, v24  }
0x456: {  	v18 =	vsel vm6, v18, v25;
	v22 =	vperm.xlane v19, v4;
	v23 =	vperm.xlane v21, v4  }
0x457: {  	v24 =	vperm.xlane v20, v4;
	v25 =	vperm.xlane v18, v4  }
0x458: {  	vm0 =	veq.f32 v22, v19;
	vm6 =	vlt.s32 v23, v21  }
0x459: {  	vm0 =	vmand vm0, vm6;
	vm6 =	veq.f32 v24, v20;
	vm7 =	vlt.s32 v25, v18  }
0x45a: {  	vm8 =	vlt.f32 v22, v19;
	vm6 =	vmand vm6, vm7;
	vm7 =	vlt.f32 v24, v20  }
0x45b: {  	vm0 =	vmor vm8, vm0;
	vm6 =	vmor vm7, vm6  }
0x45c: {  	vm0 =	vmxor vm0, vm12;
	vm6 =	vmxor vm6, vm12  }
0x45d: {  	v19 =	vsel vm0, v19, v22;
	v21 =	vsel vm0, v21, v23;
	v22 =	vsel vm6, v20, v24  }
0x45e: {  	v23 =	vsel vm6, v18, v25;
	v18 =	vperm.xlane v19, v3;
	v61 =	vperm.xlane v21, v3  }
0x45f: {  	v62 =	vperm.xlane v22, v3;
	v63 =	vperm.xlane v23, v3  }
0x460: {  	vm0 =	vlt.f32 v18, v19;
	vm6 =	veq.f32 v18, v19;
	vm7 =	vlt.s32 v61, v21  }
.Ltmp26:
0x461: {  	vm6 =	vmand vm6, vm7;
	vm7 =	veq.f32 v62, v22;
	vm8 =	vlt.s32 v63, v23;
	(pc) =	sbr.rel .LBB2_29-.Ltmp26, $4  }
0x462: {  	vm0 =	vmor vm0, vm6;
	vm6 =	vmand vm7, vm8;
	vm7 =	vlt.f32 v62, v22  }
0x463: {  	vm6 =	vmor vm7, vm6;
	vm0 =	vmxor vm0, vm14  }
0x464: {  	v20 =	vsel vm0, v19, v18;
	vm6 =	vmxor vm6, vm14  }
0x465: {  	v18 =	vsel vm0, v21, v61;
	v21 =	vsel vm6, v22, v62;
	v19 =	vsel vm6, v23, v63  }
.LBB2_30:
0x466: {  	_ =	sdelay $0x3  }
0x467: {  	v20 =	vld.idx.msk [tilespmem:v18+s2+$0x0], $0xffff;
	_ =	sdelay $0x4  }
0x468: {  	s3 =	sor.u32 s31, s3;
	v20 =	vsub.f32 v20, v15  }
0x469: {  	s3 =	sshll.u32 s3, $0x5  }
0x46a: {  	[tilespmem:s3+$0xB300] =	vst v20  }
0x46b: {  	v20 =	vld.idx.msk [tilespmem:v18+s21+$0x0], $0xffff;
	_ =	sdelay $0x4  }
0x46c: {  	v20 =	vsub.f32 v20, v16;
	_ =	sdelay $0x1  }
0x46d: {  	[tilespmem:s3+$0xC300] =	vst v20  }
0x46e: {  	v18 =	vld.idx.msk [tilespmem:v18+s22+$0x0], $0xffff;
	_ =	sdelay $0x4  }
0x46f: {  	v18 =	vsub.f32 v18, v14;
	_ =	sdelay $0x1  }
0x470: {  	[tilespmem:s3+$0xD300] =	vst v18  }
0x471: {  	v18 =	vld.idx.msk [tilespmem:v19+s2+$0x0], $0xffff;
	_ =	sdelay $0x4  }
0x472: {  	v15 =	vsub.f32 v18, v15;
	_ =	sdelay $0x1  }
0x473: {  	[tilespmem:s3+$0xB310] =	vst v15  }
0x474: {  	v15 =	vld.idx.msk [tilespmem:v19+s21+$0x0], $0xffff;
	_ =	sdelay $0x2  }
0x475: {  	s4 =	sadd.s32 $0xF, s4  }
0x476: {  	s5 =	sand.u32 $0xF, s4  }
0x477: {  	s28 =	sshra.s32 s4, $0x1F;
	p1 =	slt.s32 s4, $0x1;
	p0 =	sne.s32 s5, $0x0;
	v15 =	vsub.f32 v15, v16  }
0x478: {  	s5 =	sshrl.u32 s28, $0x1C;
	p0 =	por !p1, !p0  }
0x479: {  	s4 =	sadd.s32 s5, s4;
	s5 =	simm.s32 $0x1;
	p0 =	por !p0, !p0;
	[tilespmem:s3+$0xC310] =	vst v15  }
0x47a: {  	s4 =	sshra.s32 s4, $0x4;
	s5 =	simm.s32 @!p0 $0x0;
	v15 =	vld.idx.msk [tilespmem:v19+s22+$0x0], $0xffff  }
0x47b: {  	s4 =	ssub.s32 s4, s5  }
0x47c: {  	p0 =	slt.s32 s4, $0x1  }
.Ltmp27:
0x47d: {  	_ = 	snop;
	(pc) =	sbr.rel @p0 .LBB2_31-.Ltmp27, $3  }
0x47e: {  	_ = 	snop  }
0x47f: {  	v14 =	vsub.f32 v15, v14;
	_ =	sdelay $0x1  }
0x480: {  	[tilespmem:s3+$0xD310] =	vst v14  }
.Ltmp28:
0x481: {  	(pc) =	sbr.rel .LBB2_33-.Ltmp28, $2  }
0x482: {  	_ =	sdelay $0x2  }
0x483: {  	v16 =	vimm.f32 $+Inf;
	s5 =	simm.s32 $0x8F00;
	s6 =	simm.s32 $0x9100;
	v14 =	vimm.s32 $0x0;
	v15 =	vimm.f32 $+Inf  }
.LBB2_35:
0x484: {  	s4 =	sadd.s32 $0xFFFFFFFF, s4  }
0x485: {  	p0 =	sne.s32 s4, $0x0  }
.Ltmp29:
0x486: {  	_ = 	snop;
	(pc) =	sbr.rel @!p0 .LBB2_36-.Ltmp29, $2  }
0x487: {  	_ =	sdelay $0x2  }
0x488: {  	s5 =	sadd.s32 $0x10, s5;
	s6 =	sadd.s32 $0x10, s6  }
.LBB2_33:
0x489: {  	v18 =	vld [tilespmem:s5+$0x0];
	_ =	sdelay $0x4  }
0x48a: {  	(xrf0) =	vmin.scan.msk.f32 $0xffff, v18;
	_ =	sdelay $0x5  }
0x48b: {  	(v2sf) =	vpush v16, $0xF;
	v19, _, _ =	vpop (xrf0)  }
0x48c: {  	(v2sf) =	vpush v19, $0xF;
	_ =	sdelay $0xd  }
0x48d: {  	s8 =	spop (v2sf)  }
0x48e: {  	s9 =	spop (v2sf)  }
0x48f: {  	p0 =	sle.f32 s9, s8  }
.Ltmp30:
0x490: {  	_ = 	snop;
	(pc) =	sbr.rel @!p0 .LBB2_35-.Ltmp30, $1  }
0x491: {  	_ =	sdelay $0x3  }
0x492: {  	v19 =	vld [tilespmem:s6+$0x0];
	_ =	sdelay $0x4  }
0x493: {  	v20 =	vperm.xlane v18, v3;
	v21 =	vperm.xlane v19, v3;
	_ =	sdelay $0x1  }
0x494: {  	vm0 =	veq.f32 v20, v18;
	vm6 =	vlt.s32 v21, v19  }
0x495: {  	vm7 =	vlt.f32 v20, v18;
	vm0 =	vmand vm0, vm6  }
0x496: {  	vm0 =	vmor vm7, vm0  }
0x497: {  	vm0 =	vmxor vm0, vm3  }
0x498: {  	v18 =	vsel vm0, v18, v20;
	v19 =	vsel vm0, v19, v21  }
0x499: {  	v20 =	vperm.xlane v18, v4;
	v21 =	vperm.xlane v19, v4;
	_ =	sdelay $0x1  }
0x49a: {  	vm0 =	veq.f32 v20, v18;
	vm6 =	vlt.s32 v21, v19  }
0x49b: {  	vm7 =	vlt.f32 v20, v18;
	vm0 =	vmand vm0, vm6  }
0x49c: {  	vm0 =	vmor vm7, vm0  }
0x49d: {  	vm6 =	vcmask $0x1714;
	vm0 =	vmxor vm0, vm5  }
0x49e: {  	v18 =	vsel vm0, v18, v20;
	v19 =	vsel vm0, v19, v21;
	vm0 =	vcmask $0xB08  }
0x49f: {  	v20 =	vperm.xlane v18, v3;
	v21 =	vperm.xlane v19, v3;
	vm0 =	vmor vm10, vm0  }
0x4a0: {  	vm6 =	vmor vm0, vm6  }
0x4a1: {  	vm7 =	veq.f32 v20, v18;
	vm8 =	vlt.s32 v21, v19;
	vm6 =	vmor vm6, vm13  }
0x4a2: {  	vm9 =	vlt.f32 v20, v18;
	vm7 =	vmand vm7, vm8;
	vm6 =	vmor vm6, vm1  }
0x4a3: {  	vm7 =	vmor vm9, vm7;
	vm6 =	vmor vm6, vm15  }
0x4a4: {  	vm6 =	vmxor vm7, vm6  }
0x4a5: {  	v18 =	vsel vm6, v18, v20;
	v19 =	vsel vm6, v19, v21  }
0x4a6: {  	v20 =	vperm.xlane v18, v7;
	v21 =	vperm.xlane v19, v7;
	_ =	sdelay $0x1  }
0x4a7: {  	vm6 =	veq.f32 v20, v18;
	vm7 =	vlt.s32 v21, v19  }
0x4a8: {  	vm8 =	vlt.f32 v20, v18;
	vm6 =	vmand vm6, vm7  }
0x4a9: {  	vm7 =	vcmask $0xF30;
	vm6 =	vmor vm8, vm6  }
0x4aa: {  	vm6 =	vmxor vm6, vm7  }
0x4ab: {  	v18 =	vsel vm6, v18, v20;
	v19 =	vsel vm6, v19, v21  }
0x4ac: {  	v20 =	vperm.xlane v18, v4;
	v21 =	vperm.xlane v19, v4;
	_ =	sdelay $0x1  }
0x4ad: {  	vm9 =	vcmask $0x1710;
	vm6 =	veq.f32 v20, v18;
	vm7 =	vlt.s32 v21, v19  }
0x4ae: {  	vm8 =	vlt.f32 v20, v18;
	vm6 =	vmand vm6, vm7;
	vm7 =	vcmask $0x738  }
0x4af: {  	vm7 =	vmor vm7, vm9;
	vm6 =	vmor vm8, vm6;
	vm8 =	vcmask $0x2F28  }
0x4b0: {  	vm7 =	vmor vm7, vm8  }
0x4b1: {  	vm6 =	vmxor vm6, vm7  }
0x4b2: {  	v18 =	vsel vm6, v18, v20  }
0x4b3: {  	v19 =	vsel vm6, v19, v21;
	vm6 =	vcmask $0x1310;
	v20 =	vperm.xlane v18, v3  }
0x4b4: {  	v21 =	vperm.xlane v19, v3;
	vm0 =	vmor vm0, vm6;
	vm6 =	vcmask $0x1B18  }
0x4b5: {  	vm0 =	vmor vm0, vm6  }
0x4b6: {  	vm6 =	veq.f32 v20, v18;
	vm7 =	vlt.s32 v21, v19;
	vm0 =	vmor vm0, vm2  }
0x4b7: {  	vm8 =	vlt.f32 v20, v18;
	vm6 =	vmand vm6, vm7;
	vm0 =	vmor vm0, vm4  }
0x4b8: {  	vm6 =	vmor vm8, vm6;
	vm0 =	vmor vm0, vm15  }
0x4b9: {  	vm0 =	vmxor vm6, vm0  }
0x4ba: {  	v18 =	vsel vm0, v18, v20;
	v19 =	vsel vm0, v19, v21  }
0x4bb: {  	v20 =	vperm.xlane v18, v5;
	v21 =	vperm.xlane v19, v5;
	_ =	sdelay $0x1  }
0x4bc: {  	vm0 =	veq.f32 v20, v18;
	vm6 =	vlt.s32 v21, v19  }
0x4bd: {  	vm7 =	vlt.f32 v20, v18;
	vm0 =	vmand vm0, vm6  }
0x4be: {  	vm6 =	vmmov $0xff;
	vm0 =	vmor vm7, vm0  }
0x4bf: {  	vm0 =	vmxor vm0, vm6  }
0x4c0: {  	v18 =	vsel vm0, v18, v20;
	v19 =	vsel vm0, v19, v21  }
0x4c1: {  	v20 =	vperm.xlane v18, v7;
	v21 =	vperm.xlane v19, v7;
	_ =	sdelay $0x1  }
0x4c2: {  	vm0 =	veq.f32 v20, v18;
	vm7 =	vlt.s32 v21, v19  }
0x4c3: {  	vm8 =	vlt.f32 v20, v18;
	vm0 =	vmand vm0, vm7  }
0x4c4: {  	vm0 =	vmor vm8, vm0  }
0x4c5: {  	vm0 =	vmxor vm0, vm11  }
0x4c6: {  	v18 =	vsel vm0, v18, v20;
	v19 =	vsel vm0, v19, v21  }
0x4c7: {  	v20 =	vperm.xlane v18, v4;
	v21 =	vperm.xlane v19, v4;
	_ =	sdelay $0x1  }
0x4c8: {  	vm0 =	veq.f32 v20, v18;
	vm7 =	vlt.s32 v21, v19  }
0x4c9: {  	vm8 =	vlt.f32 v20, v18;
	vm0 =	vmand vm0, vm7  }
0x4ca: {  	vm0 =	vmor vm8, vm0  }
0x4cb: {  	vm0 =	vmxor vm0, vm12  }
0x4cc: {  	v18 =	vsel vm0, v18, v20;
	v19 =	vsel vm0, v19, v21  }
0x4cd: {  	v20 =	vperm.xlane v18, v3;
	v21 =	vperm.xlane v19, v3;
	_ =	sdelay $0x1  }
0x4ce: {  	vm0 =	veq.f32 v20, v18;
	vm7 =	vlt.s32 v21, v19  }
0x4cf: {  	vm8 =	vlt.f32 v20, v18;
	vm0 =	vmand vm0, vm7  }
0x4d0: {  	v22 =	vmul.u32 $0xFFFFFFFF, v1;
	vm0 =	vmor vm8, vm0  }
0x4d1: {  	vm0 =	vmxor vm0, vm14  }
0x4d2: {  	v58 =	vadd.s32 $0xF, v22;
	v18 =	vsel vm0, v18, v20;
	v19 =	vsel vm0, v19, v21  }
0x4d3: {  	v18 =	vperm.xlane v18, v58;
	v19 =	vperm.xlane v19, v58;
	_ =	sdelay $0x1  }
0x4d4: {  	vm0 =	veq.f32 v18, v16;
	vm7 =	vlt.s32 v19, v17  }
0x4d5: {  	vm8 =	vlt.f32 v18, v16;
	vm0 =	vmand vm0, vm7  }
0x4d6: {  	vm0 =	vmor vm8, vm0  }
0x4d7: {  	v16 =	vsel vm0, v18, v16;
	v17 =	vsel vm0, v19, v17  }
0x4d8: {  	vm0 =	veq.f32 v16, v15;
	vm7 =	vlt.s32 v17, v14  }
0x4d9: {  	vm8 =	vlt.f32 v16, v15;
	vm0 =	vmand vm0, vm7  }
0x4da: {  	vm0 =	vmor vm8, vm0  }
0x4db: {  	v18 =	vsel vm0, v16, v15;
	v19 =	vsel vm0, v17, v14;
	v15 =	vsel vm0, v15, v16  }
0x4dc: {  	v14 =	vsel vm0, v14, v17;
	v16 =	vperm.xlane v18, v5;
	v17 =	vperm.xlane v19, v5  }
0x4dd: {  	v59 =	vperm.xlane v15, v5;
	v60 =	vperm.xlane v14, v5  }
0x4de: {  	vm0 =	veq.f32 v16, v18;
	vm7 =	vlt.s32 v17, v19  }
0x4df: {  	vm8 =	vlt.s32 v60, v14;
	vm0 =	vmand vm0, vm7;
	vm7 =	veq.f32 v59, v15  }
0x4e0: {  	vm9 =	vlt.f32 v16, v18;
	vm7 =	vmand vm7, vm8;
	vm8 =	vlt.f32 v59, v15  }
0x4e1: {  	vm0 =	vmor vm9, vm0;
	vm7 =	vmor vm8, vm7  }
0x4e2: {  	vm0 =	vmxor vm0, vm6;
	vm6 =	vmxor vm7, vm6  }
0x4e3: {  	v16 =	vsel vm0, v18, v16;
	v17 =	vsel vm0, v19, v17;
	v15 =	vsel vm6, v15, v59  }
0x4e4: {  	v14 =	vsel vm6, v14, v60;
	v18 =	vperm.xlane v16, v7;
	v19 =	vperm.xlane v17, v7  }
0x4e5: {  	v20 =	vperm.xlane v15, v7;
	v21 =	vperm.xlane v14, v7  }
0x4e6: {  	vm0 =	veq.f32 v18, v16;
	vm6 =	vlt.s32 v19, v17  }
0x4e7: {  	vm0 =	vmand vm0, vm6;
	vm6 =	veq.f32 v20, v15;
	vm7 =	vlt.s32 v21, v14  }
0x4e8: {  	vm8 =	vlt.f32 v18, v16;
	vm6 =	vmand vm6, vm7;
	vm7 =	vlt.f32 v20, v15  }
0x4e9: {  	vm0 =	vmor vm8, vm0;
	vm6 =	vmor vm7, vm6  }
0x4ea: {  	vm0 =	vmxor vm0, vm11;
	vm6 =	vmxor vm6, vm11  }
0x4eb: {  	v16 =	vsel vm0, v16, v18;
	v17 =	vsel vm0, v17, v19;
	v15 =	vsel vm6, v15, v20  }
0x4ec: {  	v14 =	vsel vm6, v14, v21;
	v18 =	vperm.xlane v16, v4;
	v19 =	vperm.xlane v17, v4  }
0x4ed: {  	v20 =	vperm.xlane v15, v4;
	v21 =	vperm.xlane v14, v4  }
0x4ee: {  	vm0 =	veq.f32 v18, v16;
	vm6 =	vlt.s32 v19, v17  }
0x4ef: {  	vm0 =	vmand vm0, vm6;
	vm6 =	veq.f32 v20, v15;
	vm7 =	vlt.s32 v21, v14  }
0x4f0: {  	vm8 =	vlt.f32 v18, v16;
	vm6 =	vmand vm6, vm7;
	vm7 =	vlt.f32 v20, v15  }
0x4f1: {  	vm0 =	vmor vm8, vm0;
	vm6 =	vmor vm7, vm6  }
0x4f2: {  	vm0 =	vmxor vm0, vm12;
	vm6 =	vmxor vm6, vm12  }
0x4f3: {  	v16 =	vsel vm0, v16, v18;
	v17 =	vsel vm0, v17, v19;
	v18 =	vsel vm6, v15, v20  }
0x4f4: {  	v19 =	vsel vm6, v14, v21;
	v14 =	vperm.xlane v16, v3;
	v61 =	vperm.xlane v17, v3  }
0x4f5: {  	v62 =	vperm.xlane v18, v3;
	v63 =	vperm.xlane v19, v3  }
0x4f6: {  	vm0 =	vlt.f32 v14, v16;
	vm6 =	veq.f32 v14, v16;
	vm7 =	vlt.s32 v61, v17  }
.Ltmp31:
0x4f7: {  	vm6 =	vmand vm6, vm7;
	vm7 =	veq.f32 v62, v18;
	vm8 =	vlt.s32 v63, v19;
	(pc) =	sbr.rel .LBB2_35-.Ltmp31, $4  }
0x4f8: {  	vm0 =	vmor vm0, vm6;
	vm6 =	vmand vm7, vm8;
	vm7 =	vlt.f32 v62, v18  }
0x4f9: {  	vm6 =	vmor vm7, vm6;
	vm0 =	vmxor vm0, vm14  }
0x4fa: {  	v15 =	vsel vm0, v16, v14;
	vm6 =	vmxor vm6, vm14  }
0x4fb: {  	v14 =	vsel vm0, v17, v61;
	v16 =	vsel vm6, v18, v62;
	v17 =	vsel vm6, v19, v63  }
.LBB2_39:
0x4fc: {  	_ =	sfence.sel $0x180000  }
0x4fd: {  	[bflag:$0x0] =	sbarrier.arrive $0xFFFF  }
0x4fe: {  	_ =	strace $0x90000047  }
0x4ff: {  	s0 =	stileid.u32;
	[bflag:$0x2] =	sbarrier.arrive $0xFFFF  }
0x500: {  	p0 =	sne.s32 s0, $0x0;
	s0 =	rddreg [dreg:$0x6]  }
0x501: {  	s0 =	sadd.s32 @!p0 $0x100000, s0  }
0x502: {  	[sflag:s0] =	ssyncadd.tile.s32 @!p0 $0x1;
	_ =	shalt  }
.Lfunc_end2:
_tile_overlayer_lowered:
.L_overlay_start_2:
0x503: {  	(tag) =	ssettag $0x2  }
0x504: {  	s0 =	rddreg [dreg:$0x0];
	s2 =	stileid.u32  }
0x505: {  	s1 =	rddreg [dreg:$0x1];
	p0 =	sne.s32 s2, $0x0  }
0x506: {  	s3 =	rddreg [dreg:$0x2];
	[bflag:$0x3] =	sbarrier.arrive $0xFFFF;
	s2 =	simm.s32 @!p0 $0x1C01  }
0x507: {  	[timem:s3], [sflag:s2] =	dma.local @!p0 [hbm:s0], s1  }
0x508: {  	s0 =	simm.s32 @!p0 $0x1  }
0x509: {  	_ =	swait.ge @!p0 [sflag:s0], s1  }
0x50a: {  	s1 =	ssub.s32 @!p0 $0x0, s1;
	[sflag:s0] =	ssyncset.done @!p0 $0x0  }
0x50b: {  	[sflag:s0] =	ssyncadd.s32 @!p0 s1  }
0x50c: {  	[bflag:$0x3] =	sbarrier.arrive $0xFFFF  }
0x50d: {  	_ =	shalt  }

</sc_bundles>
